<compile_context>
chip_gen: v7x
topology: tpu7x:2x2x1
jax: 0.10.2.dev20260603
libtpu: 0.0.44.dev20260713+nightly
codegen_flags: <defaults>
</compile_context>

<pallas_src>
import jax
import jax.numpy as jnp
from jax import lax
from jax.experimental import pallas as pl
from jax.experimental.pallas import tpu as pltpu
from jax.experimental.pallas import tpu_sc as plsc

_B = 16384
_D = 32
_NC = 2
_NS = 16
_NW = _NC * _NS
_BPW = _B // _NW
_CH = 128
_NCHUNK = _BPW // _CH
_L = 16
_NB = _D // 8
_SLOTS = 8


def _cf_body(uidx_hbm, midx_hbm, uf_hbm, ub_hbm, mf_hbm, mb_hbm, out_hbm,
             uidx_v, midx_v, stg_u, stg_m, colu, colm, ub_g, mb_g, out_v,
             sem, bsem):
    wid = lax.axis_index("s") * _NC + lax.axis_index("c")
    base = wid * _BPW

    for j in range(_NCHUNK):
        pltpu.sync_copy(uidx_hbm.at[pl.ds(base + j * _CH, _CH)], uidx_v.at[j])
        pltpu.sync_copy(midx_hbm.at[pl.ds(base + j * _CH, _CH)], midx_v.at[j])

    bias_cps = [pltpu.async_copy(ub_hbm.at[uidx_v.at[j]], ub_g.at[j], bsem)
                for j in range(_NCHUNK)]
    bias_cps += [pltpu.async_copy(mb_hbm.at[midx_v.at[j]], mb_g.at[j], bsem)
                 for j in range(_NCHUNK)]

    lanes = jnp.arange(_L, dtype=jnp.int32)

    def fire(tbl, stg, slot, col_idx):
        c = pl.multiple_of((col_idx // _CH) * _CH, _CH)
        return [pltpu.async_copy(
            tbl.at[:, pl.ds(c, _CH)], stg.at[slot], sem)]

    def extract(stg, col, cps, slot, col_idx, r):
        for cp in cps:
            cp.wait()
        ulane = col_idx - (col_idx // _CH) * _CH
        slotv = jnp.full((_L,), slot, jnp.int32)
        for k in range(_D // _L):
            dv = lanes + (k * _L)
            src_lane = jnp.full((_L,), ulane, jnp.int32)
            vals = plsc.load_gather(stg, [slotv, dv, src_lane])
            plsc.store_scatter(col, [(dv * _BPW) + r], vals)

    def group(g, carry):
        j = g // (_CH // _L)
        off = (g - j * (_CH // _L)) * _L
        uvec = uidx_v[j, pl.ds(off, _L)]
        mvec = midx_v[j, pl.ds(off, _L)]
        pend = {}
        for lane in range(_L):
            slot = lane % _SLOTS
            if lane >= _SLOTS:
                pu, pm, pul, pml, pr = pend.pop(slot)
                extract(stg_u, colu, pu, slot, pul, pr)
                extract(stg_m, colm, pm, slot, pml, pr)
            r = g * _L + lane
            u = uvec[lane]
            m = mvec[lane]
            pend[slot] = (fire(uf_hbm, stg_u, slot, u),
                          fire(mf_hbm, stg_m, slot, m), u, m, r)
        for lane in range(_SLOTS):
            pu, pm, pul, pml, pr = pend.pop(lane)
            extract(stg_u, colu, pu, lane, pul, pr)
            extract(stg_m, colm, pm, lane, pml, pr)
        return carry

    lax.fori_loop(0, _BPW // _L, group, 0)

    for cp in bias_cps:
        cp.wait()

    def dot_block(blk, carry):
        j = blk // (_CH // _L)
        o = (blk - j * (_CH // _L)) * _L
        acc0 = ub_g[j, pl.ds(o, _L)] + mb_g[j, pl.ds(o, _L)]
        acc1 = jnp.zeros((_L,), jnp.float32)
        acc2 = jnp.zeros((_L,), jnp.float32)
        acc3 = jnp.zeros((_L,), jnp.float32)
        accs = [acc0, acc1, acc2, acc3]
        p = blk * _L
        for d in range(_D):
            accs[d % 4] = accs[d % 4] + (colu[pl.ds(d * _BPW + p, _L)]
                                         * colm[pl.ds(d * _BPW + p, _L)])
        out_v[pl.ds(p, _L)] = (accs[0] + accs[1]) + (accs[2] + accs[3])
        return carry

    lax.fori_loop(0, _BPW // _L, dot_block, 0)

    pltpu.sync_copy(out_v, out_hbm.at[pl.ds(base, _BPW)])


@jax.jit
def _cf_call(u_idx, m_idx, uf_t, ub_l, mf_t, mb_l):
    mesh = plsc.VectorSubcoreMesh(core_axis_name="c", subcore_axis_name="s",
                                  num_cores=_NC, num_subcores=_NS)
    return pl.kernel(
        _cf_body,
        out_type=jax.ShapeDtypeStruct((_B,), jnp.float32),
        mesh=mesh,
        scratch_types=[
            pltpu.VMEM((_NCHUNK, _CH), jnp.int32),
            pltpu.VMEM((_NCHUNK, _CH), jnp.int32),
            pltpu.VMEM((_SLOTS, _D, _CH), jnp.float32),
            pltpu.VMEM((_SLOTS, _D, _CH), jnp.float32),
            pltpu.VMEM((_D * _BPW,), jnp.float32),
            pltpu.VMEM((_D * _BPW,), jnp.float32),
            pltpu.VMEM((_NCHUNK, _CH), jnp.float32),
            pltpu.VMEM((_NCHUNK, _CH), jnp.float32),
            pltpu.VMEM((_BPW,), jnp.float32),
            pltpu.SemaphoreType.DMA,
            pltpu.SemaphoreType.DMA,
        ],
        compiler_params=pltpu.CompilerParams(
            needs_layout_passes=False, use_tc_tiling_on_sc=True),
    )(u_idx, m_idx, uf_t, ub_l, mf_t, mb_l)


def kernel(x, user_factors, user_bias, movie_factors, movie_bias):
    u_idx = x[:, 0]
    m_idx = x[:, 1]
    return _cf_call(u_idx, m_idx, user_factors.T, user_bias[:, 0],
                    movie_factors.T, movie_bias[:, 0])

# --- scband reference (transcript-rebuilt; emitter-appended) ---
"""Pipeline reference for scband-collaborative-filtering-56538949484610 (READ-ONLY COPY).

The authoritative reference and input builder live on the scoring server;
editing this copy changes nothing except your own understanding.
"""

import jax, jax.numpy as jnp
import numpy as np

N_USERS = 1000000
N_MOVIES = 1000000
N_FACTORS = 32
BATCH = 16384

def setup_inputs(seed: int = 0) -> dict:
    key = jax.random.key(seed)
    k_x, k_uf, k_ub, k_mf, k_mb = jax.random.split(key, 5)
    x = jax.random.randint(k_x, (BATCH, 2), 0, N_USERS, dtype=jnp.int64) if jax.config.jax_enable_x64 else jax.random.randint(k_x, (BATCH, 2), 0, N_USERS).astype(jnp.int32)
    user_factors = jax.random.normal(k_uf, (N_USERS + 1, N_FACTORS), dtype=jnp.float32)
    user_bias = jax.random.normal(k_ub, (N_USERS + 1, 1), dtype=jnp.float32)
    movie_factors = jax.random.normal(k_mf, (N_MOVIES + 1, N_FACTORS), dtype=jnp.float32)
    movie_bias = jax.random.normal(k_mb, (N_MOVIES + 1, 1), dtype=jnp.float32)
    return {"x": x, "user_factors": user_factors, "user_bias": user_bias, "movie_factors": movie_factors, "movie_bias": movie_bias}

def reference(x, user_factors, user_bias, movie_factors, movie_bias):
    u_idx = x[:, 0]
    m_idx = x[:, 1]
    uf = jnp.take(user_factors, u_idx, axis=0)
    mf = jnp.take(movie_factors, m_idx, axis=0)
    out = (uf * mf).sum(axis=1)
    ub = jnp.take(user_bias, u_idx, axis=0).squeeze(axis=1)
    mb = jnp.take(movie_bias, m_idx, axis=0).squeeze(axis=1)
    out = out + ub + mb
    return out

if __name__ == "__main__":
    import jax
    _d = setup_inputs()
    print(jax.jit(kernel)(*tuple(_d.values())))

</pallas_src>

<mosaic_0001>
#map = affine_map<(d0, d1) -> (0)>
#map1 = affine_map<(d0, d1) -> (0, 0)>
module attributes {stable_mosaic.version = 14 : i64} {
  func.func @_cf_body(%arg0: i32, %arg1: i32, %arg2: memref<16384xi32, #tpu.memory_space<hbm>>, %arg3: memref<16384xi32, #tpu.memory_space<hbm>>, %arg4: memref<32x1000001xf32, #tpu.memory_space<hbm>>, %arg5: memref<1000001xf32, #tpu.memory_space<hbm>>, %arg6: memref<32x1000001xf32, #tpu.memory_space<hbm>>, %arg7: memref<1000001xf32, #tpu.memory_space<hbm>>, %arg8: memref<16384xf32, #tpu.memory_space<hbm>>, %arg9: memref<4x128xi32, #tpu.memory_space<vmem>>, %arg10: memref<4x128xi32, #tpu.memory_space<vmem>>, %arg11: memref<8x32x128xf32, #tpu.memory_space<vmem>>, %arg12: memref<8x32x128xf32, #tpu.memory_space<vmem>>, %arg13: memref<16384xf32, #tpu.memory_space<vmem>>, %arg14: memref<16384xf32, #tpu.memory_space<vmem>>, %arg15: memref<4x128xf32, #tpu.memory_space<vmem>>, %arg16: memref<4x128xf32, #tpu.memory_space<vmem>>, %arg17: memref<512xf32, #tpu.memory_space<vmem>>, %arg18: memref<!tpu.dma_semaphore, #tpu.memory_space<semaphore_mem>>, %arg19: memref<!tpu.dma_semaphore, #tpu.memory_space<semaphore_mem>>) attributes {dimension_semantics = [#tpu.dimension_semantics<core_parallel>, #tpu.dimension_semantics<subcore_parallel>], iteration_bounds = array<i64: 2, 16>, scalar_prefetch = 0 : i64, scratch_operands = 11 : i64, tpu.core_type = #tpu.core_type<sc_vector_subcore>, window_params = [{transform_indices = #map}, {transform_indices = #map}, {transform_indices = #map1}, {transform_indices = #map}, {transform_indices = #map1}, {transform_indices = #map}, {transform_indices = #map}]} {
    %mul3A = arith.constant 2 : i32
    %mul3A_0 = arith.muli %arg1, %mul3A : i32
    %add3A = arith.addi %mul3A_0, %arg0 : i32
    %mul3A_1 = arith.constant 512 : i32
    %mul3A_2 = arith.muli %add3A, %mul3A_1 : i32
    %add3A_3 = arith.constant 0 : i32
    %add3A_4 = arith.addi %mul3A_2, %add3A_3 : i32
    %run_scoped3A = arith.constant 0 : i32
    "tpu.region"() ({
      %run_scoped3A_195 = tpu.sem_alloc : memref<!tpu.dma_semaphore, #tpu.memory_space<semaphore_mem>>
      %dma_start3A_196 = arith.constant 0 : i32
      %dma_start3A_197 = tpu.memref_slice %arg9[%run_scoped3A, %dma_start3A_196] : memref<4x128xi32, #tpu.memory_space<vmem>> -> memref<1x128xi32, #tpu.memory_space<vmem>>
      %dma_start3A_198 = tpu.memref_squeeze %dma_start3A_197 : memref<1x128xi32, #tpu.memory_space<vmem>> -> memref<128xi32, #tpu.memory_space<vmem>>
      %dma_start3A_199 = tpu.memref_slice %arg2[%add3A_4] : memref<16384xi32, #tpu.memory_space<hbm>> -> memref<128xi32, #tpu.memory_space<hbm>>
      %dma_start3A_200 = arith.constant 0 : i32
      %dma_start3A_201 = tpu.memref_slice %arg9[%run_scoped3A, %dma_start3A_200] : memref<4x128xi32, #tpu.memory_space<vmem>> -> memref<1x128xi32, #tpu.memory_space<vmem>>
      %dma_start3A_202 = tpu.memref_squeeze %dma_start3A_201 : memref<1x128xi32, #tpu.memory_space<vmem>> -> memref<128xi32, #tpu.memory_space<vmem>>
      %dma_start3A_203 = tpu.memref_slice %arg2[%add3A_4] : memref<16384xi32, #tpu.memory_space<hbm>> -> memref<128xi32, #tpu.memory_space<hbm>>
      tpu.enqueue_dma source(%dma_start3A_203 : memref<128xi32, #tpu.memory_space<hbm>>) target(%dma_start3A_202 : memref<128xi32, #tpu.memory_space<vmem>>) target_semaphore(%run_scoped3A_195 : memref<!tpu.dma_semaphore, #tpu.memory_space<semaphore_mem>>)
      %dma_wait3A_204 = arith.constant 0 : i32
      %dma_wait3A_205 = tpu.memref_slice %arg9[%run_scoped3A, %dma_wait3A_204] : memref<4x128xi32, #tpu.memory_space<vmem>> -> memref<1x128xi32, #tpu.memory_space<vmem>>
      %dma_wait3A_206 = tpu.memref_squeeze %dma_wait3A_205 : memref<1x128xi32, #tpu.memory_space<vmem>> -> memref<128xi32, #tpu.memory_space<vmem>>
      %dma_wait3A_207 = tpu.memref_slice %arg2[%add3A_4] : memref<16384xi32, #tpu.memory_space<hbm>> -> memref<128xi32, #tpu.memory_space<hbm>>
      %dma_wait3A_208 = arith.constant 0 : i32
      %dma_wait3A_209 = tpu.memref_slice %arg9[%run_scoped3A, %dma_wait3A_208] : memref<4x128xi32, #tpu.memory_space<vmem>> -> memref<1x128xi32, #tpu.memory_space<vmem>>
      %dma_wait3A_210 = tpu.memref_squeeze %dma_wait3A_209 : memref<1x128xi32, #tpu.memory_space<vmem>> -> memref<128xi32, #tpu.memory_space<vmem>>
      %dma_wait3A_211 = tpu.memref_slice %arg2[%add3A_4] : memref<16384xi32, #tpu.memory_space<hbm>> -> memref<128xi32, #tpu.memory_space<hbm>>
      tpu.wait_dma2 semaphore(%run_scoped3A_195 : memref<!tpu.dma_semaphore, #tpu.memory_space<semaphore_mem>>) src(%dma_wait3A_211 : memref<128xi32, #tpu.memory_space<hbm>>) dst(%dma_wait3A_210 : memref<128xi32, #tpu.memory_space<vmem>>)
      tpu.yield
    }) : () -> ()
    %add3A_5 = arith.constant 0 : i32
    %add3A_6 = arith.addi %mul3A_2, %add3A_5 : i32
    %run_scoped3A_7 = arith.constant 0 : i32
    "tpu.region"() ({
      %run_scoped3A_195 = tpu.sem_alloc : memref<!tpu.dma_semaphore, #tpu.memory_space<semaphore_mem>>
      %dma_start3A_196 = arith.constant 0 : i32
      %dma_start3A_197 = tpu.memref_slice %arg10[%run_scoped3A_7, %dma_start3A_196] : memref<4x128xi32, #tpu.memory_space<vmem>> -> memref<1x128xi32, #tpu.memory_space<vmem>>
      %dma_start3A_198 = tpu.memref_squeeze %dma_start3A_197 : memref<1x128xi32, #tpu.memory_space<vmem>> -> memref<128xi32, #tpu.memory_space<vmem>>
      %dma_start3A_199 = tpu.memref_slice %arg3[%add3A_6] : memref<16384xi32, #tpu.memory_space<hbm>> -> memref<128xi32, #tpu.memory_space<hbm>>
      %dma_start3A_200 = arith.constant 0 : i32
      %dma_start3A_201 = tpu.memref_slice %arg10[%run_scoped3A_7, %dma_start3A_200] : memref<4x128xi32, #tpu.memory_space<vmem>> -> memref<1x128xi32, #tpu.memory_space<vmem>>
      %dma_start3A_202 = tpu.memref_squeeze %dma_start3A_201 : memref<1x128xi32, #tpu.memory_space<vmem>> -> memref<128xi32, #tpu.memory_space<vmem>>
      %dma_start3A_203 = tpu.memref_slice %arg3[%add3A_6] : memref<16384xi32, #tpu.memory_space<hbm>> -> memref<128xi32, #tpu.memory_space<hbm>>
      tpu.enqueue_dma source(%dma_start3A_203 : memref<128xi32, #tpu.memory_space<hbm>>) target(%dma_start3A_202 : memref<128xi32, #tpu.memory_space<vmem>>) target_semaphore(%run_scoped3A_195 : memref<!tpu.dma_semaphore, #tpu.memory_space<semaphore_mem>>)
      %dma_wait3A_204 = arith.constant 0 : i32
      %dma_wait3A_205 = tpu.memref_slice %arg10[%run_scoped3A_7, %dma_wait3A_204] : memref<4x128xi32, #tpu.memory_space<vmem>> -> memref<1x128xi32, #tpu.memory_space<vmem>>
      %dma_wait3A_206 = tpu.memref_squeeze %dma_wait3A_205 : memref<1x128xi32, #tpu.memory_space<vmem>> -> memref<128xi32, #tpu.memory_space<vmem>>
      %dma_wait3A_207 = tpu.memref_slice %arg3[%add3A_6] : memref<16384xi32, #tpu.memory_space<hbm>> -> memref<128xi32, #tpu.memory_space<hbm>>
      %dma_wait3A_208 = arith.constant 0 : i32
      %dma_wait3A_209 = tpu.memref_slice %arg10[%run_scoped3A_7, %dma_wait3A_208] : memref<4x128xi32, #tpu.memory_space<vmem>> -> memref<1x128xi32, #tpu.memory_space<vmem>>
      %dma_wait3A_210 = tpu.memref_squeeze %dma_wait3A_209 : memref<1x128xi32, #tpu.memory_space<vmem>> -> memref<128xi32, #tpu.memory_space<vmem>>
      %dma_wait3A_211 = tpu.memref_slice %arg3[%add3A_6] : memref<16384xi32, #tpu.memory_space<hbm>> -> memref<128xi32, #tpu.memory_space<hbm>>
      tpu.wait_dma2 semaphore(%run_scoped3A_195 : memref<!tpu.dma_semaphore, #tpu.memory_space<semaphore_mem>>) src(%dma_wait3A_211 : memref<128xi32, #tpu.memory_space<hbm>>) dst(%dma_wait3A_210 : memref<128xi32, #tpu.memory_space<vmem>>)
      tpu.yield
    }) : () -> ()
    %add3A_8 = arith.constant 128 : i32
    %add3A_9 = arith.addi %mul3A_2, %add3A_8 : i32
    %run_scoped3A_10 = arith.constant 1 : i32
    "tpu.region"() ({
      %run_scoped3A_195 = tpu.sem_alloc : memref<!tpu.dma_semaphore, #tpu.memory_space<semaphore_mem>>
      %dma_start3A_196 = arith.constant 0 : i32
      %dma_start3A_197 = tpu.memref_slice %arg9[%run_scoped3A_10, %dma_start3A_196] : memref<4x128xi32, #tpu.memory_space<vmem>> -> memref<1x128xi32, #tpu.memory_space<vmem>>
      %dma_start3A_198 = tpu.memref_squeeze %dma_start3A_197 : memref<1x128xi32, #tpu.memory_space<vmem>> -> memref<128xi32, #tpu.memory_space<vmem>>
      %dma_start3A_199 = tpu.memref_slice %arg2[%add3A_9] : memref<16384xi32, #tpu.memory_space<hbm>> -> memref<128xi32, #tpu.memory_space<hbm>>
      %dma_start3A_200 = arith.constant 0 : i32
      %dma_start3A_201 = tpu.memref_slice %arg9[%run_scoped3A_10, %dma_start3A_200] : memref<4x128xi32, #tpu.memory_space<vmem>> -> memref<1x128xi32, #tpu.memory_space<vmem>>
      %dma_start3A_202 = tpu.memref_squeeze %dma_start3A_201 : memref<1x128xi32, #tpu.memory_space<vmem>> -> memref<128xi32, #tpu.memory_space<vmem>>
      %dma_start3A_203 = tpu.memref_slice %arg2[%add3A_9] : memref<16384xi32, #tpu.memory_space<hbm>> -> memref<128xi32, #tpu.memory_space<hbm>>
      tpu.enqueue_dma source(%dma_start3A_203 : memref<128xi32, #tpu.memory_space<hbm>>) target(%dma_start3A_202 : memref<128xi32, #tpu.memory_space<vmem>>) target_semaphore(%run_scoped3A_195 : memref<!tpu.dma_semaphore, #tpu.memory_space<semaphore_mem>>)
      %dma_wait3A_204 = arith.constant 0 : i32
      %dma_wait3A_205 = tpu.memref_slice %arg9[%run_scoped3A_10, %dma_wait3A_204] : memref<4x128xi32, #tpu.memory_space<vmem>> -> memref<1x128xi32, #tpu.memory_space<vmem>>
      %dma_wait3A_206 = tpu.memref_squeeze %dma_wait3A_205 : memref<1x128xi32, #tpu.memory_space<vmem>> -> memref<128xi32, #tpu.memory_space<vmem>>
      %dma_wait3A_207 = tpu.memref_slice %arg2[%add3A_9] : memref<16384xi32, #tpu.memory_space<hbm>> -> memref<128xi32, #tpu.memory_space<hbm>>
      %dma_wait3A_208 = arith.constant 0 : i32
      %dma_wait3A_209 = tpu.memref_slice %arg9[%run_scoped3A_10, %dma_wait3A_208] : memref<4x128xi32, #tpu.memory_space<vmem>> -> memref<1x128xi32, #tpu.memory_space<vmem>>
      %dma_wait3A_210 = tpu.memref_squeeze %dma_wait3A_209 : memref<1x128xi32, #tpu.memory_space<vmem>> -> memref<128xi32, #tpu.memory_space<vmem>>
      %dma_wait3A_211 = tpu.memref_slice %arg2[%add3A_9] : memref<16384xi32, #tpu.memory_space<hbm>> -> memref<128xi32, #tpu.memory_space<hbm>>
      tpu.wait_dma2 semaphore(%run_scoped3A_195 : memref<!tpu.dma_semaphore, #tpu.memory_space<semaphore_mem>>) src(%dma_wait3A_211 : memref<128xi32, #tpu.memory_space<hbm>>) dst(%dma_wait3A_210 : memref<128xi32, #tpu.memory_space<vmem>>)
      tpu.yield
    }) : () -> ()
    %add3A_11 = arith.constant 128 : i32
    %add3A_12 = arith.addi %mul3A_2, %add3A_11 : i32
    %run_scoped3A_13 = arith.constant 1 : i32
    "tpu.region"() ({
      %run_scoped3A_195 = tpu.sem_alloc : memref<!tpu.dma_semaphore, #tpu.memory_space<semaphore_mem>>
      %dma_start3A_196 = arith.constant 0 : i32
      %dma_start3A_197 = tpu.memref_slice %arg10[%run_scoped3A_13, %dma_start3A_196] : memref<4x128xi32, #tpu.memory_space<vmem>> -> memref<1x128xi32, #tpu.memory_space<vmem>>
      %dma_start3A_198 = tpu.memref_squeeze %dma_start3A_197 : memref<1x128xi32, #tpu.memory_space<vmem>> -> memref<128xi32, #tpu.memory_space<vmem>>
      %dma_start3A_199 = tpu.memref_slice %arg3[%add3A_12] : memref<16384xi32, #tpu.memory_space<hbm>> -> memref<128xi32, #tpu.memory_space<hbm>>
      %dma_start3A_200 = arith.constant 0 : i32
      %dma_start3A_201 = tpu.memref_slice %arg10[%run_scoped3A_13, %dma_start3A_200] : memref<4x128xi32, #tpu.memory_space<vmem>> -> memref<1x128xi32, #tpu.memory_space<vmem>>
      %dma_start3A_202 = tpu.memref_squeeze %dma_start3A_201 : memref<1x128xi32, #tpu.memory_space<vmem>> -> memref<128xi32, #tpu.memory_space<vmem>>
      %dma_start3A_203 = tpu.memref_slice %arg3[%add3A_12] : memref<16384xi32, #tpu.memory_space<hbm>> -> memref<128xi32, #tpu.memory_space<hbm>>
      tpu.enqueue_dma source(%dma_start3A_203 : memref<128xi32, #tpu.memory_space<hbm>>) target(%dma_start3A_202 : memref<128xi32, #tpu.memory_space<vmem>>) target_semaphore(%run_scoped3A_195 : memref<!tpu.dma_semaphore, #tpu.memory_space<semaphore_mem>>)
      %dma_wait3A_204 = arith.constant 0 : i32
      %dma_wait3A_205 = tpu.memref_slice %arg10[%run_scoped3A_13, %dma_wait3A_204] : memref<4x128xi32, #tpu.memory_space<vmem>> -> memref<1x128xi32, #tpu.memory_space<vmem>>
      %dma_wait3A_206 = tpu.memref_squeeze %dma_wait3A_205 : memref<1x128xi32, #tpu.memory_space<vmem>> -> memref<128xi32, #tpu.memory_space<vmem>>
      %dma_wait3A_207 = tpu.memref_slice %arg3[%add3A_12] : memref<16384xi32, #tpu.memory_space<hbm>> -> memref<128xi32, #tpu.memory_space<hbm>>
      %dma_wait3A_208 = arith.constant 0 : i32
      %dma_wait3A_209 = tpu.memref_slice %arg10[%run_scoped3A_13, %dma_wait3A_208] : memref<4x128xi32, #tpu.memory_space<vmem>> -> memref<1x128xi32, #tpu.memory_space<vmem>>
      %dma_wait3A_210 = tpu.memref_squeeze %dma_wait3A_209 : memref<1x128xi32, #tpu.memory_space<vmem>> -> memref<128xi32, #tpu.memory_space<vmem>>
      %dma_wait3A_211 = tpu.memref_slice %arg3[%add3A_12] : memref<16384xi32, #tpu.memory_space<hbm>> -> memref<128xi32, #tpu.memory_space<hbm>>
      tpu.wait_dma2 semaphore(%run_scoped3A_195 : memref<!tpu.dma_semaphore, #tpu.memory_space<semaphore_mem>>) src(%dma_wait3A_211 : memref<128xi32, #tpu.memory_space<hbm>>) dst(%dma_wait3A_210 : memref<128xi32, #tpu.memory_space<vmem>>)
      tpu.yield
    }) : () -> ()
    %add3A_14 = arith.constant 256 : i32
    %add3A_15 = arith.addi %mul3A_2, %add3A_14 : i32
    %run_scoped3A_16 = arith.constant 2 : i32
    "tpu.region"() ({
      %run_scoped3A_195 = tpu.sem_alloc : memref<!tpu.dma_semaphore, #tpu.memory_space<semaphore_mem>>
      %dma_start3A_196 = arith.constant 0 : i32
      %dma_start3A_197 = tpu.memref_slice %arg9[%run_scoped3A_16, %dma_start3A_196] : memref<4x128xi32, #tpu.memory_space<vmem>> -> memref<1x128xi32, #tpu.memory_space<vmem>>
      %dma_start3A_198 = tpu.memref_squeeze %dma_start3A_197 : memref<1x128xi32, #tpu.memory_space<vmem>> -> memref<128xi32, #tpu.memory_space<vmem>>
      %dma_start3A_199 = tpu.memref_slice %arg2[%add3A_15] : memref<16384xi32, #tpu.memory_space<hbm>> -> memref<128xi32, #tpu.memory_space<hbm>>
      %dma_start3A_200 = arith.constant 0 : i32
      %dma_start3A_201 = tpu.memref_slice %arg9[%run_scoped3A_16, %dma_start3A_200] : memref<4x128xi32, #tpu.memory_space<vmem>> -> memref<1x128xi32, #tpu.memory_space<vmem>>
      %dma_start3A_202 = tpu.memref_squeeze %dma_start3A_201 : memref<1x128xi32, #tpu.memory_space<vmem>> -> memref<128xi32, #tpu.memory_space<vmem>>
      %dma_start3A_203 = tpu.memref_slice %arg2[%add3A_15] : memref<16384xi32, #tpu.memory_space<hbm>> -> memref<128xi32, #tpu.memory_space<hbm>>
      tpu.enqueue_dma source(%dma_start3A_203 : memref<128xi32, #tpu.memory_space<hbm>>) target(%dma_start3A_202 : memref<128xi32, #tpu.memory_space<vmem>>) target_semaphore(%run_scoped3A_195 : memref<!tpu.dma_semaphore, #tpu.memory_space<semaphore_mem>>)
      %dma_wait3A_204 = arith.constant 0 : i32
      %dma_wait3A_205 = tpu.memref_slice %arg9[%run_scoped3A_16, %dma_wait3A_204] : memref<4x128xi32, #tpu.memory_space<vmem>> -> memref<1x128xi32, #tpu.memory_space<vmem>>
      %dma_wait3A_206 = tpu.memref_squeeze %dma_wait3A_205 : memref<1x128xi32, #tpu.memory_space<vmem>> -> memref<128xi32, #tpu.memory_space<vmem>>
      %dma_wait3A_207 = tpu.memref_slice %arg2[%add3A_15] : memref<16384xi32, #tpu.memory_space<hbm>> -> memref<128xi32, #tpu.memory_space<hbm>>
      %dma_wait3A_208 = arith.constant 0 : i32
      %dma_wait3A_209 = tpu.memref_slice %arg9[%run_scoped3A_16, %dma_wait3A_208] : memref<4x128xi32, #tpu.memory_space<vmem>> -> memref<1x128xi32, #tpu.memory_space<vmem>>
      %dma_wait3A_210 = tpu.memref_squeeze %dma_wait3A_209 : memref<1x128xi32, #tpu.memory_space<vmem>> -> memref<128xi32, #tpu.memory_space<vmem>>
      %dma_wait3A_211 = tpu.memref_slice %arg2[%add3A_15] : memref<16384xi32, #tpu.memory_space<hbm>> -> memref<128xi32, #tpu.memory_space<hbm>>
      tpu.wait_dma2 semaphore(%run_scoped3A_195 : memref<!tpu.dma_semaphore, #tpu.memory_space<semaphore_mem>>) src(%dma_wait3A_211 : memref<128xi32, #tpu.memory_space<hbm>>) dst(%dma_wait3A_210 : memref<128xi32, #tpu.memory_space<vmem>>)
      tpu.yield
    }) : () -> ()
    %add3A_17 = arith.constant 256 : i32
    %add3A_18 = arith.addi %mul3A_2, %add3A_17 : i32
    %run_scoped3A_19 = arith.constant 2 : i32
    "tpu.region"() ({
      %run_scoped3A_195 = tpu.sem_alloc : memref<!tpu.dma_semaphore, #tpu.memory_space<semaphore_mem>>
      %dma_start3A_196 = arith.constant 0 : i32
      %dma_start3A_197 = tpu.memref_slice %arg10[%run_scoped3A_19, %dma_start3A_196] : memref<4x128xi32, #tpu.memory_space<vmem>> -> memref<1x128xi32, #tpu.memory_space<vmem>>
      %dma_start3A_198 = tpu.memref_squeeze %dma_start3A_197 : memref<1x128xi32, #tpu.memory_space<vmem>> -> memref<128xi32, #tpu.memory_space<vmem>>
      %dma_start3A_199 = tpu.memref_slice %arg3[%add3A_18] : memref<16384xi32, #tpu.memory_space<hbm>> -> memref<128xi32, #tpu.memory_space<hbm>>
      %dma_start3A_200 = arith.constant 0 : i32
      %dma_start3A_201 = tpu.memref_slice %arg10[%run_scoped3A_19, %dma_start3A_200] : memref<4x128xi32, #tpu.memory_space<vmem>> -> memref<1x128xi32, #tpu.memory_space<vmem>>
      %dma_start3A_202 = tpu.memref_squeeze %dma_start3A_201 : memref<1x128xi32, #tpu.memory_space<vmem>> -> memref<128xi32, #tpu.memory_space<vmem>>
      %dma_start3A_203 = tpu.memref_slice %arg3[%add3A_18] : memref<16384xi32, #tpu.memory_space<hbm>> -> memref<128xi32, #tpu.memory_space<hbm>>
      tpu.enqueue_dma source(%dma_start3A_203 : memref<128xi32, #tpu.memory_space<hbm>>) target(%dma_start3A_202 : memref<128xi32, #tpu.memory_space<vmem>>) target_semaphore(%run_scoped3A_195 : memref<!tpu.dma_semaphore, #tpu.memory_space<semaphore_mem>>)
      %dma_wait3A_204 = arith.constant 0 : i32
      %dma_wait3A_205 = tpu.memref_slice %arg10[%run_scoped3A_19, %dma_wait3A_204] : memref<4x128xi32, #tpu.memory_space<vmem>> -> memref<1x128xi32, #tpu.memory_space<vmem>>
      %dma_wait3A_206 = tpu.memref_squeeze %dma_wait3A_205 : memref<1x128xi32, #tpu.memory_space<vmem>> -> memref<128xi32, #tpu.memory_space<vmem>>
      %dma_wait3A_207 = tpu.memref_slice %arg3[%add3A_18] : memref<16384xi32, #tpu.memory_space<hbm>> -> memref<128xi32, #tpu.memory_space<hbm>>
      %dma_wait3A_208 = arith.constant 0 : i32
      %dma_wait3A_209 = tpu.memref_slice %arg10[%run_scoped3A_19, %dma_wait3A_208] : memref<4x128xi32, #tpu.memory_space<vmem>> -> memref<1x128xi32, #tpu.memory_space<vmem>>
      %dma_wait3A_210 = tpu.memref_squeeze %dma_wait3A_209 : memref<1x128xi32, #tpu.memory_space<vmem>> -> memref<128xi32, #tpu.memory_space<vmem>>
      %dma_wait3A_211 = tpu.memref_slice %arg3[%add3A_18] : memref<16384xi32, #tpu.memory_space<hbm>> -> memref<128xi32, #tpu.memory_space<hbm>>
      tpu.wait_dma2 semaphore(%run_scoped3A_195 : memref<!tpu.dma_semaphore, #tpu.memory_space<semaphore_mem>>) src(%dma_wait3A_211 : memref<128xi32, #tpu.memory_space<hbm>>) dst(%dma_wait3A_210 : memref<128xi32, #tpu.memory_space<vmem>>)
      tpu.yield
    }) : () -> ()
    %add3A_20 = arith.constant 384 : i32
    %add3A_21 = arith.addi %mul3A_2, %add3A_20 : i32
    %run_scoped3A_22 = arith.constant 3 : i32
    "tpu.region"() ({
      %run_scoped3A_195 = tpu.sem_alloc : memref<!tpu.dma_semaphore, #tpu.memory_space<semaphore_mem>>
      %dma_start3A_196 = arith.constant 0 : i32
      %dma_start3A_197 = tpu.memref_slice %arg9[%run_scoped3A_22, %dma_start3A_196] : memref<4x128xi32, #tpu.memory_space<vmem>> -> memref<1x128xi32, #tpu.memory_space<vmem>>
      %dma_start3A_198 = tpu.memref_squeeze %dma_start3A_197 : memref<1x128xi32, #tpu.memory_space<vmem>> -> memref<128xi32, #tpu.memory_space<vmem>>
      %dma_start3A_199 = tpu.memref_slice %arg2[%add3A_21] : memref<16384xi32, #tpu.memory_space<hbm>> -> memref<128xi32, #tpu.memory_space<hbm>>
      %dma_start3A_200 = arith.constant 0 : i32
      %dma_start3A_201 = tpu.memref_slice %arg9[%run_scoped3A_22, %dma_start3A_200] : memref<4x128xi32, #tpu.memory_space<vmem>> -> memref<1x128xi32, #tpu.memory_space<vmem>>
      %dma_start3A_202 = tpu.memref_squeeze %dma_start3A_201 : memref<1x128xi32, #tpu.memory_space<vmem>> -> memref<128xi32, #tpu.memory_space<vmem>>
      %dma_start3A_203 = tpu.memref_slice %arg2[%add3A_21] : memref<16384xi32, #tpu.memory_space<hbm>> -> memref<128xi32, #tpu.memory_space<hbm>>
      tpu.enqueue_dma source(%dma_start3A_203 : memref<128xi32, #tpu.memory_space<hbm>>) target(%dma_start3A_202 : memref<128xi32, #tpu.memory_space<vmem>>) target_semaphore(%run_scoped3A_195 : memref<!tpu.dma_semaphore, #tpu.memory_space<semaphore_mem>>)
      %dma_wait3A_204 = arith.constant 0 : i32
      %dma_wait3A_205 = tpu.memref_slice %arg9[%run_scoped3A_22, %dma_wait3A_204] : memref<4x128xi32, #tpu.memory_space<vmem>> -> memref<1x128xi32, #tpu.memory_space<vmem>>
      %dma_wait3A_206 = tpu.memref_squeeze %dma_wait3A_205 : memref<1x128xi32, #tpu.memory_space<vmem>> -> memref<128xi32, #tpu.memory_space<vmem>>
      %dma_wait3A_207 = tpu.memref_slice %arg2[%add3A_21] : memref<16384xi32, #tpu.memory_space<hbm>> -> memref<128xi32, #tpu.memory_space<hbm>>
      %dma_wait3A_208 = arith.constant 0 : i32
      %dma_wait3A_209 = tpu.memref_slice %arg9[%run_scoped3A_22, %dma_wait3A_208] : memref<4x128xi32, #tpu.memory_space<vmem>> -> memref<1x128xi32, #tpu.memory_space<vmem>>
      %dma_wait3A_210 = tpu.memref_squeeze %dma_wait3A_209 : memref<1x128xi32, #tpu.memory_space<vmem>> -> memref<128xi32, #tpu.memory_space<vmem>>
      %dma_wait3A_211 = tpu.memref_slice %arg2[%add3A_21] : memref<16384xi32, #tpu.memory_space<hbm>> -> memref<128xi32, #tpu.memory_space<hbm>>
      tpu.wait_dma2 semaphore(%run_scoped3A_195 : memref<!tpu.dma_semaphore, #tpu.memory_space<semaphore_mem>>) src(%dma_wait3A_211 : memref<128xi32, #tpu.memory_space<hbm>>) dst(%dma_wait3A_210 : memref<128xi32, #tpu.memory_space<vmem>>)
      tpu.yield
    }) : () -> ()
    %add3A_23 = arith.constant 384 : i32
    %add3A_24 = arith.addi %mul3A_2, %add3A_23 : i32
    %run_scoped3A_25 = arith.constant 3 : i32
    "tpu.region"() ({
      %run_scoped3A_195 = tpu.sem_alloc : memref<!tpu.dma_semaphore, #tpu.memory_space<semaphore_mem>>
      %dma_start3A_196 = arith.constant 0 : i32
      %dma_start3A_197 = tpu.memref_slice %arg10[%run_scoped3A_25, %dma_start3A_196] : memref<4x128xi32, #tpu.memory_space<vmem>> -> memref<1x128xi32, #tpu.memory_space<vmem>>
      %dma_start3A_198 = tpu.memref_squeeze %dma_start3A_197 : memref<1x128xi32, #tpu.memory_space<vmem>> -> memref<128xi32, #tpu.memory_space<vmem>>
      %dma_start3A_199 = tpu.memref_slice %arg3[%add3A_24] : memref<16384xi32, #tpu.memory_space<hbm>> -> memref<128xi32, #tpu.memory_space<hbm>>
      %dma_start3A_200 = arith.constant 0 : i32
      %dma_start3A_201 = tpu.memref_slice %arg10[%run_scoped3A_25, %dma_start3A_200] : memref<4x128xi32, #tpu.memory_space<vmem>> -> memref<1x128xi32, #tpu.memory_space<vmem>>
      %dma_start3A_202 = tpu.memref_squeeze %dma_start3A_201 : memref<1x128xi32, #tpu.memory_space<vmem>> -> memref<128xi32, #tpu.memory_space<vmem>>
      %dma_start3A_203 = tpu.memref_slice %arg3[%add3A_24] : memref<16384xi32, #tpu.memory_space<hbm>> -> memref<128xi32, #tpu.memory_space<hbm>>
      tpu.enqueue_dma source(%dma_start3A_203 : memref<128xi32, #tpu.memory_space<hbm>>) target(%dma_start3A_202 : memref<128xi32, #tpu.memory_space<vmem>>) target_semaphore(%run_scoped3A_195 : memref<!tpu.dma_semaphore, #tpu.memory_space<semaphore_mem>>)
      %dma_wait3A_204 = arith.constant 0 : i32
      %dma_wait3A_205 = tpu.memref_slice %arg10[%run_scoped3A_25, %dma_wait3A_204] : memref<4x128xi32, #tpu.memory_space<vmem>> -> memref<1x128xi32, #tpu.memory_space<vmem>>
      %dma_wait3A_206 = tpu.memref_squeeze %dma_wait3A_205 : memref<1x128xi32, #tpu.memory_space<vmem>> -> memref<128xi32, #tpu.memory_space<vmem>>
      %dma_wait3A_207 = tpu.memref_slice %arg3[%add3A_24] : memref<16384xi32, #tpu.memory_space<hbm>> -> memref<128xi32, #tpu.memory_space<hbm>>
      %dma_wait3A_208 = arith.constant 0 : i32
      %dma_wait3A_209 = tpu.memref_slice %arg10[%run_scoped3A_25, %dma_wait3A_208] : memref<4x128xi32, #tpu.memory_space<vmem>> -> memref<1x128xi32, #tpu.memory_space<vmem>>
      %dma_wait3A_210 = tpu.memref_squeeze %dma_wait3A_209 : memref<1x128xi32, #tpu.memory_space<vmem>> -> memref<128xi32, #tpu.memory_space<vmem>>
      %dma_wait3A_211 = tpu.memref_slice %arg3[%add3A_24] : memref<16384xi32, #tpu.memory_space<hbm>> -> memref<128xi32, #tpu.memory_space<hbm>>
      tpu.wait_dma2 semaphore(%run_scoped3A_195 : memref<!tpu.dma_semaphore, #tpu.memory_space<semaphore_mem>>) src(%dma_wait3A_211 : memref<128xi32, #tpu.memory_space<hbm>>) dst(%dma_wait3A_210 : memref<128xi32, #tpu.memory_space<vmem>>)
      tpu.yield
    }) : () -> ()
    %dma_start3A = arith.constant 0 : i32
    %dma_start3A_26 = arith.constant 0 : i32
    %dma_start3A_27 = arith.constant 0 : i32
    %dma_start3A_28 = tpu.memref_slice %arg15[%dma_start3A_26, %dma_start3A_27] : memref<4x128xf32, #tpu.memory_space<vmem>> -> memref<1x128xf32, #tpu.memory_space<vmem>>
    %dma_start3A_29 = tpu.memref_squeeze %dma_start3A_28 : memref<1x128xf32, #tpu.memory_space<vmem>> -> memref<128xf32, #tpu.memory_space<vmem>>
    %dma_start3A_30 = arith.constant 0 : i32
    %dma_start3A_31 = tpu.memref_slice %arg9[%dma_start3A, %dma_start3A_30] : memref<4x128xi32, #tpu.memory_space<vmem>> -> memref<1x128xi32, #tpu.memory_space<vmem>>
    %dma_start3A_32 = tpu.memref_squeeze %dma_start3A_31 : memref<1x128xi32, #tpu.memory_space<vmem>> -> memref<128xi32, #tpu.memory_space<vmem>>
    %dma_start3A_33 = arith.constant 0 : i32
    %dma_start3A_34 = tpu.memref_slice %arg5[%dma_start3A_33] : memref<1000001xf32, #tpu.memory_space<hbm>> -> memref<1000001xf32, #tpu.memory_space<hbm>>
    tpu.enqueue_indirect_dma source(%dma_start3A_34 : memref<1000001xf32, #tpu.memory_space<hbm>>) target(%dma_start3A_29 : memref<128xf32, #tpu.memory_space<vmem>>) offsets(%dma_start3A_32 : memref<128xi32, #tpu.memory_space<vmem>>) semaphore(%arg19 : memref<!tpu.dma_semaphore, #tpu.memory_space<semaphore_mem>>)
    %dma_start3A_35 = arith.constant 1 : i32
    %dma_start3A_36 = arith.constant 1 : i32
    %dma_start3A_37 = arith.constant 0 : i32
    %dma_start3A_38 = tpu.memref_slice %arg15[%dma_start3A_36, %dma_start3A_37] : memref<4x128xf32, #tpu.memory_space<vmem>> -> memref<1x128xf32, #tpu.memory_space<vmem>>
    %dma_start3A_39 = tpu.memref_squeeze %dma_start3A_38 : memref<1x128xf32, #tpu.memory_space<vmem>> -> memref<128xf32, #tpu.memory_space<vmem>>
    %dma_start3A_40 = arith.constant 0 : i32
    %dma_start3A_41 = tpu.memref_slice %arg9[%dma_start3A_35, %dma_start3A_40] : memref<4x128xi32, #tpu.memory_space<vmem>> -> memref<1x128xi32, #tpu.memory_space<vmem>>
    %dma_start3A_42 = tpu.memref_squeeze %dma_start3A_41 : memref<1x128xi32, #tpu.memory_space<vmem>> -> memref<128xi32, #tpu.memory_space<vmem>>
    %dma_start3A_43 = arith.constant 0 : i32
    %dma_start3A_44 = tpu.memref_slice %arg5[%dma_start3A_43] : memref<1000001xf32, #tpu.memory_space<hbm>> -> memref<1000001xf32, #tpu.memory_space<hbm>>
    tpu.enqueue_indirect_dma source(%dma_start3A_44 : memref<1000001xf32, #tpu.memory_space<hbm>>) target(%dma_start3A_39 : memref<128xf32, #tpu.memory_space<vmem>>) offsets(%dma_start3A_42 : memref<128xi32, #tpu.memory_space<vmem>>) semaphore(%arg19 : memref<!tpu.dma_semaphore, #tpu.memory_space<semaphore_mem>>)
    %dma_start3A_45 = arith.constant 2 : i32
    %dma_start3A_46 = arith.constant 2 : i32
    %dma_start3A_47 = arith.constant 0 : i32
    %dma_start3A_48 = tpu.memref_slice %arg15[%dma_start3A_46, %dma_start3A_47] : memref<4x128xf32, #tpu.memory_space<vmem>> -> memref<1x128xf32, #tpu.memory_space<vmem>>
    %dma_start3A_49 = tpu.memref_squeeze %dma_start3A_48 : memref<1x128xf32, #tpu.memory_space<vmem>> -> memref<128xf32, #tpu.memory_space<vmem>>
    %dma_start3A_50 = arith.constant 0 : i32
    %dma_start3A_51 = tpu.memref_slice %arg9[%dma_start3A_45, %dma_start3A_50] : memref<4x128xi32, #tpu.memory_space<vmem>> -> memref<1x128xi32, #tpu.memory_space<vmem>>
    %dma_start3A_52 = tpu.memref_squeeze %dma_start3A_51 : memref<1x128xi32, #tpu.memory_space<vmem>> -> memref<128xi32, #tpu.memory_space<vmem>>
    %dma_start3A_53 = arith.constant 0 : i32
    %dma_start3A_54 = tpu.memref_slice %arg5[%dma_start3A_53] : memref<1000001xf32, #tpu.memory_space<hbm>> -> memref<1000001xf32, #tpu.memory_space<hbm>>
    tpu.enqueue_indirect_dma source(%dma_start3A_54 : memref<1000001xf32, #tpu.memory_space<hbm>>) target(%dma_start3A_49 : memref<128xf32, #tpu.memory_space<vmem>>) offsets(%dma_start3A_52 : memref<128xi32, #tpu.memory_space<vmem>>) semaphore(%arg19 : memref<!tpu.dma_semaphore, #tpu.memory_space<semaphore_mem>>)
    %dma_start3A_55 = arith.constant 3 : i32
    %dma_start3A_56 = arith.constant 3 : i32
    %dma_start3A_57 = arith.constant 0 : i32
    %dma_start3A_58 = tpu.memref_slice %arg15[%dma_start3A_56, %dma_start3A_57] : memref<4x128xf32, #tpu.memory_space<vmem>> -> memref<1x128xf32, #tpu.memory_space<vmem>>
    %dma_start3A_59 = tpu.memref_squeeze %dma_start3A_58 : memref<1x128xf32, #tpu.memory_space<vmem>> -> memref<128xf32, #tpu.memory_space<vmem>>
    %dma_start3A_60 = arith.constant 0 : i32
    %dma_start3A_61 = tpu.memref_slice %arg9[%dma_start3A_55, %dma_start3A_60] : memref<4x128xi32, #tpu.memory_space<vmem>> -> memref<1x128xi32, #tpu.memory_space<vmem>>
    %dma_start3A_62 = tpu.memref_squeeze %dma_start3A_61 : memref<1x128xi32, #tpu.memory_space<vmem>> -> memref<128xi32, #tpu.memory_space<vmem>>
    %dma_start3A_63 = arith.constant 0 : i32
    %dma_start3A_64 = tpu.memref_slice %arg5[%dma_start3A_63] : memref<1000001xf32, #tpu.memory_space<hbm>> -> memref<1000001xf32, #tpu.memory_space<hbm>>
    tpu.enqueue_indirect_dma source(%dma_start3A_64 : memref<1000001xf32, #tpu.memory_space<hbm>>) target(%dma_start3A_59 : memref<128xf32, #tpu.memory_space<vmem>>) offsets(%dma_start3A_62 : memref<128xi32, #tpu.memory_space<vmem>>) semaphore(%arg19 : memref<!tpu.dma_semaphore, #tpu.memory_space<semaphore_mem>>)
    %dma_start3A_65 = arith.constant 0 : i32
    %dma_start3A_66 = arith.constant 0 : i32
    %dma_start3A_67 = arith.constant 0 : i32
    %dma_start3A_68 = tpu.memref_slice %arg16[%dma_start3A_66, %dma_start3A_67] : memref<4x128xf32, #tpu.memory_space<vmem>> -> memref<1x128xf32, #tpu.memory_space<vmem>>
    %dma_start3A_69 = tpu.memref_squeeze %dma_start3A_68 : memref<1x128xf32, #tpu.memory_space<vmem>> -> memref<128xf32, #tpu.memory_space<vmem>>
    %dma_start3A_70 = arith.constant 0 : i32
    %dma_start3A_71 = tpu.memref_slice %arg10[%dma_start3A_65, %dma_start3A_70] : memref<4x128xi32, #tpu.memory_space<vmem>> -> memref<1x128xi32, #tpu.memory_space<vmem>>
    %dma_start3A_72 = tpu.memref_squeeze %dma_start3A_71 : memref<1x128xi32, #tpu.memory_space<vmem>> -> memref<128xi32, #tpu.memory_space<vmem>>
    %dma_start3A_73 = arith.constant 0 : i32
    %dma_start3A_74 = tpu.memref_slice %arg7[%dma_start3A_73] : memref<1000001xf32, #tpu.memory_space<hbm>> -> memref<1000001xf32, #tpu.memory_space<hbm>>
    tpu.enqueue_indirect_dma source(%dma_start3A_74 : memref<1000001xf32, #tpu.memory_space<hbm>>) target(%dma_start3A_69 : memref<128xf32, #tpu.memory_space<vmem>>) offsets(%dma_start3A_72 : memref<128xi32, #tpu.memory_space<vmem>>) semaphore(%arg19 : memref<!tpu.dma_semaphore, #tpu.memory_space<semaphore_mem>>)
    %dma_start3A_75 = arith.constant 1 : i32
    %dma_start3A_76 = arith.constant 1 : i32
    %dma_start3A_77 = arith.constant 0 : i32
    %dma_start3A_78 = tpu.memref_slice %arg16[%dma_start3A_76, %dma_start3A_77] : memref<4x128xf32, #tpu.memory_space<vmem>> -> memref<1x128xf32, #tpu.memory_space<vmem>>
    %dma_start3A_79 = tpu.memref_squeeze %dma_start3A_78 : memref<1x128xf32, #tpu.memory_space<vmem>> -> memref<128xf32, #tpu.memory_space<vmem>>
    %dma_start3A_80 = arith.constant 0 : i32
    %dma_start3A_81 = tpu.memref_slice %arg10[%dma_start3A_75, %dma_start3A_80] : memref<4x128xi32, #tpu.memory_space<vmem>> -> memref<1x128xi32, #tpu.memory_space<vmem>>
    %dma_start3A_82 = tpu.memref_squeeze %dma_start3A_81 : memref<1x128xi32, #tpu.memory_space<vmem>> -> memref<128xi32, #tpu.memory_space<vmem>>
    %dma_start3A_83 = arith.constant 0 : i32
    %dma_start3A_84 = tpu.memref_slice %arg7[%dma_start3A_83] : memref<1000001xf32, #tpu.memory_space<hbm>> -> memref<1000001xf32, #tpu.memory_space<hbm>>
    tpu.enqueue_indirect_dma source(%dma_start3A_84 : memref<1000001xf32, #tpu.memory_space<hbm>>) target(%dma_start3A_79 : memref<128xf32, #tpu.memory_space<vmem>>) offsets(%dma_start3A_82 : memref<128xi32, #tpu.memory_space<vmem>>) semaphore(%arg19 : memref<!tpu.dma_semaphore, #tpu.memory_space<semaphore_mem>>)
    %dma_start3A_85 = arith.constant 2 : i32
    %dma_start3A_86 = arith.constant 2 : i32
    %dma_start3A_87 = arith.constant 0 : i32
    %dma_start3A_88 = tpu.memref_slice %arg16[%dma_start3A_86, %dma_start3A_87] : memref<4x128xf32, #tpu.memory_space<vmem>> -> memref<1x128xf32, #tpu.memory_space<vmem>>
    %dma_start3A_89 = tpu.memref_squeeze %dma_start3A_88 : memref<1x128xf32, #tpu.memory_space<vmem>> -> memref<128xf32, #tpu.memory_space<vmem>>
    %dma_start3A_90 = arith.constant 0 : i32
    %dma_start3A_91 = tpu.memref_slice %arg10[%dma_start3A_85, %dma_start3A_90] : memref<4x128xi32, #tpu.memory_space<vmem>> -> memref<1x128xi32, #tpu.memory_space<vmem>>
    %dma_start3A_92 = tpu.memref_squeeze %dma_start3A_91 : memref<1x128xi32, #tpu.memory_space<vmem>> -> memref<128xi32, #tpu.memory_space<vmem>>
    %dma_start3A_93 = arith.constant 0 : i32
    %dma_start3A_94 = tpu.memref_slice %arg7[%dma_start3A_93] : memref<1000001xf32, #tpu.memory_space<hbm>> -> memref<1000001xf32, #tpu.memory_space<hbm>>
    tpu.enqueue_indirect_dma source(%dma_start3A_94 : memref<1000001xf32, #tpu.memory_space<hbm>>) target(%dma_start3A_89 : memref<128xf32, #tpu.memory_space<vmem>>) offsets(%dma_start3A_92 : memref<128xi32, #tpu.memory_space<vmem>>) semaphore(%arg19 : memref<!tpu.dma_semaphore, #tpu.memory_space<semaphore_mem>>)
    %dma_start3A_95 = arith.constant 3 : i32
    %dma_start3A_96 = arith.constant 3 : i32
    %dma_start3A_97 = arith.constant 0 : i32
    %dma_start3A_98 = tpu.memref_slice %arg16[%dma_start3A_96, %dma_start3A_97] : memref<4x128xf32, #tpu.memory_space<vmem>> -> memref<1x128xf32, #tpu.memory_space<vmem>>
    %dma_start3A_99 = tpu.memref_squeeze %dma_start3A_98 : memref<1x128xf32, #tpu.memory_space<vmem>> -> memref<128xf32, #tpu.memory_space<vmem>>
    %dma_start3A_100 = arith.constant 0 : i32
    %dma_start3A_101 = tpu.memref_slice %arg10[%dma_start3A_95, %dma_start3A_100] : memref<4x128xi32, #tpu.memory_space<vmem>> -> memref<1x128xi32, #tpu.memory_space<vmem>>
    %dma_start3A_102 = tpu.memref_squeeze %dma_start3A_101 : memref<1x128xi32, #tpu.memory_space<vmem>> -> memref<128xi32, #tpu.memory_space<vmem>>
    %dma_start3A_103 = arith.constant 0 : i32
    %dma_start3A_104 = tpu.memref_slice %arg7[%dma_start3A_103] : memref<1000001xf32, #tpu.memory_space<hbm>> -> memref<1000001xf32, #tpu.memory_space<hbm>>
    tpu.enqueue_indirect_dma source(%dma_start3A_104 : memref<1000001xf32, #tpu.memory_space<hbm>>) target(%dma_start3A_99 : memref<128xf32, #tpu.memory_space<vmem>>) offsets(%dma_start3A_102 : memref<128xi32, #tpu.memory_space<vmem>>) semaphore(%arg19 : memref<!tpu.dma_semaphore, #tpu.memory_space<semaphore_mem>>)
    %iota3A = tpu.iota {dimensions = array<i32: 0>} : vector<16xi32>
    %scan3A = arith.constant 0 : i32
    %scan3A_105 = arith.constant 0 : i32
    %scan3A_106 = arith.constant 32 : i32
    %scan3A_107 = arith.addi %scan3A_105, %scan3A_106 : i32
    %scan3A_108 = arith.constant 1 : i32
    scf.for %scan3A_195 = %scan3A_105 to %scan3A_107 step %scan3A_108  : i32 {
      %jit3A = arith.constant 8 : i32
      %div3A = arith.divsi %scan3A_195, %jit3A : i32
      %sign3A = arith.constant 0 : i32
      %sign3A_196 = arith.cmpi sgt, %scan3A_195, %sign3A : i32
      %sign3A_197 = arith.extui %sign3A_196 : i1 to i32
      %sign3A_198 = arith.constant 0 : i32
      %sign3A_199 = arith.cmpi slt, %scan3A_195, %sign3A_198 : i32
      %sign3A_200 = arith.extui %sign3A_199 : i1 to i32
      %sign3A_201 = arith.subi %sign3A_197, %sign3A_200 : i32
      %sign3A_202 = arith.constant 0 : i32
      %sign3A_203 = arith.cmpi sgt, %jit3A, %sign3A_202 : i32
      %sign3A_204 = arith.extui %sign3A_203 : i1 to i32
      %sign3A_205 = arith.constant 0 : i32
      %sign3A_206 = arith.cmpi slt, %jit3A, %sign3A_205 : i32
      %sign3A_207 = arith.extui %sign3A_206 : i1 to i32
      %sign3A_208 = arith.subi %sign3A_204, %sign3A_207 : i32
      %ne3A = arith.cmpi ne, %sign3A_201, %sign3A_208 : i32
      %rem3A = arith.remsi %scan3A_195, %jit3A : i32
      %ne3A_209 = arith.constant 0 : i32
      %ne3A_210 = arith.cmpi ne, %rem3A, %ne3A_209 : i32
      %and3A = arith.andi %ne3A, %ne3A_210 : i1
      %sub3A = arith.constant 1 : i32
      %sub3A_211 = arith.subi %div3A, %sub3A : i32
      %select_n3A = arith.select %and3A, %sub3A_211, %div3A : i32
      %mul3A_212 = arith.constant 8 : i32
      %mul3A_213 = arith.muli %select_n3A, %mul3A_212 : i32
      %sub3A_214 = arith.subi %scan3A_195, %mul3A_213 : i32
      %mul3A_215 = arith.constant 16 : i32
      %mul3A_216 = arith.muli %sub3A_214, %mul3A_215 : i32
      %get3A = arith.index_cast %select_n3A : i32 to index
      %get3A_217 = arith.index_cast %mul3A_216 : i32 to index
      %get3A_218 = tpu.vector_load %arg9[%get3A, %get3A_217] {strides = array<i32>} : memref<4x128xi32, #tpu.memory_space<vmem>>, vector<16xi32>,
      %get3A_219 = arith.index_cast %select_n3A : i32 to index
      %get3A_220 = arith.index_cast %mul3A_216 : i32 to index
      %get3A_221 = tpu.vector_load %arg10[%get3A_219, %get3A_220] {strides = array<i32>} : memref<4x128xi32, #tpu.memory_space<vmem>>, vector<16xi32>,
      %mul3A_222 = arith.constant 16 : i32
      %mul3A_223 = arith.muli %scan3A_195, %mul3A_222 : i32
      %add3A_224 = arith.constant 0 : i32
      %add3A_225 = arith.addi %mul3A_223, %add3A_224 : i32
      %slice3A = vector.extract_strided_slice %get3A_218 {offsets = [0], sizes = [1], strides = [1]} : vector<16xi32> to vector<1xi32>
      %squeeze3A = vector.extract %slice3A[0] : i32 from vector<1xi32>
      %slice3A_226 = vector.extract_strided_slice %get3A_221 {offsets = [0], sizes = [1], strides = [1]} : vector<16xi32> to vector<1xi32>
      %squeeze3A_227 = vector.extract %slice3A_226[0] : i32 from vector<1xi32>
      %jit3A_228 = arith.constant 128 : i32
      %div3A_229 = arith.divsi %squeeze3A, %jit3A_228 : i32
      %sign3A_230 = arith.constant 0 : i32
      %sign3A_231 = arith.cmpi sgt, %squeeze3A, %sign3A_230 : i32
      %sign3A_232 = arith.extui %sign3A_231 : i1 to i32
      %sign3A_233 = arith.constant 0 : i32
      %sign3A_234 = arith.cmpi slt, %squeeze3A, %sign3A_233 : i32
      %sign3A_235 = arith.extui %sign3A_234 : i1 to i32
      %sign3A_236 = arith.subi %sign3A_232, %sign3A_235 : i32
      %sign3A_237 = arith.constant 0 : i32
      %sign3A_238 = arith.cmpi sgt, %jit3A_228, %sign3A_237 : i32
      %sign3A_239 = arith.extui %sign3A_238 : i1 to i32
      %sign3A_240 = arith.constant 0 : i32
      %sign3A_241 = arith.cmpi slt, %jit3A_228, %sign3A_240 : i32
      %sign3A_242 = arith.extui %sign3A_241 : i1 to i32
      %sign3A_243 = arith.subi %sign3A_239, %sign3A_242 : i32
      %ne3A_244 = arith.cmpi ne, %sign3A_236, %sign3A_243 : i32
      %rem3A_245 = arith.remsi %squeeze3A, %jit3A_228 : i32
      %ne3A_246 = arith.constant 0 : i32
      %ne3A_247 = arith.cmpi ne, %rem3A_245, %ne3A_246 : i32
      %and3A_248 = arith.andi %ne3A_244, %ne3A_247 : i1
      %sub3A_249 = arith.constant 1 : i32
      %sub3A_250 = arith.subi %div3A_229, %sub3A_249 : i32
      %select_n3A_251 = arith.select %and3A_248, %sub3A_250, %div3A_229 : i32
      %mul3A_252 = arith.constant 128 : i32
      %mul3A_253 = arith.muli %select_n3A_251, %mul3A_252 : i32
      %multiple_of3A = tpu.assume_multiple %mul3A_253, 128 : i32
      %dma_start3A_254 = arith.constant 0 : i32
      %dma_start3A_255 = arith.constant 0 : i32
      %dma_start3A_256 = arith.constant 0 : i32
      %dma_start3A_257 = tpu.memref_slice %arg11[%dma_start3A_254, %dma_start3A_255, %dma_start3A_256] : memref<8x32x128xf32, #tpu.memory_space<vmem>> -> memref<1x32x128xf32, #tpu.memory_space<vmem>>
      %dma_start3A_258 = tpu.memref_squeeze %dma_start3A_257 : memref<1x32x128xf32, #tpu.memory_space<vmem>> -> memref<32x128xf32, #tpu.memory_space<vmem>>
      %dma_start3A_259 = arith.constant 0 : i32
      %dma_start3A_260 = tpu.memref_slice %arg4[%dma_start3A_259, %multiple_of3A] : memref<32x1000001xf32, #tpu.memory_space<hbm>> -> memref<32x128xf32, #tpu.memory_space<hbm>>
      %dma_start3A_261 = arith.constant 0 : i32
      %dma_start3A_262 = arith.constant 0 : i32
      %dma_start3A_263 = tpu.memref_slice %arg11[%dma_start3A_254, %dma_start3A_261, %dma_start3A_262] : memref<8x32x128xf32, #tpu.memory_space<vmem>> -> memref<1x32x128xf32, #tpu.memory_space<vmem>>
      %dma_start3A_264 = tpu.memref_squeeze %dma_start3A_263 : memref<1x32x128xf32, #tpu.memory_space<vmem>> -> memref<32x128xf32, #tpu.memory_space<vmem>>
      %dma_start3A_265 = arith.constant 0 : i32
      %dma_start3A_266 = tpu.memref_slice %arg4[%dma_start3A_265, %multiple_of3A] : memref<32x1000001xf32, #tpu.memory_space<hbm>> -> memref<32x128xf32, #tpu.memory_space<hbm>>
      tpu.enqueue_dma source(%dma_start3A_266 : memref<32x128xf32, #tpu.memory_space<hbm>>) target(%dma_start3A_264 : memref<32x128xf32, #tpu.memory_space<vmem>>) target_semaphore(%arg18 : memref<!tpu.dma_semaphore, #tpu.memory_space<semaphore_mem>>)
      %jit3A_267 = arith.constant 128 : i32
      %div3A_268 = arith.divsi %squeeze3A_227, %jit3A_267 : i32
      %sign3A_269 = arith.constant 0 : i32
      %sign3A_270 = arith.cmpi sgt, %squeeze3A_227, %sign3A_269 : i32
      %sign3A_271 = arith.extui %sign3A_270 : i1 to i32
      %sign3A_272 = arith.constant 0 : i32
      %sign3A_273 = arith.cmpi slt, %squeeze3A_227, %sign3A_272 : i32
      %sign3A_274 = arith.extui %sign3A_273 : i1 to i32
      %sign3A_275 = arith.subi %sign3A_271, %sign3A_274 : i32
      %sign3A_276 = arith.constant 0 : i32
      %sign3A_277 = arith.cmpi sgt, %jit3A_267, %sign3A_276 : i32
      %sign3A_278 = arith.extui %sign3A_277 : i1 to i32
      %sign3A_279 = arith.constant 0 : i32
      %sign3A_280 = arith.cmpi slt, %jit3A_267, %sign3A_279 : i32
      %sign3A_281 = arith.extui %sign3A_280 : i1 to i32
      %sign3A_282 = arith.subi %sign3A_278, %sign3A_281 : i32
      %ne3A_283 = arith.cmpi ne, %sign3A_275, %sign3A_282 : i32
      %rem3A_284 = arith.remsi %squeeze3A_227, %jit3A_267 : i32
      %ne3A_285 = arith.constant 0 : i32
      %ne3A_286 = arith.cmpi ne, %rem3A_284, %ne3A_285 : i32
      %and3A_287 = arith.andi %ne3A_283, %ne3A_286 : i1
      %sub3A_288 = arith.constant 1 : i32
      %sub3A_289 = arith.subi %div3A_268, %sub3A_288 : i32
      %select_n3A_290 = arith.select %and3A_287, %sub3A_289, %div3A_268 : i32
      %mul3A_291 = arith.constant 128 : i32
      %mul3A_292 = arith.muli %select_n3A_290, %mul3A_291 : i32
      %multiple_of3A_293 = tpu.assume_multiple %mul3A_292, 128 : i32
      %dma_start3A_294 = arith.constant 0 : i32
      %dma_start3A_295 = arith.constant 0 : i32
      %dma_start3A_296 = arith.constant 0 : i32
      %dma_start3A_297 = tpu.memref_slice %arg12[%dma_start3A_294, %dma_start3A_295, %dma_start3A_296] : memref<8x32x128xf32, #tpu.memory_space<vmem>> -> memref<1x32x128xf32, #tpu.memory_space<vmem>>
      %dma_start3A_298 = tpu.memref_squeeze %dma_start3A_297 : memref<1x32x128xf32, #tpu.memory_space<vmem>> -> memref<32x128xf32, #tpu.memory_space<vmem>>
      %dma_start3A_299 = arith.constant 0 : i32
      %dma_start3A_300 = tpu.memref_slice %arg6[%dma_start3A_299, %multiple_of3A_293] : memref<32x1000001xf32, #tpu.memory_space<hbm>> -> memref<32x128xf32, #tpu.memory_space<hbm>>
      %dma_start3A_301 = arith.constant 0 : i32
      %dma_start3A_302 = arith.constant 0 : i32
      %dma_start3A_303 = tpu.memref_slice %arg12[%dma_start3A_294, %dma_start3A_301, %dma_start3A_302] : memref<8x32x128xf32, #tpu.memory_space<vmem>> -> memref<1x32x128xf32, #tpu.memory_space<vmem>>
      %dma_start3A_304 = tpu.memref_squeeze %dma_start3A_303 : memref<1x32x128xf32, #tpu.memory_space<vmem>> -> memref<32x128xf32, #tpu.memory_space<vmem>>
      %dma_start3A_305 = arith.constant 0 : i32
      %dma_start3A_306 = tpu.memref_slice %arg6[%dma_start3A_305, %multiple_of3A_293] : memref<32x1000001xf32, #tpu.memory_space<hbm>> -> memref<32x128xf32, #tpu.memory_space<hbm>>
      tpu.enqueue_dma source(%dma_start3A_306 : memref<32x128xf32, #tpu.memory_space<hbm>>) target(%dma_start3A_304 : memref<32x128xf32, #tpu.memory_space<vmem>>) target_semaphore(%arg18 : memref<!tpu.dma_semaphore, #tpu.memory_space<semaphore_mem>>)
      %mul3A_307 = arith.constant 16 : i32
      %mul3A_308 = arith.muli %scan3A_195, %mul3A_307 : i32
      %add3A_309 = arith.constant 1 : i32
      %add3A_310 = arith.addi %mul3A_308, %add3A_309 : i32
      %slice3A_311 = vector.extract_strided_slice %get3A_218 {offsets = [1], sizes = [1], strides = [1]} : vector<16xi32> to vector<1xi32>
      %squeeze3A_312 = vector.extract %slice3A_311[0] : i32 from vector<1xi32>
      %slice3A_313 = vector.extract_strided_slice %get3A_221 {offsets = [1], sizes = [1], strides = [1]} : vector<16xi32> to vector<1xi32>
      %squeeze3A_314 = vector.extract %slice3A_313[0] : i32 from vector<1xi32>
      %jit3A_315 = arith.constant 128 : i32
      %div3A_316 = arith.divsi %squeeze3A_312, %jit3A_315 : i32
      %sign3A_317 = arith.constant 0 : i32
      %sign3A_318 = arith.cmpi sgt, %squeeze3A_312, %sign3A_317 : i32
      %sign3A_319 = arith.extui %sign3A_318 : i1 to i32
      %sign3A_320 = arith.constant 0 : i32
      %sign3A_321 = arith.cmpi slt, %squeeze3A_312, %sign3A_320 : i32
      %sign3A_322 = arith.extui %sign3A_321 : i1 to i32
      %sign3A_323 = arith.subi %sign3A_319, %sign3A_322 : i32
      %sign3A_324 = arith.constant 0 : i32
      %sign3A_325 = arith.cmpi sgt, %jit3A_315, %sign3A_324 : i32
      %sign3A_326 = arith.extui %sign3A_325 : i1 to i32
      %sign3A_327 = arith.constant 0 : i32
      %sign3A_328 = arith.cmpi slt, %jit3A_315, %sign3A_327 : i32
      %sign3A_329 = arith.extui %sign3A_328 : i1 to i32
      %sign3A_330 = arith.subi %sign3A_326, %sign3A_329 : i32
      %ne3A_331 = arith.cmpi ne, %sign3A_323, %sign3A_330 : i32
      %rem3A_332 = arith.remsi %squeeze3A_312, %jit3A_315 : i32
      %ne3A_333 = arith.constant 0 : i32
      %ne3A_334 = arith.cmpi ne, %rem3A_332, %ne3A_333 : i32
      %and3A_335 = arith.andi %ne3A_331, %ne3A_334 : i1
      %sub3A_336 = arith.constant 1 : i32
      %sub3A_337 = arith.subi %div3A_316, %sub3A_336 : i32
      %select_n3A_338 = arith.select %and3A_335, %sub3A_337, %div3A_316 : i32
      %mul3A_339 = arith.constant 128 : i32
      %mul3A_340 = arith.muli %select_n3A_338, %mul3A_339 : i32
      %multiple_of3A_341 = tpu.assume_multiple %mul3A_340, 128 : i32
      %dma_start3A_342 = arith.constant 1 : i32
      %dma_start3A_343 = arith.constant 0 : i32
      %dma_start3A_344 = arith.constant 0 : i32
      %dma_start3A_345 = tpu.memref_slice %arg11[%dma_start3A_342, %dma_start3A_343, %dma_start3A_344] : memref<8x32x128xf32, #tpu.memory_space<vmem>> -> memref<1x32x128xf32, #tpu.memory_space<vmem>>
      %dma_start3A_346 = tpu.memref_squeeze %dma_start3A_345 : memref<1x32x128xf32, #tpu.memory_space<vmem>> -> memref<32x128xf32, #tpu.memory_space<vmem>>
      %dma_start3A_347 = arith.constant 0 : i32
      %dma_start3A_348 = tpu.memref_slice %arg4[%dma_start3A_347, %multiple_of3A_341] : memref<32x1000001xf32, #tpu.memory_space<hbm>> -> memref<32x128xf32, #tpu.memory_space<hbm>>
      %dma_start3A_349 = arith.constant 0 : i32
      %dma_start3A_350 = arith.constant 0 : i32
      %dma_start3A_351 = tpu.memref_slice %arg11[%dma_start3A_342, %dma_start3A_349, %dma_start3A_350] : memref<8x32x128xf32, #tpu.memory_space<vmem>> -> memref<1x32x128xf32, #tpu.memory_space<vmem>>
      %dma_start3A_352 = tpu.memref_squeeze %dma_start3A_351 : memref<1x32x128xf32, #tpu.memory_space<vmem>> -> memref<32x128xf32, #tpu.memory_space<vmem>>
      %dma_start3A_353 = arith.constant 0 : i32
      %dma_start3A_354 = tpu.memref_slice %arg4[%dma_start3A_353, %multiple_of3A_341] : memref<32x1000001xf32, #tpu.memory_space<hbm>> -> memref<32x128xf32, #tpu.memory_space<hbm>>
      tpu.enqueue_dma source(%dma_start3A_354 : memref<32x128xf32, #tpu.memory_space<hbm>>) target(%dma_start3A_352 : memref<32x128xf32, #tpu.memory_space<vmem>>) target_semaphore(%arg18 : memref<!tpu.dma_semaphore, #tpu.memory_space<semaphore_mem>>)
      %jit3A_355 = arith.constant 128 : i32
      %div3A_356 = arith.divsi %squeeze3A_314, %jit3A_355 : i32
      %sign3A_357 = arith.constant 0 : i32
      %sign3A_358 = arith.cmpi sgt, %squeeze3A_314, %sign3A_357 : i32
      %sign3A_359 = arith.extui %sign3A_358 : i1 to i32
      %sign3A_360 = arith.constant 0 : i32
      %sign3A_361 = arith.cmpi slt, %squeeze3A_314, %sign3A_360 : i32
      %sign3A_362 = arith.extui %sign3A_361 : i1 to i32
      %sign3A_363 = arith.subi %sign3A_359, %sign3A_362 : i32
      %sign3A_364 = arith.constant 0 : i32
      %sign3A_365 = arith.cmpi sgt, %jit3A_355, %sign3A_364 : i32
      %sign3A_366 = arith.extui %sign3A_365 : i1 to i32
      %sign3A_367 = arith.constant 0 : i32
      %sign3A_368 = arith.cmpi slt, %jit3A_355, %sign3A_367 : i32
      %sign3A_369 = arith.extui %sign3A_368 : i1 to i32
      %sign3A_370 = arith.subi %sign3A_366, %sign3A_369 : i32
      %ne3A_371 = arith.cmpi ne, %sign3A_363, %sign3A_370 : i32
      %rem3A_372 = arith.remsi %squeeze3A_314, %jit3A_355 : i32
      %ne3A_373 = arith.constant 0 : i32
      %ne3A_374 = arith.cmpi ne, %rem3A_372, %ne3A_373 : i32
      %and3A_375 = arith.andi %ne3A_371, %ne3A_374 : i1
      %sub3A_376 = arith.constant 1 : i32
      %sub3A_377 = arith.subi %div3A_356, %sub3A_376 : i32
      %select_n3A_378 = arith.select %and3A_375, %sub3A_377, %div3A_356 : i32
      %mul3A_379 = arith.constant 128 : i32
      %mul3A_380 = arith.muli %select_n3A_378, %mul3A_379 : i32
      %multiple_of3A_381 = tpu.assume_multiple %mul3A_380, 128 : i32
      %dma_start3A_382 = arith.constant 1 : i32
      %dma_start3A_383 = arith.constant 0 : i32
      %dma_start3A_384 = arith.constant 0 : i32
      %dma_start3A_385 = tpu.memref_slice %arg12[%dma_start3A_382, %dma_start3A_383, %dma_start3A_384] : memref<8x32x128xf32, #tpu.memory_space<vmem>> -> memref<1x32x128xf32, #tpu.memory_space<vmem>>
      %dma_start3A_386 = tpu.memref_squeeze %dma_start3A_385 : memref<1x32x128xf32, #tpu.memory_space<vmem>> -> memref<32x128xf32, #tpu.memory_space<vmem>>
      %dma_start3A_387 = arith.constant 0 : i32
      %dma_start3A_388 = tpu.memref_slice %arg6[%dma_start3A_387, %multiple_of3A_381] : memref<32x1000001xf32, #tpu.memory_space<hbm>> -> memref<32x128xf32, #tpu.memory_space<hbm>>
      %dma_start3A_389 = arith.constant 0 : i32
      %dma_start3A_390 = arith.constant 0 : i32
      %dma_start3A_391 = tpu.memref_slice %arg12[%dma_start3A_382, %dma_start3A_389, %dma_start3A_390] : memref<8x32x128xf32, #tpu.memory_space<vmem>> -> memref<1x32x128xf32, #tpu.memory_space<vmem>>
      %dma_start3A_392 = tpu.memref_squeeze %dma_start3A_391 : memref<1x32x128xf32, #tpu.memory_space<vmem>> -> memref<32x128xf32, #tpu.memory_space<vmem>>
      %dma_start3A_393 = arith.constant 0 : i32
      %dma_start3A_394 = tpu.memref_slice %arg6[%dma_start3A_393, %multiple_of3A_381] : memref<32x1000001xf32, #tpu.memory_space<hbm>> -> memref<32x128xf32, #tpu.memory_space<hbm>>
      tpu.enqueue_dma source(%dma_start3A_394 : memref<32x128xf32, #tpu.memory_space<hbm>>) target(%dma_start3A_392 : memref<32x128xf32, #tpu.memory_space<vmem>>) target_semaphore(%arg18 : memref<!tpu.dma_semaphore, #tpu.memory_space<semaphore_mem>>)
      %mul3A_395 = arith.constant 16 : i32
      %mul3A_396 = arith.muli %scan3A_195, %mul3A_395 : i32
      %add3A_397 = arith.constant 2 : i32
      %add3A_398 = arith.addi %mul3A_396, %add3A_397 : i32
      %slice3A_399 = vector.extract_strided_slice %get3A_218 {offsets = [2], sizes = [1], strides = [1]} : vector<16xi32> to vector<1xi32>
      %squeeze3A_400 = vector.extract %slice3A_399[0] : i32 from vector<1xi32>
      %slice3A_401 = vector.extract_strided_slice %get3A_221 {offsets = [2], sizes = [1], strides = [1]} : vector<16xi32> to vector<1xi32>
      %squeeze3A_402 = vector.extract %slice3A_401[0] : i32 from vector<1xi32>
      %jit3A_403 = arith.constant 128 : i32
      %div3A_404 = arith.divsi %squeeze3A_400, %jit3A_403 : i32
      %sign3A_405 = arith.constant 0 : i32
      %sign3A_406 = arith.cmpi sgt, %squeeze3A_400, %sign3A_405 : i32
      %sign3A_407 = arith.extui %sign3A_406 : i1 to i32
      %sign3A_408 = arith.constant 0 : i32
      %sign3A_409 = arith.cmpi slt, %squeeze3A_400, %sign3A_408 : i32
      %sign3A_410 = arith.extui %sign3A_409 : i1 to i32
      %sign3A_411 = arith.subi %sign3A_407, %sign3A_410 : i32
      %sign3A_412 = arith.constant 0 : i32
      %sign3A_413 = arith.cmpi sgt, %jit3A_403, %sign3A_412 : i32
      %sign3A_414 = arith.extui %sign3A_413 : i1 to i32
      %sign3A_415 = arith.constant 0 : i32
      %sign3A_416 = arith.cmpi slt, %jit3A_403, %sign3A_415 : i32
      %sign3A_417 = arith.extui %sign3A_416 : i1 to i32
      %sign3A_418 = arith.subi %sign3A_414, %sign3A_417 : i32
      %ne3A_419 = arith.cmpi ne, %sign3A_411, %sign3A_418 : i32
      %rem3A_420 = arith.remsi %squeeze3A_400, %jit3A_403 : i32
      %ne3A_421 = arith.constant 0 : i32
      %ne3A_422 = arith.cmpi ne, %rem3A_420, %ne3A_421 : i32
      %and3A_423 = arith.andi %ne3A_419, %ne3A_422 : i1
      %sub3A_424 = arith.constant 1 : i32
      %sub3A_425 = arith.subi %div3A_404, %sub3A_424 : i32
      %select_n3A_426 = arith.select %and3A_423, %sub3A_425, %div3A_404 : i32
      %mul3A_427 = arith.constant 128 : i32
      %mul3A_428 = arith.muli %select_n3A_426, %mul3A_427 : i32
      %multiple_of3A_429 = tpu.assume_multiple %mul3A_428, 128 : i32
      %dma_start3A_430 = arith.constant 2 : i32
      %dma_start3A_431 = arith.constant 0 : i32
      %dma_start3A_432 = arith.constant 0 : i32
      %dma_start3A_433 = tpu.memref_slice %arg11[%dma_start3A_430, %dma_start3A_431, %dma_start3A_432] : memref<8x32x128xf32, #tpu.memory_space<vmem>> -> memref<1x32x128xf32, #tpu.memory_space<vmem>>
      %dma_start3A_434 = tpu.memref_squeeze %dma_start3A_433 : memref<1x32x128xf32, #tpu.memory_space<vmem>> -> memref<32x128xf32, #tpu.memory_space<vmem>>
      %dma_start3A_435 = arith.constant 0 : i32
      %dma_start3A_436 = tpu.memref_slice %arg4[%dma_start3A_435, %multiple_of3A_429] : memref<32x1000001xf32, #tpu.memory_space<hbm>> -> memref<32x128xf32, #tpu.memory_space<hbm>>
      %dma_start3A_437 = arith.constant 0 : i32
      %dma_start3A_438 = arith.constant 0 : i32
      %dma_start3A_439 = tpu.memref_slice %arg11[%dma_start3A_430, %dma_start3A_437, %dma_start3A_438] : memref<8x32x128xf32, #tpu.memory_space<vmem>> -> memref<1x32x128xf32, #tpu.memory_space<vmem>>
      %dma_start3A_440 = tpu.memref_squeeze %dma_start3A_439 : memref<1x32x128xf32, #tpu.memory_space<vmem>> -> memref<32x128xf32, #tpu.memory_space<vmem>>
      %dma_start3A_441 = arith.constant 0 : i32
      %dma_start3A_442 = tpu.memref_slice %arg4[%dma_start3A_441, %multiple_of3A_429] : memref<32x1000001xf32, #tpu.memory_space<hbm>> -> memref<32x128xf32, #tpu.memory_space<hbm>>
      tpu.enqueue_dma source(%dma_start3A_442 : memref<32x128xf32, #tpu.memory_space<hbm>>) target(%dma_start3A_440 : memref<32x128xf32, #tpu.memory_space<vmem>>) target_semaphore(%arg18 : memref<!tpu.dma_semaphore, #tpu.memory_space<semaphore_mem>>)
      %jit3A_443 = arith.constant 128 : i32
      %div3A_444 = arith.divsi %squeeze3A_402, %jit3A_443 : i32
      %sign3A_445 = arith.constant 0 : i32
      %sign3A_446 = arith.cmpi sgt, %squeeze3A_402, %sign3A_445 : i32
      %sign3A_447 = arith.extui %sign3A_446 : i1 to i32
      %sign3A_448 = arith.constant 0 : i32
      %sign3A_449 = arith.cmpi slt, %squeeze3A_402, %sign3A_448 : i32
      %sign3A_450 = arith.extui %sign3A_449 : i1 to i32
      %sign3A_451 = arith.subi %sign3A_447, %sign3A_450 : i32
      %sign3A_452 = arith.constant 0 : i32
      %sign3A_453 = arith.cmpi sgt, %jit3A_443, %sign3A_452 : i32
      %sign3A_454 = arith.extui %sign3A_453 : i1 to i32
      %sign3A_455 = arith.constant 0 : i32
      %sign3A_456 = arith.cmpi slt, %jit3A_443, %sign3A_455 : i32
      %sign3A_457 = arith.extui %sign3A_456 : i1 to i32
      %sign3A_458 = arith.subi %sign3A_454, %sign3A_457 : i32
      %ne3A_459 = arith.cmpi ne, %sign3A_451, %sign3A_458 : i32
      %rem3A_460 = arith.remsi %squeeze3A_402, %jit3A_443 : i32
      %ne3A_461 = arith.constant 0 : i32
      %ne3A_462 = arith.cmpi ne, %rem3A_460, %ne3A_461 : i32
      %and3A_463 = arith.andi %ne3A_459, %ne3A_462 : i1
      %sub3A_464 = arith.constant 1 : i32
      %sub3A_465 = arith.subi %div3A_444, %sub3A_464 : i32
      %select_n3A_466 = arith.select %and3A_463, %sub3A_465, %div3A_444 : i32
      %mul3A_467 = arith.constant 128 : i32
      %mul3A_468 = arith.muli %select_n3A_466, %mul3A_467 : i32
      %multiple_of3A_469 = tpu.assume_multiple %mul3A_468, 128 : i32
      %dma_start3A_470 = arith.constant 2 : i32
      %dma_start3A_471 = arith.constant 0 : i32
      %dma_start3A_472 = arith.constant 0 : i32
      %dma_start3A_473 = tpu.memref_slice %arg12[%dma_start3A_470, %dma_start3A_471, %dma_start3A_472] : memref<8x32x128xf32, #tpu.memory_space<vmem>> -> memref<1x32x128xf32, #tpu.memory_space<vmem>>
      %dma_start3A_474 = tpu.memref_squeeze %dma_start3A_473 : memref<1x32x128xf32, #tpu.memory_space<vmem>> -> memref<32x128xf32, #tpu.memory_space<vmem>>
      %dma_start3A_475 = arith.constant 0 : i32
      %dma_start3A_476 = tpu.memref_slice %arg6[%dma_start3A_475, %multiple_of3A_469] : memref<32x1000001xf32, #tpu.memory_space<hbm>> -> memref<32x128xf32, #tpu.memory_space<hbm>>
      %dma_start3A_477 = arith.constant 0 : i32
      %dma_start3A_478 = arith.constant 0 : i32
      %dma_start3A_479 = tpu.memref_slice %arg12[%dma_start3A_470, %dma_start3A_477, %dma_start3A_478] : memref<8x32x128xf32, #tpu.memory_space<vmem>> -> memref<1x32x128xf32, #tpu.memory_space<vmem>>
      %dma_start3A_480 = tpu.memref_squeeze %dma_start3A_479 : memref<1x32x128xf32, #tpu.memory_space<vmem>> -> memref<32x128xf32, #tpu.memory_space<vmem>>
      %dma_start3A_481 = arith.constant 0 : i32
      %dma_start3A_482 = tpu.memref_slice %arg6[%dma_start3A_481, %multiple_of3A_469] : memref<32x1000001xf32, #tpu.memory_space<hbm>> -> memref<32x128xf32, #tpu.memory_space<hbm>>
      tpu.enqueue_dma source(%dma_start3A_482 : memref<32x128xf32, #tpu.memory_space<hbm>>) target(%dma_start3A_480 : memref<32x128xf32, #tpu.memory_space<vmem>>) target_semaphore(%arg18 : memref<!tpu.dma_semaphore, #tpu.memory_space<semaphore_mem>>)
      %mul3A_483 = arith.constant 16 : i32
      %mul3A_484 = arith.muli %scan3A_195, %mul3A_483 : i32
      %add3A_485 = arith.constant 3 : i32
      %add3A_486 = arith.addi %mul3A_484, %add3A_485 : i32
      %slice3A_487 = vector.extract_strided_slice %get3A_218 {offsets = [3], sizes = [1], strides = [1]} : vector<16xi32> to vector<1xi32>
      %squeeze3A_488 = vector.extract %slice3A_487[0] : i32 from vector<1xi32>
      %slice3A_489 = vector.extract_strided_slice %get3A_221 {offsets = [3], sizes = [1], strides = [1]} : vector<16xi32> to vector<1xi32>
      %squeeze3A_490 = vector.extract %slice3A_489[0] : i32 from vector<1xi32>
      %jit3A_491 = arith.constant 128 : i32
      %div3A_492 = arith.divsi %squeeze3A_488, %jit3A_491 : i32
      %sign3A_493 = arith.constant 0 : i32
      %sign3A_494 = arith.cmpi sgt, %squeeze3A_488, %sign3A_493 : i32
      %sign3A_495 = arith.extui %sign3A_494 : i1 to i32
      %sign3A_496 = arith.constant 0 : i32
      %sign3A_497 = arith.cmpi slt, %squeeze3A_488, %sign3A_496 : i32
      %sign3A_498 = arith.extui %sign3A_497 : i1 to i32
      %sign3A_499 = arith.subi %sign3A_495, %sign3A_498 : i32
      %sign3A_500 = arith.constant 0 : i32
      %sign3A_501 = arith.cmpi sgt, %jit3A_491, %sign3A_500 : i32
      %sign3A_502 = arith.extui %sign3A_501 : i1 to i32
      %sign3A_503 = arith.constant 0 : i32
      %sign3A_504 = arith.cmpi slt, %jit3A_491, %sign3A_503 : i32
      %sign3A_505 = arith.extui %sign3A_504 : i1 to i32
      %sign3A_506 = arith.subi %sign3A_502, %sign3A_505 : i32
      %ne3A_507 = arith.cmpi ne, %sign3A_499, %sign3A_506 : i32
      %rem3A_508 = arith.remsi %squeeze3A_488, %jit3A_491 : i32
      %ne3A_509 = arith.constant 0 : i32
      %ne3A_510 = arith.cmpi ne, %rem3A_508, %ne3A_509 : i32
      %and3A_511 = arith.andi %ne3A_507, %ne3A_510 : i1
      %sub3A_512 = arith.constant 1 : i32
      %sub3A_513 = arith.subi %div3A_492, %sub3A_512 : i32
      %select_n3A_514 = arith.select %and3A_511, %sub3A_513, %div3A_492 : i32
      %mul3A_515 = arith.constant 128 : i32
      %mul3A_516 = arith.muli %select_n3A_514, %mul3A_515 : i32
      %multiple_of3A_517 = tpu.assume_multiple %mul3A_516, 128 : i32
      %dma_start3A_518 = arith.constant 3 : i32
      %dma_start3A_519 = arith.constant 0 : i32
      %dma_start3A_520 = arith.constant 0 : i32
      %dma_start3A_521 = tpu.memref_slice %arg11[%dma_start3A_518, %dma_start3A_519, %dma_start3A_520] : memref<8x32x128xf32, #tpu.memory_space<vmem>> -> memref<1x32x128xf32, #tpu.memory_space<vmem>>
      %dma_start3A_522 = tpu.memref_squeeze %dma_start3A_521 : memref<1x32x128xf32, #tpu.memory_space<vmem>> -> memref<32x128xf32, #tpu.memory_space<vmem>>
      %dma_start3A_523 = arith.constant 0 : i32
      %dma_start3A_524 = tpu.memref_slice %arg4[%dma_start3A_523, %multiple_of3A_517] : memref<32x1000001xf32, #tpu.memory_space<hbm>> -> memref<32x128xf32, #tpu.memory_space<hbm>>
      %dma_start3A_525 = arith.constant 0 : i32
      %dma_start3A_526 = arith.constant 0 : i32
      %dma_start3A_527 = tpu.memref_slice %arg11[%dma_start3A_518, %dma_start3A_525, %dma_start3A_526] : memref<8x32x128xf32, #tpu.memory_space<vmem>> -> memref<1x32x128xf32, #tpu.memory_space<vmem>>
      %dma_start3A_528 = tpu.memref_squeeze %dma_start3A_527 : memref<1x32x128xf32, #tpu.memory_space<vmem>> -> memref<32x128xf32, #tpu.memory_space<vmem>>
      %dma_start3A_529 = arith.constant 0 : i32
      %dma_start3A_530 = tpu.memref_slice %arg4[%dma_start3A_529, %multiple_of3A_517] : memref<32x1000001xf32, #tpu.memory_space<hbm>> -> memref<32x128xf32, #tpu.memory_space<hbm>>
      tpu.enqueue_dma source(%dma_start3A_530 : memref<32x128xf32, #tpu.memory_space<hbm>>) target(%dma_start3A_528 : memref<32x128xf32, #tpu.memory_space<vmem>>) target_semaphore(%arg18 : memref<!tpu.dma_semaphore, #tpu.memory_space<semaphore_mem>>)
      %jit3A_531 = arith.constant 128 : i32
      %div3A_532 = arith.divsi %squeeze3A_490, %jit3A_531 : i32
      %sign3A_533 = arith.constant 0 : i32
      %sign3A_534 = arith.cmpi sgt, %squeeze3A_490, %sign3A_533 : i32
      %sign3A_535 = arith.extui %sign3A_534 : i1 to i32
      %sign3A_536 = arith.constant 0 : i32
      %sign3A_537 = arith.cmpi slt, %squeeze3A_490, %sign3A_536 : i32
      %sign3A_538 = arith.extui %sign3A_537 : i1 to i32
      %sign3A_539 = arith.subi %sign3A_535, %sign3A_538 : i32
      %sign3A_540 = arith.constant 0 : i32
      %sign3A_541 = arith.cmpi sgt, %jit3A_531, %sign3A_540 : i32
      %sign3A_542 = arith.extui %sign3A_541 : i1 to i32
      %sign3A_543 = arith.constant 0 : i32
      %sign3A_544 = arith.cmpi slt, %jit3A_531, %sign3A_543 : i32
      %sign3A_545 = arith.extui %sign3A_544 : i1 to i32
      %sign3A_546 = arith.subi %sign3A_542, %sign3A_545 : i32
      %ne3A_547 = arith.cmpi ne, %sign3A_539, %sign3A_546 : i32
      %rem3A_548 = arith.remsi %squeeze3A_490, %jit3A_531 : i32
      %ne3A_549 = arith.constant 0 : i32
      %ne3A_550 = arith.cmpi ne, %rem3A_548, %ne3A_549 : i32
      %and3A_551 = arith.andi %ne3A_547, %ne3A_550 : i1
      %sub3A_552 = arith.constant 1 : i32
      %sub3A_553 = arith.subi %div3A_532, %sub3A_552 : i32
      %select_n3A_554 = arith.select %and3A_551, %sub3A_553, %div3A_532 : i32
      %mul3A_555 = arith.constant 128 : i32
      %mul3A_556 = arith.muli %select_n3A_554, %mul3A_555 : i32
      %multiple_of3A_557 = tpu.assume_multiple %mul3A_556, 128 : i32
      %dma_start3A_558 = arith.constant 3 : i32
      %dma_start3A_559 = arith.constant 0 : i32
      %dma_start3A_560 = arith.constant 0 : i32
      %dma_start3A_561 = tpu.memref_slice %arg12[%dma_start3A_558, %dma_start3A_559, %dma_start3A_560] : memref<8x32x128xf32, #tpu.memory_space<vmem>> -> memref<1x32x128xf32, #tpu.memory_space<vmem>>
      %dma_start3A_562 = tpu.memref_squeeze %dma_start3A_561 : memref<1x32x128xf32, #tpu.memory_space<vmem>> -> memref<32x128xf32, #tpu.memory_space<vmem>>
      %dma_start3A_563 = arith.constant 0 : i32
      %dma_start3A_564 = tpu.memref_slice %arg6[%dma_start3A_563, %multiple_of3A_557] : memref<32x1000001xf32, #tpu.memory_space<hbm>> -> memref<32x128xf32, #tpu.memory_space<hbm>>
      %dma_start3A_565 = arith.constant 0 : i32
      %dma_start3A_566 = arith.constant 0 : i32
      %dma_start3A_567 = tpu.memref_slice %arg12[%dma_start3A_558, %dma_start3A_565, %dma_start3A_566] : memref<8x32x128xf32, #tpu.memory_space<vmem>> -> memref<1x32x128xf32, #tpu.memory_space<vmem>>
      %dma_start3A_568 = tpu.memref_squeeze %dma_start3A_567 : memref<1x32x128xf32, #tpu.memory_space<vmem>> -> memref<32x128xf32, #tpu.memory_space<vmem>>
      %dma_start3A_569 = arith.constant 0 : i32
      %dma_start3A_570 = tpu.memref_slice %arg6[%dma_start3A_569, %multiple_of3A_557] : memref<32x1000001xf32, #tpu.memory_space<hbm>> -> memref<32x128xf32, #tpu.memory_space<hbm>>
      tpu.enqueue_dma source(%dma_start3A_570 : memref<32x128xf32, #tpu.memory_space<hbm>>) target(%dma_start3A_568 : memref<32x128xf32, #tpu.memory_space<vmem>>) target_semaphore(%arg18 : memref<!tpu.dma_semaphore, #tpu.memory_space<semaphore_mem>>)
      %mul3A_571 = arith.constant 16 : i32
      %mul3A_572 = arith.muli %scan3A_195, %mul3A_571 : i32
      %add3A_573 = arith.constant 4 : i32
      %add3A_574 = arith.addi %mul3A_572, %add3A_573 : i32
      %slice3A_575 = vector.extract_strided_slice %get3A_218 {offsets = [4], sizes = [1], strides = [1]} : vector<16xi32> to vector<1xi32>
      %squeeze3A_576 = vector.extract %slice3A_575[0] : i32 from vector<1xi32>
      %slice3A_577 = vector.extract_strided_slice %get3A_221 {offsets = [4], sizes = [1], strides = [1]} : vector<16xi32> to vector<1xi32>
      %squeeze3A_578 = vector.extract %slice3A_577[0] : i32 from vector<1xi32>
      %jit3A_579 = arith.constant 128 : i32
      %div3A_580 = arith.divsi %squeeze3A_576, %jit3A_579 : i32
      %sign3A_581 = arith.constant 0 : i32
      %sign3A_582 = arith.cmpi sgt, %squeeze3A_576, %sign3A_581 : i32
      %sign3A_583 = arith.extui %sign3A_582 : i1 to i32
      %sign3A_584 = arith.constant 0 : i32
      %sign3A_585 = arith.cmpi slt, %squeeze3A_576, %sign3A_584 : i32
      %sign3A_586 = arith.extui %sign3A_585 : i1 to i32
      %sign3A_587 = arith.subi %sign3A_583, %sign3A_586 : i32
      %sign3A_588 = arith.constant 0 : i32
      %sign3A_589 = arith.cmpi sgt, %jit3A_579, %sign3A_588 : i32
      %sign3A_590 = arith.extui %sign3A_589 : i1 to i32
      %sign3A_591 = arith.constant 0 : i32
      %sign3A_592 = arith.cmpi slt, %jit3A_579, %sign3A_591 : i32
      %sign3A_593 = arith.extui %sign3A_592 : i1 to i32
      %sign3A_594 = arith.subi %sign3A_590, %sign3A_593 : i32
      %ne3A_595 = arith.cmpi ne, %sign3A_587, %sign3A_594 : i32
      %rem3A_596 = arith.remsi %squeeze3A_576, %jit3A_579 : i32
      %ne3A_597 = arith.constant 0 : i32
      %ne3A_598 = arith.cmpi ne, %rem3A_596, %ne3A_597 : i32
      %and3A_599 = arith.andi %ne3A_595, %ne3A_598 : i1
      %sub3A_600 = arith.constant 1 : i32
      %sub3A_601 = arith.subi %div3A_580, %sub3A_600 : i32
      %select_n3A_602 = arith.select %and3A_599, %sub3A_601, %div3A_580 : i32
      %mul3A_603 = arith.constant 128 : i32
      %mul3A_604 = arith.muli %select_n3A_602, %mul3A_603 : i32
      %multiple_of3A_605 = tpu.assume_multiple %mul3A_604, 128 : i32
      %dma_start3A_606 = arith.constant 4 : i32
      %dma_start3A_607 = arith.constant 0 : i32
      %dma_start3A_608 = arith.constant 0 : i32
      %dma_start3A_609 = tpu.memref_slice %arg11[%dma_start3A_606, %dma_start3A_607, %dma_start3A_608] : memref<8x32x128xf32, #tpu.memory_space<vmem>> -> memref<1x32x128xf32, #tpu.memory_space<vmem>>
      %dma_start3A_610 = tpu.memref_squeeze %dma_start3A_609 : memref<1x32x128xf32, #tpu.memory_space<vmem>> -> memref<32x128xf32, #tpu.memory_space<vmem>>
      %dma_start3A_611 = arith.constant 0 : i32
      %dma_start3A_612 = tpu.memref_slice %arg4[%dma_start3A_611, %multiple_of3A_605] : memref<32x1000001xf32, #tpu.memory_space<hbm>> -> memref<32x128xf32, #tpu.memory_space<hbm>>
      %dma_start3A_613 = arith.constant 0 : i32
      %dma_start3A_614 = arith.constant 0 : i32
      %dma_start3A_615 = tpu.memref_slice %arg11[%dma_start3A_606, %dma_start3A_613, %dma_start3A_614] : memref<8x32x128xf32, #tpu.memory_space<vmem>> -> memref<1x32x128xf32, #tpu.memory_space<vmem>>
      %dma_start3A_616 = tpu.memref_squeeze %dma_start3A_615 : memref<1x32x128xf32, #tpu.memory_space<vmem>> -> memref<32x128xf32, #tpu.memory_space<vmem>>
      %dma_start3A_617 = arith.constant 0 : i32
      %dma_start3A_618 = tpu.memref_slice %arg4[%dma_start3A_617, %multiple_of3A_605] : memref<32x1000001xf32, #tpu.memory_space<hbm>> -> memref<32x128xf32, #tpu.memory_space<hbm>>
      tpu.enqueue_dma source(%dma_start3A_618 : memref<32x128xf32, #tpu.memory_space<hbm>>) target(%dma_start3A_616 : memref<32x128xf32, #tpu.memory_space<vmem>>) target_semaphore(%arg18 : memref<!tpu.dma_semaphore, #tpu.memory_space<semaphore_mem>>)
      %jit3A_619 = arith.constant 128 : i32
      %div3A_620 = arith.divsi %squeeze3A_578, %jit3A_619 : i32
      %sign3A_621 = arith.constant 0 : i32
      %sign3A_622 = arith.cmpi sgt, %squeeze3A_578, %sign3A_621 : i32
      %sign3A_623 = arith.extui %sign3A_622 : i1 to i32
      %sign3A_624 = arith.constant 0 : i32
      %sign3A_625 = arith.cmpi slt, %squeeze3A_578, %sign3A_624 : i32
      %sign3A_626 = arith.extui %sign3A_625 : i1 to i32
      %sign3A_627 = arith.subi %sign3A_623, %sign3A_626 : i32
      %sign3A_628 = arith.constant 0 : i32
      %sign3A_629 = arith.cmpi sgt, %jit3A_619, %sign3A_628 : i32
      %sign3A_630 = arith.extui %sign3A_629 : i1 to i32
      %sign3A_631 = arith.constant 0 : i32
      %sign3A_632 = arith.cmpi slt, %jit3A_619, %sign3A_631 : i32
      %sign3A_633 = arith.extui %sign3A_632 : i1 to i32
      %sign3A_634 = arith.subi %sign3A_630, %sign3A_633 : i32
      %ne3A_635 = arith.cmpi ne, %sign3A_627, %sign3A_634 : i32
      %rem3A_636 = arith.remsi %squeeze3A_578, %jit3A_619 : i32
      %ne3A_637 = arith.constant 0 : i32
      %ne3A_638 = arith.cmpi ne, %rem3A_636, %ne3A_637 : i32
      %and3A_639 = arith.andi %ne3A_635, %ne3A_638 : i1
      %sub3A_640 = arith.constant 1 : i32
      %sub3A_641 = arith.subi %div3A_620, %sub3A_640 : i32
      %select_n3A_642 = arith.select %and3A_639, %sub3A_641, %div3A_620 : i32
      %mul3A_643 = arith.constant 128 : i32
      %mul3A_644 = arith.muli %select_n3A_642, %mul3A_643 : i32
      %multiple_of3A_645 = tpu.assume_multiple %mul3A_644, 128 : i32
      %dma_start3A_646 = arith.constant 4 : i32
      %dma_start3A_647 = arith.constant 0 : i32
      %dma_start3A_648 = arith.constant 0 : i32
      %dma_start3A_649 = tpu.memref_slice %arg12[%dma_start3A_646, %dma_start3A_647, %dma_start3A_648] : memref<8x32x128xf32, #tpu.memory_space<vmem>> -> memref<1x32x128xf32, #tpu.memory_space<vmem>>
      %dma_start3A_650 = tpu.memref_squeeze %dma_start3A_649 : memref<1x32x128xf32, #tpu.memory_space<vmem>> -> memref<32x128xf32, #tpu.memory_space<vmem>>
      %dma_start3A_651 = arith.constant 0 : i32
      %dma_start3A_652 = tpu.memref_slice %arg6[%dma_start3A_651, %multiple_of3A_645] : memref<32x1000001xf32, #tpu.memory_space<hbm>> -> memref<32x128xf32, #tpu.memory_space<hbm>>
      %dma_start3A_653 = arith.constant 0 : i32
      %dma_start3A_654 = arith.constant 0 : i32
      %dma_start3A_655 = tpu.memref_slice %arg12[%dma_start3A_646, %dma_start3A_653, %dma_start3A_654] : memref<8x32x128xf32, #tpu.memory_space<vmem>> -> memref<1x32x128xf32, #tpu.memory_space<vmem>>
      %dma_start3A_656 = tpu.memref_squeeze %dma_start3A_655 : memref<1x32x128xf32, #tpu.memory_space<vmem>> -> memref<32x128xf32, #tpu.memory_space<vmem>>
      %dma_start3A_657 = arith.constant 0 : i32
      %dma_start3A_658 = tpu.memref_slice %arg6[%dma_start3A_657, %multiple_of3A_645] : memref<32x1000001xf32, #tpu.memory_space<hbm>> -> memref<32x128xf32, #tpu.memory_space<hbm>>
      tpu.enqueue_dma source(%dma_start3A_658 : memref<32x128xf32, #tpu.memory_space<hbm>>) target(%dma_start3A_656 : memref<32x128xf32, #tpu.memory_space<vmem>>) target_semaphore(%arg18 : memref<!tpu.dma_semaphore, #tpu.memory_space<semaphore_mem>>)
      %mul3A_659 = arith.constant 16 : i32
      %mul3A_660 = arith.muli %scan3A_195, %mul3A_659 : i32
      %add3A_661 = arith.constant 5 : i32
      %add3A_662 = arith.addi %mul3A_660, %add3A_661 : i32
      %slice3A_663 = vector.extract_strided_slice %get3A_218 {offsets = [5], sizes = [1], strides = [1]} : vector<16xi32> to vector<1xi32>
      %squeeze3A_664 = vector.extract %slice3A_663[0] : i32 from vector<1xi32>
      %slice3A_665 = vector.extract_strided_slice %get3A_221 {offsets = [5], sizes = [1], strides = [1]} : vector<16xi32> to vector<1xi32>
      %squeeze3A_666 = vector.extract %slice3A_665[0] : i32 from vector<1xi32>
      %jit3A_667 = arith.constant 128 : i32
      %div3A_668 = arith.divsi %squeeze3A_664, %jit3A_667 : i32
      %sign3A_669 = arith.constant 0 : i32
      %sign3A_670 = arith.cmpi sgt, %squeeze3A_664, %sign3A_669 : i32
      %sign3A_671 = arith.extui %sign3A_670 : i1 to i32
      %sign3A_672 = arith.constant 0 : i32
      %sign3A_673 = arith.cmpi slt, %squeeze3A_664, %sign3A_672 : i32
      %sign3A_674 = arith.extui %sign3A_673 : i1 to i32
      %sign3A_675 = arith.subi %sign3A_671, %sign3A_674 : i32
      %sign3A_676 = arith.constant 0 : i32
      %sign3A_677 = arith.cmpi sgt, %jit3A_667, %sign3A_676 : i32
      %sign3A_678 = arith.extui %sign3A_677 : i1 to i32
      %sign3A_679 = arith.constant 0 : i32
      %sign3A_680 = arith.cmpi slt, %jit3A_667, %sign3A_679 : i32
      %sign3A_681 = arith.extui %sign3A_680 : i1 to i32
      %sign3A_682 = arith.subi %sign3A_678, %sign3A_681 : i32
      %ne3A_683 = arith.cmpi ne, %sign3A_675, %sign3A_682 : i32
      %rem3A_684 = arith.remsi %squeeze3A_664, %jit3A_667 : i32
      %ne3A_685 = arith.constant 0 : i32
      %ne3A_686 = arith.cmpi ne, %rem3A_684, %ne3A_685 : i32
      %and3A_687 = arith.andi %ne3A_683, %ne3A_686 : i1
      %sub3A_688 = arith.constant 1 : i32
      %sub3A_689 = arith.subi %div3A_668, %sub3A_688 : i32
      %select_n3A_690 = arith.select %and3A_687, %sub3A_689, %div3A_668 : i32
      %mul3A_691 = arith.constant 128 : i32
      %mul3A_692 = arith.muli %select_n3A_690, %mul3A_691 : i32
      %multiple_of3A_693 = tpu.assume_multiple %mul3A_692, 128 : i32
      %dma_start3A_694 = arith.constant 5 : i32
      %dma_start3A_695 = arith.constant 0 : i32
      %dma_start3A_696 = arith.constant 0 : i32
      %dma_start3A_697 = tpu.memref_slice %arg11[%dma_start3A_694, %dma_start3A_695, %dma_start3A_696] : memref<8x32x128xf32, #tpu.memory_space<vmem>> -> memref<1x32x128xf32, #tpu.memory_space<vmem>>
      %dma_start3A_698 = tpu.memref_squeeze %dma_start3A_697 : memref<1x32x128xf32, #tpu.memory_space<vmem>> -> memref<32x128xf32, #tpu.memory_space<vmem>>
      %dma_start3A_699 = arith.constant 0 : i32
      %dma_start3A_700 = tpu.memref_slice %arg4[%dma_start3A_699, %multiple_of3A_693] : memref<32x1000001xf32, #tpu.memory_space<hbm>> -> memref<32x128xf32, #tpu.memory_space<hbm>>
      %dma_start3A_701 = arith.constant 0 : i32
      %dma_start3A_702 = arith.constant 0 : i32
      %dma_start3A_703 = tpu.memref_slice %arg11[%dma_start3A_694, %dma_start3A_701, %dma_start3A_702] : memref<8x32x128xf32, #tpu.memory_space<vmem>> -> memref<1x32x128xf32, #tpu.memory_space<vmem>>
      %dma_start3A_704 = tpu.memref_squeeze %dma_start3A_703 : memref<1x32x128xf32, #tpu.memory_space<vmem>> -> memref<32x128xf32, #tpu.memory_space<vmem>>
      %dma_start3A_705 = arith.constant 0 : i32
      %dma_start3A_706 = tpu.memref_slice %arg4[%dma_start3A_705, %multiple_of3A_693] : memref<32x1000001xf32, #tpu.memory_space<hbm>> -> memref<32x128xf32, #tpu.memory_space<hbm>>
      tpu.enqueue_dma source(%dma_start3A_706 : memref<32x128xf32, #tpu.memory_space<hbm>>) target(%dma_start3A_704 : memref<32x128xf32, #tpu.memory_space<vmem>>) target_semaphore(%arg18 : memref<!tpu.dma_semaphore, #tpu.memory_space<semaphore_mem>>)
      %jit3A_707 = arith.constant 128 : i32
      %div3A_708 = arith.divsi %squeeze3A_666, %jit3A_707 : i32
      %sign3A_709 = arith.constant 0 : i32
      %sign3A_710 = arith.cmpi sgt, %squeeze3A_666, %sign3A_709 : i32
      %sign3A_711 = arith.extui %sign3A_710 : i1 to i32
      %sign3A_712 = arith.constant 0 : i32
      %sign3A_713 = arith.cmpi slt, %squeeze3A_666, %sign3A_712 : i32
      %sign3A_714 = arith.extui %sign3A_713 : i1 to i32
      %sign3A_715 = arith.subi %sign3A_711, %sign3A_714 : i32
      %sign3A_716 = arith.constant 0 : i32
      %sign3A_717 = arith.cmpi sgt, %jit3A_707, %sign3A_716 : i32
      %sign3A_718 = arith.extui %sign3A_717 : i1 to i32
      %sign3A_719 = arith.constant 0 : i32
      %sign3A_720 = arith.cmpi slt, %jit3A_707, %sign3A_719 : i32
      %sign3A_721 = arith.extui %sign3A_720 : i1 to i32
      %sign3A_722 = arith.subi %sign3A_718, %sign3A_721 : i32
      %ne3A_723 = arith.cmpi ne, %sign3A_715, %sign3A_722 : i32
      %rem3A_724 = arith.remsi %squeeze3A_666, %jit3A_707 : i32
      %ne3A_725 = arith.constant 0 : i32
      %ne3A_726 = arith.cmpi ne, %rem3A_724, %ne3A_725 : i32
      %and3A_727 = arith.andi %ne3A_723, %ne3A_726 : i1
      %sub3A_728 = arith.constant 1 : i32
      %sub3A_729 = arith.subi %div3A_708, %sub3A_728 : i32
      %select_n3A_730 = arith.select %and3A_727, %sub3A_729, %div3A_708 : i32
      %mul3A_731 = arith.constant 128 : i32
      %mul3A_732 = arith.muli %select_n3A_730, %mul3A_731 : i32
      %multiple_of3A_733 = tpu.assume_multiple %mul3A_732, 128 : i32
      %dma_start3A_734 = arith.constant 5 : i32
      %dma_start3A_735 = arith.constant 0 : i32
      %dma_start3A_736 = arith.constant 0 : i32
      %dma_start3A_737 = tpu.memref_slice %arg12[%dma_start3A_734, %dma_start3A_735, %dma_start3A_736] : memref<8x32x128xf32, #tpu.memory_space<vmem>> -> memref<1x32x128xf32, #tpu.memory_space<vmem>>
      %dma_start3A_738 = tpu.memref_squeeze %dma_start3A_737 : memref<1x32x128xf32, #tpu.memory_space<vmem>> -> memref<32x128xf32, #tpu.memory_space<vmem>>
      %dma_start3A_739 = arith.constant 0 : i32
      %dma_start3A_740 = tpu.memref_slice %arg6[%dma_start3A_739, %multiple_of3A_733] : memref<32x1000001xf32, #tpu.memory_space<hbm>> -> memref<32x128xf32, #tpu.memory_space<hbm>>
      %dma_start3A_741 = arith.constant 0 : i32
      %dma_start3A_742 = arith.constant 0 : i32
      %dma_start3A_743 = tpu.memref_slice %arg12[%dma_start3A_734, %dma_start3A_741, %dma_start3A_742] : memref<8x32x128xf32, #tpu.memory_space<vmem>> -> memref<1x32x128xf32, #tpu.memory_space<vmem>>
      %dma_start3A_744 = tpu.memref_squeeze %dma_start3A_743 : memref<1x32x128xf32, #tpu.memory_space<vmem>> -> memref<32x128xf32, #tpu.memory_space<vmem>>
      %dma_start3A_745 = arith.constant 0 : i32
      %dma_start3A_746 = tpu.memref_slice %arg6[%dma_start3A_745, %multiple_of3A_733] : memref<32x1000001xf32, #tpu.memory_space<hbm>> -> memref<32x128xf32, #tpu.memory_space<hbm>>
      tpu.enqueue_dma source(%dma_start3A_746 : memref<32x128xf32, #tpu.memory_space<hbm>>) target(%dma_start3A_744 : memref<32x128xf32, #tpu.memory_space<vmem>>) target_semaphore(%arg18 : memref<!tpu.dma_semaphore, #tpu.memory_space<semaphore_mem>>)
      %mul3A_747 = arith.constant 16 : i32
      %mul3A_748 = arith.muli %scan3A_195, %mul3A_747 : i32
      %add3A_749 = arith.constant 6 : i32
      %add3A_750 = arith.addi %mul3A_748, %add3A_749 : i32
      %slice3A_751 = vector.extract_strided_slice %get3A_218 {offsets = [6], sizes = [1], strides = [1]} : vector<16xi32> to vector<1xi32>
      %squeeze3A_752 = vector.extract %slice3A_751[0] : i32 from vector<1xi32>
      %slice3A_753 = vector.extract_strided_slice %get3A_221 {offsets = [6], sizes = [1], strides = [1]} : vector<16xi32> to vector<1xi32>
      %squeeze3A_754 = vector.extract %slice3A_753[0] : i32 from vector<1xi32>
      %jit3A_755 = arith.constant 128 : i32
      %div3A_756 = arith.divsi %squeeze3A_752, %jit3A_755 : i32
      %sign3A_757 = arith.constant 0 : i32
      %sign3A_758 = arith.cmpi sgt, %squeeze3A_752, %sign3A_757 : i32
      %sign3A_759 = arith.extui %sign3A_758 : i1 to i32
      %sign3A_760 = arith.constant 0 : i32
      %sign3A_761 = arith.cmpi slt, %squeeze3A_752, %sign3A_760 : i32
      %sign3A_762 = arith.extui %sign3A_761 : i1 to i32
      %sign3A_763 = arith.subi %sign3A_759, %sign3A_762 : i32
      %sign3A_764 = arith.constant 0 : i32
      %sign3A_765 = arith.cmpi sgt, %jit3A_755, %sign3A_764 : i32
      %sign3A_766 = arith.extui %sign3A_765 : i1 to i32
      %sign3A_767 = arith.constant 0 : i32
      %sign3A_768 = arith.cmpi slt, %jit3A_755, %sign3A_767 : i32
      %sign3A_769 = arith.extui %sign3A_768 : i1 to i32
      %sign3A_770 = arith.subi %sign3A_766, %sign3A_769 : i32
      %ne3A_771 = arith.cmpi ne, %sign3A_763, %sign3A_770 : i32
      %rem3A_772 = arith.remsi %squeeze3A_752, %jit3A_755 : i32
      %ne3A_773 = arith.constant 0 : i32
      %ne3A_774 = arith.cmpi ne, %rem3A_772, %ne3A_773 : i32
      %and3A_775 = arith.andi %ne3A_771, %ne3A_774 : i1
      %sub3A_776 = arith.constant 1 : i32
      %sub3A_777 = arith.subi %div3A_756, %sub3A_776 : i32
      %select_n3A_778 = arith.select %and3A_775, %sub3A_777, %div3A_756 : i32
      %mul3A_779 = arith.constant 128 : i32
      %mul3A_780 = arith.muli %select_n3A_778, %mul3A_779 : i32
      %multiple_of3A_781 = tpu.assume_multiple %mul3A_780, 128 : i32
      %dma_start3A_782 = arith.constant 6 : i32
      %dma_start3A_783 = arith.constant 0 : i32
      %dma_start3A_784 = arith.constant 0 : i32
      %dma_start3A_785 = tpu.memref_slice %arg11[%dma_start3A_782, %dma_start3A_783, %dma_start3A_784] : memref<8x32x128xf32, #tpu.memory_space<vmem>> -> memref<1x32x128xf32, #tpu.memory_space<vmem>>
      %dma_start3A_786 = tpu.memref_squeeze %dma_start3A_785 : memref<1x32x128xf32, #tpu.memory_space<vmem>> -> memref<32x128xf32, #tpu.memory_space<vmem>>
      %dma_start3A_787 = arith.constant 0 : i32
      %dma_start3A_788 = tpu.memref_slice %arg4[%dma_start3A_787, %multiple_of3A_781] : memref<32x1000001xf32, #tpu.memory_space<hbm>> -> memref<32x128xf32, #tpu.memory_space<hbm>>
      %dma_start3A_789 = arith.constant 0 : i32
      %dma_start3A_790 = arith.constant 0 : i32
      %dma_start3A_791 = tpu.memref_slice %arg11[%dma_start3A_782, %dma_start3A_789, %dma_start3A_790] : memref<8x32x128xf32, #tpu.memory_space<vmem>> -> memref<1x32x128xf32, #tpu.memory_space<vmem>>
      %dma_start3A_792 = tpu.memref_squeeze %dma_start3A_791 : memref<1x32x128xf32, #tpu.memory_space<vmem>> -> memref<32x128xf32, #tpu.memory_space<vmem>>
      %dma_start3A_793 = arith.constant 0 : i32
      %dma_start3A_794 = tpu.memref_slice %arg4[%dma_start3A_793, %multiple_of3A_781] : memref<32x1000001xf32, #tpu.memory_space<hbm>> -> memref<32x128xf32, #tpu.memory_space<hbm>>
      tpu.enqueue_dma source(%dma_start3A_794 : memref<32x128xf32, #tpu.memory_space<hbm>>) target(%dma_start3A_792 : memref<32x128xf32, #tpu.memory_space<vmem>>) target_semaphore(%arg18 : memref<!tpu.dma_semaphore, #tpu.memory_space<semaphore_mem>>)
      %jit3A_795 = arith.constant 128 : i32
      %div3A_796 = arith.divsi %squeeze3A_754, %jit3A_795 : i32
      %sign3A_797 = arith.constant 0 : i32
      %sign3A_798 = arith.cmpi sgt, %squeeze3A_754, %sign3A_797 : i32
      %sign3A_799 = arith.extui %sign3A_798 : i1 to i32
      %sign3A_800 = arith.constant 0 : i32
      %sign3A_801 = arith.cmpi slt, %squeeze3A_754, %sign3A_800 : i32
      %sign3A_802 = arith.extui %sign3A_801 : i1 to i32
      %sign3A_803 = arith.subi %sign3A_799, %sign3A_802 : i32
      %sign3A_804 = arith.constant 0 : i32
      %sign3A_805 = arith.cmpi sgt, %jit3A_795, %sign3A_804 : i32
      %sign3A_806 = arith.extui %sign3A_805 : i1 to i32
      %sign3A_807 = arith.constant 0 : i32
      %sign3A_808 = arith.cmpi slt, %jit3A_795, %sign3A_807 : i32
      %sign3A_809 = arith.extui %sign3A_808 : i1 to i32
      %sign3A_810 = arith.subi %sign3A_806, %sign3A_809 : i32
      %ne3A_811 = arith.cmpi ne, %sign3A_803, %sign3A_810 : i32
      %rem3A_812 = arith.remsi %squeeze3A_754, %jit3A_795 : i32
      %ne3A_813 = arith.constant 0 : i32
      %ne3A_814 = arith.cmpi ne, %rem3A_812, %ne3A_813 : i32
      %and3A_815 = arith.andi %ne3A_811, %ne3A_814 : i1
      %sub3A_816 = arith.constant 1 : i32
      %sub3A_817 = arith.subi %div3A_796, %sub3A_816 : i32
      %select_n3A_818 = arith.select %and3A_815, %sub3A_817, %div3A_796 : i32
      %mul3A_819 = arith.constant 128 : i32
      %mul3A_820 = arith.muli %select_n3A_818, %mul3A_819 : i32
      %multiple_of3A_821 = tpu.assume_multiple %mul3A_820, 128 : i32
      %dma_start3A_822 = arith.constant 6 : i32
      %dma_start3A_823 = arith.constant 0 : i32
      %dma_start3A_824 = arith.constant 0 : i32
      %dma_start3A_825 = tpu.memref_slice %arg12[%dma_start3A_822, %dma_start3A_823, %dma_start3A_824] : memref<8x32x128xf32, #tpu.memory_space<vmem>> -> memref<1x32x128xf32, #tpu.memory_space<vmem>>
      %dma_start3A_826 = tpu.memref_squeeze %dma_start3A_825 : memref<1x32x128xf32, #tpu.memory_space<vmem>> -> memref<32x128xf32, #tpu.memory_space<vmem>>
      %dma_start3A_827 = arith.constant 0 : i32
      %dma_start3A_828 = tpu.memref_slice %arg6[%dma_start3A_827, %multiple_of3A_821] : memref<32x1000001xf32, #tpu.memory_space<hbm>> -> memref<32x128xf32, #tpu.memory_space<hbm>>
      %dma_start3A_829 = arith.constant 0 : i32
      %dma_start3A_830 = arith.constant 0 : i32
      %dma_start3A_831 = tpu.memref_slice %arg12[%dma_start3A_822, %dma_start3A_829, %dma_start3A_830] : memref<8x32x128xf32, #tpu.memory_space<vmem>> -> memref<1x32x128xf32, #tpu.memory_space<vmem>>
      %dma_start3A_832 = tpu.memref_squeeze %dma_start3A_831 : memref<1x32x128xf32, #tpu.memory_space<vmem>> -> memref<32x128xf32, #tpu.memory_space<vmem>>
      %dma_start3A_833 = arith.constant 0 : i32
      %dma_start3A_834 = tpu.memref_slice %arg6[%dma_start3A_833, %multiple_of3A_821] : memref<32x1000001xf32, #tpu.memory_space<hbm>> -> memref<32x128xf32, #tpu.memory_space<hbm>>
      tpu.enqueue_dma source(%dma_start3A_834 : memref<32x128xf32, #tpu.memory_space<hbm>>) target(%dma_start3A_832 : memref<32x128xf32, #tpu.memory_space<vmem>>) target_semaphore(%arg18 : memref<!tpu.dma_semaphore, #tpu.memory_space<semaphore_mem>>)
      %mul3A_835 = arith.constant 16 : i32
      %mul3A_836 = arith.muli %scan3A_195, %mul3A_835 : i32
      %add3A_837 = arith.constant 7 : i32
      %add3A_838 = arith.addi %mul3A_836, %add3A_837 : i32
      %slice3A_839 = vector.extract_strided_slice %get3A_218 {offsets = [7], sizes = [1], strides = [1]} : vector<16xi32> to vector<1xi32>
      %squeeze3A_840 = vector.extract %slice3A_839[0] : i32 from vector<1xi32>
      %slice3A_841 = vector.extract_strided_slice %get3A_221 {offsets = [7], sizes = [1], strides = [1]} : vector<16xi32> to vector<1xi32>
      %squeeze3A_842 = vector.extract %slice3A_841[0] : i32 from vector<1xi32>
      %jit3A_843 = arith.constant 128 : i32
      %div3A_844 = arith.divsi %squeeze3A_840, %jit3A_843 : i32
      %sign3A_845 = arith.constant 0 : i32
      %sign3A_846 = arith.cmpi sgt, %squeeze3A_840, %sign3A_845 : i32
      %sign3A_847 = arith.extui %sign3A_846 : i1 to i32
      %sign3A_848 = arith.constant 0 : i32
      %sign3A_849 = arith.cmpi slt, %squeeze3A_840, %sign3A_848 : i32
      %sign3A_850 = arith.extui %sign3A_849 : i1 to i32
      %sign3A_851 = arith.subi %sign3A_847, %sign3A_850 : i32
      %sign3A_852 = arith.constant 0 : i32
      %sign3A_853 = arith.cmpi sgt, %jit3A_843, %sign3A_852 : i32
      %sign3A_854 = arith.extui %sign3A_853 : i1 to i32
      %sign3A_855 = arith.constant 0 : i32
      %sign3A_856 = arith.cmpi slt, %jit3A_843, %sign3A_855 : i32
      %sign3A_857 = arith.extui %sign3A_856 : i1 to i32
      %sign3A_858 = arith.subi %sign3A_854, %sign3A_857 : i32
      %ne3A_859 = arith.cmpi ne, %sign3A_851, %sign3A_858 : i32
      %rem3A_860 = arith.remsi %squeeze3A_840, %jit3A_843 : i32
      %ne3A_861 = arith.constant 0 : i32
      %ne3A_862 = arith.cmpi ne, %rem3A_860, %ne3A_861 : i32
      %and3A_863 = arith.andi %ne3A_859, %ne3A_862 : i1
      %sub3A_864 = arith.constant 1 : i32
      %sub3A_865 = arith.subi %div3A_844, %sub3A_864 : i32
      %select_n3A_866 = arith.select %and3A_863, %sub3A_865, %div3A_844 : i32
      %mul3A_867 = arith.constant 128 : i32
      %mul3A_868 = arith.muli %select_n3A_866, %mul3A_867 : i32
      %multiple_of3A_869 = tpu.assume_multiple %mul3A_868, 128 : i32
      %dma_start3A_870 = arith.constant 7 : i32
      %dma_start3A_871 = arith.constant 0 : i32
      %dma_start3A_872 = arith.constant 0 : i32
      %dma_start3A_873 = tpu.memref_slice %arg11[%dma_start3A_870, %dma_start3A_871, %dma_start3A_872] : memref<8x32x128xf32, #tpu.memory_space<vmem>> -> memref<1x32x128xf32, #tpu.memory_space<vmem>>
      %dma_start3A_874 = tpu.memref_squeeze %dma_start3A_873 : memref<1x32x128xf32, #tpu.memory_space<vmem>> -> memref<32x128xf32, #tpu.memory_space<vmem>>
      %dma_start3A_875 = arith.constant 0 : i32
      %dma_start3A_876 = tpu.memref_slice %arg4[%dma_start3A_875, %multiple_of3A_869] : memref<32x1000001xf32, #tpu.memory_space<hbm>> -> memref<32x128xf32, #tpu.memory_space<hbm>>
      %dma_start3A_877 = arith.constant 0 : i32
      %dma_start3A_878 = arith.constant 0 : i32
      %dma_start3A_879 = tpu.memref_slice %arg11[%dma_start3A_870, %dma_start3A_877, %dma_start3A_878] : memref<8x32x128xf32, #tpu.memory_space<vmem>> -> memref<1x32x128xf32, #tpu.memory_space<vmem>>
      %dma_start3A_880 = tpu.memref_squeeze %dma_start3A_879 : memref<1x32x128xf32, #tpu.memory_space<vmem>> -> memref<32x128xf32, #tpu.memory_space<vmem>>
      %dma_start3A_881 = arith.constant 0 : i32
      %dma_start3A_882 = tpu.memref_slice %arg4[%dma_start3A_881, %multiple_of3A_869] : memref<32x1000001xf32, #tpu.memory_space<hbm>> -> memref<32x128xf32, #tpu.memory_space<hbm>>
      tpu.enqueue_dma source(%dma_start3A_882 : memref<32x128xf32, #tpu.memory_space<hbm>>) target(%dma_start3A_880 : memref<32x128xf32, #tpu.memory_space<vmem>>) target_semaphore(%arg18 : memref<!tpu.dma_semaphore, #tpu.memory_space<semaphore_mem>>)
      %jit3A_883 = arith.constant 128 : i32
      %div3A_884 = arith.divsi %squeeze3A_842, %jit3A_883 : i32
      %sign3A_885 = arith.constant 0 : i32
      %sign3A_886 = arith.cmpi sgt, %squeeze3A_842, %sign3A_885 : i32
      %sign3A_887 = arith.extui %sign3A_886 : i1 to i32
      %sign3A_888 = arith.constant 0 : i32
      %sign3A_889 = arith.cmpi slt, %squeeze3A_842, %sign3A_888 : i32
      %sign3A_890 = arith.extui %sign3A_889 : i1 to i32
      %sign3A_891 = arith.subi %sign3A_887, %sign3A_890 : i32
      %sign3A_892 = arith.constant 0 : i32
      %sign3A_893 = arith.cmpi sgt, %jit3A_883, %sign3A_892 : i32
      %sign3A_894 = arith.extui %sign3A_893 : i1 to i32
      %sign3A_895 = arith.constant 0 : i32
      %sign3A_896 = arith.cmpi slt, %jit3A_883, %sign3A_895 : i32
      %sign3A_897 = arith.extui %sign3A_896 : i1 to i32
      %sign3A_898 = arith.subi %sign3A_894, %sign3A_897 : i32
      %ne3A_899 = arith.cmpi ne, %sign3A_891, %sign3A_898 : i32
      %rem3A_900 = arith.remsi %squeeze3A_842, %jit3A_883 : i32
      %ne3A_901 = arith.constant 0 : i32
      %ne3A_902 = arith.cmpi ne, %rem3A_900, %ne3A_901 : i32
      %and3A_903 = arith.andi %ne3A_899, %ne3A_902 : i1
      %sub3A_904 = arith.constant 1 : i32
      %sub3A_905 = arith.subi %div3A_884, %sub3A_904 : i32
      %select_n3A_906 = arith.select %and3A_903, %sub3A_905, %div3A_884 : i32
      %mul3A_907 = arith.constant 128 : i32
      %mul3A_908 = arith.muli %select_n3A_906, %mul3A_907 : i32
      %multiple_of3A_909 = tpu.assume_multiple %mul3A_908, 128 : i32
      %dma_start3A_910 = arith.constant 7 : i32
      %dma_start3A_911 = arith.constant 0 : i32
      %dma_start3A_912 = arith.constant 0 : i32
      %dma_start3A_913 = tpu.memref_slice %arg12[%dma_start3A_910, %dma_start3A_911, %dma_start3A_912] : memref<8x32x128xf32, #tpu.memory_space<vmem>> -> memref<1x32x128xf32, #tpu.memory_space<vmem>>
      %dma_start3A_914 = tpu.memref_squeeze %dma_start3A_913 : memref<1x32x128xf32, #tpu.memory_space<vmem>> -> memref<32x128xf32, #tpu.memory_space<vmem>>
      %dma_start3A_915 = arith.constant 0 : i32
      %dma_start3A_916 = tpu.memref_slice %arg6[%dma_start3A_915, %multiple_of3A_909] : memref<32x1000001xf32, #tpu.memory_space<hbm>> -> memref<32x128xf32, #tpu.memory_space<hbm>>
      %dma_start3A_917 = arith.constant 0 : i32
      %dma_start3A_918 = arith.constant 0 : i32
      %dma_start3A_919 = tpu.memref_slice %arg12[%dma_start3A_910, %dma_start3A_917, %dma_start3A_918] : memref<8x32x128xf32, #tpu.memory_space<vmem>> -> memref<1x32x128xf32, #tpu.memory_space<vmem>>
      %dma_start3A_920 = tpu.memref_squeeze %dma_start3A_919 : memref<1x32x128xf32, #tpu.memory_space<vmem>> -> memref<32x128xf32, #tpu.memory_space<vmem>>
      %dma_start3A_921 = arith.constant 0 : i32
      %dma_start3A_922 = tpu.memref_slice %arg6[%dma_start3A_921, %multiple_of3A_909] : memref<32x1000001xf32, #tpu.memory_space<hbm>> -> memref<32x128xf32, #tpu.memory_space<hbm>>
      tpu.enqueue_dma source(%dma_start3A_922 : memref<32x128xf32, #tpu.memory_space<hbm>>) target(%dma_start3A_920 : memref<32x128xf32, #tpu.memory_space<vmem>>) target_semaphore(%arg18 : memref<!tpu.dma_semaphore, #tpu.memory_space<semaphore_mem>>)
      %dma_wait3A_923 = arith.constant 0 : i32
      %dma_wait3A_924 = arith.constant 0 : i32
      %dma_wait3A_925 = arith.constant 0 : i32
      %dma_wait3A_926 = tpu.memref_slice %arg11[%dma_wait3A_923, %dma_wait3A_924, %dma_wait3A_925] : memref<8x32x128xf32, #tpu.memory_space<vmem>> -> memref<1x32x128xf32, #tpu.memory_space<vmem>>
      %dma_wait3A_927 = tpu.memref_squeeze %dma_wait3A_926 : memref<1x32x128xf32, #tpu.memory_space<vmem>> -> memref<32x128xf32, #tpu.memory_space<vmem>>
      %dma_wait3A_928 = arith.constant 0 : i32
      %dma_wait3A_929 = tpu.memref_slice %arg4[%dma_wait3A_928, %multiple_of3A] : memref<32x1000001xf32, #tpu.memory_space<hbm>> -> memref<32x128xf32, #tpu.memory_space<hbm>>
      %dma_wait3A_930 = arith.constant 0 : i32
      %dma_wait3A_931 = arith.constant 0 : i32
      %dma_wait3A_932 = tpu.memref_slice %arg11[%dma_wait3A_923, %dma_wait3A_930, %dma_wait3A_931] : memref<8x32x128xf32, #tpu.memory_space<vmem>> -> memref<1x32x128xf32, #tpu.memory_space<vmem>>
      %dma_wait3A_933 = tpu.memref_squeeze %dma_wait3A_932 : memref<1x32x128xf32, #tpu.memory_space<vmem>> -> memref<32x128xf32, #tpu.memory_space<vmem>>
      %dma_wait3A_934 = arith.constant 0 : i32
      %dma_wait3A_935 = tpu.memref_slice %arg4[%dma_wait3A_934, %multiple_of3A] : memref<32x1000001xf32, #tpu.memory_space<hbm>> -> memref<32x128xf32, #tpu.memory_space<hbm>>
      tpu.wait_dma2 semaphore(%arg18 : memref<!tpu.dma_semaphore, #tpu.memory_space<semaphore_mem>>) src(%dma_wait3A_935 : memref<32x128xf32, #tpu.memory_space<hbm>>) dst(%dma_wait3A_933 : memref<32x128xf32, #tpu.memory_space<vmem>>)
      %jit3A_936 = arith.constant 128 : i32
      %div3A_937 = arith.divsi %squeeze3A, %jit3A_936 : i32
      %sign3A_938 = arith.constant 0 : i32
      %sign3A_939 = arith.cmpi sgt, %squeeze3A, %sign3A_938 : i32
      %sign3A_940 = arith.extui %sign3A_939 : i1 to i32
      %sign3A_941 = arith.constant 0 : i32
      %sign3A_942 = arith.cmpi slt, %squeeze3A, %sign3A_941 : i32
      %sign3A_943 = arith.extui %sign3A_942 : i1 to i32
      %sign3A_944 = arith.subi %sign3A_940, %sign3A_943 : i32
      %sign3A_945 = arith.constant 0 : i32
      %sign3A_946 = arith.cmpi sgt, %jit3A_936, %sign3A_945 : i32
      %sign3A_947 = arith.extui %sign3A_946 : i1 to i32
      %sign3A_948 = arith.constant 0 : i32
      %sign3A_949 = arith.cmpi slt, %jit3A_936, %sign3A_948 : i32
      %sign3A_950 = arith.extui %sign3A_949 : i1 to i32
      %sign3A_951 = arith.subi %sign3A_947, %sign3A_950 : i32
      %ne3A_952 = arith.cmpi ne, %sign3A_944, %sign3A_951 : i32
      %rem3A_953 = arith.remsi %squeeze3A, %jit3A_936 : i32
      %ne3A_954 = arith.constant 0 : i32
      %ne3A_955 = arith.cmpi ne, %rem3A_953, %ne3A_954 : i32
      %and3A_956 = arith.andi %ne3A_952, %ne3A_955 : i1
      %sub3A_957 = arith.constant 1 : i32
      %sub3A_958 = arith.subi %div3A_937, %sub3A_957 : i32
      %select_n3A_959 = arith.select %and3A_956, %sub3A_958, %div3A_937 : i32
      %mul3A_960 = arith.constant 128 : i32
      %mul3A_961 = arith.muli %select_n3A_959, %mul3A_960 : i32
      %sub3A_962 = arith.subi %squeeze3A, %mul3A_961 : i32
      %broadcast_in_dim3A = arith.constant 0 : i32
      %broadcast_in_dim3A_963 = vector.broadcast %broadcast_in_dim3A : i32 to vector<16xi32>
      %add3A_964 = arith.constant 0 : i32
      %add3A_965 = vector.broadcast %add3A_964 : i32 to vector<16xi32>
      %add3A_966 = arith.addi %iota3A, %add3A_965 : vector<16xi32>
      %broadcast_in_dim3A_967 = vector.broadcast %sub3A_962 : i32 to vector<16xi32>
      %gather3A = tpu.vector_load_idx %arg11[%broadcast_in_dim3A_963, %add3A_966, %broadcast_in_dim3A_967] : memref<8x32x128xf32, #tpu.memory_space<vmem>>[vector<16xi32>, vector<16xi32>, vector<16xi32>], vector<16xf32>,
      %mul3A_968 = arith.constant 512 : i32
      %mul3A_969 = vector.broadcast %mul3A_968 : i32 to vector<16xi32>
      %mul3A_970 = arith.muli %add3A_966, %mul3A_969 : vector<16xi32>
      %add3A_971 = vector.broadcast %add3A_225 : i32 to vector<16xi32>
      %add3A_972 = arith.addi %mul3A_970, %add3A_971 : vector<16xi32>
      tpu.vector_store_idx %arg13[%add3A_972], %gather3A : memref<16384xf32, #tpu.memory_space<vmem>>[vector<16xi32>], vector<16xf32>,
      %add3A_973 = arith.constant 16 : i32
      %add3A_974 = vector.broadcast %add3A_973 : i32 to vector<16xi32>
      %add3A_975 = arith.addi %iota3A, %add3A_974 : vector<16xi32>
      %broadcast_in_dim3A_976 = vector.broadcast %sub3A_962 : i32 to vector<16xi32>
      %gather3A_977 = tpu.vector_load_idx %arg11[%broadcast_in_dim3A_963, %add3A_975, %broadcast_in_dim3A_976] : memref<8x32x128xf32, #tpu.memory_space<vmem>>[vector<16xi32>, vector<16xi32>, vector<16xi32>], vector<16xf32>,
      %mul3A_978 = arith.constant 512 : i32
      %mul3A_979 = vector.broadcast %mul3A_978 : i32 to vector<16xi32>
      %mul3A_980 = arith.muli %add3A_975, %mul3A_979 : vector<16xi32>
      %add3A_981 = vector.broadcast %add3A_225 : i32 to vector<16xi32>
      %add3A_982 = arith.addi %mul3A_980, %add3A_981 : vector<16xi32>
      tpu.vector_store_idx %arg13[%add3A_982], %gather3A_977 : memref<16384xf32, #tpu.memory_space<vmem>>[vector<16xi32>], vector<16xf32>,
      %dma_wait3A_983 = arith.constant 0 : i32
      %dma_wait3A_984 = arith.constant 0 : i32
      %dma_wait3A_985 = arith.constant 0 : i32
      %dma_wait3A_986 = tpu.memref_slice %arg12[%dma_wait3A_983, %dma_wait3A_984, %dma_wait3A_985] : memref<8x32x128xf32, #tpu.memory_space<vmem>> -> memref<1x32x128xf32, #tpu.memory_space<vmem>>
      %dma_wait3A_987 = tpu.memref_squeeze %dma_wait3A_986 : memref<1x32x128xf32, #tpu.memory_space<vmem>> -> memref<32x128xf32, #tpu.memory_space<vmem>>
      %dma_wait3A_988 = arith.constant 0 : i32
      %dma_wait3A_989 = tpu.memref_slice %arg6[%dma_wait3A_988, %multiple_of3A_293] : memref<32x1000001xf32, #tpu.memory_space<hbm>> -> memref<32x128xf32, #tpu.memory_space<hbm>>
      %dma_wait3A_990 = arith.constant 0 : i32
      %dma_wait3A_991 = arith.constant 0 : i32
      %dma_wait3A_992 = tpu.memref_slice %arg12[%dma_wait3A_983, %dma_wait3A_990, %dma_wait3A_991] : memref<8x32x128xf32, #tpu.memory_space<vmem>> -> memref<1x32x128xf32, #tpu.memory_space<vmem>>
      %dma_wait3A_993 = tpu.memref_squeeze %dma_wait3A_992 : memref<1x32x128xf32, #tpu.memory_space<vmem>> -> memref<32x128xf32, #tpu.memory_space<vmem>>
      %dma_wait3A_994 = arith.constant 0 : i32
      %dma_wait3A_995 = tpu.memref_slice %arg6[%dma_wait3A_994, %multiple_of3A_293] : memref<32x1000001xf32, #tpu.memory_space<hbm>> -> memref<32x128xf32, #tpu.memory_space<hbm>>
      tpu.wait_dma2 semaphore(%arg18 : memref<!tpu.dma_semaphore, #tpu.memory_space<semaphore_mem>>) src(%dma_wait3A_995 : memref<32x128xf32, #tpu.memory_space<hbm>>) dst(%dma_wait3A_993 : memref<32x128xf32, #tpu.memory_space<vmem>>)
      %jit3A_996 = arith.constant 128 : i32
      %div3A_997 = arith.divsi %squeeze3A_227, %jit3A_996 : i32
      %sign3A_998 = arith.constant 0 : i32
      %sign3A_999 = arith.cmpi sgt, %squeeze3A_227, %sign3A_998 : i32
      %sign3A_1000 = arith.extui %sign3A_999 : i1 to i32
      %sign3A_1001 = arith.constant 0 : i32
      %sign3A_1002 = arith.cmpi slt, %squeeze3A_227, %sign3A_1001 : i32
      %sign3A_1003 = arith.extui %sign3A_1002 : i1 to i32
      %sign3A_1004 = arith.subi %sign3A_1000, %sign3A_1003 : i32
      %sign3A_1005 = arith.constant 0 : i32
      %sign3A_1006 = arith.cmpi sgt, %jit3A_996, %sign3A_1005 : i32
      %sign3A_1007 = arith.extui %sign3A_1006 : i1 to i32
      %sign3A_1008 = arith.constant 0 : i32
      %sign3A_1009 = arith.cmpi slt, %jit3A_996, %sign3A_1008 : i32
      %sign3A_1010 = arith.extui %sign3A_1009 : i1 to i32
      %sign3A_1011 = arith.subi %sign3A_1007, %sign3A_1010 : i32
      %ne3A_1012 = arith.cmpi ne, %sign3A_1004, %sign3A_1011 : i32
      %rem3A_1013 = arith.remsi %squeeze3A_227, %jit3A_996 : i32
      %ne3A_1014 = arith.constant 0 : i32
      %ne3A_1015 = arith.cmpi ne, %rem3A_1013, %ne3A_1014 : i32
      %and3A_1016 = arith.andi %ne3A_1012, %ne3A_1015 : i1
      %sub3A_1017 = arith.constant 1 : i32
      %sub3A_1018 = arith.subi %div3A_997, %sub3A_1017 : i32
      %select_n3A_1019 = arith.select %and3A_1016, %sub3A_1018, %div3A_997 : i32
      %mul3A_1020 = arith.constant 128 : i32
      %mul3A_1021 = arith.muli %select_n3A_1019, %mul3A_1020 : i32
      %sub3A_1022 = arith.subi %squeeze3A_227, %mul3A_1021 : i32
      %broadcast_in_dim3A_1023 = arith.constant 0 : i32
      %broadcast_in_dim3A_1024 = vector.broadcast %broadcast_in_dim3A_1023 : i32 to vector<16xi32>
      %add3A_1025 = arith.constant 0 : i32
      %add3A_1026 = vector.broadcast %add3A_1025 : i32 to vector<16xi32>
      %add3A_1027 = arith.addi %iota3A, %add3A_1026 : vector<16xi32>
      %broadcast_in_dim3A_1028 = vector.broadcast %sub3A_1022 : i32 to vector<16xi32>
      %gather3A_1029 = tpu.vector_load_idx %arg12[%broadcast_in_dim3A_1024, %add3A_1027, %broadcast_in_dim3A_1028] : memref<8x32x128xf32, #tpu.memory_space<vmem>>[vector<16xi32>, vector<16xi32>, vector<16xi32>], vector<16xf32>,
      %mul3A_1030 = arith.constant 512 : i32
      %mul3A_1031 = vector.broadcast %mul3A_1030 : i32 to vector<16xi32>
      %mul3A_1032 = arith.muli %add3A_1027, %mul3A_1031 : vector<16xi32>
      %add3A_1033 = vector.broadcast %add3A_225 : i32 to vector<16xi32>
      %add3A_1034 = arith.addi %mul3A_1032, %add3A_1033 : vector<16xi32>
      tpu.vector_store_idx %arg14[%add3A_1034], %gather3A_1029 : memref<16384xf32, #tpu.memory_space<vmem>>[vector<16xi32>], vector<16xf32>,
      %add3A_1035 = arith.constant 16 : i32
      %add3A_1036 = vector.broadcast %add3A_1035 : i32 to vector<16xi32>
      %add3A_1037 = arith.addi %iota3A, %add3A_1036 : vector<16xi32>
      %broadcast_in_dim3A_1038 = vector.broadcast %sub3A_1022 : i32 to vector<16xi32>
      %gather3A_1039 = tpu.vector_load_idx %arg12[%broadcast_in_dim3A_1024, %add3A_1037, %broadcast_in_dim3A_1038] : memref<8x32x128xf32, #tpu.memory_space<vmem>>[vector<16xi32>, vector<16xi32>, vector<16xi32>], vector<16xf32>,
      %mul3A_1040 = arith.constant 512 : i32
      %mul3A_1041 = vector.broadcast %mul3A_1040 : i32 to vector<16xi32>
      %mul3A_1042 = arith.muli %add3A_1037, %mul3A_1041 : vector<16xi32>
      %add3A_1043 = vector.broadcast %add3A_225 : i32 to vector<16xi32>
      %add3A_1044 = arith.addi %mul3A_1042, %add3A_1043 : vector<16xi32>
      tpu.vector_store_idx %arg14[%add3A_1044], %gather3A_1039 : memref<16384xf32, #tpu.memory_space<vmem>>[vector<16xi32>], vector<16xf32>,
      %mul3A_1045 = arith.constant 16 : i32
      %mul3A_1046 = arith.muli %scan3A_195, %mul3A_1045 : i32
      %add3A_1047 = arith.constant 8 : i32
      %add3A_1048 = arith.addi %mul3A_1046, %add3A_1047 : i32
      %slice3A_1049 = vector.extract_strided_slice %get3A_218 {offsets = [8], sizes = [1], strides = [1]} : vector<16xi32> to vector<1xi32>
      %squeeze3A_1050 = vector.extract %slice3A_1049[0] : i32 from vector<1xi32>
      %slice3A_1051 = vector.extract_strided_slice %get3A_221 {offsets = [8], sizes = [1], strides = [1]} : vector<16xi32> to vector<1xi32>
      %squeeze3A_1052 = vector.extract %slice3A_1051[0] : i32 from vector<1xi32>
      %jit3A_1053 = arith.constant 128 : i32
      %div3A_1054 = arith.divsi %squeeze3A_1050, %jit3A_1053 : i32
      %sign3A_1055 = arith.constant 0 : i32
      %sign3A_1056 = arith.cmpi sgt, %squeeze3A_1050, %sign3A_1055 : i32
      %sign3A_1057 = arith.extui %sign3A_1056 : i1 to i32
      %sign3A_1058 = arith.constant 0 : i32
      %sign3A_1059 = arith.cmpi slt, %squeeze3A_1050, %sign3A_1058 : i32
      %sign3A_1060 = arith.extui %sign3A_1059 : i1 to i32
      %sign3A_1061 = arith.subi %sign3A_1057, %sign3A_1060 : i32
      %sign3A_1062 = arith.constant 0 : i32
      %sign3A_1063 = arith.cmpi sgt, %jit3A_1053, %sign3A_1062 : i32
      %sign3A_1064 = arith.extui %sign3A_1063 : i1 to i32
      %sign3A_1065 = arith.constant 0 : i32
      %sign3A_1066 = arith.cmpi slt, %jit3A_1053, %sign3A_1065 : i32
      %sign3A_1067 = arith.extui %sign3A_1066 : i1 to i32
      %sign3A_1068 = arith.subi %sign3A_1064, %sign3A_1067 : i32
      %ne3A_1069 = arith.cmpi ne, %sign3A_1061, %sign3A_1068 : i32
      %rem3A_1070 = arith.remsi %squeeze3A_1050, %jit3A_1053 : i32
      %ne3A_1071 = arith.constant 0 : i32
      %ne3A_1072 = arith.cmpi ne, %rem3A_1070, %ne3A_1071 : i32
      %and3A_1073 = arith.andi %ne3A_1069, %ne3A_1072 : i1
      %sub3A_1074 = arith.constant 1 : i32
      %sub3A_1075 = arith.subi %div3A_1054, %sub3A_1074 : i32
      %select_n3A_1076 = arith.select %and3A_1073, %sub3A_1075, %div3A_1054 : i32
      %mul3A_1077 = arith.constant 128 : i32
      %mul3A_1078 = arith.muli %select_n3A_1076, %mul3A_1077 : i32
      %multiple_of3A_1079 = tpu.assume_multiple %mul3A_1078, 128 : i32
      %dma_start3A_1080 = arith.constant 0 : i32
      %dma_start3A_1081 = arith.constant 0 : i32
      %dma_start3A_1082 = arith.constant 0 : i32
      %dma_start3A_1083 = tpu.memref_slice %arg11[%dma_start3A_1080, %dma_start3A_1081, %dma_start3A_1082] : memref<8x32x128xf32, #tpu.memory_space<vmem>> -> memref<1x32x128xf32, #tpu.memory_space<vmem>>
      %dma_start3A_1084 = tpu.memref_squeeze %dma_start3A_1083 : memref<1x32x128xf32, #tpu.memory_space<vmem>> -> memref<32x128xf32, #tpu.memory_space<vmem>>
      %dma_start3A_1085 = arith.constant 0 : i32
      %dma_start3A_1086 = tpu.memref_slice %arg4[%dma_start3A_1085, %multiple_of3A_1079] : memref<32x1000001xf32, #tpu.memory_space<hbm>> -> memref<32x128xf32, #tpu.memory_space<hbm>>
      %dma_start3A_1087 = arith.constant 0 : i32
      %dma_start3A_1088 = arith.constant 0 : i32
      %dma_start3A_1089 = tpu.memref_slice %arg11[%dma_start3A_1080, %dma_start3A_1087, %dma_start3A_1088] : memref<8x32x128xf32, #tpu.memory_space<vmem>> -> memref<1x32x128xf32, #tpu.memory_space<vmem>>
      %dma_start3A_1090 = tpu.memref_squeeze %dma_start3A_1089 : memref<1x32x128xf32, #tpu.memory_space<vmem>> -> memref<32x128xf32, #tpu.memory_space<vmem>>
      %dma_start3A_1091 = arith.constant 0 : i32
      %dma_start3A_1092 = tpu.memref_slice %arg4[%dma_start3A_1091, %multiple_of3A_1079] : memref<32x1000001xf32, #tpu.memory_space<hbm>> -> memref<32x128xf32, #tpu.memory_space<hbm>>
      tpu.enqueue_dma source(%dma_start3A_1092 : memref<32x128xf32, #tpu.memory_space<hbm>>) target(%dma_start3A_1090 : memref<32x128xf32, #tpu.memory_space<vmem>>) target_semaphore(%arg18 : memref<!tpu.dma_semaphore, #tpu.memory_space<semaphore_mem>>)
      %jit3A_1093 = arith.constant 128 : i32
      %div3A_1094 = arith.divsi %squeeze3A_1052, %jit3A_1093 : i32
      %sign3A_1095 = arith.constant 0 : i32
      %sign3A_1096 = arith.cmpi sgt, %squeeze3A_1052, %sign3A_1095 : i32
      %sign3A_1097 = arith.extui %sign3A_1096 : i1 to i32
      %sign3A_1098 = arith.constant 0 : i32
      %sign3A_1099 = arith.cmpi slt, %squeeze3A_1052, %sign3A_1098 : i32
      %sign3A_1100 = arith.extui %sign3A_1099 : i1 to i32
      %sign3A_1101 = arith.subi %sign3A_1097, %sign3A_1100 : i32
      %sign3A_1102 = arith.constant 0 : i32
      %sign3A_1103 = arith.cmpi sgt, %jit3A_1093, %sign3A_1102 : i32
      %sign3A_1104 = arith.extui %sign3A_1103 : i1 to i32
      %sign3A_1105 = arith.constant 0 : i32
      %sign3A_1106 = arith.cmpi slt, %jit3A_1093, %sign3A_1105 : i32
      %sign3A_1107 = arith.extui %sign3A_1106 : i1 to i32
      %sign3A_1108 = arith.subi %sign3A_1104, %sign3A_1107 : i32
      %ne3A_1109 = arith.cmpi ne, %sign3A_1101, %sign3A_1108 : i32
      %rem3A_1110 = arith.remsi %squeeze3A_1052, %jit3A_1093 : i32
      %ne3A_1111 = arith.constant 0 : i32
      %ne3A_1112 = arith.cmpi ne, %rem3A_1110, %ne3A_1111 : i32
      %and3A_1113 = arith.andi %ne3A_1109, %ne3A_1112 : i1
      %sub3A_1114 = arith.constant 1 : i32
      %sub3A_1115 = arith.subi %div3A_1094, %sub3A_1114 : i32
      %select_n3A_1116 = arith.select %and3A_1113, %sub3A_1115, %div3A_1094 : i32
      %mul3A_1117 = arith.constant 128 : i32
      %mul3A_1118 = arith.muli %select_n3A_1116, %mul3A_1117 : i32
      %multiple_of3A_1119 = tpu.assume_multiple %mul3A_1118, 128 : i32
      %dma_start3A_1120 = arith.constant 0 : i32
      %dma_start3A_1121 = arith.constant 0 : i32
      %dma_start3A_1122 = arith.constant 0 : i32
      %dma_start3A_1123 = tpu.memref_slice %arg12[%dma_start3A_1120, %dma_start3A_1121, %dma_start3A_1122] : memref<8x32x128xf32, #tpu.memory_space<vmem>> -> memref<1x32x128xf32, #tpu.memory_space<vmem>>
      %dma_start3A_1124 = tpu.memref_squeeze %dma_start3A_1123 : memref<1x32x128xf32, #tpu.memory_space<vmem>> -> memref<32x128xf32, #tpu.memory_space<vmem>>
      %dma_start3A_1125 = arith.constant 0 : i32
      %dma_start3A_1126 = tpu.memref_slice %arg6[%dma_start3A_1125, %multiple_of3A_1119] : memref<32x1000001xf32, #tpu.memory_space<hbm>> -> memref<32x128xf32, #tpu.memory_space<hbm>>
      %dma_start3A_1127 = arith.constant 0 : i32
      %dma_start3A_1128 = arith.constant 0 : i32
      %dma_start3A_1129 = tpu.memref_slice %arg12[%dma_start3A_1120, %dma_start3A_1127, %dma_start3A_1128] : memref<8x32x128xf32, #tpu.memory_space<vmem>> -> memref<1x32x128xf32, #tpu.memory_space<vmem>>
      %dma_start3A_1130 = tpu.memref_squeeze %dma_start3A_1129 : memref<1x32x128xf32, #tpu.memory_space<vmem>> -> memref<32x128xf32, #tpu.memory_space<vmem>>
      %dma_start3A_1131 = arith.constant 0 : i32
      %dma_start3A_1132 = tpu.memref_slice %arg6[%dma_start3A_1131, %multiple_of3A_1119] : memref<32x1000001xf32, #tpu.memory_space<hbm>> -> memref<32x128xf32, #tpu.memory_space<hbm>>
      tpu.enqueue_dma source(%dma_start3A_1132 : memref<32x128xf32, #tpu.memory_space<hbm>>) target(%dma_start3A_1130 : memref<32x128xf32, #tpu.memory_space<vmem>>) target_semaphore(%arg18 : memref<!tpu.dma_semaphore, #tpu.memory_space<semaphore_mem>>)
      %dma_wait3A_1133 = arith.constant 1 : i32
      %dma_wait3A_1134 = arith.constant 0 : i32
      %dma_wait3A_1135 = arith.constant 0 : i32
      %dma_wait3A_1136 = tpu.memref_slice %arg11[%dma_wait3A_1133, %dma_wait3A_1134, %dma_wait3A_1135] : memref<8x32x128xf32, #tpu.memory_space<vmem>> -> memref<1x32x128xf32, #tpu.memory_space<vmem>>
      %dma_wait3A_1137 = tpu.memref_squeeze %dma_wait3A_1136 : memref<1x32x128xf32, #tpu.memory_space<vmem>> -> memref<32x128xf32, #tpu.memory_space<vmem>>
      %dma_wait3A_1138 = arith.constant 0 : i32
      %dma_wait3A_1139 = tpu.memref_slice %arg4[%dma_wait3A_1138, %multiple_of3A_341] : memref<32x1000001xf32, #tpu.memory_space<hbm>> -> memref<32x128xf32, #tpu.memory_space<hbm>>
      %dma_wait3A_1140 = arith.constant 0 : i32
      %dma_wait3A_1141 = arith.constant 0 : i32
      %dma_wait3A_1142 = tpu.memref_slice %arg11[%dma_wait3A_1133, %dma_wait3A_1140, %dma_wait3A_1141] : memref<8x32x128xf32, #tpu.memory_space<vmem>> -> memref<1x32x128xf32, #tpu.memory_space<vmem>>
      %dma_wait3A_1143 = tpu.memref_squeeze %dma_wait3A_1142 : memref<1x32x128xf32, #tpu.memory_space<vmem>> -> memref<32x128xf32, #tpu.memory_space<vmem>>
      %dma_wait3A_1144 = arith.constant 0 : i32
      %dma_wait3A_1145 = tpu.memref_slice %arg4[%dma_wait3A_1144, %multiple_of3A_341] : memref<32x1000001xf32, #tpu.memory_space<hbm>> -> memref<32x128xf32, #tpu.memory_space<hbm>>
      tpu.wait_dma2 semaphore(%arg18 : memref<!tpu.dma_semaphore, #tpu.memory_space<semaphore_mem>>) src(%dma_wait3A_1145 : memref<32x128xf32, #tpu.memory_space<hbm>>) dst(%dma_wait3A_1143 : memref<32x128xf32, #tpu.memory_space<vmem>>)
      %jit3A_1146 = arith.constant 128 : i32
      %div3A_1147 = arith.divsi %squeeze3A_312, %jit3A_1146 : i32
      %sign3A_1148 = arith.constant 0 : i32
      %sign3A_1149 = arith.cmpi sgt, %squeeze3A_312, %sign3A_1148 : i32
      %sign3A_1150 = arith.extui %sign3A_1149 : i1 to i32
      %sign3A_1151 = arith.constant 0 : i32
      %sign3A_1152 = arith.cmpi slt, %squeeze3A_312, %sign3A_1151 : i32
      %sign3A_1153 = arith.extui %sign3A_1152 : i1 to i32
      %sign3A_1154 = arith.subi %sign3A_1150, %sign3A_1153 : i32
      %sign3A_1155 = arith.constant 0 : i32
      %sign3A_1156 = arith.cmpi sgt, %jit3A_1146, %sign3A_1155 : i32
      %sign3A_1157 = arith.extui %sign3A_1156 : i1 to i32
      %sign3A_1158 = arith.constant 0 : i32
      %sign3A_1159 = arith.cmpi slt, %jit3A_1146, %sign3A_1158 : i32
      %sign3A_1160 = arith.extui %sign3A_1159 : i1 to i32
      %sign3A_1161 = arith.subi %sign3A_1157, %sign3A_1160 : i32
      %ne3A_1162 = arith.cmpi ne, %sign3A_1154, %sign3A_1161 : i32
      %rem3A_1163 = arith.remsi %squeeze3A_312, %jit3A_1146 : i32
      %ne3A_1164 = arith.constant 0 : i32
      %ne3A_1165 = arith.cmpi ne, %rem3A_1163, %ne3A_1164 : i32
      %and3A_1166 = arith.andi %ne3A_1162, %ne3A_1165 : i1
      %sub3A_1167 = arith.constant 1 : i32
      %sub3A_1168 = arith.subi %div3A_1147, %sub3A_1167 : i32
      %select_n3A_1169 = arith.select %and3A_1166, %sub3A_1168, %div3A_1147 : i32
      %mul3A_1170 = arith.constant 128 : i32
      %mul3A_1171 = arith.muli %select_n3A_1169, %mul3A_1170 : i32
      %sub3A_1172 = arith.subi %squeeze3A_312, %mul3A_1171 : i32
      %broadcast_in_dim3A_1173 = arith.constant 1 : i32
      %broadcast_in_dim3A_1174 = vector.broadcast %broadcast_in_dim3A_1173 : i32 to vector<16xi32>
      %add3A_1175 = arith.constant 0 : i32
      %add3A_1176 = vector.broadcast %add3A_1175 : i32 to vector<16xi32>
      %add3A_1177 = arith.addi %iota3A, %add3A_1176 : vector<16xi32>
      %broadcast_in_dim3A_1178 = vector.broadcast %sub3A_1172 : i32 to vector<16xi32>
      %gather3A_1179 = tpu.vector_load_idx %arg11[%broadcast_in_dim3A_1174, %add3A_1177, %broadcast_in_dim3A_1178] : memref<8x32x128xf32, #tpu.memory_space<vmem>>[vector<16xi32>, vector<16xi32>, vector<16xi32>], vector<16xf32>,
      %mul3A_1180 = arith.constant 512 : i32
      %mul3A_1181 = vector.broadcast %mul3A_1180 : i32 to vector<16xi32>
      %mul3A_1182 = arith.muli %add3A_1177, %mul3A_1181 : vector<16xi32>
      %add3A_1183 = vector.broadcast %add3A_310 : i32 to vector<16xi32>
      %add3A_1184 = arith.addi %mul3A_1182, %add3A_1183 : vector<16xi32>
      tpu.vector_store_idx %arg13[%add3A_1184], %gather3A_1179 : memref<16384xf32, #tpu.memory_space<vmem>>[vector<16xi32>], vector<16xf32>,
      %add3A_1185 = arith.constant 16 : i32
      %add3A_1186 = vector.broadcast %add3A_1185 : i32 to vector<16xi32>
      %add3A_1187 = arith.addi %iota3A, %add3A_1186 : vector<16xi32>
      %broadcast_in_dim3A_1188 = vector.broadcast %sub3A_1172 : i32 to vector<16xi32>
      %gather3A_1189 = tpu.vector_load_idx %arg11[%broadcast_in_dim3A_1174, %add3A_1187, %broadcast_in_dim3A_1188] : memref<8x32x128xf32, #tpu.memory_space<vmem>>[vector<16xi32>, vector<16xi32>, vector<16xi32>], vector<16xf32>,
      %mul3A_1190 = arith.constant 512 : i32
      %mul3A_1191 = vector.broadcast %mul3A_1190 : i32 to vector<16xi32>
      %mul3A_1192 = arith.muli %add3A_1187, %mul3A_1191 : vector<16xi32>
      %add3A_1193 = vector.broadcast %add3A_310 : i32 to vector<16xi32>
      %add3A_1194 = arith.addi %mul3A_1192, %add3A_1193 : vector<16xi32>
      tpu.vector_store_idx %arg13[%add3A_1194], %gather3A_1189 : memref<16384xf32, #tpu.memory_space<vmem>>[vector<16xi32>], vector<16xf32>,
      %dma_wait3A_1195 = arith.constant 1 : i32
      %dma_wait3A_1196 = arith.constant 0 : i32
      %dma_wait3A_1197 = arith.constant 0 : i32
      %dma_wait3A_1198 = tpu.memref_slice %arg12[%dma_wait3A_1195, %dma_wait3A_1196, %dma_wait3A_1197] : memref<8x32x128xf32, #tpu.memory_space<vmem>> -> memref<1x32x128xf32, #tpu.memory_space<vmem>>
      %dma_wait3A_1199 = tpu.memref_squeeze %dma_wait3A_1198 : memref<1x32x128xf32, #tpu.memory_space<vmem>> -> memref<32x128xf32, #tpu.memory_space<vmem>>
      %dma_wait3A_1200 = arith.constant 0 : i32
      %dma_wait3A_1201 = tpu.memref_slice %arg6[%dma_wait3A_1200, %multiple_of3A_381] : memref<32x1000001xf32, #tpu.memory_space<hbm>> -> memref<32x128xf32, #tpu.memory_space<hbm>>
      %dma_wait3A_1202 = arith.constant 0 : i32
      %dma_wait3A_1203 = arith.constant 0 : i32
      %dma_wait3A_1204 = tpu.memref_slice %arg12[%dma_wait3A_1195, %dma_wait3A_1202, %dma_wait3A_1203] : memref<8x32x128xf32, #tpu.memory_space<vmem>> -> memref<1x32x128xf32, #tpu.memory_space<vmem>>
      %dma_wait3A_1205 = tpu.memref_squeeze %dma_wait3A_1204 : memref<1x32x128xf32, #tpu.memory_space<vmem>> -> memref<32x128xf32, #tpu.memory_space<vmem>>
      %dma_wait3A_1206 = arith.constant 0 : i32
      %dma_wait3A_1207 = tpu.memref_slice %arg6[%dma_wait3A_1206, %multiple_of3A_381] : memref<32x1000001xf32, #tpu.memory_space<hbm>> -> memref<32x128xf32, #tpu.memory_space<hbm>>
      tpu.wait_dma2 semaphore(%arg18 : memref<!tpu.dma_semaphore, #tpu.memory_space<semaphore_mem>>) src(%dma_wait3A_1207 : memref<32x128xf32, #tpu.memory_space<hbm>>) dst(%dma_wait3A_1205 : memref<32x128xf32, #tpu.memory_space<vmem>>)
      %jit3A_1208 = arith.constant 128 : i32
      %div3A_1209 = arith.divsi %squeeze3A_314, %jit3A_1208 : i32
      %sign3A_1210 = arith.constant 0 : i32
      %sign3A_1211 = arith.cmpi sgt, %squeeze3A_314, %sign3A_1210 : i32
      %sign3A_1212 = arith.extui %sign3A_1211 : i1 to i32
      %sign3A_1213 = arith.constant 0 : i32
      %sign3A_1214 = arith.cmpi slt, %squeeze3A_314, %sign3A_1213 : i32
      %sign3A_1215 = arith.extui %sign3A_1214 : i1 to i32
      %sign3A_1216 = arith.subi %sign3A_1212, %sign3A_1215 : i32
      %sign3A_1217 = arith.constant 0 : i32
      %sign3A_1218 = arith.cmpi sgt, %jit3A_1208, %sign3A_1217 : i32
      %sign3A_1219 = arith.extui %sign3A_1218 : i1 to i32
      %sign3A_1220 = arith.constant 0 : i32
      %sign3A_1221 = arith.cmpi slt, %jit3A_1208, %sign3A_1220 : i32
      %sign3A_1222 = arith.extui %sign3A_1221 : i1 to i32
      %sign3A_1223 = arith.subi %sign3A_1219, %sign3A_1222 : i32
      %ne3A_1224 = arith.cmpi ne, %sign3A_1216, %sign3A_1223 : i32
      %rem3A_1225 = arith.remsi %squeeze3A_314, %jit3A_1208 : i32
      %ne3A_1226 = arith.constant 0 : i32
      %ne3A_1227 = arith.cmpi ne, %rem3A_1225, %ne3A_1226 : i32
      %and3A_1228 = arith.andi %ne3A_1224, %ne3A_1227 : i1
      %sub3A_1229 = arith.constant 1 : i32
      %sub3A_1230 = arith.subi %div3A_1209, %sub3A_1229 : i32
      %select_n3A_1231 = arith.select %and3A_1228, %sub3A_1230, %div3A_1209 : i32
      %mul3A_1232 = arith.constant 128 : i32
      %mul3A_1233 = arith.muli %select_n3A_1231, %mul3A_1232 : i32
      %sub3A_1234 = arith.subi %squeeze3A_314, %mul3A_1233 : i32
      %broadcast_in_dim3A_1235 = arith.constant 1 : i32
      %broadcast_in_dim3A_1236 = vector.broadcast %broadcast_in_dim3A_1235 : i32 to vector<16xi32>
      %add3A_1237 = arith.constant 0 : i32
      %add3A_1238 = vector.broadcast %add3A_1237 : i32 to vector<16xi32>
      %add3A_1239 = arith.addi %iota3A, %add3A_1238 : vector<16xi32>
      %broadcast_in_dim3A_1240 = vector.broadcast %sub3A_1234 : i32 to vector<16xi32>
      %gather3A_1241 = tpu.vector_load_idx %arg12[%broadcast_in_dim3A_1236, %add3A_1239, %broadcast_in_dim3A_1240] : memref<8x32x128xf32, #tpu.memory_space<vmem>>[vector<16xi32>, vector<16xi32>, vector<16xi32>], vector<16xf32>,
      %mul3A_1242 = arith.constant 512 : i32
      %mul3A_1243 = vector.broadcast %mul3A_1242 : i32 to vector<16xi32>
      %mul3A_1244 = arith.muli %add3A_1239, %mul3A_1243 : vector<16xi32>
      %add3A_1245 = vector.broadcast %add3A_310 : i32 to vector<16xi32>
      %add3A_1246 = arith.addi %mul3A_1244, %add3A_1245 : vector<16xi32>
      tpu.vector_store_idx %arg14[%add3A_1246], %gather3A_1241 : memref<16384xf32, #tpu.memory_space<vmem>>[vector<16xi32>], vector<16xf32>,
      %add3A_1247 = arith.constant 16 : i32
      %add3A_1248 = vector.broadcast %add3A_1247 : i32 to vector<16xi32>
      %add3A_1249 = arith.addi %iota3A, %add3A_1248 : vector<16xi32>
      %broadcast_in_dim3A_1250 = vector.broadcast %sub3A_1234 : i32 to vector<16xi32>
      %gather3A_1251 = tpu.vector_load_idx %arg12[%broadcast_in_dim3A_1236, %add3A_1249, %broadcast_in_dim3A_1250] : memref<8x32x128xf32, #tpu.memory_space<vmem>>[vector<16xi32>, vector<16xi32>, vector<16xi32>], vector<16xf32>,
      %mul3A_1252 = arith.constant 512 : i32
      %mul3A_1253 = vector.broadcast %mul3A_1252 : i32 to vector<16xi32>
      %mul3A_1254 = arith.muli %add3A_1249, %mul3A_1253 : vector<16xi32>
      %add3A_1255 = vector.broadcast %add3A_310 : i32 to vector<16xi32>
      %add3A_1256 = arith.addi %mul3A_1254, %add3A_1255 : vector<16xi32>
      tpu.vector_store_idx %arg14[%add3A_1256], %gather3A_1251 : memref<16384xf32, #tpu.memory_space<vmem>>[vector<16xi32>], vector<16xf32>,
      %mul3A_1257 = arith.constant 16 : i32
      %mul3A_1258 = arith.muli %scan3A_195, %mul3A_1257 : i32
      %add3A_1259 = arith.constant 9 : i32
      %add3A_1260 = arith.addi %mul3A_1258, %add3A_1259 : i32
      %slice3A_1261 = vector.extract_strided_slice %get3A_218 {offsets = [9], sizes = [1], strides = [1]} : vector<16xi32> to vector<1xi32>
      %squeeze3A_1262 = vector.extract %slice3A_1261[0] : i32 from vector<1xi32>
      %slice3A_1263 = vector.extract_strided_slice %get3A_221 {offsets = [9], sizes = [1], strides = [1]} : vector<16xi32> to vector<1xi32>
      %squeeze3A_1264 = vector.extract %slice3A_1263[0] : i32 from vector<1xi32>
      %jit3A_1265 = arith.constant 128 : i32
      %div3A_1266 = arith.divsi %squeeze3A_1262, %jit3A_1265 : i32
      %sign3A_1267 = arith.constant 0 : i32
      %sign3A_1268 = arith.cmpi sgt, %squeeze3A_1262, %sign3A_1267 : i32
      %sign3A_1269 = arith.extui %sign3A_1268 : i1 to i32
      %sign3A_1270 = arith.constant 0 : i32
      %sign3A_1271 = arith.cmpi slt, %squeeze3A_1262, %sign3A_1270 : i32
      %sign3A_1272 = arith.extui %sign3A_1271 : i1 to i32
      %sign3A_1273 = arith.subi %sign3A_1269, %sign3A_1272 : i32
      %sign3A_1274 = arith.constant 0 : i32
      %sign3A_1275 = arith.cmpi sgt, %jit3A_1265, %sign3A_1274 : i32
      %sign3A_1276 = arith.extui %sign3A_1275 : i1 to i32
      %sign3A_1277 = arith.constant 0 : i32
      %sign3A_1278 = arith.cmpi slt, %jit3A_1265, %sign3A_1277 : i32
      %sign3A_1279 = arith.extui %sign3A_1278 : i1 to i32
      %sign3A_1280 = arith.subi %sign3A_1276, %sign3A_1279 : i32
      %ne3A_1281 = arith.cmpi ne, %sign3A_1273, %sign3A_1280 : i32
      %rem3A_1282 = arith.remsi %squeeze3A_1262, %jit3A_1265 : i32
      %ne3A_1283 = arith.constant 0 : i32
      %ne3A_1284 = arith.cmpi ne, %rem3A_1282, %ne3A_1283 : i32
      %and3A_1285 = arith.andi %ne3A_1281, %ne3A_1284 : i1
      %sub3A_1286 = arith.constant 1 : i32
      %sub3A_1287 = arith.subi %div3A_1266, %sub3A_1286 : i32
      %select_n3A_1288 = arith.select %and3A_1285, %sub3A_1287, %div3A_1266 : i32
      %mul3A_1289 = arith.constant 128 : i32
      %mul3A_1290 = arith.muli %select_n3A_1288, %mul3A_1289 : i32
      %multiple_of3A_1291 = tpu.assume_multiple %mul3A_1290, 128 : i32
      %dma_start3A_1292 = arith.constant 1 : i32
      %dma_start3A_1293 = arith.constant 0 : i32
      %dma_start3A_1294 = arith.constant 0 : i32
      %dma_start3A_1295 = tpu.memref_slice %arg11[%dma_start3A_1292, %dma_start3A_1293, %dma_start3A_1294] : memref<8x32x128xf32, #tpu.memory_space<vmem>> -> memref<1x32x128xf32, #tpu.memory_space<vmem>>
      %dma_start3A_1296 = tpu.memref_squeeze %dma_start3A_1295 : memref<1x32x128xf32, #tpu.memory_space<vmem>> -> memref<32x128xf32, #tpu.memory_space<vmem>>
      %dma_start3A_1297 = arith.constant 0 : i32
      %dma_start3A_1298 = tpu.memref_slice %arg4[%dma_start3A_1297, %multiple_of3A_1291] : memref<32x1000001xf32, #tpu.memory_space<hbm>> -> memref<32x128xf32, #tpu.memory_space<hbm>>
      %dma_start3A_1299 = arith.constant 0 : i32
      %dma_start3A_1300 = arith.constant 0 : i32
      %dma_start3A_1301 = tpu.memref_slice %arg11[%dma_start3A_1292, %dma_start3A_1299, %dma_start3A_1300] : memref<8x32x128xf32, #tpu.memory_space<vmem>> -> memref<1x32x128xf32, #tpu.memory_space<vmem>>
      %dma_start3A_1302 = tpu.memref_squeeze %dma_start3A_1301 : memref<1x32x128xf32, #tpu.memory_space<vmem>> -> memref<32x128xf32, #tpu.memory_space<vmem>>
      %dma_start3A_1303 = arith.constant 0 : i32
      %dma_start3A_1304 = tpu.memref_slice %arg4[%dma_start3A_1303, %multiple_of3A_1291] : memref<32x1000001xf32, #tpu.memory_space<hbm>> -> memref<32x128xf32, #tpu.memory_space<hbm>>
      tpu.enqueue_dma source(%dma_start3A_1304 : memref<32x128xf32, #tpu.memory_space<hbm>>) target(%dma_start3A_1302 : memref<32x128xf32, #tpu.memory_space<vmem>>) target_semaphore(%arg18 : memref<!tpu.dma_semaphore, #tpu.memory_space<semaphore_mem>>)
      %jit3A_1305 = arith.constant 128 : i32
      %div3A_1306 = arith.divsi %squeeze3A_1264, %jit3A_1305 : i32
      %sign3A_1307 = arith.constant 0 : i32
      %sign3A_1308 = arith.cmpi sgt, %squeeze3A_1264, %sign3A_1307 : i32
      %sign3A_1309 = arith.extui %sign3A_1308 : i1 to i32
      %sign3A_1310 = arith.constant 0 : i32
      %sign3A_1311 = arith.cmpi slt, %squeeze3A_1264, %sign3A_1310 : i32
      %sign3A_1312 = arith.extui %sign3A_1311 : i1 to i32
      %sign3A_1313 = arith.subi %sign3A_1309, %sign3A_1312 : i32
      %sign3A_1314 = arith.constant 0 : i32
      %sign3A_1315 = arith.cmpi sgt, %jit3A_1305, %sign3A_1314 : i32
      %sign3A_1316 = arith.extui %sign3A_1315 : i1 to i32
      %sign3A_1317 = arith.constant 0 : i32
      %sign3A_1318 = arith.cmpi slt, %jit3A_1305, %sign3A_1317 : i32
      %sign3A_1319 = arith.extui %sign3A_1318 : i1 to i32
      %sign3A_1320 = arith.subi %sign3A_1316, %sign3A_1319 : i32
      %ne3A_1321 = arith.cmpi ne, %sign3A_1313, %sign3A_1320 : i32
      %rem3A_1322 = arith.remsi %squeeze3A_1264, %jit3A_1305 : i32
      %ne3A_1323 = arith.constant 0 : i32
      %ne3A_1324 = arith.cmpi ne, %rem3A_1322, %ne3A_1323 : i32
      %and3A_1325 = arith.andi %ne3A_1321, %ne3A_1324 : i1
      %sub3A_1326 = arith.constant 1 : i32
      %sub3A_1327 = arith.subi %div3A_1306, %sub3A_1326 : i32
      %select_n3A_1328 = arith.select %and3A_1325, %sub3A_1327, %div3A_1306 : i32
      %mul3A_1329 = arith.constant 128 : i32
      %mul3A_1330 = arith.muli %select_n3A_1328, %mul3A_1329 : i32
      %multiple_of3A_1331 = tpu.assume_multiple %mul3A_1330, 128 : i32
      %dma_start3A_1332 = arith.constant 1 : i32
      %dma_start3A_1333 = arith.constant 0 : i32
      %dma_start3A_1334 = arith.constant 0 : i32
      %dma_start3A_1335 = tpu.memref_slice %arg12[%dma_start3A_1332, %dma_start3A_1333, %dma_start3A_1334] : memref<8x32x128xf32, #tpu.memory_space<vmem>> -> memref<1x32x128xf32, #tpu.memory_space<vmem>>
      %dma_start3A_1336 = tpu.memref_squeeze %dma_start3A_1335 : memref<1x32x128xf32, #tpu.memory_space<vmem>> -> memref<32x128xf32, #tpu.memory_space<vmem>>
      %dma_start3A_1337 = arith.constant 0 : i32
      %dma_start3A_1338 = tpu.memref_slice %arg6[%dma_start3A_1337, %multiple_of3A_1331] : memref<32x1000001xf32, #tpu.memory_space<hbm>> -> memref<32x128xf32, #tpu.memory_space<hbm>>
      %dma_start3A_1339 = arith.constant 0 : i32
      %dma_start3A_1340 = arith.constant 0 : i32
      %dma_start3A_1341 = tpu.memref_slice %arg12[%dma_start3A_1332, %dma_start3A_1339, %dma_start3A_1340] : memref<8x32x128xf32, #tpu.memory_space<vmem>> -> memref<1x32x128xf32, #tpu.memory_space<vmem>>
      %dma_start3A_1342 = tpu.memref_squeeze %dma_start3A_1341 : memref<1x32x128xf32, #tpu.memory_space<vmem>> -> memref<32x128xf32, #tpu.memory_space<vmem>>
      %dma_start3A_1343 = arith.constant 0 : i32
      %dma_start3A_1344 = tpu.memref_slice %arg6[%dma_start3A_1343, %multiple_of3A_1331] : memref<32x1000001xf32, #tpu.memory_space<hbm>> -> memref<32x128xf32, #tpu.memory_space<hbm>>
      tpu.enqueue_dma source(%dma_start3A_1344 : memref<32x128xf32, #tpu.memory_space<hbm>>) target(%dma_start3A_1342 : memref<32x128xf32, #tpu.memory_space<vmem>>) target_semaphore(%arg18 : memref<!tpu.dma_semaphore, #tpu.memory_space<semaphore_mem>>)
      %dma_wait3A_1345 = arith.constant 2 : i32
      %dma_wait3A_1346 = arith.constant 0 : i32
      %dma_wait3A_1347 = arith.constant 0 : i32
      %dma_wait3A_1348 = tpu.memref_slice %arg11[%dma_wait3A_1345, %dma_wait3A_1346, %dma_wait3A_1347] : memref<8x32x128xf32, #tpu.memory_space<vmem>> -> memref<1x32x128xf32, #tpu.memory_space<vmem>>
      %dma_wait3A_1349 = tpu.memref_squeeze %dma_wait3A_1348 : memref<1x32x128xf32, #tpu.memory_space<vmem>> -> memref<32x128xf32, #tpu.memory_space<vmem>>
      %dma_wait3A_1350 = arith.constant 0 : i32
      %dma_wait3A_1351 = tpu.memref_slice %arg4[%dma_wait3A_1350, %multiple_of3A_429] : memref<32x1000001xf32, #tpu.memory_space<hbm>> -> memref<32x128xf32, #tpu.memory_space<hbm>>
      %dma_wait3A_1352 = arith.constant 0 : i32
      %dma_wait3A_1353 = arith.constant 0 : i32
      %dma_wait3A_1354 = tpu.memref_slice %arg11[%dma_wait3A_1345, %dma_wait3A_1352, %dma_wait3A_1353] : memref<8x32x128xf32, #tpu.memory_space<vmem>> -> memref<1x32x128xf32, #tpu.memory_space<vmem>>
      %dma_wait3A_1355 = tpu.memref_squeeze %dma_wait3A_1354 : memref<1x32x128xf32, #tpu.memory_space<vmem>> -> memref<32x128xf32, #tpu.memory_space<vmem>>
      %dma_wait3A_1356 = arith.constant 0 : i32
      %dma_wait3A_1357 = tpu.memref_slice %arg4[%dma_wait3A_1356, %multiple_of3A_429] : memref<32x1000001xf32, #tpu.memory_space<hbm>> -> memref<32x128xf32, #tpu.memory_space<hbm>>
      tpu.wait_dma2 semaphore(%arg18 : memref<!tpu.dma_semaphore, #tpu.memory_space<semaphore_mem>>) src(%dma_wait3A_1357 : memref<32x128xf32, #tpu.memory_space<hbm>>) dst(%dma_wait3A_1355 : memref<32x128xf32, #tpu.memory_space<vmem>>)
      %jit3A_1358 = arith.constant 128 : i32
      %div3A_1359 = arith.divsi %squeeze3A_400, %jit3A_1358 : i32
      %sign3A_1360 = arith.constant 0 : i32
      %sign3A_1361 = arith.cmpi sgt, %squeeze3A_400, %sign3A_1360 : i32
      %sign3A_1362 = arith.extui %sign3A_1361 : i1 to i32
      %sign3A_1363 = arith.constant 0 : i32
      %sign3A_1364 = arith.cmpi slt, %squeeze3A_400, %sign3A_1363 : i32
      %sign3A_1365 = arith.extui %sign3A_1364 : i1 to i32
      %sign3A_1366 = arith.subi %sign3A_1362, %sign3A_1365 : i32
      %sign3A_1367 = arith.constant 0 : i32
      %sign3A_1368 = arith.cmpi sgt, %jit3A_1358, %sign3A_1367 : i32
      %sign3A_1369 = arith.extui %sign3A_1368 : i1 to i32
      %sign3A_1370 = arith.constant 0 : i32
      %sign3A_1371 = arith.cmpi slt, %jit3A_1358, %sign3A_1370 : i32
      %sign3A_1372 = arith.extui %sign3A_1371 : i1 to i32
      %sign3A_1373 = arith.subi %sign3A_1369, %sign3A_1372 : i32
      %ne3A_1374 = arith.cmpi ne, %sign3A_1366, %sign3A_1373 : i32
      %rem3A_1375 = arith.remsi %squeeze3A_400, %jit3A_1358 : i32
      %ne3A_1376 = arith.constant 0 : i32
      %ne3A_1377 = arith.cmpi ne, %rem3A_1375, %ne3A_1376 : i32
      %and3A_1378 = arith.andi %ne3A_1374, %ne3A_1377 : i1
      %sub3A_1379 = arith.constant 1 : i32
      %sub3A_1380 = arith.subi %div3A_1359, %sub3A_1379 : i32
      %select_n3A_1381 = arith.select %and3A_1378, %sub3A_1380, %div3A_1359 : i32
      %mul3A_1382 = arith.constant 128 : i32
      %mul3A_1383 = arith.muli %select_n3A_1381, %mul3A_1382 : i32
      %sub3A_1384 = arith.subi %squeeze3A_400, %mul3A_1383 : i32
      %broadcast_in_dim3A_1385 = arith.constant 2 : i32
      %broadcast_in_dim3A_1386 = vector.broadcast %broadcast_in_dim3A_1385 : i32 to vector<16xi32>
      %add3A_1387 = arith.constant 0 : i32
      %add3A_1388 = vector.broadcast %add3A_1387 : i32 to vector<16xi32>
      %add3A_1389 = arith.addi %iota3A, %add3A_1388 : vector<16xi32>
      %broadcast_in_dim3A_1390 = vector.broadcast %sub3A_1384 : i32 to vector<16xi32>
      %gather3A_1391 = tpu.vector_load_idx %arg11[%broadcast_in_dim3A_1386, %add3A_1389, %broadcast_in_dim3A_1390] : memref<8x32x128xf32, #tpu.memory_space<vmem>>[vector<16xi32>, vector<16xi32>, vector<16xi32>], vector<16xf32>,
      %mul3A_1392 = arith.constant 512 : i32
      %mul3A_1393 = vector.broadcast %mul3A_1392 : i32 to vector<16xi32>
      %mul3A_1394 = arith.muli %add3A_1389, %mul3A_1393 : vector<16xi32>
      %add3A_1395 = vector.broadcast %add3A_398 : i32 to vector<16xi32>
      %add3A_1396 = arith.addi %mul3A_1394, %add3A_1395 : vector<16xi32>
      tpu.vector_store_idx %arg13[%add3A_1396], %gather3A_1391 : memref<16384xf32, #tpu.memory_space<vmem>>[vector<16xi32>], vector<16xf32>,
      %add3A_1397 = arith.constant 16 : i32
      %add3A_1398 = vector.broadcast %add3A_1397 : i32 to vector<16xi32>
      %add3A_1399 = arith.addi %iota3A, %add3A_1398 : vector<16xi32>
      %broadcast_in_dim3A_1400 = vector.broadcast %sub3A_1384 : i32 to vector<16xi32>
      %gather3A_1401 = tpu.vector_load_idx %arg11[%broadcast_in_dim3A_1386, %add3A_1399, %broadcast_in_dim3A_1400] : memref<8x32x128xf32, #tpu.memory_space<vmem>>[vector<16xi32>, vector<16xi32>, vector<16xi32>], vector<16xf32>,
      %mul3A_1402 = arith.constant 512 : i32
      %mul3A_1403 = vector.broadcast %mul3A_1402 : i32 to vector<16xi32>
      %mul3A_1404 = arith.muli %add3A_1399, %mul3A_1403 : vector<16xi32>
      %add3A_1405 = vector.broadcast %add3A_398 : i32 to vector<16xi32>
      %add3A_1406 = arith.addi %mul3A_1404, %add3A_1405 : vector<16xi32>
      tpu.vector_store_idx %arg13[%add3A_1406], %gather3A_1401 : memref<16384xf32, #tpu.memory_space<vmem>>[vector<16xi32>], vector<16xf32>,
      %dma_wait3A_1407 = arith.constant 2 : i32
      %dma_wait3A_1408 = arith.constant 0 : i32
      %dma_wait3A_1409 = arith.constant 0 : i32
      %dma_wait3A_1410 = tpu.memref_slice %arg12[%dma_wait3A_1407, %dma_wait3A_1408, %dma_wait3A_1409] : memref<8x32x128xf32, #tpu.memory_space<vmem>> -> memref<1x32x128xf32, #tpu.memory_space<vmem>>
      %dma_wait3A_1411 = tpu.memref_squeeze %dma_wait3A_1410 : memref<1x32x128xf32, #tpu.memory_space<vmem>> -> memref<32x128xf32, #tpu.memory_space<vmem>>
      %dma_wait3A_1412 = arith.constant 0 : i32
      %dma_wait3A_1413 = tpu.memref_slice %arg6[%dma_wait3A_1412, %multiple_of3A_469] : memref<32x1000001xf32, #tpu.memory_space<hbm>> -> memref<32x128xf32, #tpu.memory_space<hbm>>
      %dma_wait3A_1414 = arith.constant 0 : i32
      %dma_wait3A_1415 = arith.constant 0 : i32
      %dma_wait3A_1416 = tpu.memref_slice %arg12[%dma_wait3A_1407, %dma_wait3A_1414, %dma_wait3A_1415] : memref<8x32x128xf32, #tpu.memory_space<vmem>> -> memref<1x32x128xf32, #tpu.memory_space<vmem>>
      %dma_wait3A_1417 = tpu.memref_squeeze %dma_wait3A_1416 : memref<1x32x128xf32, #tpu.memory_space<vmem>> -> memref<32x128xf32, #tpu.memory_space<vmem>>
      %dma_wait3A_1418 = arith.constant 0 : i32
      %dma_wait3A_1419 = tpu.memref_slice %arg6[%dma_wait3A_1418, %multiple_of3A_469] : memref<32x1000001xf32, #tpu.memory_space<hbm>> -> memref<32x128xf32, #tpu.memory_space<hbm>>
      tpu.wait_dma2 semaphore(%arg18 : memref<!tpu.dma_semaphore, #tpu.memory_space<semaphore_mem>>) src(%dma_wait3A_1419 : memref<32x128xf32, #tpu.memory_space<hbm>>) dst(%dma_wait3A_1417 : memref<32x128xf32, #tpu.memory_space<vmem>>)
      %jit3A_1420 = arith.constant 128 : i32
      %div3A_1421 = arith.divsi %squeeze3A_402, %jit3A_1420 : i32
      %sign3A_1422 = arith.constant 0 : i32
      %sign3A_1423 = arith.cmpi sgt, %squeeze3A_402, %sign3A_1422 : i32
      %sign3A_1424 = arith.extui %sign3A_1423 : i1 to i32
      %sign3A_1425 = arith.constant 0 : i32
      %sign3A_1426 = arith.cmpi slt, %squeeze3A_402, %sign3A_1425 : i32
      %sign3A_1427 = arith.extui %sign3A_1426 : i1 to i32
      %sign3A_1428 = arith.subi %sign3A_1424, %sign3A_1427 : i32
      %sign3A_1429 = arith.constant 0 : i32
      %sign3A_1430 = arith.cmpi sgt, %jit3A_1420, %sign3A_1429 : i32
      %sign3A_1431 = arith.extui %sign3A_1430 : i1 to i32
      %sign3A_1432 = arith.constant 0 : i32
      %sign3A_1433 = arith.cmpi slt, %jit3A_1420, %sign3A_1432 : i32
      %sign3A_1434 = arith.extui %sign3A_1433 : i1 to i32
      %sign3A_1435 = arith.subi %sign3A_1431, %sign3A_1434 : i32
      %ne3A_1436 = arith.cmpi ne, %sign3A_1428, %sign3A_1435 : i32
      %rem3A_1437 = arith.remsi %squeeze3A_402, %jit3A_1420 : i32
      %ne3A_1438 = arith.constant 0 : i32
      %ne3A_1439 = arith.cmpi ne, %rem3A_1437, %ne3A_1438 : i32
      %and3A_1440 = arith.andi %ne3A_1436, %ne3A_1439 : i1
      %sub3A_1441 = arith.constant 1 : i32
      %sub3A_1442 = arith.subi %div3A_1421, %sub3A_1441 : i32
      %select_n3A_1443 = arith.select %and3A_1440, %sub3A_1442, %div3A_1421 : i32
      %mul3A_1444 = arith.constant 128 : i32
      %mul3A_1445 = arith.muli %select_n3A_1443, %mul3A_1444 : i32
      %sub3A_1446 = arith.subi %squeeze3A_402, %mul3A_1445 : i32
      %broadcast_in_dim3A_1447 = arith.constant 2 : i32
      %broadcast_in_dim3A_1448 = vector.broadcast %broadcast_in_dim3A_1447 : i32 to vector<16xi32>
      %add3A_1449 = arith.constant 0 : i32
      %add3A_1450 = vector.broadcast %add3A_1449 : i32 to vector<16xi32>
      %add3A_1451 = arith.addi %iota3A, %add3A_1450 : vector<16xi32>
      %broadcast_in_dim3A_1452 = vector.broadcast %sub3A_1446 : i32 to vector<16xi32>
      %gather3A_1453 = tpu.vector_load_idx %arg12[%broadcast_in_dim3A_1448, %add3A_1451, %broadcast_in_dim3A_1452] : memref<8x32x128xf32, #tpu.memory_space<vmem>>[vector<16xi32>, vector<16xi32>, vector<16xi32>], vector<16xf32>,
      %mul3A_1454 = arith.constant 512 : i32
      %mul3A_1455 = vector.broadcast %mul3A_1454 : i32 to vector<16xi32>
      %mul3A_1456 = arith.muli %add3A_1451, %mul3A_1455 : vector<16xi32>
      %add3A_1457 = vector.broadcast %add3A_398 : i32 to vector<16xi32>
      %add3A_1458 = arith.addi %mul3A_1456, %add3A_1457 : vector<16xi32>
      tpu.vector_store_idx %arg14[%add3A_1458], %gather3A_1453 : memref<16384xf32, #tpu.memory_space<vmem>>[vector<16xi32>], vector<16xf32>,
      %add3A_1459 = arith.constant 16 : i32
      %add3A_1460 = vector.broadcast %add3A_1459 : i32 to vector<16xi32>
      %add3A_1461 = arith.addi %iota3A, %add3A_1460 : vector<16xi32>
      %broadcast_in_dim3A_1462 = vector.broadcast %sub3A_1446 : i32 to vector<16xi32>
      %gather3A_1463 = tpu.vector_load_idx %arg12[%broadcast_in_dim3A_1448, %add3A_1461, %broadcast_in_dim3A_1462] : memref<8x32x128xf32, #tpu.memory_space<vmem>>[vector<16xi32>, vector<16xi32>, vector<16xi32>], vector<16xf32>,
      %mul3A_1464 = arith.constant 512 : i32
      %mul3A_1465 = vector.broadcast %mul3A_1464 : i32 to vector<16xi32>
      %mul3A_1466 = arith.muli %add3A_1461, %mul3A_1465 : vector<16xi32>
      %add3A_1467 = vector.broadcast %add3A_398 : i32 to vector<16xi32>
      %add3A_1468 = arith.addi %mul3A_1466, %add3A_1467 : vector<16xi32>
      tpu.vector_store_idx %arg14[%add3A_1468], %gather3A_1463 : memref<16384xf32, #tpu.memory_space<vmem>>[vector<16xi32>], vector<16xf32>,
      %mul3A_1469 = arith.constant 16 : i32
      %mul3A_1470 = arith.muli %scan3A_195, %mul3A_1469 : i32
      %add3A_1471 = arith.constant 10 : i32
      %add3A_1472 = arith.addi %mul3A_1470, %add3A_1471 : i32
      %slice3A_1473 = vector.extract_strided_slice %get3A_218 {offsets = [10], sizes = [1], strides = [1]} : vector<16xi32> to vector<1xi32>
      %squeeze3A_1474 = vector.extract %slice3A_1473[0] : i32 from vector<1xi32>
      %slice3A_1475 = vector.extract_strided_slice %get3A_221 {offsets = [10], sizes = [1], strides = [1]} : vector<16xi32> to vector<1xi32>
      %squeeze3A_1476 = vector.extract %slice3A_1475[0] : i32 from vector<1xi32>
      %jit3A_1477 = arith.constant 128 : i32
      %div3A_1478 = arith.divsi %squeeze3A_1474, %jit3A_1477 : i32
      %sign3A_1479 = arith.constant 0 : i32
      %sign3A_1480 = arith.cmpi sgt, %squeeze3A_1474, %sign3A_1479 : i32
      %sign3A_1481 = arith.extui %sign3A_1480 : i1 to i32
      %sign3A_1482 = arith.constant 0 : i32
      %sign3A_1483 = arith.cmpi slt, %squeeze3A_1474, %sign3A_1482 : i32
      %sign3A_1484 = arith.extui %sign3A_1483 : i1 to i32
      %sign3A_1485 = arith.subi %sign3A_1481, %sign3A_1484 : i32
      %sign3A_1486 = arith.constant 0 : i32
      %sign3A_1487 = arith.cmpi sgt, %jit3A_1477, %sign3A_1486 : i32
      %sign3A_1488 = arith.extui %sign3A_1487 : i1 to i32
      %sign3A_1489 = arith.constant 0 : i32
      %sign3A_1490 = arith.cmpi slt, %jit3A_1477, %sign3A_1489 : i32
      %sign3A_1491 = arith.extui %sign3A_1490 : i1 to i32
      %sign3A_1492 = arith.subi %sign3A_1488, %sign3A_1491 : i32
      %ne3A_1493 = arith.cmpi ne, %sign3A_1485, %sign3A_1492 : i32
      %rem3A_1494 = arith.remsi %squeeze3A_1474, %jit3A_1477 : i32
      %ne3A_1495 = arith.constant 0 : i32
      %ne3A_1496 = arith.cmpi ne, %rem3A_1494, %ne3A_1495 : i32
      %and3A_1497 = arith.andi %ne3A_1493, %ne3A_1496 : i1
      %sub3A_1498 = arith.constant 1 : i32
      %sub3A_1499 = arith.subi %div3A_1478, %sub3A_1498 : i32
      %select_n3A_1500 = arith.select %and3A_1497, %sub3A_1499, %div3A_1478 : i32
      %mul3A_1501 = arith.constant 128 : i32
      %mul3A_1502 = arith.muli %select_n3A_1500, %mul3A_1501 : i32
      %multiple_of3A_1503 = tpu.assume_multiple %mul3A_1502, 128 : i32
      %dma_start3A_1504 = arith.constant 2 : i32
      %dma_start3A_1505 = arith.constant 0 : i32
      %dma_start3A_1506 = arith.constant 0 : i32
      %dma_start3A_1507 = tpu.memref_slice %arg11[%dma_start3A_1504, %dma_start3A_1505, %dma_start3A_1506] : memref<8x32x128xf32, #tpu.memory_space<vmem>> -> memref<1x32x128xf32, #tpu.memory_space<vmem>>
      %dma_start3A_1508 = tpu.memref_squeeze %dma_start3A_1507 : memref<1x32x128xf32, #tpu.memory_space<vmem>> -> memref<32x128xf32, #tpu.memory_space<vmem>>
      %dma_start3A_1509 = arith.constant 0 : i32
      %dma_start3A_1510 = tpu.memref_slice %arg4[%dma_start3A_1509, %multiple_of3A_1503] : memref<32x1000001xf32, #tpu.memory_space<hbm>> -> memref<32x128xf32, #tpu.memory_space<hbm>>
      %dma_start3A_1511 = arith.constant 0 : i32
      %dma_start3A_1512 = arith.constant 0 : i32
      %dma_start3A_1513 = tpu.memref_slice %arg11[%dma_start3A_1504, %dma_start3A_1511, %dma_start3A_1512] : memref<8x32x128xf32, #tpu.memory_space<vmem>> -> memref<1x32x128xf32, #tpu.memory_space<vmem>>
      %dma_start3A_1514 = tpu.memref_squeeze %dma_start3A_1513 : memref<1x32x128xf32, #tpu.memory_space<vmem>> -> memref<32x128xf32, #tpu.memory_space<vmem>>
      %dma_start3A_1515 = arith.constant 0 : i32
      %dma_start3A_1516 = tpu.memref_slice %arg4[%dma_start3A_1515, %multiple_of3A_1503] : memref<32x1000001xf32, #tpu.memory_space<hbm>> -> memref<32x128xf32, #tpu.memory_space<hbm>>
      tpu.enqueue_dma source(%dma_start3A_1516 : memref<32x128xf32, #tpu.memory_space<hbm>>) target(%dma_start3A_1514 : memref<32x128xf32, #tpu.memory_space<vmem>>) target_semaphore(%arg18 : memref<!tpu.dma_semaphore, #tpu.memory_space<semaphore_mem>>)
      %jit3A_1517 = arith.constant 128 : i32
      %div3A_1518 = arith.divsi %squeeze3A_1476, %jit3A_1517 : i32
      %sign3A_1519 = arith.constant 0 : i32
      %sign3A_1520 = arith.cmpi sgt, %squeeze3A_1476, %sign3A_1519 : i32
      %sign3A_1521 = arith.extui %sign3A_1520 : i1 to i32
      %sign3A_1522 = arith.constant 0 : i32
      %sign3A_1523 = arith.cmpi slt, %squeeze3A_1476, %sign3A_1522 : i32
      %sign3A_1524 = arith.extui %sign3A_1523 : i1 to i32
      %sign3A_1525 = arith.subi %sign3A_1521, %sign3A_1524 : i32
      %sign3A_1526 = arith.constant 0 : i32
      %sign3A_1527 = arith.cmpi sgt, %jit3A_1517, %sign3A_1526 : i32
      %sign3A_1528 = arith.extui %sign3A_1527 : i1 to i32
      %sign3A_1529 = arith.constant 0 : i32
      %sign3A_1530 = arith.cmpi slt, %jit3A_1517, %sign3A_1529 : i32
      %sign3A_1531 = arith.extui %sign3A_1530 : i1 to i32
      %sign3A_1532 = arith.subi %sign3A_1528, %sign3A_1531 : i32
      %ne3A_1533 = arith.cmpi ne, %sign3A_1525, %sign3A_1532 : i32
      %rem3A_1534 = arith.remsi %squeeze3A_1476, %jit3A_1517 : i32
      %ne3A_1535 = arith.constant 0 : i32
      %ne3A_1536 = arith.cmpi ne, %rem3A_1534, %ne3A_1535 : i32
      %and3A_1537 = arith.andi %ne3A_1533, %ne3A_1536 : i1
      %sub3A_1538 = arith.constant 1 : i32
      %sub3A_1539 = arith.subi %div3A_1518, %sub3A_1538 : i32
      %select_n3A_1540 = arith.select %and3A_1537, %sub3A_1539, %div3A_1518 : i32
      %mul3A_1541 = arith.constant 128 : i32
      %mul3A_1542 = arith.muli %select_n3A_1540, %mul3A_1541 : i32
      %multiple_of3A_1543 = tpu.assume_multiple %mul3A_1542, 128 : i32
      %dma_start3A_1544 = arith.constant 2 : i32
      %dma_start3A_1545 = arith.constant 0 : i32
      %dma_start3A_1546 = arith.constant 0 : i32
      %dma_start3A_1547 = tpu.memref_slice %arg12[%dma_start3A_1544, %dma_start3A_1545, %dma_start3A_1546] : memref<8x32x128xf32, #tpu.memory_space<vmem>> -> memref<1x32x128xf32, #tpu.memory_space<vmem>>
      %dma_start3A_1548 = tpu.memref_squeeze %dma_start3A_1547 : memref<1x32x128xf32, #tpu.memory_space<vmem>> -> memref<32x128xf32, #tpu.memory_space<vmem>>
      %dma_start3A_1549 = arith.constant 0 : i32
      %dma_start3A_1550 = tpu.memref_slice %arg6[%dma_start3A_1549, %multiple_of3A_1543] : memref<32x1000001xf32, #tpu.memory_space<hbm>> -> memref<32x128xf32, #tpu.memory_space<hbm>>
      %dma_start3A_1551 = arith.constant 0 : i32
      %dma_start3A_1552 = arith.constant 0 : i32
      %dma_start3A_1553 = tpu.memref_slice %arg12[%dma_start3A_1544, %dma_start3A_1551, %dma_start3A_1552] : memref<8x32x128xf32, #tpu.memory_space<vmem>> -> memref<1x32x128xf32, #tpu.memory_space<vmem>>
      %dma_start3A_1554 = tpu.memref_squeeze %dma_start3A_1553 : memref<1x32x128xf32, #tpu.memory_space<vmem>> -> memref<32x128xf32, #tpu.memory_space<vmem>>
      %dma_start3A_1555 = arith.constant 0 : i32
      %dma_start3A_1556 = tpu.memref_slice %arg6[%dma_start3A_1555, %multiple_of3A_1543] : memref<32x1000001xf32, #tpu.memory_space<hbm>> -> memref<32x128xf32, #tpu.memory_space<hbm>>
      tpu.enqueue_dma source(%dma_start3A_1556 : memref<32x128xf32, #tpu.memory_space<hbm>>) target(%dma_start3A_1554 : memref<32x128xf32, #tpu.memory_space<vmem>>) target_semaphore(%arg18 : memref<!tpu.dma_semaphore, #tpu.memory_space<semaphore_mem>>)
      %dma_wait3A_1557 = arith.constant 3 : i32
      %dma_wait3A_1558 = arith.constant 0 : i32
      %dma_wait3A_1559 = arith.constant 0 : i32
      %dma_wait3A_1560 = tpu.memref_slice %arg11[%dma_wait3A_1557, %dma_wait3A_1558, %dma_wait3A_1559] : memref<8x32x128xf32, #tpu.memory_space<vmem>> -> memref<1x32x128xf32, #tpu.memory_space<vmem>>
      %dma_wait3A_1561 = tpu.memref_squeeze %dma_wait3A_1560 : memref<1x32x128xf32, #tpu.memory_space<vmem>> -> memref<32x128xf32, #tpu.memory_space<vmem>>
      %dma_wait3A_1562 = arith.constant 0 : i32
      %dma_wait3A_1563 = tpu.memref_slice %arg4[%dma_wait3A_1562, %multiple_of3A_517] : memref<32x1000001xf32, #tpu.memory_space<hbm>> -> memref<32x128xf32, #tpu.memory_space<hbm>>
      %dma_wait3A_1564 = arith.constant 0 : i32
      %dma_wait3A_1565 = arith.constant 0 : i32
      %dma_wait3A_1566 = tpu.memref_slice %arg11[%dma_wait3A_1557, %dma_wait3A_1564, %dma_wait3A_1565] : memref<8x32x128xf32, #tpu.memory_space<vmem>> -> memref<1x32x128xf32, #tpu.memory_space<vmem>>
      %dma_wait3A_1567 = tpu.memref_squeeze %dma_wait3A_1566 : memref<1x32x128xf32, #tpu.memory_space<vmem>> -> memref<32x128xf32, #tpu.memory_space<vmem>>
      %dma_wait3A_1568 = arith.constant 0 : i32
      %dma_wait3A_1569 = tpu.memref_slice %arg4[%dma_wait3A_1568, %multiple_of3A_517] : memref<32x1000001xf32, #tpu.memory_space<hbm>> -> memref<32x128xf32, #tpu.memory_space<hbm>>
      tpu.wait_dma2 semaphore(%arg18 : memref<!tpu.dma_semaphore, #tpu.memory_space<semaphore_mem>>) src(%dma_wait3A_1569 : memref<32x128xf32, #tpu.memory_space<hbm>>) dst(%dma_wait3A_1567 : memref<32x128xf32, #tpu.memory_space<vmem>>)
      %jit3A_1570 = arith.constant 128 : i32
      %div3A_1571 = arith.divsi %squeeze3A_488, %jit3A_1570 : i32
      %sign3A_1572 = arith.constant 0 : i32
      %sign3A_1573 = arith.cmpi sgt, %squeeze3A_488, %sign3A_1572 : i32
      %sign3A_1574 = arith.extui %sign3A_1573 : i1 to i32
      %sign3A_1575 = arith.constant 0 : i32
      %sign3A_1576 = arith.cmpi slt, %squeeze3A_488, %sign3A_1575 : i32
      %sign3A_1577 = arith.extui %sign3A_1576 : i1 to i32
      %sign3A_1578 = arith.subi %sign3A_1574, %sign3A_1577 : i32
      %sign3A_1579 = arith.constant 0 : i32
      %sign3A_1580 = arith.cmpi sgt, %jit3A_1570, %sign3A_1579 : i32
      %sign3A_1581 = arith.extui %sign3A_1580 : i1 to i32
      %sign3A_1582 = arith.constant 0 : i32
      %sign3A_1583 = arith.cmpi slt, %jit3A_1570, %sign3A_1582 : i32
      %sign3A_1584 = arith.extui %sign3A_1583 : i1 to i32
      %sign3A_1585 = arith.subi %sign3A_1581, %sign3A_1584 : i32
      %ne3A_1586 = arith.cmpi ne, %sign3A_1578, %sign3A_1585 : i32
      %rem3A_1587 = arith.remsi %squeeze3A_488, %jit3A_1570 : i32
      %ne3A_1588 = arith.constant 0 : i32
      %ne3A_1589 = arith.cmpi ne, %rem3A_1587, %ne3A_1588 : i32
      %and3A_1590 = arith.andi %ne3A_1586, %ne3A_1589 : i1
      %sub3A_1591 = arith.constant 1 : i32
      %sub3A_1592 = arith.subi %div3A_1571, %sub3A_1591 : i32
      %select_n3A_1593 = arith.select %and3A_1590, %sub3A_1592, %div3A_1571 : i32
      %mul3A_1594 = arith.constant 128 : i32
      %mul3A_1595 = arith.muli %select_n3A_1593, %mul3A_1594 : i32
      %sub3A_1596 = arith.subi %squeeze3A_488, %mul3A_1595 : i32
      %broadcast_in_dim3A_1597 = arith.constant 3 : i32
      %broadcast_in_dim3A_1598 = vector.broadcast %broadcast_in_dim3A_1597 : i32 to vector<16xi32>
      %add3A_1599 = arith.constant 0 : i32
      %add3A_1600 = vector.broadcast %add3A_1599 : i32 to vector<16xi32>
      %add3A_1601 = arith.addi %iota3A, %add3A_1600 : vector<16xi32>
      %broadcast_in_dim3A_1602 = vector.broadcast %sub3A_1596 : i32 to vector<16xi32>
      %gather3A_1603 = tpu.vector_load_idx %arg11[%broadcast_in_dim3A_1598, %add3A_1601, %broadcast_in_dim3A_1602] : memref<8x32x128xf32, #tpu.memory_space<vmem>>[vector<16xi32>, vector<16xi32>, vector<16xi32>], vector<16xf32>,
      %mul3A_1604 = arith.constant 512 : i32
      %mul3A_1605 = vector.broadcast %mul3A_1604 : i32 to vector<16xi32>
      %mul3A_1606 = arith.muli %add3A_1601, %mul3A_1605 : vector<16xi32>
      %add3A_1607 = vector.broadcast %add3A_486 : i32 to vector<16xi32>
      %add3A_1608 = arith.addi %mul3A_1606, %add3A_1607 : vector<16xi32>
      tpu.vector_store_idx %arg13[%add3A_1608], %gather3A_1603 : memref<16384xf32, #tpu.memory_space<vmem>>[vector<16xi32>], vector<16xf32>,
      %add3A_1609 = arith.constant 16 : i32
      %add3A_1610 = vector.broadcast %add3A_1609 : i32 to vector<16xi32>
      %add3A_1611 = arith.addi %iota3A, %add3A_1610 : vector<16xi32>
      %broadcast_in_dim3A_1612 = vector.broadcast %sub3A_1596 : i32 to vector<16xi32>
      %gather3A_1613 = tpu.vector_load_idx %arg11[%broadcast_in_dim3A_1598, %add3A_1611, %broadcast_in_dim3A_1612] : memref<8x32x128xf32, #tpu.memory_space<vmem>>[vector<16xi32>, vector<16xi32>, vector<16xi32>], vector<16xf32>,
      %mul3A_1614 = arith.constant 512 : i32
      %mul3A_1615 = vector.broadcast %mul3A_1614 : i32 to vector<16xi32>
      %mul3A_1616 = arith.muli %add3A_1611, %mul3A_1615 : vector<16xi32>
      %add3A_1617 = vector.broadcast %add3A_486 : i32 to vector<16xi32>
      %add3A_1618 = arith.addi %mul3A_1616, %add3A_1617 : vector<16xi32>
      tpu.vector_store_idx %arg13[%add3A_1618], %gather3A_1613 : memref<16384xf32, #tpu.memory_space<vmem>>[vector<16xi32>], vector<16xf32>,
      %dma_wait3A_1619 = arith.constant 3 : i32
      %dma_wait3A_1620 = arith.constant 0 : i32
      %dma_wait3A_1621 = arith.constant 0 : i32
      %dma_wait3A_1622 = tpu.memref_slice %arg12[%dma_wait3A_1619, %dma_wait3A_1620, %dma_wait3A_1621] : memref<8x32x128xf32, #tpu.memory_space<vmem>> -> memref<1x32x128xf32, #tpu.memory_space<vmem>>
      %dma_wait3A_1623 = tpu.memref_squeeze %dma_wait3A_1622 : memref<1x32x128xf32, #tpu.memory_space<vmem>> -> memref<32x128xf32, #tpu.memory_space<vmem>>
      %dma_wait3A_1624 = arith.constant 0 : i32
      %dma_wait3A_1625 = tpu.memref_slice %arg6[%dma_wait3A_1624, %multiple_of3A_557] : memref<32x1000001xf32, #tpu.memory_space<hbm>> -> memref<32x128xf32, #tpu.memory_space<hbm>>
      %dma_wait3A_1626 = arith.constant 0 : i32
      %dma_wait3A_1627 = arith.constant 0 : i32
      %dma_wait3A_1628 = tpu.memref_slice %arg12[%dma_wait3A_1619, %dma_wait3A_1626, %dma_wait3A_1627] : memref<8x32x128xf32, #tpu.memory_space<vmem>> -> memref<1x32x128xf32, #tpu.memory_space<vmem>>
      %dma_wait3A_1629 = tpu.memref_squeeze %dma_wait3A_1628 : memref<1x32x128xf32, #tpu.memory_space<vmem>> -> memref<32x128xf32, #tpu.memory_space<vmem>>
      %dma_wait3A_1630 = arith.constant 0 : i32
      %dma_wait3A_1631 = tpu.memref_slice %arg6[%dma_wait3A_1630, %multiple_of3A_557] : memref<32x1000001xf32, #tpu.memory_space<hbm>> -> memref<32x128xf32, #tpu.memory_space<hbm>>
      tpu.wait_dma2 semaphore(%arg18 : memref<!tpu.dma_semaphore, #tpu.memory_space<semaphore_mem>>) src(%dma_wait3A_1631 : memref<32x128xf32, #tpu.memory_space<hbm>>) dst(%dma_wait3A_1629 : memref<32x128xf32, #tpu.memory_space<vmem>>)
      %jit3A_1632 = arith.constant 128 : i32
      %div3A_1633 = arith.divsi %squeeze3A_490, %jit3A_1632 : i32
      %sign3A_1634 = arith.constant 0 : i32
      %sign3A_1635 = arith.cmpi sgt, %squeeze3A_490, %sign3A_1634 : i32
      %sign3A_1636 = arith.extui %sign3A_1635 : i1 to i32
      %sign3A_1637 = arith.constant 0 : i32
      %sign3A_1638 = arith.cmpi slt, %squeeze3A_490, %sign3A_1637 : i32
      %sign3A_1639 = arith.extui %sign3A_1638 : i1 to i32
      %sign3A_1640 = arith.subi %sign3A_1636, %sign3A_1639 : i32
      %sign3A_1641 = arith.constant 0 : i32
      %sign3A_1642 = arith.cmpi sgt, %jit3A_1632, %sign3A_1641 : i32
      %sign3A_1643 = arith.extui %sign3A_1642 : i1 to i32
      %sign3A_1644 = arith.constant 0 : i32
      %sign3A_1645 = arith.cmpi slt, %jit3A_1632, %sign3A_1644 : i32
      %sign3A_1646 = arith.extui %sign3A_1645 : i1 to i32
      %sign3A_1647 = arith.subi %sign3A_1643, %sign3A_1646 : i32
      %ne3A_1648 = arith.cmpi ne, %sign3A_1640, %sign3A_1647 : i32
      %rem3A_1649 = arith.remsi %squeeze3A_490, %jit3A_1632 : i32
      %ne3A_1650 = arith.constant 0 : i32
      %ne3A_1651 = arith.cmpi ne, %rem3A_1649, %ne3A_1650 : i32
      %and3A_1652 = arith.andi %ne3A_1648, %ne3A_1651 : i1
      %sub3A_1653 = arith.constant 1 : i32
      %sub3A_1654 = arith.subi %div3A_1633, %sub3A_1653 : i32
      %select_n3A_1655 = arith.select %and3A_1652, %sub3A_1654, %div3A_1633 : i32
      %mul3A_1656 = arith.constant 128 : i32
      %mul3A_1657 = arith.muli %select_n3A_1655, %mul3A_1656 : i32
      %sub3A_1658 = arith.subi %squeeze3A_490, %mul3A_1657 : i32
      %broadcast_in_dim3A_1659 = arith.constant 3 : i32
      %broadcast_in_dim3A_1660 = vector.broadcast %broadcast_in_dim3A_1659 : i32 to vector<16xi32>
      %add3A_1661 = arith.constant 0 : i32
      %add3A_1662 = vector.broadcast %add3A_1661 : i32 to vector<16xi32>
      %add3A_1663 = arith.addi %iota3A, %add3A_1662 : vector<16xi32>
      %broadcast_in_dim3A_1664 = vector.broadcast %sub3A_1658 : i32 to vector<16xi32>
      %gather3A_1665 = tpu.vector_load_idx %arg12[%broadcast_in_dim3A_1660, %add3A_1663, %broadcast_in_dim3A_1664] : memref<8x32x128xf32, #tpu.memory_space<vmem>>[vector<16xi32>, vector<16xi32>, vector<16xi32>], vector<16xf32>,
      %mul3A_1666 = arith.constant 512 : i32
      %mul3A_1667 = vector.broadcast %mul3A_1666 : i32 to vector<16xi32>
      %mul3A_1668 = arith.muli %add3A_1663, %mul3A_1667 : vector<16xi32>
      %add3A_1669 = vector.broadcast %add3A_486 : i32 to vector<16xi32>
      %add3A_1670 = arith.addi %mul3A_1668, %add3A_1669 : vector<16xi32>
      tpu.vector_store_idx %arg14[%add3A_1670], %gather3A_1665 : memref<16384xf32, #tpu.memory_space<vmem>>[vector<16xi32>], vector<16xf32>,
      %add3A_1671 = arith.constant 16 : i32
      %add3A_1672 = vector.broadcast %add3A_1671 : i32 to vector<16xi32>
      %add3A_1673 = arith.addi %iota3A, %add3A_1672 : vector<16xi32>
      %broadcast_in_dim3A_1674 = vector.broadcast %sub3A_1658 : i32 to vector<16xi32>
      %gather3A_1675 = tpu.vector_load_idx %arg12[%broadcast_in_dim3A_1660, %add3A_1673, %broadcast_in_dim3A_1674] : memref<8x32x128xf32, #tpu.memory_space<vmem>>[vector<16xi32>, vector<16xi32>, vector<16xi32>], vector<16xf32>,
      %mul3A_1676 = arith.constant 512 : i32
      %mul3A_1677 = vector.broadcast %mul3A_1676 : i32 to vector<16xi32>
      %mul3A_1678 = arith.muli %add3A_1673, %mul3A_1677 : vector<16xi32>
      %add3A_1679 = vector.broadcast %add3A_486 : i32 to vector<16xi32>
      %add3A_1680 = arith.addi %mul3A_1678, %add3A_1679 : vector<16xi32>
      tpu.vector_store_idx %arg14[%add3A_1680], %gather3A_1675 : memref<16384xf32, #tpu.memory_space<vmem>>[vector<16xi32>], vector<16xf32>,
      %mul3A_1681 = arith.constant 16 : i32
      %mul3A_1682 = arith.muli %scan3A_195, %mul3A_1681 : i32
      %add3A_1683 = arith.constant 11 : i32
      %add3A_1684 = arith.addi %mul3A_1682, %add3A_1683 : i32
      %slice3A_1685 = vector.extract_strided_slice %get3A_218 {offsets = [11], sizes = [1], strides = [1]} : vector<16xi32> to vector<1xi32>
      %squeeze3A_1686 = vector.extract %slice3A_1685[0] : i32 from vector<1xi32>
      %slice3A_1687 = vector.extract_strided_slice %get3A_221 {offsets = [11], sizes = [1], strides = [1]} : vector<16xi32> to vector<1xi32>
      %squeeze3A_1688 = vector.extract %slice3A_1687[0] : i32 from vector<1xi32>
      %jit3A_1689 = arith.constant 128 : i32
      %div3A_1690 = arith.divsi %squeeze3A_1686, %jit3A_1689 : i32
      %sign3A_1691 = arith.constant 0 : i32
      %sign3A_1692 = arith.cmpi sgt, %squeeze3A_1686, %sign3A_1691 : i32
      %sign3A_1693 = arith.extui %sign3A_1692 : i1 to i32
      %sign3A_1694 = arith.constant 0 : i32
      %sign3A_1695 = arith.cmpi slt, %squeeze3A_1686, %sign3A_1694 : i32
      %sign3A_1696 = arith.extui %sign3A_1695 : i1 to i32
      %sign3A_1697 = arith.subi %sign3A_1693, %sign3A_1696 : i32
      %sign3A_1698 = arith.constant 0 : i32
      %sign3A_1699 = arith.cmpi sgt, %jit3A_1689, %sign3A_1698 : i32
      %sign3A_1700 = arith.extui %sign3A_1699 : i1 to i32
      %sign3A_1701 = arith.constant 0 : i32
      %sign3A_1702 = arith.cmpi slt, %jit3A_1689, %sign3A_1701 : i32
      %sign3A_1703 = arith.extui %sign3A_1702 : i1 to i32
      %sign3A_1704 = arith.subi %sign3A_1700, %sign3A_1703 : i32
      %ne3A_1705 = arith.cmpi ne, %sign3A_1697, %sign3A_1704 : i32
      %rem3A_1706 = arith.remsi %squeeze3A_1686, %jit3A_1689 : i32
      %ne3A_1707 = arith.constant 0 : i32
      %ne3A_1708 = arith.cmpi ne, %rem3A_1706, %ne3A_1707 : i32
      %and3A_1709 = arith.andi %ne3A_1705, %ne3A_1708 : i1
      %sub3A_1710 = arith.constant 1 : i32
      %sub3A_1711 = arith.subi %div3A_1690, %sub3A_1710 : i32
      %select_n3A_1712 = arith.select %and3A_1709, %sub3A_1711, %div3A_1690 : i32
      %mul3A_1713 = arith.constant 128 : i32
      %mul3A_1714 = arith.muli %select_n3A_1712, %mul3A_1713 : i32
      %multiple_of3A_1715 = tpu.assume_multiple %mul3A_1714, 128 : i32
      %dma_start3A_1716 = arith.constant 3 : i32
      %dma_start3A_1717 = arith.constant 0 : i32
      %dma_start3A_1718 = arith.constant 0 : i32
      %dma_start3A_1719 = tpu.memref_slice %arg11[%dma_start3A_1716, %dma_start3A_1717, %dma_start3A_1718] : memref<8x32x128xf32, #tpu.memory_space<vmem>> -> memref<1x32x128xf32, #tpu.memory_space<vmem>>
      %dma_start3A_1720 = tpu.memref_squeeze %dma_start3A_1719 : memref<1x32x128xf32, #tpu.memory_space<vmem>> -> memref<32x128xf32, #tpu.memory_space<vmem>>
      %dma_start3A_1721 = arith.constant 0 : i32
      %dma_start3A_1722 = tpu.memref_slice %arg4[%dma_start3A_1721, %multiple_of3A_1715] : memref<32x1000001xf32, #tpu.memory_space<hbm>> -> memref<32x128xf32, #tpu.memory_space<hbm>>
      %dma_start3A_1723 = arith.constant 0 : i32
      %dma_start3A_1724 = arith.constant 0 : i32
      %dma_start3A_1725 = tpu.memref_slice %arg11[%dma_start3A_1716, %dma_start3A_1723, %dma_start3A_1724] : memref<8x32x128xf32, #tpu.memory_space<vmem>> -> memref<1x32x128xf32, #tpu.memory_space<vmem>>
      %dma_start3A_1726 = tpu.memref_squeeze %dma_start3A_1725 : memref<1x32x128xf32, #tpu.memory_space<vmem>> -> memref<32x128xf32, #tpu.memory_space<vmem>>
      %dma_start3A_1727 = arith.constant 0 : i32
      %dma_start3A_1728 = tpu.memref_slice %arg4[%dma_start3A_1727, %multiple_of3A_1715] : memref<32x1000001xf32, #tpu.memory_space<hbm>> -> memref<32x128xf32, #tpu.memory_space<hbm>>
      tpu.enqueue_dma source(%dma_start3A_1728 : memref<32x128xf32, #tpu.memory_space<hbm>>) target(%dma_start3A_1726 : memref<32x128xf32, #tpu.memory_space<vmem>>) target_semaphore(%arg18 : memref<!tpu.dma_semaphore, #tpu.memory_space<semaphore_mem>>)
      %jit3A_1729 = arith.constant 128 : i32
      %div3A_1730 = arith.divsi %squeeze3A_1688, %jit3A_1729 : i32
      %sign3A_1731 = arith.constant 0 : i32
      %sign3A_1732 = arith.cmpi sgt, %squeeze3A_1688, %sign3A_1731 : i32
      %sign3A_1733 = arith.extui %sign3A_1732 : i1 to i32
      %sign3A_1734 = arith.constant 0 : i32
      %sign3A_1735 = arith.cmpi slt, %squeeze3A_1688, %sign3A_1734 : i32
      %sign3A_1736 = arith.extui %sign3A_1735 : i1 to i32
      %sign3A_1737 = arith.subi %sign3A_1733, %sign3A_1736 : i32
      %sign3A_1738 = arith.constant 0 : i32
      %sign3A_1739 = arith.cmpi sgt, %jit3A_1729, %sign3A_1738 : i32
      %sign3A_1740 = arith.extui %sign3A_1739 : i1 to i32
      %sign3A_1741 = arith.constant 0 : i32
      %sign3A_1742 = arith.cmpi slt, %jit3A_1729, %sign3A_1741 : i32
      %sign3A_1743 = arith.extui %sign3A_1742 : i1 to i32
      %sign3A_1744 = arith.subi %sign3A_1740, %sign3A_1743 : i32
      %ne3A_1745 = arith.cmpi ne, %sign3A_1737, %sign3A_1744 : i32
      %rem3A_1746 = arith.remsi %squeeze3A_1688, %jit3A_1729 : i32
      %ne3A_1747 = arith.constant 0 : i32
      %ne3A_1748 = arith.cmpi ne, %rem3A_1746, %ne3A_1747 : i32
      %and3A_1749 = arith.andi %ne3A_1745, %ne3A_1748 : i1
      %sub3A_1750 = arith.constant 1 : i32
      %sub3A_1751 = arith.subi %div3A_1730, %sub3A_1750 : i32
      %select_n3A_1752 = arith.select %and3A_1749, %sub3A_1751, %div3A_1730 : i32
      %mul3A_1753 = arith.constant 128 : i32
      %mul3A_1754 = arith.muli %select_n3A_1752, %mul3A_1753 : i32
      %multiple_of3A_1755 = tpu.assume_multiple %mul3A_1754, 128 : i32
      %dma_start3A_1756 = arith.constant 3 : i32
      %dma_start3A_1757 = arith.constant 0 : i32
      %dma_start3A_1758 = arith.constant 0 : i32
      %dma_start3A_1759 = tpu.memref_slice %arg12[%dma_start3A_1756, %dma_start3A_1757, %dma_start3A_1758] : memref<8x32x128xf32, #tpu.memory_space<vmem>> -> memref<1x32x128xf32, #tpu.memory_space<vmem>>
      %dma_start3A_1760 = tpu.memref_squeeze %dma_start3A_1759 : memref<1x32x128xf32, #tpu.memory_space<vmem>> -> memref<32x128xf32, #tpu.memory_space<vmem>>
      %dma_start3A_1761 = arith.constant 0 : i32
      %dma_start3A_1762 = tpu.memref_slice %arg6[%dma_start3A_1761, %multiple_of3A_1755] : memref<32x1000001xf32, #tpu.memory_space<hbm>> -> memref<32x128xf32, #tpu.memory_space<hbm>>
      %dma_start3A_1763 = arith.constant 0 : i32
      %dma_start3A_1764 = arith.constant 0 : i32
      %dma_start3A_1765 = tpu.memref_slice %arg12[%dma_start3A_1756, %dma_start3A_1763, %dma_start3A_1764] : memref<8x32x128xf32, #tpu.memory_space<vmem>> -> memref<1x32x128xf32, #tpu.memory_space<vmem>>
      %dma_start3A_1766 = tpu.memref_squeeze %dma_start3A_1765 : memref<1x32x128xf32, #tpu.memory_space<vmem>> -> memref<32x128xf32, #tpu.memory_space<vmem>>
      %dma_start3A_1767 = arith.constant 0 : i32
      %dma_start3A_1768 = tpu.memref_slice %arg6[%dma_start3A_1767, %multiple_of3A_1755] : memref<32x1000001xf32, #tpu.memory_space<hbm>> -> memref<32x128xf32, #tpu.memory_space<hbm>>
      tpu.enqueue_dma source(%dma_start3A_1768 : memref<32x128xf32, #tpu.memory_space<hbm>>) target(%dma_start3A_1766 : memref<32x128xf32, #tpu.memory_space<vmem>>) target_semaphore(%arg18 : memref<!tpu.dma_semaphore, #tpu.memory_space<semaphore_mem>>)
      %dma_wait3A_1769 = arith.constant 4 : i32
      %dma_wait3A_1770 = arith.constant 0 : i32
      %dma_wait3A_1771 = arith.constant 0 : i32
      %dma_wait3A_1772 = tpu.memref_slice %arg11[%dma_wait3A_1769, %dma_wait3A_1770, %dma_wait3A_1771] : memref<8x32x128xf32, #tpu.memory_space<vmem>> -> memref<1x32x128xf32, #tpu.memory_space<vmem>>
      %dma_wait3A_1773 = tpu.memref_squeeze %dma_wait3A_1772 : memref<1x32x128xf32, #tpu.memory_space<vmem>> -> memref<32x128xf32, #tpu.memory_space<vmem>>
      %dma_wait3A_1774 = arith.constant 0 : i32
      %dma_wait3A_1775 = tpu.memref_slice %arg4[%dma_wait3A_1774, %multiple_of3A_605] : memref<32x1000001xf32, #tpu.memory_space<hbm>> -> memref<32x128xf32, #tpu.memory_space<hbm>>
      %dma_wait3A_1776 = arith.constant 0 : i32
      %dma_wait3A_1777 = arith.constant 0 : i32
      %dma_wait3A_1778 = tpu.memref_slice %arg11[%dma_wait3A_1769, %dma_wait3A_1776, %dma_wait3A_1777] : memref<8x32x128xf32, #tpu.memory_space<vmem>> -> memref<1x32x128xf32, #tpu.memory_space<vmem>>
      %dma_wait3A_1779 = tpu.memref_squeeze %dma_wait3A_1778 : memref<1x32x128xf32, #tpu.memory_space<vmem>> -> memref<32x128xf32, #tpu.memory_space<vmem>>
      %dma_wait3A_1780 = arith.constant 0 : i32
      %dma_wait3A_1781 = tpu.memref_slice %arg4[%dma_wait3A_1780, %multiple_of3A_605] : memref<32x1000001xf32, #tpu.memory_space<hbm>> -> memref<32x128xf32, #tpu.memory_space<hbm>>
      tpu.wait_dma2 semaphore(%arg18 : memref<!tpu.dma_semaphore, #tpu.memory_space<semaphore_mem>>) src(%dma_wait3A_1781 : memref<32x128xf32, #tpu.memory_space<hbm>>) dst(%dma_wait3A_1779 : memref<32x128xf32, #tpu.memory_space<vmem>>)
      %jit3A_1782 = arith.constant 128 : i32
      %div3A_1783 = arith.divsi %squeeze3A_576, %jit3A_1782 : i32
      %sign3A_1784 = arith.constant 0 : i32
      %sign3A_1785 = arith.cmpi sgt, %squeeze3A_576, %sign3A_1784 : i32
      %sign3A_1786 = arith.extui %sign3A_1785 : i1 to i32
      %sign3A_1787 = arith.constant 0 : i32
      %sign3A_1788 = arith.cmpi slt, %squeeze3A_576, %sign3A_1787 : i32
      %sign3A_1789 = arith.extui %sign3A_1788 : i1 to i32
      %sign3A_1790 = arith.subi %sign3A_1786, %sign3A_1789 : i32
      %sign3A_1791 = arith.constant 0 : i32
      %sign3A_1792 = arith.cmpi sgt, %jit3A_1782, %sign3A_1791 : i32
      %sign3A_1793 = arith.extui %sign3A_1792 : i1 to i32
      %sign3A_1794 = arith.constant 0 : i32
      %sign3A_1795 = arith.cmpi slt, %jit3A_1782, %sign3A_1794 : i32
      %sign3A_1796 = arith.extui %sign3A_1795 : i1 to i32
      %sign3A_1797 = arith.subi %sign3A_1793, %sign3A_1796 : i32
      %ne3A_1798 = arith.cmpi ne, %sign3A_1790, %sign3A_1797 : i32
      %rem3A_1799 = arith.remsi %squeeze3A_576, %jit3A_1782 : i32
      %ne3A_1800 = arith.constant 0 : i32
      %ne3A_1801 = arith.cmpi ne, %rem3A_1799, %ne3A_1800 : i32
      %and3A_1802 = arith.andi %ne3A_1798, %ne3A_1801 : i1
      %sub3A_1803 = arith.constant 1 : i32
      %sub3A_1804 = arith.subi %div3A_1783, %sub3A_1803 : i32
      %select_n3A_1805 = arith.select %and3A_1802, %sub3A_1804, %div3A_1783 : i32
      %mul3A_1806 = arith.constant 128 : i32
      %mul3A_1807 = arith.muli %select_n3A_1805, %mul3A_1806 : i32
      %sub3A_1808 = arith.subi %squeeze3A_576, %mul3A_1807 : i32
      %broadcast_in_dim3A_1809 = arith.constant 4 : i32
      %broadcast_in_dim3A_1810 = vector.broadcast %broadcast_in_dim3A_1809 : i32 to vector<16xi32>
      %add3A_1811 = arith.constant 0 : i32
      %add3A_1812 = vector.broadcast %add3A_1811 : i32 to vector<16xi32>
      %add3A_1813 = arith.addi %iota3A, %add3A_1812 : vector<16xi32>
      %broadcast_in_dim3A_1814 = vector.broadcast %sub3A_1808 : i32 to vector<16xi32>
      %gather3A_1815 = tpu.vector_load_idx %arg11[%broadcast_in_dim3A_1810, %add3A_1813, %broadcast_in_dim3A_1814] : memref<8x32x128xf32, #tpu.memory_space<vmem>>[vector<16xi32>, vector<16xi32>, vector<16xi32>], vector<16xf32>,
      %mul3A_1816 = arith.constant 512 : i32
      %mul3A_1817 = vector.broadcast %mul3A_1816 : i32 to vector<16xi32>
      %mul3A_1818 = arith.muli %add3A_1813, %mul3A_1817 : vector<16xi32>
      %add3A_1819 = vector.broadcast %add3A_574 : i32 to vector<16xi32>
      %add3A_1820 = arith.addi %mul3A_1818, %add3A_1819 : vector<16xi32>
      tpu.vector_store_idx %arg13[%add3A_1820], %gather3A_1815 : memref<16384xf32, #tpu.memory_space<vmem>>[vector<16xi32>], vector<16xf32>,
      %add3A_1821 = arith.constant 16 : i32
      %add3A_1822 = vector.broadcast %add3A_1821 : i32 to vector<16xi32>
      %add3A_1823 = arith.addi %iota3A, %add3A_1822 : vector<16xi32>
      %broadcast_in_dim3A_1824 = vector.broadcast %sub3A_1808 : i32 to vector<16xi32>
      %gather3A_1825 = tpu.vector_load_idx %arg11[%broadcast_in_dim3A_1810, %add3A_1823, %broadcast_in_dim3A_1824] : memref<8x32x128xf32, #tpu.memory_space<vmem>>[vector<16xi32>, vector<16xi32>, vector<16xi32>], vector<16xf32>,
      %mul3A_1826 = arith.constant 512 : i32
      %mul3A_1827 = vector.broadcast %mul3A_1826 : i32 to vector<16xi32>
      %mul3A_1828 = arith.muli %add3A_1823, %mul3A_1827 : vector<16xi32>
      %add3A_1829 = vector.broadcast %add3A_574 : i32 to vector<16xi32>
      %add3A_1830 = arith.addi %mul3A_1828, %add3A_1829 : vector<16xi32>
      tpu.vector_store_idx %arg13[%add3A_1830], %gather3A_1825 : memref<16384xf32, #tpu.memory_space<vmem>>[vector<16xi32>], vector<16xf32>,
      %dma_wait3A_1831 = arith.constant 4 : i32
      %dma_wait3A_1832 = arith.constant 0 : i32
      %dma_wait3A_1833 = arith.constant 0 : i32
      %dma_wait3A_1834 = tpu.memref_slice %arg12[%dma_wait3A_1831, %dma_wait3A_1832, %dma_wait3A_1833] : memref<8x32x128xf32, #tpu.memory_space<vmem>> -> memref<1x32x128xf32, #tpu.memory_space<vmem>>
      %dma_wait3A_1835 = tpu.memref_squeeze %dma_wait3A_1834 : memref<1x32x128xf32, #tpu.memory_space<vmem>> -> memref<32x128xf32, #tpu.memory_space<vmem>>
      %dma_wait3A_1836 = arith.constant 0 : i32
      %dma_wait3A_1837 = tpu.memref_slice %arg6[%dma_wait3A_1836, %multiple_of3A_645] : memref<32x1000001xf32, #tpu.memory_space<hbm>> -> memref<32x128xf32, #tpu.memory_space<hbm>>
      %dma_wait3A_1838 = arith.constant 0 : i32
      %dma_wait3A_1839 = arith.constant 0 : i32
      %dma_wait3A_1840 = tpu.memref_slice %arg12[%dma_wait3A_1831, %dma_wait3A_1838, %dma_wait3A_1839] : memref<8x32x128xf32, #tpu.memory_space<vmem>> -> memref<1x32x128xf32, #tpu.memory_space<vmem>>
      %dma_wait3A_1841 = tpu.memref_squeeze %dma_wait3A_1840 : memref<1x32x128xf32, #tpu.memory_space<vmem>> -> memref<32x128xf32, #tpu.memory_space<vmem>>
      %dma_wait3A_1842 = arith.constant 0 : i32
      %dma_wait3A_1843 = tpu.memref_slice %arg6[%dma_wait3A_1842, %multiple_of3A_645] : memref<32x1000001xf32, #tpu.memory_space<hbm>> -> memref<32x128xf32, #tpu.memory_space<hbm>>
      tpu.wait_dma2 semaphore(%arg18 : memref<!tpu.dma_semaphore, #tpu.memory_space<semaphore_mem>>) src(%dma_wait3A_1843 : memref<32x128xf32, #tpu.memory_space<hbm>>) dst(%dma_wait3A_1841 : memref<32x128xf32, #tpu.memory_space<vmem>>)
      %jit3A_1844 = arith.constant 128 : i32
      %div3A_1845 = arith.divsi %squeeze3A_578, %jit3A_1844 : i32
      %sign3A_1846 = arith.constant 0 : i32
      %sign3A_1847 = arith.cmpi sgt, %squeeze3A_578, %sign3A_1846 : i32
      %sign3A_1848 = arith.extui %sign3A_1847 : i1 to i32
      %sign3A_1849 = arith.constant 0 : i32
      %sign3A_1850 = arith.cmpi slt, %squeeze3A_578, %sign3A_1849 : i32
      %sign3A_1851 = arith.extui %sign3A_1850 : i1 to i32
      %sign3A_1852 = arith.subi %sign3A_1848, %sign3A_1851 : i32
      %sign3A_1853 = arith.constant 0 : i32
      %sign3A_1854 = arith.cmpi sgt, %jit3A_1844, %sign3A_1853 : i32
      %sign3A_1855 = arith.extui %sign3A_1854 : i1 to i32
      %sign3A_1856 = arith.constant 0 : i32
      %sign3A_1857 = arith.cmpi slt, %jit3A_1844, %sign3A_1856 : i32
      %sign3A_1858 = arith.extui %sign3A_1857 : i1 to i32
      %sign3A_1859 = arith.subi %sign3A_1855, %sign3A_1858 : i32
      %ne3A_1860 = arith.cmpi ne, %sign3A_1852, %sign3A_1859 : i32
      %rem3A_1861 = arith.remsi %squeeze3A_578, %jit3A_1844 : i32
      %ne3A_1862 = arith.constant 0 : i32
      %ne3A_1863 = arith.cmpi ne, %rem3A_1861, %ne3A_1862 : i32
      %and3A_1864 = arith.andi %ne3A_1860, %ne3A_1863 : i1
      %sub3A_1865 = arith.constant 1 : i32
      %sub3A_1866 = arith.subi %div3A_1845, %sub3A_1865 : i32
      %select_n3A_1867 = arith.select %and3A_1864, %sub3A_1866, %div3A_1845 : i32
      %mul3A_1868 = arith.constant 128 : i32
      %mul3A_1869 = arith.muli %select_n3A_1867, %mul3A_1868 : i32
      %sub3A_1870 = arith.subi %squeeze3A_578, %mul3A_1869 : i32
      %broadcast_in_dim3A_1871 = arith.constant 4 : i32
      %broadcast_in_dim3A_1872 = vector.broadcast %broadcast_in_dim3A_1871 : i32 to vector<16xi32>
      %add3A_1873 = arith.constant 0 : i32
      %add3A_1874 = vector.broadcast %add3A_1873 : i32 to vector<16xi32>
      %add3A_1875 = arith.addi %iota3A, %add3A_1874 : vector<16xi32>
      %broadcast_in_dim3A_1876 = vector.broadcast %sub3A_1870 : i32 to vector<16xi32>
      %gather3A_1877 = tpu.vector_load_idx %arg12[%broadcast_in_dim3A_1872, %add3A_1875, %broadcast_in_dim3A_1876] : memref<8x32x128xf32, #tpu.memory_space<vmem>>[vector<16xi32>, vector<16xi32>, vector<16xi32>], vector<16xf32>,
      %mul3A_1878 = arith.constant 512 : i32
      %mul3A_1879 = vector.broadcast %mul3A_1878 : i32 to vector<16xi32>
      %mul3A_1880 = arith.muli %add3A_1875, %mul3A_1879 : vector<16xi32>
      %add3A_1881 = vector.broadcast %add3A_574 : i32 to vector<16xi32>
      %add3A_1882 = arith.addi %mul3A_1880, %add3A_1881 : vector<16xi32>
      tpu.vector_store_idx %arg14[%add3A_1882], %gather3A_1877 : memref<16384xf32, #tpu.memory_space<vmem>>[vector<16xi32>], vector<16xf32>,
      %add3A_1883 = arith.constant 16 : i32
      %add3A_1884 = vector.broadcast %add3A_1883 : i32 to vector<16xi32>
      %add3A_1885 = arith.addi %iota3A, %add3A_1884 : vector<16xi32>
      %broadcast_in_dim3A_1886 = vector.broadcast %sub3A_1870 : i32 to vector<16xi32>
      %gather3A_1887 = tpu.vector_load_idx %arg12[%broadcast_in_dim3A_1872, %add3A_1885, %broadcast_in_dim3A_1886] : memref<8x32x128xf32, #tpu.memory_space<vmem>>[vector<16xi32>, vector<16xi32>, vector<16xi32>], vector<16xf32>,
      %mul3A_1888 = arith.constant 512 : i32
      %mul3A_1889 = vector.broadcast %mul3A_1888 : i32 to vector<16xi32>
      %mul3A_1890 = arith.muli %add3A_1885, %mul3A_1889 : vector<16xi32>
      %add3A_1891 = vector.broadcast %add3A_574 : i32 to vector<16xi32>
      %add3A_1892 = arith.addi %mul3A_1890, %add3A_1891 : vector<16xi32>
      tpu.vector_store_idx %arg14[%add3A_1892], %gather3A_1887 : memref<16384xf32, #tpu.memory_space<vmem>>[vector<16xi32>], vector<16xf32>,
      %mul3A_1893 = arith.constant 16 : i32
      %mul3A_1894 = arith.muli %scan3A_195, %mul3A_1893 : i32
      %add3A_1895 = arith.constant 12 : i32
      %add3A_1896 = arith.addi %mul3A_1894, %add3A_1895 : i32
      %slice3A_1897 = vector.extract_strided_slice %get3A_218 {offsets = [12], sizes = [1], strides = [1]} : vector<16xi32> to vector<1xi32>
      %squeeze3A_1898 = vector.extract %slice3A_1897[0] : i32 from vector<1xi32>
      %slice3A_1899 = vector.extract_strided_slice %get3A_221 {offsets = [12], sizes = [1], strides = [1]} : vector<16xi32> to vector<1xi32>
      %squeeze3A_1900 = vector.extract %slice3A_1899[0] : i32 from vector<1xi32>
      %jit3A_1901 = arith.constant 128 : i32
      %div3A_1902 = arith.divsi %squeeze3A_1898, %jit3A_1901 : i32
      %sign3A_1903 = arith.constant 0 : i32
      %sign3A_1904 = arith.cmpi sgt, %squeeze3A_1898, %sign3A_1903 : i32
      %sign3A_1905 = arith.extui %sign3A_1904 : i1 to i32
      %sign3A_1906 = arith.constant 0 : i32
      %sign3A_1907 = arith.cmpi slt, %squeeze3A_1898, %sign3A_1906 : i32
      %sign3A_1908 = arith.extui %sign3A_1907 : i1 to i32
      %sign3A_1909 = arith.subi %sign3A_1905, %sign3A_1908 : i32
      %sign3A_1910 = arith.constant 0 : i32
      %sign3A_1911 = arith.cmpi sgt, %jit3A_1901, %sign3A_1910 : i32
      %sign3A_1912 = arith.extui %sign3A_1911 : i1 to i32
      %sign3A_1913 = arith.constant 0 : i32
      %sign3A_1914 = arith.cmpi slt, %jit3A_1901, %sign3A_1913 : i32
      %sign3A_1915 = arith.extui %sign3A_1914 : i1 to i32
      %sign3A_1916 = arith.subi %sign3A_1912, %sign3A_1915 : i32
      %ne3A_1917 = arith.cmpi ne, %sign3A_1909, %sign3A_1916 : i32
      %rem3A_1918 = arith.remsi %squeeze3A_1898, %jit3A_1901 : i32
      %ne3A_1919 = arith.constant 0 : i32
      %ne3A_1920 = arith.cmpi ne, %rem3A_1918, %ne3A_1919 : i32
      %and3A_1921 = arith.andi %ne3A_1917, %ne3A_1920 : i1
      %sub3A_1922 = arith.constant 1 : i32
      %sub3A_1923 = arith.subi %div3A_1902, %sub3A_1922 : i32
      %select_n3A_1924 = arith.select %and3A_1921, %sub3A_1923, %div3A_1902 : i32
      %mul3A_1925 = arith.constant 128 : i32
      %mul3A_1926 = arith.muli %select_n3A_1924, %mul3A_1925 : i32
      %multiple_of3A_1927 = tpu.assume_multiple %mul3A_1926, 128 : i32
      %dma_start3A_1928 = arith.constant 4 : i32
      %dma_start3A_1929 = arith.constant 0 : i32
      %dma_start3A_1930 = arith.constant 0 : i32
      %dma_start3A_1931 = tpu.memref_slice %arg11[%dma_start3A_1928, %dma_start3A_1929, %dma_start3A_1930] : memref<8x32x128xf32, #tpu.memory_space<vmem>> -> memref<1x32x128xf32, #tpu.memory_space<vmem>>
      %dma_start3A_1932 = tpu.memref_squeeze %dma_start3A_1931 : memref<1x32x128xf32, #tpu.memory_space<vmem>> -> memref<32x128xf32, #tpu.memory_space<vmem>>
      %dma_start3A_1933 = arith.constant 0 : i32
      %dma_start3A_1934 = tpu.memref_slice %arg4[%dma_start3A_1933, %multiple_of3A_1927] : memref<32x1000001xf32, #tpu.memory_space<hbm>> -> memref<32x128xf32, #tpu.memory_space<hbm>>
      %dma_start3A_1935 = arith.constant 0 : i32
      %dma_start3A_1936 = arith.constant 0 : i32
      %dma_start3A_1937 = tpu.memref_slice %arg11[%dma_start3A_1928, %dma_start3A_1935, %dma_start3A_1936] : memref<8x32x128xf32, #tpu.memory_space<vmem>> -> memref<1x32x128xf32, #tpu.memory_space<vmem>>
      %dma_start3A_1938 = tpu.memref_squeeze %dma_start3A_1937 : memref<1x32x128xf32, #tpu.memory_space<vmem>> -> memref<32x128xf32, #tpu.memory_space<vmem>>
      %dma_start3A_1939 = arith.constant 0 : i32
      %dma_start3A_1940 = tpu.memref_slice %arg4[%dma_start3A_1939, %multiple_of3A_1927] : memref<32x1000001xf32, #tpu.memory_space<hbm>> -> memref<32x128xf32, #tpu.memory_space<hbm>>
      tpu.enqueue_dma source(%dma_start3A_1940 : memref<32x128xf32, #tpu.memory_space<hbm>>) target(%dma_start3A_1938 : memref<32x128xf32, #tpu.memory_space<vmem>>) target_semaphore(%arg18 : memref<!tpu.dma_semaphore, #tpu.memory_space<semaphore_mem>>)
      %jit3A_1941 = arith.constant 128 : i32
      %div3A_1942 = arith.divsi %squeeze3A_1900, %jit3A_1941 : i32
      %sign3A_1943 = arith.constant 0 : i32
      %sign3A_1944 = arith.cmpi sgt, %squeeze3A_1900, %sign3A_1943 : i32
      %sign3A_1945 = arith.extui %sign3A_1944 : i1 to i32
      %sign3A_1946 = arith.constant 0 : i32
      %sign3A_1947 = arith.cmpi slt, %squeeze3A_1900, %sign3A_1946 : i32
      %sign3A_1948 = arith.extui %sign3A_1947 : i1 to i32
      %sign3A_1949 = arith.subi %sign3A_1945, %sign3A_1948 : i32
      %sign3A_1950 = arith.constant 0 : i32
      %sign3A_1951 = arith.cmpi sgt, %jit3A_1941, %sign3A_1950 : i32
      %sign3A_1952 = arith.extui %sign3A_1951 : i1 to i32
      %sign3A_1953 = arith.constant 0 : i32
      %sign3A_1954 = arith.cmpi slt, %jit3A_1941, %sign3A_1953 : i32
      %sign3A_1955 = arith.extui %sign3A_1954 : i1 to i32
      %sign3A_1956 = arith.subi %sign3A_1952, %sign3A_1955 : i32
      %ne3A_1957 = arith.cmpi ne, %sign3A_1949, %sign3A_1956 : i32
      %rem3A_1958 = arith.remsi %squeeze3A_1900, %jit3A_1941 : i32
      %ne3A_1959 = arith.constant 0 : i32
      %ne3A_1960 = arith.cmpi ne, %rem3A_1958, %ne3A_1959 : i32
      %and3A_1961 = arith.andi %ne3A_1957, %ne3A_1960 : i1
      %sub3A_1962 = arith.constant 1 : i32
      %sub3A_1963 = arith.subi %div3A_1942, %sub3A_1962 : i32
      %select_n3A_1964 = arith.select %and3A_1961, %sub3A_1963, %div3A_1942 : i32
      %mul3A_1965 = arith.constant 128 : i32
      %mul3A_1966 = arith.muli %select_n3A_1964, %mul3A_1965 : i32
      %multiple_of3A_1967 = tpu.assume_multiple %mul3A_1966, 128 : i32
      %dma_start3A_1968 = arith.constant 4 : i32
      %dma_start3A_1969 = arith.constant 0 : i32
      %dma_start3A_1970 = arith.constant 0 : i32
      %dma_start3A_1971 = tpu.memref_slice %arg12[%dma_start3A_1968, %dma_start3A_1969, %dma_start3A_1970] : memref<8x32x128xf32, #tpu.memory_space<vmem>> -> memref<1x32x128xf32, #tpu.memory_space<vmem>>
      %dma_start3A_1972 = tpu.memref_squeeze %dma_start3A_1971 : memref<1x32x128xf32, #tpu.memory_space<vmem>> -> memref<32x128xf32, #tpu.memory_space<vmem>>
      %dma_start3A_1973 = arith.constant 0 : i32
      %dma_start3A_1974 = tpu.memref_slice %arg6[%dma_start3A_1973, %multiple_of3A_1967] : memref<32x1000001xf32, #tpu.memory_space<hbm>> -> memref<32x128xf32, #tpu.memory_space<hbm>>
      %dma_start3A_1975 = arith.constant 0 : i32
      %dma_start3A_1976 = arith.constant 0 : i32
      %dma_start3A_1977 = tpu.memref_slice %arg12[%dma_start3A_1968, %dma_start3A_1975, %dma_start3A_1976] : memref<8x32x128xf32, #tpu.memory_space<vmem>> -> memref<1x32x128xf32, #tpu.memory_space<vmem>>
      %dma_start3A_1978 = tpu.memref_squeeze %dma_start3A_1977 : memref<1x32x128xf32, #tpu.memory_space<vmem>> -> memref<32x128xf32, #tpu.memory_space<vmem>>
      %dma_start3A_1979 = arith.constant 0 : i32
      %dma_start3A_1980 = tpu.memref_slice %arg6[%dma_start3A_1979, %multiple_of3A_1967] : memref<32x1000001xf32, #tpu.memory_space<hbm>> -> memref<32x128xf32, #tpu.memory_space<hbm>>
      tpu.enqueue_dma source(%dma_start3A_1980 : memref<32x128xf32, #tpu.memory_space<hbm>>) target(%dma_start3A_1978 : memref<32x128xf32, #tpu.memory_space<vmem>>) target_semaphore(%arg18 : memref<!tpu.dma_semaphore, #tpu.memory_space<semaphore_mem>>)
      %dma_wait3A_1981 = arith.constant 5 : i32
      %dma_wait3A_1982 = arith.constant 0 : i32
      %dma_wait3A_1983 = arith.constant 0 : i32
      %dma_wait3A_1984 = tpu.memref_slice %arg11[%dma_wait3A_1981, %dma_wait3A_1982, %dma_wait3A_1983] : memref<8x32x128xf32, #tpu.memory_space<vmem>> -> memref<1x32x128xf32, #tpu.memory_space<vmem>>
      %dma_wait3A_1985 = tpu.memref_squeeze %dma_wait3A_1984 : memref<1x32x128xf32, #tpu.memory_space<vmem>> -> memref<32x128xf32, #tpu.memory_space<vmem>>
      %dma_wait3A_1986 = arith.constant 0 : i32
      %dma_wait3A_1987 = tpu.memref_slice %arg4[%dma_wait3A_1986, %multiple_of3A_693] : memref<32x1000001xf32, #tpu.memory_space<hbm>> -> memref<32x128xf32, #tpu.memory_space<hbm>>
      %dma_wait3A_1988 = arith.constant 0 : i32
      %dma_wait3A_1989 = arith.constant 0 : i32
      %dma_wait3A_1990 = tpu.memref_slice %arg11[%dma_wait3A_1981, %dma_wait3A_1988, %dma_wait3A_1989] : memref<8x32x128xf32, #tpu.memory_space<vmem>> -> memref<1x32x128xf32, #tpu.memory_space<vmem>>
      %dma_wait3A_1991 = tpu.memref_squeeze %dma_wait3A_1990 : memref<1x32x128xf32, #tpu.memory_space<vmem>> -> memref<32x128xf32, #tpu.memory_space<vmem>>
      %dma_wait3A_1992 = arith.constant 0 : i32
      %dma_wait3A_1993 = tpu.memref_slice %arg4[%dma_wait3A_1992, %multiple_of3A_693] : memref<32x1000001xf32, #tpu.memory_space<hbm>> -> memref<32x128xf32, #tpu.memory_space<hbm>>
      tpu.wait_dma2 semaphore(%arg18 : memref<!tpu.dma_semaphore, #tpu.memory_space<semaphore_mem>>) src(%dma_wait3A_1993 : memref<32x128xf32, #tpu.memory_space<hbm>>) dst(%dma_wait3A_1991 : memref<32x128xf32, #tpu.memory_space<vmem>>)
      %jit3A_1994 = arith.constant 128 : i32
      %div3A_1995 = arith.divsi %squeeze3A_664, %jit3A_1994 : i32
      %sign3A_1996 = arith.constant 0 : i32
      %sign3A_1997 = arith.cmpi sgt, %squeeze3A_664, %sign3A_1996 : i32
      %sign3A_1998 = arith.extui %sign3A_1997 : i1 to i32
      %sign3A_1999 = arith.constant 0 : i32
      %sign3A_2000 = arith.cmpi slt, %squeeze3A_664, %sign3A_1999 : i32
      %sign3A_2001 = arith.extui %sign3A_2000 : i1 to i32
      %sign3A_2002 = arith.subi %sign3A_1998, %sign3A_2001 : i32
      %sign3A_2003 = arith.constant 0 : i32
      %sign3A_2004 = arith.cmpi sgt, %jit3A_1994, %sign3A_2003 : i32
      %sign3A_2005 = arith.extui %sign3A_2004 : i1 to i32
      %sign3A_2006 = arith.constant 0 : i32
      %sign3A_2007 = arith.cmpi slt, %jit3A_1994, %sign3A_2006 : i32
      %sign3A_2008 = arith.extui %sign3A_2007 : i1 to i32
      %sign3A_2009 = arith.subi %sign3A_2005, %sign3A_2008 : i32
      %ne3A_2010 = arith.cmpi ne, %sign3A_2002, %sign3A_2009 : i32
      %rem3A_2011 = arith.remsi %squeeze3A_664, %jit3A_1994 : i32
      %ne3A_2012 = arith.constant 0 : i32
      %ne3A_2013 = arith.cmpi ne, %rem3A_2011, %ne3A_2012 : i32
      %and3A_2014 = arith.andi %ne3A_2010, %ne3A_2013 : i1
      %sub3A_2015 = arith.constant 1 : i32
      %sub3A_2016 = arith.subi %div3A_1995, %sub3A_2015 : i32
      %select_n3A_2017 = arith.select %and3A_2014, %sub3A_2016, %div3A_1995 : i32
      %mul3A_2018 = arith.constant 128 : i32
      %mul3A_2019 = arith.muli %select_n3A_2017, %mul3A_2018 : i32
      %sub3A_2020 = arith.subi %squeeze3A_664, %mul3A_2019 : i32
      %broadcast_in_dim3A_2021 = arith.constant 5 : i32
      %broadcast_in_dim3A_2022 = vector.broadcast %broadcast_in_dim3A_2021 : i32 to vector<16xi32>
      %add3A_2023 = arith.constant 0 : i32
      %add3A_2024 = vector.broadcast %add3A_2023 : i32 to vector<16xi32>
      %add3A_2025 = arith.addi %iota3A, %add3A_2024 : vector<16xi32>
      %broadcast_in_dim3A_2026 = vector.broadcast %sub3A_2020 : i32 to vector<16xi32>
      %gather3A_2027 = tpu.vector_load_idx %arg11[%broadcast_in_dim3A_2022, %add3A_2025, %broadcast_in_dim3A_2026] : memref<8x32x128xf32, #tpu.memory_space<vmem>>[vector<16xi32>, vector<16xi32>, vector<16xi32>], vector<16xf32>,
      %mul3A_2028 = arith.constant 512 : i32
      %mul3A_2029 = vector.broadcast %mul3A_2028 : i32 to vector<16xi32>
      %mul3A_2030 = arith.muli %add3A_2025, %mul3A_2029 : vector<16xi32>
      %add3A_2031 = vector.broadcast %add3A_662 : i32 to vector<16xi32>
      %add3A_2032 = arith.addi %mul3A_2030, %add3A_2031 : vector<16xi32>
      tpu.vector_store_idx %arg13[%add3A_2032], %gather3A_2027 : memref<16384xf32, #tpu.memory_space<vmem>>[vector<16xi32>], vector<16xf32>,
      %add3A_2033 = arith.constant 16 : i32
      %add3A_2034 = vector.broadcast %add3A_2033 : i32 to vector<16xi32>
      %add3A_2035 = arith.addi %iota3A, %add3A_2034 : vector<16xi32>
      %broadcast_in_dim3A_2036 = vector.broadcast %sub3A_2020 : i32 to vector<16xi32>
      %gather3A_2037 = tpu.vector_load_idx %arg11[%broadcast_in_dim3A_2022, %add3A_2035, %broadcast_in_dim3A_2036] : memref<8x32x128xf32, #tpu.memory_space<vmem>>[vector<16xi32>, vector<16xi32>, vector<16xi32>], vector<16xf32>,
      %mul3A_2038 = arith.constant 512 : i32
      %mul3A_2039 = vector.broadcast %mul3A_2038 : i32 to vector<16xi32>
      %mul3A_2040 = arith.muli %add3A_2035, %mul3A_2039 : vector<16xi32>
      %add3A_2041 = vector.broadcast %add3A_662 : i32 to vector<16xi32>
      %add3A_2042 = arith.addi %mul3A_2040, %add3A_2041 : vector<16xi32>
      tpu.vector_store_idx %arg13[%add3A_2042], %gather3A_2037 : memref<16384xf32, #tpu.memory_space<vmem>>[vector<16xi32>], vector<16xf32>,
      %dma_wait3A_2043 = arith.constant 5 : i32
      %dma_wait3A_2044 = arith.constant 0 : i32
      %dma_wait3A_2045 = arith.constant 0 : i32
      %dma_wait3A_2046 = tpu.memref_slice %arg12[%dma_wait3A_2043, %dma_wait3A_2044, %dma_wait3A_2045] : memref<8x32x128xf32, #tpu.memory_space<vmem>> -> memref<1x32x128xf32, #tpu.memory_space<vmem>>
      %dma_wait3A_2047 = tpu.memref_squeeze %dma_wait3A_2046 : memref<1x32x128xf32, #tpu.memory_space<vmem>> -> memref<32x128xf32, #tpu.memory_space<vmem>>
      %dma_wait3A_2048 = arith.constant 0 : i32
      %dma_wait3A_2049 = tpu.memref_slice %arg6[%dma_wait3A_2048, %multiple_of3A_733] : memref<32x1000001xf32, #tpu.memory_space<hbm>> -> memref<32x128xf32, #tpu.memory_space<hbm>>
      %dma_wait3A_2050 = arith.constant 0 : i32
      %dma_wait3A_2051 = arith.constant 0 : i32
      %dma_wait3A_2052 = tpu.memref_slice %arg12[%dma_wait3A_2043, %dma_wait3A_2050, %dma_wait3A_2051] : memref<8x32x128xf32, #tpu.memory_space<vmem>> -> memref<1x32x128xf32, #tpu.memory_space<vmem>>
      %dma_wait3A_2053 = tpu.memref_squeeze %dma_wait3A_2052 : memref<1x32x128xf32, #tpu.memory_space<vmem>> -> memref<32x128xf32, #tpu.memory_space<vmem>>
      %dma_wait3A_2054 = arith.constant 0 : i32
      %dma_wait3A_2055 = tpu.memref_slice %arg6[%dma_wait3A_2054, %multiple_of3A_733] : memref<32x1000001xf32, #tpu.memory_space<hbm>> -> memref<32x128xf32, #tpu.memory_space<hbm>>
      tpu.wait_dma2 semaphore(%arg18 : memref<!tpu.dma_semaphore, #tpu.memory_space<semaphore_mem>>) src(%dma_wait3A_2055 : memref<32x128xf32, #tpu.memory_space<hbm>>) dst(%dma_wait3A_2053 : memref<32x128xf32, #tpu.memory_space<vmem>>)
      %jit3A_2056 = arith.constant 128 : i32
      %div3A_2057 = arith.divsi %squeeze3A_666, %jit3A_2056 : i32
      %sign3A_2058 = arith.constant 0 : i32
      %sign3A_2059 = arith.cmpi sgt, %squeeze3A_666, %sign3A_2058 : i32
      %sign3A_2060 = arith.extui %sign3A_2059 : i1 to i32
      %sign3A_2061 = arith.constant 0 : i32
      %sign3A_2062 = arith.cmpi slt, %squeeze3A_666, %sign3A_2061 : i32
      %sign3A_2063 = arith.extui %sign3A_2062 : i1 to i32
      %sign3A_2064 = arith.subi %sign3A_2060, %sign3A_2063 : i32
      %sign3A_2065 = arith.constant 0 : i32
      %sign3A_2066 = arith.cmpi sgt, %jit3A_2056, %sign3A_2065 : i32
      %sign3A_2067 = arith.extui %sign3A_2066 : i1 to i32
      %sign3A_2068 = arith.constant 0 : i32
      %sign3A_2069 = arith.cmpi slt, %jit3A_2056, %sign3A_2068 : i32
      %sign3A_2070 = arith.extui %sign3A_2069 : i1 to i32
      %sign3A_2071 = arith.subi %sign3A_2067, %sign3A_2070 : i32
      %ne3A_2072 = arith.cmpi ne, %sign3A_2064, %sign3A_2071 : i32
      %rem3A_2073 = arith.remsi %squeeze3A_666, %jit3A_2056 : i32
      %ne3A_2074 = arith.constant 0 : i32
      %ne3A_2075 = arith.cmpi ne, %rem3A_2073, %ne3A_2074 : i32
      %and3A_2076 = arith.andi %ne3A_2072, %ne3A_2075 : i1
      %sub3A_2077 = arith.constant 1 : i32
      %sub3A_2078 = arith.subi %div3A_2057, %sub3A_2077 : i32
      %select_n3A_2079 = arith.select %and3A_2076, %sub3A_2078, %div3A_2057 : i32
      %mul3A_2080 = arith.constant 128 : i32
      %mul3A_2081 = arith.muli %select_n3A_2079, %mul3A_2080 : i32
      %sub3A_2082 = arith.subi %squeeze3A_666, %mul3A_2081 : i32
      %broadcast_in_dim3A_2083 = arith.constant 5 : i32
      %broadcast_in_dim3A_2084 = vector.broadcast %broadcast_in_dim3A_2083 : i32 to vector<16xi32>
      %add3A_2085 = arith.constant 0 : i32
      %add3A_2086 = vector.broadcast %add3A_2085 : i32 to vector<16xi32>
      %add3A_2087 = arith.addi %iota3A, %add3A_2086 : vector<16xi32>
      %broadcast_in_dim3A_2088 = vector.broadcast %sub3A_2082 : i32 to vector<16xi32>
      %gather3A_2089 = tpu.vector_load_idx %arg12[%broadcast_in_dim3A_2084, %add3A_2087, %broadcast_in_dim3A_2088] : memref<8x32x128xf32, #tpu.memory_space<vmem>>[vector<16xi32>, vector<16xi32>, vector<16xi32>], vector<16xf32>,
      %mul3A_2090 = arith.constant 512 : i32
      %mul3A_2091 = vector.broadcast %mul3A_2090 : i32 to vector<16xi32>
      %mul3A_2092 = arith.muli %add3A_2087, %mul3A_2091 : vector<16xi32>
      %add3A_2093 = vector.broadcast %add3A_662 : i32 to vector<16xi32>
      %add3A_2094 = arith.addi %mul3A_2092, %add3A_2093 : vector<16xi32>
      tpu.vector_store_idx %arg14[%add3A_2094], %gather3A_2089 : memref<16384xf32, #tpu.memory_space<vmem>>[vector<16xi32>], vector<16xf32>,
      %add3A_2095 = arith.constant 16 : i32
      %add3A_2096 = vector.broadcast %add3A_2095 : i32 to vector<16xi32>
      %add3A_2097 = arith.addi %iota3A, %add3A_2096 : vector<16xi32>
      %broadcast_in_dim3A_2098 = vector.broadcast %sub3A_2082 : i32 to vector<16xi32>
      %gather3A_2099 = tpu.vector_load_idx %arg12[%broadcast_in_dim3A_2084, %add3A_2097, %broadcast_in_dim3A_2098] : memref<8x32x128xf32, #tpu.memory_space<vmem>>[vector<16xi32>, vector<16xi32>, vector<16xi32>], vector<16xf32>,
      %mul3A_2100 = arith.constant 512 : i32
      %mul3A_2101 = vector.broadcast %mul3A_2100 : i32 to vector<16xi32>
      %mul3A_2102 = arith.muli %add3A_2097, %mul3A_2101 : vector<16xi32>
      %add3A_2103 = vector.broadcast %add3A_662 : i32 to vector<16xi32>
      %add3A_2104 = arith.addi %mul3A_2102, %add3A_2103 : vector<16xi32>
      tpu.vector_store_idx %arg14[%add3A_2104], %gather3A_2099 : memref<16384xf32, #tpu.memory_space<vmem>>[vector<16xi32>], vector<16xf32>,
      %mul3A_2105 = arith.constant 16 : i32
      %mul3A_2106 = arith.muli %scan3A_195, %mul3A_2105 : i32
      %add3A_2107 = arith.constant 13 : i32
      %add3A_2108 = arith.addi %mul3A_2106, %add3A_2107 : i32
      %slice3A_2109 = vector.extract_strided_slice %get3A_218 {offsets = [13], sizes = [1], strides = [1]} : vector<16xi32> to vector<1xi32>
      %squeeze3A_2110 = vector.extract %slice3A_2109[0] : i32 from vector<1xi32>
      %slice3A_2111 = vector.extract_strided_slice %get3A_221 {offsets = [13], sizes = [1], strides = [1]} : vector<16xi32> to vector<1xi32>
      %squeeze3A_2112 = vector.extract %slice3A_2111[0] : i32 from vector<1xi32>
      %jit3A_2113 = arith.constant 128 : i32
      %div3A_2114 = arith.divsi %squeeze3A_2110, %jit3A_2113 : i32
      %sign3A_2115 = arith.constant 0 : i32
      %sign3A_2116 = arith.cmpi sgt, %squeeze3A_2110, %sign3A_2115 : i32
      %sign3A_2117 = arith.extui %sign3A_2116 : i1 to i32
      %sign3A_2118 = arith.constant 0 : i32
      %sign3A_2119 = arith.cmpi slt, %squeeze3A_2110, %sign3A_2118 : i32
      %sign3A_2120 = arith.extui %sign3A_2119 : i1 to i32
      %sign3A_2121 = arith.subi %sign3A_2117, %sign3A_2120 : i32
      %sign3A_2122 = arith.constant 0 : i32
      %sign3A_2123 = arith.cmpi sgt, %jit3A_2113, %sign3A_2122 : i32
      %sign3A_2124 = arith.extui %sign3A_2123 : i1 to i32
      %sign3A_2125 = arith.constant 0 : i32
      %sign3A_2126 = arith.cmpi slt, %jit3A_2113, %sign3A_2125 : i32
      %sign3A_2127 = arith.extui %sign3A_2126 : i1 to i32
      %sign3A_2128 = arith.subi %sign3A_2124, %sign3A_2127 : i32
      %ne3A_2129 = arith.cmpi ne, %sign3A_2121, %sign3A_2128 : i32
      %rem3A_2130 = arith.remsi %squeeze3A_2110, %jit3A_2113 : i32
      %ne3A_2131 = arith.constant 0 : i32
      %ne3A_2132 = arith.cmpi ne, %rem3A_2130, %ne3A_2131 : i32
      %and3A_2133 = arith.andi %ne3A_2129, %ne3A_2132 : i1
      %sub3A_2134 = arith.constant 1 : i32
      %sub3A_2135 = arith.subi %div3A_2114, %sub3A_2134 : i32
      %select_n3A_2136 = arith.select %and3A_2133, %sub3A_2135, %div3A_2114 : i32
      %mul3A_2137 = arith.constant 128 : i32
      %mul3A_2138 = arith.muli %select_n3A_2136, %mul3A_2137 : i32
      %multiple_of3A_2139 = tpu.assume_multiple %mul3A_2138, 128 : i32
      %dma_start3A_2140 = arith.constant 5 : i32
      %dma_start3A_2141 = arith.constant 0 : i32
      %dma_start3A_2142 = arith.constant 0 : i32
      %dma_start3A_2143 = tpu.memref_slice %arg11[%dma_start3A_2140, %dma_start3A_2141, %dma_start3A_2142] : memref<8x32x128xf32, #tpu.memory_space<vmem>> -> memref<1x32x128xf32, #tpu.memory_space<vmem>>
      %dma_start3A_2144 = tpu.memref_squeeze %dma_start3A_2143 : memref<1x32x128xf32, #tpu.memory_space<vmem>> -> memref<32x128xf32, #tpu.memory_space<vmem>>
      %dma_start3A_2145 = arith.constant 0 : i32
      %dma_start3A_2146 = tpu.memref_slice %arg4[%dma_start3A_2145, %multiple_of3A_2139] : memref<32x1000001xf32, #tpu.memory_space<hbm>> -> memref<32x128xf32, #tpu.memory_space<hbm>>
      %dma_start3A_2147 = arith.constant 0 : i32
      %dma_start3A_2148 = arith.constant 0 : i32
      %dma_start3A_2149 = tpu.memref_slice %arg11[%dma_start3A_2140, %dma_start3A_2147, %dma_start3A_2148] : memref<8x32x128xf32, #tpu.memory_space<vmem>> -> memref<1x32x128xf32, #tpu.memory_space<vmem>>
      %dma_start3A_2150 = tpu.memref_squeeze %dma_start3A_2149 : memref<1x32x128xf32, #tpu.memory_space<vmem>> -> memref<32x128xf32, #tpu.memory_space<vmem>>
      %dma_start3A_2151 = arith.constant 0 : i32
      %dma_start3A_2152 = tpu.memref_slice %arg4[%dma_start3A_2151, %multiple_of3A_2139] : memref<32x1000001xf32, #tpu.memory_space<hbm>> -> memref<32x128xf32, #tpu.memory_space<hbm>>
      tpu.enqueue_dma source(%dma_start3A_2152 : memref<32x128xf32, #tpu.memory_space<hbm>>) target(%dma_start3A_2150 : memref<32x128xf32, #tpu.memory_space<vmem>>) target_semaphore(%arg18 : memref<!tpu.dma_semaphore, #tpu.memory_space<semaphore_mem>>)
      %jit3A_2153 = arith.constant 128 : i32
      %div3A_2154 = arith.divsi %squeeze3A_2112, %jit3A_2153 : i32
      %sign3A_2155 = arith.constant 0 : i32
      %sign3A_2156 = arith.cmpi sgt, %squeeze3A_2112, %sign3A_2155 : i32
      %sign3A_2157 = arith.extui %sign3A_2156 : i1 to i32
      %sign3A_2158 = arith.constant 0 : i32
      %sign3A_2159 = arith.cmpi slt, %squeeze3A_2112, %sign3A_2158 : i32
      %sign3A_2160 = arith.extui %sign3A_2159 : i1 to i32
      %sign3A_2161 = arith.subi %sign3A_2157, %sign3A_2160 : i32
      %sign3A_2162 = arith.constant 0 : i32
      %sign3A_2163 = arith.cmpi sgt, %jit3A_2153, %sign3A_2162 : i32
      %sign3A_2164 = arith.extui %sign3A_2163 : i1 to i32
      %sign3A_2165 = arith.constant 0 : i32
      %sign3A_2166 = arith.cmpi slt, %jit3A_2153, %sign3A_2165 : i32
      %sign3A_2167 = arith.extui %sign3A_2166 : i1 to i32
      %sign3A_2168 = arith.subi %sign3A_2164, %sign3A_2167 : i32
      %ne3A_2169 = arith.cmpi ne, %sign3A_2161, %sign3A_2168 : i32
      %rem3A_2170 = arith.remsi %squeeze3A_2112, %jit3A_2153 : i32
      %ne3A_2171 = arith.constant 0 : i32
      %ne3A_2172 = arith.cmpi ne, %rem3A_2170, %ne3A_2171 : i32
      %and3A_2173 = arith.andi %ne3A_2169, %ne3A_2172 : i1
      %sub3A_2174 = arith.constant 1 : i32
      %sub3A_2175 = arith.subi %div3A_2154, %sub3A_2174 : i32
      %select_n3A_2176 = arith.select %and3A_2173, %sub3A_2175, %div3A_2154 : i32
      %mul3A_2177 = arith.constant 128 : i32
      %mul3A_2178 = arith.muli %select_n3A_2176, %mul3A_2177 : i32
      %multiple_of3A_2179 = tpu.assume_multiple %mul3A_2178, 128 : i32
      %dma_start3A_2180 = arith.constant 5 : i32
      %dma_start3A_2181 = arith.constant 0 : i32
      %dma_start3A_2182 = arith.constant 0 : i32
      %dma_start3A_2183 = tpu.memref_slice %arg12[%dma_start3A_2180, %dma_start3A_2181, %dma_start3A_2182] : memref<8x32x128xf32, #tpu.memory_space<vmem>> -> memref<1x32x128xf32, #tpu.memory_space<vmem>>
      %dma_start3A_2184 = tpu.memref_squeeze %dma_start3A_2183 : memref<1x32x128xf32, #tpu.memory_space<vmem>> -> memref<32x128xf32, #tpu.memory_space<vmem>>
      %dma_start3A_2185 = arith.constant 0 : i32
      %dma_start3A_2186 = tpu.memref_slice %arg6[%dma_start3A_2185, %multiple_of3A_2179] : memref<32x1000001xf32, #tpu.memory_space<hbm>> -> memref<32x128xf32, #tpu.memory_space<hbm>>
      %dma_start3A_2187 = arith.constant 0 : i32
      %dma_start3A_2188 = arith.constant 0 : i32
      %dma_start3A_2189 = tpu.memref_slice %arg12[%dma_start3A_2180, %dma_start3A_2187, %dma_start3A_2188] : memref<8x32x128xf32, #tpu.memory_space<vmem>> -> memref<1x32x128xf32, #tpu.memory_space<vmem>>
      %dma_start3A_2190 = tpu.memref_squeeze %dma_start3A_2189 : memref<1x32x128xf32, #tpu.memory_space<vmem>> -> memref<32x128xf32, #tpu.memory_space<vmem>>
      %dma_start3A_2191 = arith.constant 0 : i32
      %dma_start3A_2192 = tpu.memref_slice %arg6[%dma_start3A_2191, %multiple_of3A_2179] : memref<32x1000001xf32, #tpu.memory_space<hbm>> -> memref<32x128xf32, #tpu.memory_space<hbm>>
      tpu.enqueue_dma source(%dma_start3A_2192 : memref<32x128xf32, #tpu.memory_space<hbm>>) target(%dma_start3A_2190 : memref<32x128xf32, #tpu.memory_space<vmem>>) target_semaphore(%arg18 : memref<!tpu.dma_semaphore, #tpu.memory_space<semaphore_mem>>)
      %dma_wait3A_2193 = arith.constant 6 : i32
      %dma_wait3A_2194 = arith.constant 0 : i32
      %dma_wait3A_2195 = arith.constant 0 : i32
      %dma_wait3A_2196 = tpu.memref_slice %arg11[%dma_wait3A_2193, %dma_wait3A_2194, %dma_wait3A_2195] : memref<8x32x128xf32, #tpu.memory_space<vmem>> -> memref<1x32x128xf32, #tpu.memory_space<vmem>>
      %dma_wait3A_2197 = tpu.memref_squeeze %dma_wait3A_2196 : memref<1x32x128xf32, #tpu.memory_space<vmem>> -> memref<32x128xf32, #tpu.memory_space<vmem>>
      %dma_wait3A_2198 = arith.constant 0 : i32
      %dma_wait3A_2199 = tpu.memref_slice %arg4[%dma_wait3A_2198, %multiple_of3A_781] : memref<32x1000001xf32, #tpu.memory_space<hbm>> -> memref<32x128xf32, #tpu.memory_space<hbm>>
      %dma_wait3A_2200 = arith.constant 0 : i32
      %dma_wait3A_2201 = arith.constant 0 : i32
      %dma_wait3A_2202 = tpu.memref_slice %arg11[%dma_wait3A_2193, %dma_wait3A_2200, %dma_wait3A_2201] : memref<8x32x128xf32, #tpu.memory_space<vmem>> -> memref<1x32x128xf32, #tpu.memory_space<vmem>>
      %dma_wait3A_2203 = tpu.memref_squeeze %dma_wait3A_2202 : memref<1x32x128xf32, #tpu.memory_space<vmem>> -> memref<32x128xf32, #tpu.memory_space<vmem>>
      %dma_wait3A_2204 = arith.constant 0 : i32
      %dma_wait3A_2205 = tpu.memref_slice %arg4[%dma_wait3A_2204, %multiple_of3A_781] : memref<32x1000001xf32, #tpu.memory_space<hbm>> -> memref<32x128xf32, #tpu.memory_space<hbm>>
      tpu.wait_dma2 semaphore(%arg18 : memref<!tpu.dma_semaphore, #tpu.memory_space<semaphore_mem>>) src(%dma_wait3A_2205 : memref<32x128xf32, #tpu.memory_space<hbm>>) dst(%dma_wait3A_2203 : memref<32x128xf32, #tpu.memory_space<vmem>>)
      %jit3A_2206 = arith.constant 128 : i32
      %div3A_2207 = arith.divsi %squeeze3A_752, %jit3A_2206 : i32
      %sign3A_2208 = arith.constant 0 : i32
      %sign3A_2209 = arith.cmpi sgt, %squeeze3A_752, %sign3A_2208 : i32
      %sign3A_2210 = arith.extui %sign3A_2209 : i1 to i32
      %sign3A_2211 = arith.constant 0 : i32
      %sign3A_2212 = arith.cmpi slt, %squeeze3A_752, %sign3A_2211 : i32
      %sign3A_2213 = arith.extui %sign3A_2212 : i1 to i32
      %sign3A_2214 = arith.subi %sign3A_2210, %sign3A_2213 : i32
      %sign3A_2215 = arith.constant 0 : i32
      %sign3A_2216 = arith.cmpi sgt, %jit3A_2206, %sign3A_2215 : i32
      %sign3A_2217 = arith.extui %sign3A_2216 : i1 to i32
      %sign3A_2218 = arith.constant 0 : i32
      %sign3A_2219 = arith.cmpi slt, %jit3A_2206, %sign3A_2218 : i32
      %sign3A_2220 = arith.extui %sign3A_2219 : i1 to i32
      %sign3A_2221 = arith.subi %sign3A_2217, %sign3A_2220 : i32
      %ne3A_2222 = arith.cmpi ne, %sign3A_2214, %sign3A_2221 : i32
      %rem3A_2223 = arith.remsi %squeeze3A_752, %jit3A_2206 : i32
      %ne3A_2224 = arith.constant 0 : i32
      %ne3A_2225 = arith.cmpi ne, %rem3A_2223, %ne3A_2224 : i32
      %and3A_2226 = arith.andi %ne3A_2222, %ne3A_2225 : i1
      %sub3A_2227 = arith.constant 1 : i32
      %sub3A_2228 = arith.subi %div3A_2207, %sub3A_2227 : i32
      %select_n3A_2229 = arith.select %and3A_2226, %sub3A_2228, %div3A_2207 : i32
      %mul3A_2230 = arith.constant 128 : i32
      %mul3A_2231 = arith.muli %select_n3A_2229, %mul3A_2230 : i32
      %sub3A_2232 = arith.subi %squeeze3A_752, %mul3A_2231 : i32
      %broadcast_in_dim3A_2233 = arith.constant 6 : i32
      %broadcast_in_dim3A_2234 = vector.broadcast %broadcast_in_dim3A_2233 : i32 to vector<16xi32>
      %add3A_2235 = arith.constant 0 : i32
      %add3A_2236 = vector.broadcast %add3A_2235 : i32 to vector<16xi32>
      %add3A_2237 = arith.addi %iota3A, %add3A_2236 : vector<16xi32>
      %broadcast_in_dim3A_2238 = vector.broadcast %sub3A_2232 : i32 to vector<16xi32>
      %gather3A_2239 = tpu.vector_load_idx %arg11[%broadcast_in_dim3A_2234, %add3A_2237, %broadcast_in_dim3A_2238] : memref<8x32x128xf32, #tpu.memory_space<vmem>>[vector<16xi32>, vector<16xi32>, vector<16xi32>], vector<16xf32>,
      %mul3A_2240 = arith.constant 512 : i32
      %mul3A_2241 = vector.broadcast %mul3A_2240 : i32 to vector<16xi32>
      %mul3A_2242 = arith.muli %add3A_2237, %mul3A_2241 : vector<16xi32>
      %add3A_2243 = vector.broadcast %add3A_750 : i32 to vector<16xi32>
      %add3A_2244 = arith.addi %mul3A_2242, %add3A_2243 : vector<16xi32>
      tpu.vector_store_idx %arg13[%add3A_2244], %gather3A_2239 : memref<16384xf32, #tpu.memory_space<vmem>>[vector<16xi32>], vector<16xf32>,
      %add3A_2245 = arith.constant 16 : i32
      %add3A_2246 = vector.broadcast %add3A_2245 : i32 to vector<16xi32>
      %add3A_2247 = arith.addi %iota3A, %add3A_2246 : vector<16xi32>
      %broadcast_in_dim3A_2248 = vector.broadcast %sub3A_2232 : i32 to vector<16xi32>
      %gather3A_2249 = tpu.vector_load_idx %arg11[%broadcast_in_dim3A_2234, %add3A_2247, %broadcast_in_dim3A_2248] : memref<8x32x128xf32, #tpu.memory_space<vmem>>[vector<16xi32>, vector<16xi32>, vector<16xi32>], vector<16xf32>,
      %mul3A_2250 = arith.constant 512 : i32
      %mul3A_2251 = vector.broadcast %mul3A_2250 : i32 to vector<16xi32>
      %mul3A_2252 = arith.muli %add3A_2247, %mul3A_2251 : vector<16xi32>
      %add3A_2253 = vector.broadcast %add3A_750 : i32 to vector<16xi32>
      %add3A_2254 = arith.addi %mul3A_2252, %add3A_2253 : vector<16xi32>
      tpu.vector_store_idx %arg13[%add3A_2254], %gather3A_2249 : memref<16384xf32, #tpu.memory_space<vmem>>[vector<16xi32>], vector<16xf32>,
      %dma_wait3A_2255 = arith.constant 6 : i32
      %dma_wait3A_2256 = arith.constant 0 : i32
      %dma_wait3A_2257 = arith.constant 0 : i32
      %dma_wait3A_2258 = tpu.memref_slice %arg12[%dma_wait3A_2255, %dma_wait3A_2256, %dma_wait3A_2257] : memref<8x32x128xf32, #tpu.memory_space<vmem>> -> memref<1x32x128xf32, #tpu.memory_space<vmem>>
      %dma_wait3A_2259 = tpu.memref_squeeze %dma_wait3A_2258 : memref<1x32x128xf32, #tpu.memory_space<vmem>> -> memref<32x128xf32, #tpu.memory_space<vmem>>
      %dma_wait3A_2260 = arith.constant 0 : i32
      %dma_wait3A_2261 = tpu.memref_slice %arg6[%dma_wait3A_2260, %multiple_of3A_821] : memref<32x1000001xf32, #tpu.memory_space<hbm>> -> memref<32x128xf32, #tpu.memory_space<hbm>>
      %dma_wait3A_2262 = arith.constant 0 : i32
      %dma_wait3A_2263 = arith.constant 0 : i32
      %dma_wait3A_2264 = tpu.memref_slice %arg12[%dma_wait3A_2255, %dma_wait3A_2262, %dma_wait3A_2263] : memref<8x32x128xf32, #tpu.memory_space<vmem>> -> memref<1x32x128xf32, #tpu.memory_space<vmem>>
      %dma_wait3A_2265 = tpu.memref_squeeze %dma_wait3A_2264 : memref<1x32x128xf32, #tpu.memory_space<vmem>> -> memref<32x128xf32, #tpu.memory_space<vmem>>
      %dma_wait3A_2266 = arith.constant 0 : i32
      %dma_wait3A_2267 = tpu.memref_slice %arg6[%dma_wait3A_2266, %multiple_of3A_821] : memref<32x1000001xf32, #tpu.memory_space<hbm>> -> memref<32x128xf32, #tpu.memory_space<hbm>>
      tpu.wait_dma2 semaphore(%arg18 : memref<!tpu.dma_semaphore, #tpu.memory_space<semaphore_mem>>) src(%dma_wait3A_2267 : memref<32x128xf32, #tpu.memory_space<hbm>>) dst(%dma_wait3A_2265 : memref<32x128xf32, #tpu.memory_space<vmem>>)
      %jit3A_2268 = arith.constant 128 : i32
      %div3A_2269 = arith.divsi %squeeze3A_754, %jit3A_2268 : i32
      %sign3A_2270 = arith.constant 0 : i32
      %sign3A_2271 = arith.cmpi sgt, %squeeze3A_754, %sign3A_2270 : i32
      %sign3A_2272 = arith.extui %sign3A_2271 : i1 to i32
      %sign3A_2273 = arith.constant 0 : i32
      %sign3A_2274 = arith.cmpi slt, %squeeze3A_754, %sign3A_2273 : i32
      %sign3A_2275 = arith.extui %sign3A_2274 : i1 to i32
      %sign3A_2276 = arith.subi %sign3A_2272, %sign3A_2275 : i32
      %sign3A_2277 = arith.constant 0 : i32
      %sign3A_2278 = arith.cmpi sgt, %jit3A_2268, %sign3A_2277 : i32
      %sign3A_2279 = arith.extui %sign3A_2278 : i1 to i32
      %sign3A_2280 = arith.constant 0 : i32
      %sign3A_2281 = arith.cmpi slt, %jit3A_2268, %sign3A_2280 : i32
      %sign3A_2282 = arith.extui %sign3A_2281 : i1 to i32
      %sign3A_2283 = arith.subi %sign3A_2279, %sign3A_2282 : i32
      %ne3A_2284 = arith.cmpi ne, %sign3A_2276, %sign3A_2283 : i32
      %rem3A_2285 = arith.remsi %squeeze3A_754, %jit3A_2268 : i32
      %ne3A_2286 = arith.constant 0 : i32
      %ne3A_2287 = arith.cmpi ne, %rem3A_2285, %ne3A_2286 : i32
      %and3A_2288 = arith.andi %ne3A_2284, %ne3A_2287 : i1
      %sub3A_2289 = arith.constant 1 : i32
      %sub3A_2290 = arith.subi %div3A_2269, %sub3A_2289 : i32
      %select_n3A_2291 = arith.select %and3A_2288, %sub3A_2290, %div3A_2269 : i32
      %mul3A_2292 = arith.constant 128 : i32
      %mul3A_2293 = arith.muli %select_n3A_2291, %mul3A_2292 : i32
      %sub3A_2294 = arith.subi %squeeze3A_754, %mul3A_2293 : i32
      %broadcast_in_dim3A_2295 = arith.constant 6 : i32
      %broadcast_in_dim3A_2296 = vector.broadcast %broadcast_in_dim3A_2295 : i32 to vector<16xi32>
      %add3A_2297 = arith.constant 0 : i32
      %add3A_2298 = vector.broadcast %add3A_2297 : i32 to vector<16xi32>
      %add3A_2299 = arith.addi %iota3A, %add3A_2298 : vector<16xi32>
      %broadcast_in_dim3A_2300 = vector.broadcast %sub3A_2294 : i32 to vector<16xi32>
      %gather3A_2301 = tpu.vector_load_idx %arg12[%broadcast_in_dim3A_2296, %add3A_2299, %broadcast_in_dim3A_2300] : memref<8x32x128xf32, #tpu.memory_space<vmem>>[vector<16xi32>, vector<16xi32>, vector<16xi32>], vector<16xf32>,
      %mul3A_2302 = arith.constant 512 : i32
      %mul3A_2303 = vector.broadcast %mul3A_2302 : i32 to vector<16xi32>
      %mul3A_2304 = arith.muli %add3A_2299, %mul3A_2303 : vector<16xi32>
      %add3A_2305 = vector.broadcast %add3A_750 : i32 to vector<16xi32>
      %add3A_2306 = arith.addi %mul3A_2304, %add3A_2305 : vector<16xi32>
      tpu.vector_store_idx %arg14[%add3A_2306], %gather3A_2301 : memref<16384xf32, #tpu.memory_space<vmem>>[vector<16xi32>], vector<16xf32>,
      %add3A_2307 = arith.constant 16 : i32
      %add3A_2308 = vector.broadcast %add3A_2307 : i32 to vector<16xi32>
      %add3A_2309 = arith.addi %iota3A, %add3A_2308 : vector<16xi32>
      %broadcast_in_dim3A_2310 = vector.broadcast %sub3A_2294 : i32 to vector<16xi32>
      %gather3A_2311 = tpu.vector_load_idx %arg12[%broadcast_in_dim3A_2296, %add3A_2309, %broadcast_in_dim3A_2310] : memref<8x32x128xf32, #tpu.memory_space<vmem>>[vector<16xi32>, vector<16xi32>, vector<16xi32>], vector<16xf32>,
      %mul3A_2312 = arith.constant 512 : i32
      %mul3A_2313 = vector.broadcast %mul3A_2312 : i32 to vector<16xi32>
      %mul3A_2314 = arith.muli %add3A_2309, %mul3A_2313 : vector<16xi32>
      %add3A_2315 = vector.broadcast %add3A_750 : i32 to vector<16xi32>
      %add3A_2316 = arith.addi %mul3A_2314, %add3A_2315 : vector<16xi32>
      tpu.vector_store_idx %arg14[%add3A_2316], %gather3A_2311 : memref<16384xf32, #tpu.memory_space<vmem>>[vector<16xi32>], vector<16xf32>,
      %mul3A_2317 = arith.constant 16 : i32
      %mul3A_2318 = arith.muli %scan3A_195, %mul3A_2317 : i32
      %add3A_2319 = arith.constant 14 : i32
      %add3A_2320 = arith.addi %mul3A_2318, %add3A_2319 : i32
      %slice3A_2321 = vector.extract_strided_slice %get3A_218 {offsets = [14], sizes = [1], strides = [1]} : vector<16xi32> to vector<1xi32>
      %squeeze3A_2322 = vector.extract %slice3A_2321[0] : i32 from vector<1xi32>
      %slice3A_2323 = vector.extract_strided_slice %get3A_221 {offsets = [14], sizes = [1], strides = [1]} : vector<16xi32> to vector<1xi32>
      %squeeze3A_2324 = vector.extract %slice3A_2323[0] : i32 from vector<1xi32>
      %jit3A_2325 = arith.constant 128 : i32
      %div3A_2326 = arith.divsi %squeeze3A_2322, %jit3A_2325 : i32
      %sign3A_2327 = arith.constant 0 : i32
      %sign3A_2328 = arith.cmpi sgt, %squeeze3A_2322, %sign3A_2327 : i32
      %sign3A_2329 = arith.extui %sign3A_2328 : i1 to i32
      %sign3A_2330 = arith.constant 0 : i32
      %sign3A_2331 = arith.cmpi slt, %squeeze3A_2322, %sign3A_2330 : i32
      %sign3A_2332 = arith.extui %sign3A_2331 : i1 to i32
      %sign3A_2333 = arith.subi %sign3A_2329, %sign3A_2332 : i32
      %sign3A_2334 = arith.constant 0 : i32
      %sign3A_2335 = arith.cmpi sgt, %jit3A_2325, %sign3A_2334 : i32
      %sign3A_2336 = arith.extui %sign3A_2335 : i1 to i32
      %sign3A_2337 = arith.constant 0 : i32
      %sign3A_2338 = arith.cmpi slt, %jit3A_2325, %sign3A_2337 : i32
      %sign3A_2339 = arith.extui %sign3A_2338 : i1 to i32
      %sign3A_2340 = arith.subi %sign3A_2336, %sign3A_2339 : i32
      %ne3A_2341 = arith.cmpi ne, %sign3A_2333, %sign3A_2340 : i32
      %rem3A_2342 = arith.remsi %squeeze3A_2322, %jit3A_2325 : i32
      %ne3A_2343 = arith.constant 0 : i32
      %ne3A_2344 = arith.cmpi ne, %rem3A_2342, %ne3A_2343 : i32
      %and3A_2345 = arith.andi %ne3A_2341, %ne3A_2344 : i1
      %sub3A_2346 = arith.constant 1 : i32
      %sub3A_2347 = arith.subi %div3A_2326, %sub3A_2346 : i32
      %select_n3A_2348 = arith.select %and3A_2345, %sub3A_2347, %div3A_2326 : i32
      %mul3A_2349 = arith.constant 128 : i32
      %mul3A_2350 = arith.muli %select_n3A_2348, %mul3A_2349 : i32
      %multiple_of3A_2351 = tpu.assume_multiple %mul3A_2350, 128 : i32
      %dma_start3A_2352 = arith.constant 6 : i32
      %dma_start3A_2353 = arith.constant 0 : i32
      %dma_start3A_2354 = arith.constant 0 : i32
      %dma_start3A_2355 = tpu.memref_slice %arg11[%dma_start3A_2352, %dma_start3A_2353, %dma_start3A_2354] : memref<8x32x128xf32, #tpu.memory_space<vmem>> -> memref<1x32x128xf32, #tpu.memory_space<vmem>>
      %dma_start3A_2356 = tpu.memref_squeeze %dma_start3A_2355 : memref<1x32x128xf32, #tpu.memory_space<vmem>> -> memref<32x128xf32, #tpu.memory_space<vmem>>
      %dma_start3A_2357 = arith.constant 0 : i32
      %dma_start3A_2358 = tpu.memref_slice %arg4[%dma_start3A_2357, %multiple_of3A_2351] : memref<32x1000001xf32, #tpu.memory_space<hbm>> -> memref<32x128xf32, #tpu.memory_space<hbm>>
      %dma_start3A_2359 = arith.constant 0 : i32
      %dma_start3A_2360 = arith.constant 0 : i32
      %dma_start3A_2361 = tpu.memref_slice %arg11[%dma_start3A_2352, %dma_start3A_2359, %dma_start3A_2360] : memref<8x32x128xf32, #tpu.memory_space<vmem>> -> memref<1x32x128xf32, #tpu.memory_space<vmem>>
      %dma_start3A_2362 = tpu.memref_squeeze %dma_start3A_2361 : memref<1x32x128xf32, #tpu.memory_space<vmem>> -> memref<32x128xf32, #tpu.memory_space<vmem>>
      %dma_start3A_2363 = arith.constant 0 : i32
      %dma_start3A_2364 = tpu.memref_slice %arg4[%dma_start3A_2363, %multiple_of3A_2351] : memref<32x1000001xf32, #tpu.memory_space<hbm>> -> memref<32x128xf32, #tpu.memory_space<hbm>>
      tpu.enqueue_dma source(%dma_start3A_2364 : memref<32x128xf32, #tpu.memory_space<hbm>>) target(%dma_start3A_2362 : memref<32x128xf32, #tpu.memory_space<vmem>>) target_semaphore(%arg18 : memref<!tpu.dma_semaphore, #tpu.memory_space<semaphore_mem>>)
      %jit3A_2365 = arith.constant 128 : i32
      %div3A_2366 = arith.divsi %squeeze3A_2324, %jit3A_2365 : i32
      %sign3A_2367 = arith.constant 0 : i32
      %sign3A_2368 = arith.cmpi sgt, %squeeze3A_2324, %sign3A_2367 : i32
      %sign3A_2369 = arith.extui %sign3A_2368 : i1 to i32
      %sign3A_2370 = arith.constant 0 : i32
      %sign3A_2371 = arith.cmpi slt, %squeeze3A_2324, %sign3A_2370 : i32
      %sign3A_2372 = arith.extui %sign3A_2371 : i1 to i32
      %sign3A_2373 = arith.subi %sign3A_2369, %sign3A_2372 : i32
      %sign3A_2374 = arith.constant 0 : i32
      %sign3A_2375 = arith.cmpi sgt, %jit3A_2365, %sign3A_2374 : i32
      %sign3A_2376 = arith.extui %sign3A_2375 : i1 to i32
      %sign3A_2377 = arith.constant 0 : i32
      %sign3A_2378 = arith.cmpi slt, %jit3A_2365, %sign3A_2377 : i32
      %sign3A_2379 = arith.extui %sign3A_2378 : i1 to i32
      %sign3A_2380 = arith.subi %sign3A_2376, %sign3A_2379 : i32
      %ne3A_2381 = arith.cmpi ne, %sign3A_2373, %sign3A_2380 : i32
      %rem3A_2382 = arith.remsi %squeeze3A_2324, %jit3A_2365 : i32
      %ne3A_2383 = arith.constant 0 : i32
      %ne3A_2384 = arith.cmpi ne, %rem3A_2382, %ne3A_2383 : i32
      %and3A_2385 = arith.andi %ne3A_2381, %ne3A_2384 : i1
      %sub3A_2386 = arith.constant 1 : i32
      %sub3A_2387 = arith.subi %div3A_2366, %sub3A_2386 : i32
      %select_n3A_2388 = arith.select %and3A_2385, %sub3A_2387, %div3A_2366 : i32
      %mul3A_2389 = arith.constant 128 : i32
      %mul3A_2390 = arith.muli %select_n3A_2388, %mul3A_2389 : i32
      %multiple_of3A_2391 = tpu.assume_multiple %mul3A_2390, 128 : i32
      %dma_start3A_2392 = arith.constant 6 : i32
      %dma_start3A_2393 = arith.constant 0 : i32
      %dma_start3A_2394 = arith.constant 0 : i32
      %dma_start3A_2395 = tpu.memref_slice %arg12[%dma_start3A_2392, %dma_start3A_2393, %dma_start3A_2394] : memref<8x32x128xf32, #tpu.memory_space<vmem>> -> memref<1x32x128xf32, #tpu.memory_space<vmem>>
      %dma_start3A_2396 = tpu.memref_squeeze %dma_start3A_2395 : memref<1x32x128xf32, #tpu.memory_space<vmem>> -> memref<32x128xf32, #tpu.memory_space<vmem>>
      %dma_start3A_2397 = arith.constant 0 : i32
      %dma_start3A_2398 = tpu.memref_slice %arg6[%dma_start3A_2397, %multiple_of3A_2391] : memref<32x1000001xf32, #tpu.memory_space<hbm>> -> memref<32x128xf32, #tpu.memory_space<hbm>>
      %dma_start3A_2399 = arith.constant 0 : i32
      %dma_start3A_2400 = arith.constant 0 : i32
      %dma_start3A_2401 = tpu.memref_slice %arg12[%dma_start3A_2392, %dma_start3A_2399, %dma_start3A_2400] : memref<8x32x128xf32, #tpu.memory_space<vmem>> -> memref<1x32x128xf32, #tpu.memory_space<vmem>>
      %dma_start3A_2402 = tpu.memref_squeeze %dma_start3A_2401 : memref<1x32x128xf32, #tpu.memory_space<vmem>> -> memref<32x128xf32, #tpu.memory_space<vmem>>
      %dma_start3A_2403 = arith.constant 0 : i32
      %dma_start3A_2404 = tpu.memref_slice %arg6[%dma_start3A_2403, %multiple_of3A_2391] : memref<32x1000001xf32, #tpu.memory_space<hbm>> -> memref<32x128xf32, #tpu.memory_space<hbm>>
      tpu.enqueue_dma source(%dma_start3A_2404 : memref<32x128xf32, #tpu.memory_space<hbm>>) target(%dma_start3A_2402 : memref<32x128xf32, #tpu.memory_space<vmem>>) target_semaphore(%arg18 : memref<!tpu.dma_semaphore, #tpu.memory_space<semaphore_mem>>)
      %dma_wait3A_2405 = arith.constant 7 : i32
      %dma_wait3A_2406 = arith.constant 0 : i32
      %dma_wait3A_2407 = arith.constant 0 : i32
      %dma_wait3A_2408 = tpu.memref_slice %arg11[%dma_wait3A_2405, %dma_wait3A_2406, %dma_wait3A_2407] : memref<8x32x128xf32, #tpu.memory_space<vmem>> -> memref<1x32x128xf32, #tpu.memory_space<vmem>>
      %dma_wait3A_2409 = tpu.memref_squeeze %dma_wait3A_2408 : memref<1x32x128xf32, #tpu.memory_space<vmem>> -> memref<32x128xf32, #tpu.memory_space<vmem>>
      %dma_wait3A_2410 = arith.constant 0 : i32
      %dma_wait3A_2411 = tpu.memref_slice %arg4[%dma_wait3A_2410, %multiple_of3A_869] : memref<32x1000001xf32, #tpu.memory_space<hbm>> -> memref<32x128xf32, #tpu.memory_space<hbm>>
      %dma_wait3A_2412 = arith.constant 0 : i32
      %dma_wait3A_2413 = arith.constant 0 : i32
      %dma_wait3A_2414 = tpu.memref_slice %arg11[%dma_wait3A_2405, %dma_wait3A_2412, %dma_wait3A_2413] : memref<8x32x128xf32, #tpu.memory_space<vmem>> -> memref<1x32x128xf32, #tpu.memory_space<vmem>>
      %dma_wait3A_2415 = tpu.memref_squeeze %dma_wait3A_2414 : memref<1x32x128xf32, #tpu.memory_space<vmem>> -> memref<32x128xf32, #tpu.memory_space<vmem>>
      %dma_wait3A_2416 = arith.constant 0 : i32
      %dma_wait3A_2417 = tpu.memref_slice %arg4[%dma_wait3A_2416, %multiple_of3A_869] : memref<32x1000001xf32, #tpu.memory_space<hbm>> -> memref<32x128xf32, #tpu.memory_space<hbm>>
      tpu.wait_dma2 semaphore(%arg18 : memref<!tpu.dma_semaphore, #tpu.memory_space<semaphore_mem>>) src(%dma_wait3A_2417 : memref<32x128xf32, #tpu.memory_space<hbm>>) dst(%dma_wait3A_2415 : memref<32x128xf32, #tpu.memory_space<vmem>>)
      %jit3A_2418 = arith.constant 128 : i32
      %div3A_2419 = arith.divsi %squeeze3A_840, %jit3A_2418 : i32
      %sign3A_2420 = arith.constant 0 : i32
      %sign3A_2421 = arith.cmpi sgt, %squeeze3A_840, %sign3A_2420 : i32
      %sign3A_2422 = arith.extui %sign3A_2421 : i1 to i32
      %sign3A_2423 = arith.constant 0 : i32
      %sign3A_2424 = arith.cmpi slt, %squeeze3A_840, %sign3A_2423 : i32
      %sign3A_2425 = arith.extui %sign3A_2424 : i1 to i32
      %sign3A_2426 = arith.subi %sign3A_2422, %sign3A_2425 : i32
      %sign3A_2427 = arith.constant 0 : i32
      %sign3A_2428 = arith.cmpi sgt, %jit3A_2418, %sign3A_2427 : i32
      %sign3A_2429 = arith.extui %sign3A_2428 : i1 to i32
      %sign3A_2430 = arith.constant 0 : i32
      %sign3A_2431 = arith.cmpi slt, %jit3A_2418, %sign3A_2430 : i32
      %sign3A_2432 = arith.extui %sign3A_2431 : i1 to i32
      %sign3A_2433 = arith.subi %sign3A_2429, %sign3A_2432 : i32
      %ne3A_2434 = arith.cmpi ne, %sign3A_2426, %sign3A_2433 : i32
      %rem3A_2435 = arith.remsi %squeeze3A_840, %jit3A_2418 : i32
      %ne3A_2436 = arith.constant 0 : i32
      %ne3A_2437 = arith.cmpi ne, %rem3A_2435, %ne3A_2436 : i32
      %and3A_2438 = arith.andi %ne3A_2434, %ne3A_2437 : i1
      %sub3A_2439 = arith.constant 1 : i32
      %sub3A_2440 = arith.subi %div3A_2419, %sub3A_2439 : i32
      %select_n3A_2441 = arith.select %and3A_2438, %sub3A_2440, %div3A_2419 : i32
      %mul3A_2442 = arith.constant 128 : i32
      %mul3A_2443 = arith.muli %select_n3A_2441, %mul3A_2442 : i32
      %sub3A_2444 = arith.subi %squeeze3A_840, %mul3A_2443 : i32
      %broadcast_in_dim3A_2445 = arith.constant 7 : i32
      %broadcast_in_dim3A_2446 = vector.broadcast %broadcast_in_dim3A_2445 : i32 to vector<16xi32>
      %add3A_2447 = arith.constant 0 : i32
      %add3A_2448 = vector.broadcast %add3A_2447 : i32 to vector<16xi32>
      %add3A_2449 = arith.addi %iota3A, %add3A_2448 : vector<16xi32>
      %broadcast_in_dim3A_2450 = vector.broadcast %sub3A_2444 : i32 to vector<16xi32>
      %gather3A_2451 = tpu.vector_load_idx %arg11[%broadcast_in_dim3A_2446, %add3A_2449, %broadcast_in_dim3A_2450] : memref<8x32x128xf32, #tpu.memory_space<vmem>>[vector<16xi32>, vector<16xi32>, vector<16xi32>], vector<16xf32>,
      %mul3A_2452 = arith.constant 512 : i32
      %mul3A_2453 = vector.broadcast %mul3A_2452 : i32 to vector<16xi32>
      %mul3A_2454 = arith.muli %add3A_2449, %mul3A_2453 : vector<16xi32>
      %add3A_2455 = vector.broadcast %add3A_838 : i32 to vector<16xi32>
      %add3A_2456 = arith.addi %mul3A_2454, %add3A_2455 : vector<16xi32>
      tpu.vector_store_idx %arg13[%add3A_2456], %gather3A_2451 : memref<16384xf32, #tpu.memory_space<vmem>>[vector<16xi32>], vector<16xf32>,
      %add3A_2457 = arith.constant 16 : i32
      %add3A_2458 = vector.broadcast %add3A_2457 : i32 to vector<16xi32>
      %add3A_2459 = arith.addi %iota3A, %add3A_2458 : vector<16xi32>
      %broadcast_in_dim3A_2460 = vector.broadcast %sub3A_2444 : i32 to vector<16xi32>
      %gather3A_2461 = tpu.vector_load_idx %arg11[%broadcast_in_dim3A_2446, %add3A_2459, %broadcast_in_dim3A_2460] : memref<8x32x128xf32, #tpu.memory_space<vmem>>[vector<16xi32>, vector<16xi32>, vector<16xi32>], vector<16xf32>,
      %mul3A_2462 = arith.constant 512 : i32
      %mul3A_2463 = vector.broadcast %mul3A_2462 : i32 to vector<16xi32>
      %mul3A_2464 = arith.muli %add3A_2459, %mul3A_2463 : vector<16xi32>
      %add3A_2465 = vector.broadcast %add3A_838 : i32 to vector<16xi32>
      %add3A_2466 = arith.addi %mul3A_2464, %add3A_2465 : vector<16xi32>
      tpu.vector_store_idx %arg13[%add3A_2466], %gather3A_2461 : memref<16384xf32, #tpu.memory_space<vmem>>[vector<16xi32>], vector<16xf32>,
      %dma_wait3A_2467 = arith.constant 7 : i32
      %dma_wait3A_2468 = arith.constant 0 : i32
      %dma_wait3A_2469 = arith.constant 0 : i32
      %dma_wait3A_2470 = tpu.memref_slice %arg12[%dma_wait3A_2467, %dma_wait3A_2468, %dma_wait3A_2469] : memref<8x32x128xf32, #tpu.memory_space<vmem>> -> memref<1x32x128xf32, #tpu.memory_space<vmem>>
      %dma_wait3A_2471 = tpu.memref_squeeze %dma_wait3A_2470 : memref<1x32x128xf32, #tpu.memory_space<vmem>> -> memref<32x128xf32, #tpu.memory_space<vmem>>
      %dma_wait3A_2472 = arith.constant 0 : i32
      %dma_wait3A_2473 = tpu.memref_slice %arg6[%dma_wait3A_2472, %multiple_of3A_909] : memref<32x1000001xf32, #tpu.memory_space<hbm>> -> memref<32x128xf32, #tpu.memory_space<hbm>>
      %dma_wait3A_2474 = arith.constant 0 : i32
      %dma_wait3A_2475 = arith.constant 0 : i32
      %dma_wait3A_2476 = tpu.memref_slice %arg12[%dma_wait3A_2467, %dma_wait3A_2474, %dma_wait3A_2475] : memref<8x32x128xf32, #tpu.memory_space<vmem>> -> memref<1x32x128xf32, #tpu.memory_space<vmem>>
      %dma_wait3A_2477 = tpu.memref_squeeze %dma_wait3A_2476 : memref<1x32x128xf32, #tpu.memory_space<vmem>> -> memref<32x128xf32, #tpu.memory_space<vmem>>
      %dma_wait3A_2478 = arith.constant 0 : i32
      %dma_wait3A_2479 = tpu.memref_slice %arg6[%dma_wait3A_2478, %multiple_of3A_909] : memref<32x1000001xf32, #tpu.memory_space<hbm>> -> memref<32x128xf32, #tpu.memory_space<hbm>>
      tpu.wait_dma2 semaphore(%arg18 : memref<!tpu.dma_semaphore, #tpu.memory_space<semaphore_mem>>) src(%dma_wait3A_2479 : memref<32x128xf32, #tpu.memory_space<hbm>>) dst(%dma_wait3A_2477 : memref<32x128xf32, #tpu.memory_space<vmem>>)
      %jit3A_2480 = arith.constant 128 : i32
      %div3A_2481 = arith.divsi %squeeze3A_842, %jit3A_2480 : i32
      %sign3A_2482 = arith.constant 0 : i32
      %sign3A_2483 = arith.cmpi sgt, %squeeze3A_842, %sign3A_2482 : i32
      %sign3A_2484 = arith.extui %sign3A_2483 : i1 to i32
      %sign3A_2485 = arith.constant 0 : i32
      %sign3A_2486 = arith.cmpi slt, %squeeze3A_842, %sign3A_2485 : i32
      %sign3A_2487 = arith.extui %sign3A_2486 : i1 to i32
      %sign3A_2488 = arith.subi %sign3A_2484, %sign3A_2487 : i32
      %sign3A_2489 = arith.constant 0 : i32
      %sign3A_2490 = arith.cmpi sgt, %jit3A_2480, %sign3A_2489 : i32
      %sign3A_2491 = arith.extui %sign3A_2490 : i1 to i32
      %sign3A_2492 = arith.constant 0 : i32
      %sign3A_2493 = arith.cmpi slt, %jit3A_2480, %sign3A_2492 : i32
      %sign3A_2494 = arith.extui %sign3A_2493 : i1 to i32
      %sign3A_2495 = arith.subi %sign3A_2491, %sign3A_2494 : i32
      %ne3A_2496 = arith.cmpi ne, %sign3A_2488, %sign3A_2495 : i32
      %rem3A_2497 = arith.remsi %squeeze3A_842, %jit3A_2480 : i32
      %ne3A_2498 = arith.constant 0 : i32
      %ne3A_2499 = arith.cmpi ne, %rem3A_2497, %ne3A_2498 : i32
      %and3A_2500 = arith.andi %ne3A_2496, %ne3A_2499 : i1
      %sub3A_2501 = arith.constant 1 : i32
      %sub3A_2502 = arith.subi %div3A_2481, %sub3A_2501 : i32
      %select_n3A_2503 = arith.select %and3A_2500, %sub3A_2502, %div3A_2481 : i32
      %mul3A_2504 = arith.constant 128 : i32
      %mul3A_2505 = arith.muli %select_n3A_2503, %mul3A_2504 : i32
      %sub3A_2506 = arith.subi %squeeze3A_842, %mul3A_2505 : i32
      %broadcast_in_dim3A_2507 = arith.constant 7 : i32
      %broadcast_in_dim3A_2508 = vector.broadcast %broadcast_in_dim3A_2507 : i32 to vector<16xi32>
      %add3A_2509 = arith.constant 0 : i32
      %add3A_2510 = vector.broadcast %add3A_2509 : i32 to vector<16xi32>
      %add3A_2511 = arith.addi %iota3A, %add3A_2510 : vector<16xi32>
      %broadcast_in_dim3A_2512 = vector.broadcast %sub3A_2506 : i32 to vector<16xi32>
      %gather3A_2513 = tpu.vector_load_idx %arg12[%broadcast_in_dim3A_2508, %add3A_2511, %broadcast_in_dim3A_2512] : memref<8x32x128xf32, #tpu.memory_space<vmem>>[vector<16xi32>, vector<16xi32>, vector<16xi32>], vector<16xf32>,
      %mul3A_2514 = arith.constant 512 : i32
      %mul3A_2515 = vector.broadcast %mul3A_2514 : i32 to vector<16xi32>
      %mul3A_2516 = arith.muli %add3A_2511, %mul3A_2515 : vector<16xi32>
      %add3A_2517 = vector.broadcast %add3A_838 : i32 to vector<16xi32>
      %add3A_2518 = arith.addi %mul3A_2516, %add3A_2517 : vector<16xi32>
      tpu.vector_store_idx %arg14[%add3A_2518], %gather3A_2513 : memref<16384xf32, #tpu.memory_space<vmem>>[vector<16xi32>], vector<16xf32>,
      %add3A_2519 = arith.constant 16 : i32
      %add3A_2520 = vector.broadcast %add3A_2519 : i32 to vector<16xi32>
      %add3A_2521 = arith.addi %iota3A, %add3A_2520 : vector<16xi32>
      %broadcast_in_dim3A_2522 = vector.broadcast %sub3A_2506 : i32 to vector<16xi32>
      %gather3A_2523 = tpu.vector_load_idx %arg12[%broadcast_in_dim3A_2508, %add3A_2521, %broadcast_in_dim3A_2522] : memref<8x32x128xf32, #tpu.memory_space<vmem>>[vector<16xi32>, vector<16xi32>, vector<16xi32>], vector<16xf32>,
      %mul3A_2524 = arith.constant 512 : i32
      %mul3A_2525 = vector.broadcast %mul3A_2524 : i32 to vector<16xi32>
      %mul3A_2526 = arith.muli %add3A_2521, %mul3A_2525 : vector<16xi32>
      %add3A_2527 = vector.broadcast %add3A_838 : i32 to vector<16xi32>
      %add3A_2528 = arith.addi %mul3A_2526, %add3A_2527 : vector<16xi32>
      tpu.vector_store_idx %arg14[%add3A_2528], %gather3A_2523 : memref<16384xf32, #tpu.memory_space<vmem>>[vector<16xi32>], vector<16xf32>,
      %mul3A_2529 = arith.constant 16 : i32
      %mul3A_2530 = arith.muli %scan3A_195, %mul3A_2529 : i32
      %add3A_2531 = arith.constant 15 : i32
      %add3A_2532 = arith.addi %mul3A_2530, %add3A_2531 : i32
      %slice3A_2533 = vector.extract_strided_slice %get3A_218 {offsets = [15], sizes = [1], strides = [1]} : vector<16xi32> to vector<1xi32>
      %squeeze3A_2534 = vector.extract %slice3A_2533[0] : i32 from vector<1xi32>
      %slice3A_2535 = vector.extract_strided_slice %get3A_221 {offsets = [15], sizes = [1], strides = [1]} : vector<16xi32> to vector<1xi32>
      %squeeze3A_2536 = vector.extract %slice3A_2535[0] : i32 from vector<1xi32>
      %jit3A_2537 = arith.constant 128 : i32
      %div3A_2538 = arith.divsi %squeeze3A_2534, %jit3A_2537 : i32
      %sign3A_2539 = arith.constant 0 : i32
      %sign3A_2540 = arith.cmpi sgt, %squeeze3A_2534, %sign3A_2539 : i32
      %sign3A_2541 = arith.extui %sign3A_2540 : i1 to i32
      %sign3A_2542 = arith.constant 0 : i32
      %sign3A_2543 = arith.cmpi slt, %squeeze3A_2534, %sign3A_2542 : i32
      %sign3A_2544 = arith.extui %sign3A_2543 : i1 to i32
      %sign3A_2545 = arith.subi %sign3A_2541, %sign3A_2544 : i32
      %sign3A_2546 = arith.constant 0 : i32
      %sign3A_2547 = arith.cmpi sgt, %jit3A_2537, %sign3A_2546 : i32
      %sign3A_2548 = arith.extui %sign3A_2547 : i1 to i32
      %sign3A_2549 = arith.constant 0 : i32
      %sign3A_2550 = arith.cmpi slt, %jit3A_2537, %sign3A_2549 : i32
      %sign3A_2551 = arith.extui %sign3A_2550 : i1 to i32
      %sign3A_2552 = arith.subi %sign3A_2548, %sign3A_2551 : i32
      %ne3A_2553 = arith.cmpi ne, %sign3A_2545, %sign3A_2552 : i32
      %rem3A_2554 = arith.remsi %squeeze3A_2534, %jit3A_2537 : i32
      %ne3A_2555 = arith.constant 0 : i32
      %ne3A_2556 = arith.cmpi ne, %rem3A_2554, %ne3A_2555 : i32
      %and3A_2557 = arith.andi %ne3A_2553, %ne3A_2556 : i1
      %sub3A_2558 = arith.constant 1 : i32
      %sub3A_2559 = arith.subi %div3A_2538, %sub3A_2558 : i32
      %select_n3A_2560 = arith.select %and3A_2557, %sub3A_2559, %div3A_2538 : i32
      %mul3A_2561 = arith.constant 128 : i32
      %mul3A_2562 = arith.muli %select_n3A_2560, %mul3A_2561 : i32
      %multiple_of3A_2563 = tpu.assume_multiple %mul3A_2562, 128 : i32
      %dma_start3A_2564 = arith.constant 7 : i32
      %dma_start3A_2565 = arith.constant 0 : i32
      %dma_start3A_2566 = arith.constant 0 : i32
      %dma_start3A_2567 = tpu.memref_slice %arg11[%dma_start3A_2564, %dma_start3A_2565, %dma_start3A_2566] : memref<8x32x128xf32, #tpu.memory_space<vmem>> -> memref<1x32x128xf32, #tpu.memory_space<vmem>>
      %dma_start3A_2568 = tpu.memref_squeeze %dma_start3A_2567 : memref<1x32x128xf32, #tpu.memory_space<vmem>> -> memref<32x128xf32, #tpu.memory_space<vmem>>
      %dma_start3A_2569 = arith.constant 0 : i32
      %dma_start3A_2570 = tpu.memref_slice %arg4[%dma_start3A_2569, %multiple_of3A_2563] : memref<32x1000001xf32, #tpu.memory_space<hbm>> -> memref<32x128xf32, #tpu.memory_space<hbm>>
      %dma_start3A_2571 = arith.constant 0 : i32
      %dma_start3A_2572 = arith.constant 0 : i32
      %dma_start3A_2573 = tpu.memref_slice %arg11[%dma_start3A_2564, %dma_start3A_2571, %dma_start3A_2572] : memref<8x32x128xf32, #tpu.memory_space<vmem>> -> memref<1x32x128xf32, #tpu.memory_space<vmem>>
      %dma_start3A_2574 = tpu.memref_squeeze %dma_start3A_2573 : memref<1x32x128xf32, #tpu.memory_space<vmem>> -> memref<32x128xf32, #tpu.memory_space<vmem>>
      %dma_start3A_2575 = arith.constant 0 : i32
      %dma_start3A_2576 = tpu.memref_slice %arg4[%dma_start3A_2575, %multiple_of3A_2563] : memref<32x1000001xf32, #tpu.memory_space<hbm>> -> memref<32x128xf32, #tpu.memory_space<hbm>>
      tpu.enqueue_dma source(%dma_start3A_2576 : memref<32x128xf32, #tpu.memory_space<hbm>>) target(%dma_start3A_2574 : memref<32x128xf32, #tpu.memory_space<vmem>>) target_semaphore(%arg18 : memref<!tpu.dma_semaphore, #tpu.memory_space<semaphore_mem>>)
      %jit3A_2577 = arith.constant 128 : i32
      %div3A_2578 = arith.divsi %squeeze3A_2536, %jit3A_2577 : i32
      %sign3A_2579 = arith.constant 0 : i32
      %sign3A_2580 = arith.cmpi sgt, %squeeze3A_2536, %sign3A_2579 : i32
      %sign3A_2581 = arith.extui %sign3A_2580 : i1 to i32
      %sign3A_2582 = arith.constant 0 : i32
      %sign3A_2583 = arith.cmpi slt, %squeeze3A_2536, %sign3A_2582 : i32
      %sign3A_2584 = arith.extui %sign3A_2583 : i1 to i32
      %sign3A_2585 = arith.subi %sign3A_2581, %sign3A_2584 : i32
      %sign3A_2586 = arith.constant 0 : i32
      %sign3A_2587 = arith.cmpi sgt, %jit3A_2577, %sign3A_2586 : i32
      %sign3A_2588 = arith.extui %sign3A_2587 : i1 to i32
      %sign3A_2589 = arith.constant 0 : i32
      %sign3A_2590 = arith.cmpi slt, %jit3A_2577, %sign3A_2589 : i32
      %sign3A_2591 = arith.extui %sign3A_2590 : i1 to i32
      %sign3A_2592 = arith.subi %sign3A_2588, %sign3A_2591 : i32
      %ne3A_2593 = arith.cmpi ne, %sign3A_2585, %sign3A_2592 : i32
      %rem3A_2594 = arith.remsi %squeeze3A_2536, %jit3A_2577 : i32
      %ne3A_2595 = arith.constant 0 : i32
      %ne3A_2596 = arith.cmpi ne, %rem3A_2594, %ne3A_2595 : i32
      %and3A_2597 = arith.andi %ne3A_2593, %ne3A_2596 : i1
      %sub3A_2598 = arith.constant 1 : i32
      %sub3A_2599 = arith.subi %div3A_2578, %sub3A_2598 : i32
      %select_n3A_2600 = arith.select %and3A_2597, %sub3A_2599, %div3A_2578 : i32
      %mul3A_2601 = arith.constant 128 : i32
      %mul3A_2602 = arith.muli %select_n3A_2600, %mul3A_2601 : i32
      %multiple_of3A_2603 = tpu.assume_multiple %mul3A_2602, 128 : i32
      %dma_start3A_2604 = arith.constant 7 : i32
      %dma_start3A_2605 = arith.constant 0 : i32
      %dma_start3A_2606 = arith.constant 0 : i32
      %dma_start3A_2607 = tpu.memref_slice %arg12[%dma_start3A_2604, %dma_start3A_2605, %dma_start3A_2606] : memref<8x32x128xf32, #tpu.memory_space<vmem>> -> memref<1x32x128xf32, #tpu.memory_space<vmem>>
      %dma_start3A_2608 = tpu.memref_squeeze %dma_start3A_2607 : memref<1x32x128xf32, #tpu.memory_space<vmem>> -> memref<32x128xf32, #tpu.memory_space<vmem>>
      %dma_start3A_2609 = arith.constant 0 : i32
      %dma_start3A_2610 = tpu.memref_slice %arg6[%dma_start3A_2609, %multiple_of3A_2603] : memref<32x1000001xf32, #tpu.memory_space<hbm>> -> memref<32x128xf32, #tpu.memory_space<hbm>>
      %dma_start3A_2611 = arith.constant 0 : i32
      %dma_start3A_2612 = arith.constant 0 : i32
      %dma_start3A_2613 = tpu.memref_slice %arg12[%dma_start3A_2604, %dma_start3A_2611, %dma_start3A_2612] : memref<8x32x128xf32, #tpu.memory_space<vmem>> -> memref<1x32x128xf32, #tpu.memory_space<vmem>>
      %dma_start3A_2614 = tpu.memref_squeeze %dma_start3A_2613 : memref<1x32x128xf32, #tpu.memory_space<vmem>> -> memref<32x128xf32, #tpu.memory_space<vmem>>
      %dma_start3A_2615 = arith.constant 0 : i32
      %dma_start3A_2616 = tpu.memref_slice %arg6[%dma_start3A_2615, %multiple_of3A_2603] : memref<32x1000001xf32, #tpu.memory_space<hbm>> -> memref<32x128xf32, #tpu.memory_space<hbm>>
      tpu.enqueue_dma source(%dma_start3A_2616 : memref<32x128xf32, #tpu.memory_space<hbm>>) target(%dma_start3A_2614 : memref<32x128xf32, #tpu.memory_space<vmem>>) target_semaphore(%arg18 : memref<!tpu.dma_semaphore, #tpu.memory_space<semaphore_mem>>)
      %dma_wait3A_2617 = arith.constant 0 : i32
      %dma_wait3A_2618 = arith.constant 0 : i32
      %dma_wait3A_2619 = arith.constant 0 : i32
      %dma_wait3A_2620 = tpu.memref_slice %arg11[%dma_wait3A_2617, %dma_wait3A_2618, %dma_wait3A_2619] : memref<8x32x128xf32, #tpu.memory_space<vmem>> -> memref<1x32x128xf32, #tpu.memory_space<vmem>>
      %dma_wait3A_2621 = tpu.memref_squeeze %dma_wait3A_2620 : memref<1x32x128xf32, #tpu.memory_space<vmem>> -> memref<32x128xf32, #tpu.memory_space<vmem>>
      %dma_wait3A_2622 = arith.constant 0 : i32
      %dma_wait3A_2623 = tpu.memref_slice %arg4[%dma_wait3A_2622, %multiple_of3A_1079] : memref<32x1000001xf32, #tpu.memory_space<hbm>> -> memref<32x128xf32, #tpu.memory_space<hbm>>
      %dma_wait3A_2624 = arith.constant 0 : i32
      %dma_wait3A_2625 = arith.constant 0 : i32
      %dma_wait3A_2626 = tpu.memref_slice %arg11[%dma_wait3A_2617, %dma_wait3A_2624, %dma_wait3A_2625] : memref<8x32x128xf32, #tpu.memory_space<vmem>> -> memref<1x32x128xf32, #tpu.memory_space<vmem>>
      %dma_wait3A_2627 = tpu.memref_squeeze %dma_wait3A_2626 : memref<1x32x128xf32, #tpu.memory_space<vmem>> -> memref<32x128xf32, #tpu.memory_space<vmem>>
      %dma_wait3A_2628 = arith.constant 0 : i32
      %dma_wait3A_2629 = tpu.memref_slice %arg4[%dma_wait3A_2628, %multiple_of3A_1079] : memref<32x1000001xf32, #tpu.memory_space<hbm>> -> memref<32x128xf32, #tpu.memory_space<hbm>>
      tpu.wait_dma2 semaphore(%arg18 : memref<!tpu.dma_semaphore, #tpu.memory_space<semaphore_mem>>) src(%dma_wait3A_2629 : memref<32x128xf32, #tpu.memory_space<hbm>>) dst(%dma_wait3A_2627 : memref<32x128xf32, #tpu.memory_space<vmem>>)
      %jit3A_2630 = arith.constant 128 : i32
      %div3A_2631 = arith.divsi %squeeze3A_1050, %jit3A_2630 : i32
      %sign3A_2632 = arith.constant 0 : i32
      %sign3A_2633 = arith.cmpi sgt, %squeeze3A_1050, %sign3A_2632 : i32
      %sign3A_2634 = arith.extui %sign3A_2633 : i1 to i32
      %sign3A_2635 = arith.constant 0 : i32
      %sign3A_2636 = arith.cmpi slt, %squeeze3A_1050, %sign3A_2635 : i32
      %sign3A_2637 = arith.extui %sign3A_2636 : i1 to i32
      %sign3A_2638 = arith.subi %sign3A_2634, %sign3A_2637 : i32
      %sign3A_2639 = arith.constant 0 : i32
      %sign3A_2640 = arith.cmpi sgt, %jit3A_2630, %sign3A_2639 : i32
      %sign3A_2641 = arith.extui %sign3A_2640 : i1 to i32
      %sign3A_2642 = arith.constant 0 : i32
      %sign3A_2643 = arith.cmpi slt, %jit3A_2630, %sign3A_2642 : i32
      %sign3A_2644 = arith.extui %sign3A_2643 : i1 to i32
      %sign3A_2645 = arith.subi %sign3A_2641, %sign3A_2644 : i32
      %ne3A_2646 = arith.cmpi ne, %sign3A_2638, %sign3A_2645 : i32
      %rem3A_2647 = arith.remsi %squeeze3A_1050, %jit3A_2630 : i32
      %ne3A_2648 = arith.constant 0 : i32
      %ne3A_2649 = arith.cmpi ne, %rem3A_2647, %ne3A_2648 : i32
      %and3A_2650 = arith.andi %ne3A_2646, %ne3A_2649 : i1
      %sub3A_2651 = arith.constant 1 : i32
      %sub3A_2652 = arith.subi %div3A_2631, %sub3A_2651 : i32
      %select_n3A_2653 = arith.select %and3A_2650, %sub3A_2652, %div3A_2631 : i32
      %mul3A_2654 = arith.constant 128 : i32
      %mul3A_2655 = arith.muli %select_n3A_2653, %mul3A_2654 : i32
      %sub3A_2656 = arith.subi %squeeze3A_1050, %mul3A_2655 : i32
      %broadcast_in_dim3A_2657 = arith.constant 0 : i32
      %broadcast_in_dim3A_2658 = vector.broadcast %broadcast_in_dim3A_2657 : i32 to vector<16xi32>
      %add3A_2659 = arith.constant 0 : i32
      %add3A_2660 = vector.broadcast %add3A_2659 : i32 to vector<16xi32>
      %add3A_2661 = arith.addi %iota3A, %add3A_2660 : vector<16xi32>
      %broadcast_in_dim3A_2662 = vector.broadcast %sub3A_2656 : i32 to vector<16xi32>
      %gather3A_2663 = tpu.vector_load_idx %arg11[%broadcast_in_dim3A_2658, %add3A_2661, %broadcast_in_dim3A_2662] : memref<8x32x128xf32, #tpu.memory_space<vmem>>[vector<16xi32>, vector<16xi32>, vector<16xi32>], vector<16xf32>,
      %mul3A_2664 = arith.constant 512 : i32
      %mul3A_2665 = vector.broadcast %mul3A_2664 : i32 to vector<16xi32>
      %mul3A_2666 = arith.muli %add3A_2661, %mul3A_2665 : vector<16xi32>
      %add3A_2667 = vector.broadcast %add3A_1048 : i32 to vector<16xi32>
      %add3A_2668 = arith.addi %mul3A_2666, %add3A_2667 : vector<16xi32>
      tpu.vector_store_idx %arg13[%add3A_2668], %gather3A_2663 : memref<16384xf32, #tpu.memory_space<vmem>>[vector<16xi32>], vector<16xf32>,
      %add3A_2669 = arith.constant 16 : i32
      %add3A_2670 = vector.broadcast %add3A_2669 : i32 to vector<16xi32>
      %add3A_2671 = arith.addi %iota3A, %add3A_2670 : vector<16xi32>
      %broadcast_in_dim3A_2672 = vector.broadcast %sub3A_2656 : i32 to vector<16xi32>
      %gather3A_2673 = tpu.vector_load_idx %arg11[%broadcast_in_dim3A_2658, %add3A_2671, %broadcast_in_dim3A_2672] : memref<8x32x128xf32, #tpu.memory_space<vmem>>[vector<16xi32>, vector<16xi32>, vector<16xi32>], vector<16xf32>,
      %mul3A_2674 = arith.constant 512 : i32
      %mul3A_2675 = vector.broadcast %mul3A_2674 : i32 to vector<16xi32>
      %mul3A_2676 = arith.muli %add3A_2671, %mul3A_2675 : vector<16xi32>
      %add3A_2677 = vector.broadcast %add3A_1048 : i32 to vector<16xi32>
      %add3A_2678 = arith.addi %mul3A_2676, %add3A_2677 : vector<16xi32>
      tpu.vector_store_idx %arg13[%add3A_2678], %gather3A_2673 : memref<16384xf32, #tpu.memory_space<vmem>>[vector<16xi32>], vector<16xf32>,
      %dma_wait3A_2679 = arith.constant 0 : i32
      %dma_wait3A_2680 = arith.constant 0 : i32
      %dma_wait3A_2681 = arith.constant 0 : i32
      %dma_wait3A_2682 = tpu.memref_slice %arg12[%dma_wait3A_2679, %dma_wait3A_2680, %dma_wait3A_2681] : memref<8x32x128xf32, #tpu.memory_space<vmem>> -> memref<1x32x128xf32, #tpu.memory_space<vmem>>
      %dma_wait3A_2683 = tpu.memref_squeeze %dma_wait3A_2682 : memref<1x32x128xf32, #tpu.memory_space<vmem>> -> memref<32x128xf32, #tpu.memory_space<vmem>>
      %dma_wait3A_2684 = arith.constant 0 : i32
      %dma_wait3A_2685 = tpu.memref_slice %arg6[%dma_wait3A_2684, %multiple_of3A_1119] : memref<32x1000001xf32, #tpu.memory_space<hbm>> -> memref<32x128xf32, #tpu.memory_space<hbm>>
      %dma_wait3A_2686 = arith.constant 0 : i32
      %dma_wait3A_2687 = arith.constant 0 : i32
      %dma_wait3A_2688 = tpu.memref_slice %arg12[%dma_wait3A_2679, %dma_wait3A_2686, %dma_wait3A_2687] : memref<8x32x128xf32, #tpu.memory_space<vmem>> -> memref<1x32x128xf32, #tpu.memory_space<vmem>>
      %dma_wait3A_2689 = tpu.memref_squeeze %dma_wait3A_2688 : memref<1x32x128xf32, #tpu.memory_space<vmem>> -> memref<32x128xf32, #tpu.memory_space<vmem>>
      %dma_wait3A_2690 = arith.constant 0 : i32
      %dma_wait3A_2691 = tpu.memref_slice %arg6[%dma_wait3A_2690, %multiple_of3A_1119] : memref<32x1000001xf32, #tpu.memory_space<hbm>> -> memref<32x128xf32, #tpu.memory_space<hbm>>
      tpu.wait_dma2 semaphore(%arg18 : memref<!tpu.dma_semaphore, #tpu.memory_space<semaphore_mem>>) src(%dma_wait3A_2691 : memref<32x128xf32, #tpu.memory_space<hbm>>) dst(%dma_wait3A_2689 : memref<32x128xf32, #tpu.memory_space<vmem>>)
      %jit3A_2692 = arith.constant 128 : i32
      %div3A_2693 = arith.divsi %squeeze3A_1052, %jit3A_2692 : i32
      %sign3A_2694 = arith.constant 0 : i32
      %sign3A_2695 = arith.cmpi sgt, %squeeze3A_1052, %sign3A_2694 : i32
      %sign3A_2696 = arith.extui %sign3A_2695 : i1 to i32
      %sign3A_2697 = arith.constant 0 : i32
      %sign3A_2698 = arith.cmpi slt, %squeeze3A_1052, %sign3A_2697 : i32
      %sign3A_2699 = arith.extui %sign3A_2698 : i1 to i32
      %sign3A_2700 = arith.subi %sign3A_2696, %sign3A_2699 : i32
      %sign3A_2701 = arith.constant 0 : i32
      %sign3A_2702 = arith.cmpi sgt, %jit3A_2692, %sign3A_2701 : i32
      %sign3A_2703 = arith.extui %sign3A_2702 : i1 to i32
      %sign3A_2704 = arith.constant 0 : i32
      %sign3A_2705 = arith.cmpi slt, %jit3A_2692, %sign3A_2704 : i32
      %sign3A_2706 = arith.extui %sign3A_2705 : i1 to i32
      %sign3A_2707 = arith.subi %sign3A_2703, %sign3A_2706 : i32
      %ne3A_2708 = arith.cmpi ne, %sign3A_2700, %sign3A_2707 : i32
      %rem3A_2709 = arith.remsi %squeeze3A_1052, %jit3A_2692 : i32
      %ne3A_2710 = arith.constant 0 : i32
      %ne3A_2711 = arith.cmpi ne, %rem3A_2709, %ne3A_2710 : i32
      %and3A_2712 = arith.andi %ne3A_2708, %ne3A_2711 : i1
      %sub3A_2713 = arith.constant 1 : i32
      %sub3A_2714 = arith.subi %div3A_2693, %sub3A_2713 : i32
      %select_n3A_2715 = arith.select %and3A_2712, %sub3A_2714, %div3A_2693 : i32
      %mul3A_2716 = arith.constant 128 : i32
      %mul3A_2717 = arith.muli %select_n3A_2715, %mul3A_2716 : i32
      %sub3A_2718 = arith.subi %squeeze3A_1052, %mul3A_2717 : i32
      %broadcast_in_dim3A_2719 = arith.constant 0 : i32
      %broadcast_in_dim3A_2720 = vector.broadcast %broadcast_in_dim3A_2719 : i32 to vector<16xi32>
      %add3A_2721 = arith.constant 0 : i32
      %add3A_2722 = vector.broadcast %add3A_2721 : i32 to vector<16xi32>
      %add3A_2723 = arith.addi %iota3A, %add3A_2722 : vector<16xi32>
      %broadcast_in_dim3A_2724 = vector.broadcast %sub3A_2718 : i32 to vector<16xi32>
      %gather3A_2725 = tpu.vector_load_idx %arg12[%broadcast_in_dim3A_2720, %add3A_2723, %broadcast_in_dim3A_2724] : memref<8x32x128xf32, #tpu.memory_space<vmem>>[vector<16xi32>, vector<16xi32>, vector<16xi32>], vector<16xf32>,
      %mul3A_2726 = arith.constant 512 : i32
      %mul3A_2727 = vector.broadcast %mul3A_2726 : i32 to vector<16xi32>
      %mul3A_2728 = arith.muli %add3A_2723, %mul3A_2727 : vector<16xi32>
      %add3A_2729 = vector.broadcast %add3A_1048 : i32 to vector<16xi32>
      %add3A_2730 = arith.addi %mul3A_2728, %add3A_2729 : vector<16xi32>
      tpu.vector_store_idx %arg14[%add3A_2730], %gather3A_2725 : memref<16384xf32, #tpu.memory_space<vmem>>[vector<16xi32>], vector<16xf32>,
      %add3A_2731 = arith.constant 16 : i32
      %add3A_2732 = vector.broadcast %add3A_2731 : i32 to vector<16xi32>
      %add3A_2733 = arith.addi %iota3A, %add3A_2732 : vector<16xi32>
      %broadcast_in_dim3A_2734 = vector.broadcast %sub3A_2718 : i32 to vector<16xi32>
      %gather3A_2735 = tpu.vector_load_idx %arg12[%broadcast_in_dim3A_2720, %add3A_2733, %broadcast_in_dim3A_2734] : memref<8x32x128xf32, #tpu.memory_space<vmem>>[vector<16xi32>, vector<16xi32>, vector<16xi32>], vector<16xf32>,
      %mul3A_2736 = arith.constant 512 : i32
      %mul3A_2737 = vector.broadcast %mul3A_2736 : i32 to vector<16xi32>
      %mul3A_2738 = arith.muli %add3A_2733, %mul3A_2737 : vector<16xi32>
      %add3A_2739 = vector.broadcast %add3A_1048 : i32 to vector<16xi32>
      %add3A_2740 = arith.addi %mul3A_2738, %add3A_2739 : vector<16xi32>
      tpu.vector_store_idx %arg14[%add3A_2740], %gather3A_2735 : memref<16384xf32, #tpu.memory_space<vmem>>[vector<16xi32>], vector<16xf32>,
      %dma_wait3A_2741 = arith.constant 1 : i32
      %dma_wait3A_2742 = arith.constant 0 : i32
      %dma_wait3A_2743 = arith.constant 0 : i32
      %dma_wait3A_2744 = tpu.memref_slice %arg11[%dma_wait3A_2741, %dma_wait3A_2742, %dma_wait3A_2743] : memref<8x32x128xf32, #tpu.memory_space<vmem>> -> memref<1x32x128xf32, #tpu.memory_space<vmem>>
      %dma_wait3A_2745 = tpu.memref_squeeze %dma_wait3A_2744 : memref<1x32x128xf32, #tpu.memory_space<vmem>> -> memref<32x128xf32, #tpu.memory_space<vmem>>
      %dma_wait3A_2746 = arith.constant 0 : i32
      %dma_wait3A_2747 = tpu.memref_slice %arg4[%dma_wait3A_2746, %multiple_of3A_1291] : memref<32x1000001xf32, #tpu.memory_space<hbm>> -> memref<32x128xf32, #tpu.memory_space<hbm>>
      %dma_wait3A_2748 = arith.constant 0 : i32
      %dma_wait3A_2749 = arith.constant 0 : i32
      %dma_wait3A_2750 = tpu.memref_slice %arg11[%dma_wait3A_2741, %dma_wait3A_2748, %dma_wait3A_2749] : memref<8x32x128xf32, #tpu.memory_space<vmem>> -> memref<1x32x128xf32, #tpu.memory_space<vmem>>
      %dma_wait3A_2751 = tpu.memref_squeeze %dma_wait3A_2750 : memref<1x32x128xf32, #tpu.memory_space<vmem>> -> memref<32x128xf32, #tpu.memory_space<vmem>>
      %dma_wait3A_2752 = arith.constant 0 : i32
      %dma_wait3A_2753 = tpu.memref_slice %arg4[%dma_wait3A_2752, %multiple_of3A_1291] : memref<32x1000001xf32, #tpu.memory_space<hbm>> -> memref<32x128xf32, #tpu.memory_space<hbm>>
      tpu.wait_dma2 semaphore(%arg18 : memref<!tpu.dma_semaphore, #tpu.memory_space<semaphore_mem>>) src(%dma_wait3A_2753 : memref<32x128xf32, #tpu.memory_space<hbm>>) dst(%dma_wait3A_2751 : memref<32x128xf32, #tpu.memory_space<vmem>>)
      %jit3A_2754 = arith.constant 128 : i32
      %div3A_2755 = arith.divsi %squeeze3A_1262, %jit3A_2754 : i32
      %sign3A_2756 = arith.constant 0 : i32
      %sign3A_2757 = arith.cmpi sgt, %squeeze3A_1262, %sign3A_2756 : i32
      %sign3A_2758 = arith.extui %sign3A_2757 : i1 to i32
      %sign3A_2759 = arith.constant 0 : i32
      %sign3A_2760 = arith.cmpi slt, %squeeze3A_1262, %sign3A_2759 : i32
      %sign3A_2761 = arith.extui %sign3A_2760 : i1 to i32
      %sign3A_2762 = arith.subi %sign3A_2758, %sign3A_2761 : i32
      %sign3A_2763 = arith.constant 0 : i32
      %sign3A_2764 = arith.cmpi sgt, %jit3A_2754, %sign3A_2763 : i32
      %sign3A_2765 = arith.extui %sign3A_2764 : i1 to i32
      %sign3A_2766 = arith.constant 0 : i32
      %sign3A_2767 = arith.cmpi slt, %jit3A_2754, %sign3A_2766 : i32
      %sign3A_2768 = arith.extui %sign3A_2767 : i1 to i32
      %sign3A_2769 = arith.subi %sign3A_2765, %sign3A_2768 : i32
      %ne3A_2770 = arith.cmpi ne, %sign3A_2762, %sign3A_2769 : i32
      %rem3A_2771 = arith.remsi %squeeze3A_1262, %jit3A_2754 : i32
      %ne3A_2772 = arith.constant 0 : i32
      %ne3A_2773 = arith.cmpi ne, %rem3A_2771, %ne3A_2772 : i32
      %and3A_2774 = arith.andi %ne3A_2770, %ne3A_2773 : i1
      %sub3A_2775 = arith.constant 1 : i32
      %sub3A_2776 = arith.subi %div3A_2755, %sub3A_2775 : i32
      %select_n3A_2777 = arith.select %and3A_2774, %sub3A_2776, %div3A_2755 : i32
      %mul3A_2778 = arith.constant 128 : i32
      %mul3A_2779 = arith.muli %select_n3A_2777, %mul3A_2778 : i32
      %sub3A_2780 = arith.subi %squeeze3A_1262, %mul3A_2779 : i32
      %broadcast_in_dim3A_2781 = arith.constant 1 : i32
      %broadcast_in_dim3A_2782 = vector.broadcast %broadcast_in_dim3A_2781 : i32 to vector<16xi32>
      %add3A_2783 = arith.constant 0 : i32
      %add3A_2784 = vector.broadcast %add3A_2783 : i32 to vector<16xi32>
      %add3A_2785 = arith.addi %iota3A, %add3A_2784 : vector<16xi32>
      %broadcast_in_dim3A_2786 = vector.broadcast %sub3A_2780 : i32 to vector<16xi32>
      %gather3A_2787 = tpu.vector_load_idx %arg11[%broadcast_in_dim3A_2782, %add3A_2785, %broadcast_in_dim3A_2786] : memref<8x32x128xf32, #tpu.memory_space<vmem>>[vector<16xi32>, vector<16xi32>, vector<16xi32>], vector<16xf32>,
      %mul3A_2788 = arith.constant 512 : i32
      %mul3A_2789 = vector.broadcast %mul3A_2788 : i32 to vector<16xi32>
      %mul3A_2790 = arith.muli %add3A_2785, %mul3A_2789 : vector<16xi32>
      %add3A_2791 = vector.broadcast %add3A_1260 : i32 to vector<16xi32>
      %add3A_2792 = arith.addi %mul3A_2790, %add3A_2791 : vector<16xi32>
      tpu.vector_store_idx %arg13[%add3A_2792], %gather3A_2787 : memref<16384xf32, #tpu.memory_space<vmem>>[vector<16xi32>], vector<16xf32>,
      %add3A_2793 = arith.constant 16 : i32
      %add3A_2794 = vector.broadcast %add3A_2793 : i32 to vector<16xi32>
      %add3A_2795 = arith.addi %iota3A, %add3A_2794 : vector<16xi32>
      %broadcast_in_dim3A_2796 = vector.broadcast %sub3A_2780 : i32 to vector<16xi32>
      %gather3A_2797 = tpu.vector_load_idx %arg11[%broadcast_in_dim3A_2782, %add3A_2795, %broadcast_in_dim3A_2796] : memref<8x32x128xf32, #tpu.memory_space<vmem>>[vector<16xi32>, vector<16xi32>, vector<16xi32>], vector<16xf32>,
      %mul3A_2798 = arith.constant 512 : i32
      %mul3A_2799 = vector.broadcast %mul3A_2798 : i32 to vector<16xi32>
      %mul3A_2800 = arith.muli %add3A_2795, %mul3A_2799 : vector<16xi32>
      %add3A_2801 = vector.broadcast %add3A_1260 : i32 to vector<16xi32>
      %add3A_2802 = arith.addi %mul3A_2800, %add3A_2801 : vector<16xi32>
      tpu.vector_store_idx %arg13[%add3A_2802], %gather3A_2797 : memref<16384xf32, #tpu.memory_space<vmem>>[vector<16xi32>], vector<16xf32>,
      %dma_wait3A_2803 = arith.constant 1 : i32
      %dma_wait3A_2804 = arith.constant 0 : i32
      %dma_wait3A_2805 = arith.constant 0 : i32
      %dma_wait3A_2806 = tpu.memref_slice %arg12[%dma_wait3A_2803, %dma_wait3A_2804, %dma_wait3A_2805] : memref<8x32x128xf32, #tpu.memory_space<vmem>> -> memref<1x32x128xf32, #tpu.memory_space<vmem>>
      %dma_wait3A_2807 = tpu.memref_squeeze %dma_wait3A_2806 : memref<1x32x128xf32, #tpu.memory_space<vmem>> -> memref<32x128xf32, #tpu.memory_space<vmem>>
      %dma_wait3A_2808 = arith.constant 0 : i32
      %dma_wait3A_2809 = tpu.memref_slice %arg6[%dma_wait3A_2808, %multiple_of3A_1331] : memref<32x1000001xf32, #tpu.memory_space<hbm>> -> memref<32x128xf32, #tpu.memory_space<hbm>>
      %dma_wait3A_2810 = arith.constant 0 : i32
      %dma_wait3A_2811 = arith.constant 0 : i32
      %dma_wait3A_2812 = tpu.memref_slice %arg12[%dma_wait3A_2803, %dma_wait3A_2810, %dma_wait3A_2811] : memref<8x32x128xf32, #tpu.memory_space<vmem>> -> memref<1x32x128xf32, #tpu.memory_space<vmem>>
      %dma_wait3A_2813 = tpu.memref_squeeze %dma_wait3A_2812 : memref<1x32x128xf32, #tpu.memory_space<vmem>> -> memref<32x128xf32, #tpu.memory_space<vmem>>
      %dma_wait3A_2814 = arith.constant 0 : i32
      %dma_wait3A_2815 = tpu.memref_slice %arg6[%dma_wait3A_2814, %multiple_of3A_1331] : memref<32x1000001xf32, #tpu.memory_space<hbm>> -> memref<32x128xf32, #tpu.memory_space<hbm>>
      tpu.wait_dma2 semaphore(%arg18 : memref<!tpu.dma_semaphore, #tpu.memory_space<semaphore_mem>>) src(%dma_wait3A_2815 : memref<32x128xf32, #tpu.memory_space<hbm>>) dst(%dma_wait3A_2813 : memref<32x128xf32, #tpu.memory_space<vmem>>)
      %jit3A_2816 = arith.constant 128 : i32
      %div3A_2817 = arith.divsi %squeeze3A_1264, %jit3A_2816 : i32
      %sign3A_2818 = arith.constant 0 : i32
      %sign3A_2819 = arith.cmpi sgt, %squeeze3A_1264, %sign3A_2818 : i32
      %sign3A_2820 = arith.extui %sign3A_2819 : i1 to i32
      %sign3A_2821 = arith.constant 0 : i32
      %sign3A_2822 = arith.cmpi slt, %squeeze3A_1264, %sign3A_2821 : i32
      %sign3A_2823 = arith.extui %sign3A_2822 : i1 to i32
      %sign3A_2824 = arith.subi %sign3A_2820, %sign3A_2823 : i32
      %sign3A_2825 = arith.constant 0 : i32
      %sign3A_2826 = arith.cmpi sgt, %jit3A_2816, %sign3A_2825 : i32
      %sign3A_2827 = arith.extui %sign3A_2826 : i1 to i32
      %sign3A_2828 = arith.constant 0 : i32
      %sign3A_2829 = arith.cmpi slt, %jit3A_2816, %sign3A_2828 : i32
      %sign3A_2830 = arith.extui %sign3A_2829 : i1 to i32
      %sign3A_2831 = arith.subi %sign3A_2827, %sign3A_2830 : i32
      %ne3A_2832 = arith.cmpi ne, %sign3A_2824, %sign3A_2831 : i32
      %rem3A_2833 = arith.remsi %squeeze3A_1264, %jit3A_2816 : i32
      %ne3A_2834 = arith.constant 0 : i32
      %ne3A_2835 = arith.cmpi ne, %rem3A_2833, %ne3A_2834 : i32
      %and3A_2836 = arith.andi %ne3A_2832, %ne3A_2835 : i1
      %sub3A_2837 = arith.constant 1 : i32
      %sub3A_2838 = arith.subi %div3A_2817, %sub3A_2837 : i32
      %select_n3A_2839 = arith.select %and3A_2836, %sub3A_2838, %div3A_2817 : i32
      %mul3A_2840 = arith.constant 128 : i32
      %mul3A_2841 = arith.muli %select_n3A_2839, %mul3A_2840 : i32
      %sub3A_2842 = arith.subi %squeeze3A_1264, %mul3A_2841 : i32
      %broadcast_in_dim3A_2843 = arith.constant 1 : i32
      %broadcast_in_dim3A_2844 = vector.broadcast %broadcast_in_dim3A_2843 : i32 to vector<16xi32>
      %add3A_2845 = arith.constant 0 : i32
      %add3A_2846 = vector.broadcast %add3A_2845 : i32 to vector<16xi32>
      %add3A_2847 = arith.addi %iota3A, %add3A_2846 : vector<16xi32>
      %broadcast_in_dim3A_2848 = vector.broadcast %sub3A_2842 : i32 to vector<16xi32>
      %gather3A_2849 = tpu.vector_load_idx %arg12[%broadcast_in_dim3A_2844, %add3A_2847, %broadcast_in_dim3A_2848] : memref<8x32x128xf32, #tpu.memory_space<vmem>>[vector<16xi32>, vector<16xi32>, vector<16xi32>], vector<16xf32>,
      %mul3A_2850 = arith.constant 512 : i32
      %mul3A_2851 = vector.broadcast %mul3A_2850 : i32 to vector<16xi32>
      %mul3A_2852 = arith.muli %add3A_2847, %mul3A_2851 : vector<16xi32>
      %add3A_2853 = vector.broadcast %add3A_1260 : i32 to vector<16xi32>
      %add3A_2854 = arith.addi %mul3A_2852, %add3A_2853 : vector<16xi32>
      tpu.vector_store_idx %arg14[%add3A_2854], %gather3A_2849 : memref<16384xf32, #tpu.memory_space<vmem>>[vector<16xi32>], vector<16xf32>,
      %add3A_2855 = arith.constant 16 : i32
      %add3A_2856 = vector.broadcast %add3A_2855 : i32 to vector<16xi32>
      %add3A_2857 = arith.addi %iota3A, %add3A_2856 : vector<16xi32>
      %broadcast_in_dim3A_2858 = vector.broadcast %sub3A_2842 : i32 to vector<16xi32>
      %gather3A_2859 = tpu.vector_load_idx %arg12[%broadcast_in_dim3A_2844, %add3A_2857, %broadcast_in_dim3A_2858] : memref<8x32x128xf32, #tpu.memory_space<vmem>>[vector<16xi32>, vector<16xi32>, vector<16xi32>], vector<16xf32>,
      %mul3A_2860 = arith.constant 512 : i32
      %mul3A_2861 = vector.broadcast %mul3A_2860 : i32 to vector<16xi32>
      %mul3A_2862 = arith.muli %add3A_2857, %mul3A_2861 : vector<16xi32>
      %add3A_2863 = vector.broadcast %add3A_1260 : i32 to vector<16xi32>
      %add3A_2864 = arith.addi %mul3A_2862, %add3A_2863 : vector<16xi32>
      tpu.vector_store_idx %arg14[%add3A_2864], %gather3A_2859 : memref<16384xf32, #tpu.memory_space<vmem>>[vector<16xi32>], vector<16xf32>,
      %dma_wait3A_2865 = arith.constant 2 : i32
      %dma_wait3A_2866 = arith.constant 0 : i32
      %dma_wait3A_2867 = arith.constant 0 : i32
      %dma_wait3A_2868 = tpu.memref_slice %arg11[%dma_wait3A_2865, %dma_wait3A_2866, %dma_wait3A_2867] : memref<8x32x128xf32, #tpu.memory_space<vmem>> -> memref<1x32x128xf32, #tpu.memory_space<vmem>>
      %dma_wait3A_2869 = tpu.memref_squeeze %dma_wait3A_2868 : memref<1x32x128xf32, #tpu.memory_space<vmem>> -> memref<32x128xf32, #tpu.memory_space<vmem>>
      %dma_wait3A_2870 = arith.constant 0 : i32
      %dma_wait3A_2871 = tpu.memref_slice %arg4[%dma_wait3A_2870, %multiple_of3A_1503] : memref<32x1000001xf32, #tpu.memory_space<hbm>> -> memref<32x128xf32, #tpu.memory_space<hbm>>
      %dma_wait3A_2872 = arith.constant 0 : i32
      %dma_wait3A_2873 = arith.constant 0 : i32
      %dma_wait3A_2874 = tpu.memref_slice %arg11[%dma_wait3A_2865, %dma_wait3A_2872, %dma_wait3A_2873] : memref<8x32x128xf32, #tpu.memory_space<vmem>> -> memref<1x32x128xf32, #tpu.memory_space<vmem>>
      %dma_wait3A_2875 = tpu.memref_squeeze %dma_wait3A_2874 : memref<1x32x128xf32, #tpu.memory_space<vmem>> -> memref<32x128xf32, #tpu.memory_space<vmem>>
      %dma_wait3A_2876 = arith.constant 0 : i32
      %dma_wait3A_2877 = tpu.memref_slice %arg4[%dma_wait3A_2876, %multiple_of3A_1503] : memref<32x1000001xf32, #tpu.memory_space<hbm>> -> memref<32x128xf32, #tpu.memory_space<hbm>>
      tpu.wait_dma2 semaphore(%arg18 : memref<!tpu.dma_semaphore, #tpu.memory_space<semaphore_mem>>) src(%dma_wait3A_2877 : memref<32x128xf32, #tpu.memory_space<hbm>>) dst(%dma_wait3A_2875 : memref<32x128xf32, #tpu.memory_space<vmem>>)
      %jit3A_2878 = arith.constant 128 : i32
      %div3A_2879 = arith.divsi %squeeze3A_1474, %jit3A_2878 : i32
      %sign3A_2880 = arith.constant 0 : i32
      %sign3A_2881 = arith.cmpi sgt, %squeeze3A_1474, %sign3A_2880 : i32
      %sign3A_2882 = arith.extui %sign3A_2881 : i1 to i32
      %sign3A_2883 = arith.constant 0 : i32
      %sign3A_2884 = arith.cmpi slt, %squeeze3A_1474, %sign3A_2883 : i32
      %sign3A_2885 = arith.extui %sign3A_2884 : i1 to i32
      %sign3A_2886 = arith.subi %sign3A_2882, %sign3A_2885 : i32
      %sign3A_2887 = arith.constant 0 : i32
      %sign3A_2888 = arith.cmpi sgt, %jit3A_2878, %sign3A_2887 : i32
      %sign3A_2889 = arith.extui %sign3A_2888 : i1 to i32
      %sign3A_2890 = arith.constant 0 : i32
      %sign3A_2891 = arith.cmpi slt, %jit3A_2878, %sign3A_2890 : i32
      %sign3A_2892 = arith.extui %sign3A_2891 : i1 to i32
      %sign3A_2893 = arith.subi %sign3A_2889, %sign3A_2892 : i32
      %ne3A_2894 = arith.cmpi ne, %sign3A_2886, %sign3A_2893 : i32
      %rem3A_2895 = arith.remsi %squeeze3A_1474, %jit3A_2878 : i32
      %ne3A_2896 = arith.constant 0 : i32
      %ne3A_2897 = arith.cmpi ne, %rem3A_2895, %ne3A_2896 : i32
      %and3A_2898 = arith.andi %ne3A_2894, %ne3A_2897 : i1
      %sub3A_2899 = arith.constant 1 : i32
      %sub3A_2900 = arith.subi %div3A_2879, %sub3A_2899 : i32
      %select_n3A_2901 = arith.select %and3A_2898, %sub3A_2900, %div3A_2879 : i32
      %mul3A_2902 = arith.constant 128 : i32
      %mul3A_2903 = arith.muli %select_n3A_2901, %mul3A_2902 : i32
      %sub3A_2904 = arith.subi %squeeze3A_1474, %mul3A_2903 : i32
      %broadcast_in_dim3A_2905 = arith.constant 2 : i32
      %broadcast_in_dim3A_2906 = vector.broadcast %broadcast_in_dim3A_2905 : i32 to vector<16xi32>
      %add3A_2907 = arith.constant 0 : i32
      %add3A_2908 = vector.broadcast %add3A_2907 : i32 to vector<16xi32>
      %add3A_2909 = arith.addi %iota3A, %add3A_2908 : vector<16xi32>
      %broadcast_in_dim3A_2910 = vector.broadcast %sub3A_2904 : i32 to vector<16xi32>
      %gather3A_2911 = tpu.vector_load_idx %arg11[%broadcast_in_dim3A_2906, %add3A_2909, %broadcast_in_dim3A_2910] : memref<8x32x128xf32, #tpu.memory_space<vmem>>[vector<16xi32>, vector<16xi32>, vector<16xi32>], vector<16xf32>,
      %mul3A_2912 = arith.constant 512 : i32
      %mul3A_2913 = vector.broadcast %mul3A_2912 : i32 to vector<16xi32>
      %mul3A_2914 = arith.muli %add3A_2909, %mul3A_2913 : vector<16xi32>
      %add3A_2915 = vector.broadcast %add3A_1472 : i32 to vector<16xi32>
      %add3A_2916 = arith.addi %mul3A_2914, %add3A_2915 : vector<16xi32>
      tpu.vector_store_idx %arg13[%add3A_2916], %gather3A_2911 : memref<16384xf32, #tpu.memory_space<vmem>>[vector<16xi32>], vector<16xf32>,
      %add3A_2917 = arith.constant 16 : i32
      %add3A_2918 = vector.broadcast %add3A_2917 : i32 to vector<16xi32>
      %add3A_2919 = arith.addi %iota3A, %add3A_2918 : vector<16xi32>
      %broadcast_in_dim3A_2920 = vector.broadcast %sub3A_2904 : i32 to vector<16xi32>
      %gather3A_2921 = tpu.vector_load_idx %arg11[%broadcast_in_dim3A_2906, %add3A_2919, %broadcast_in_dim3A_2920] : memref<8x32x128xf32, #tpu.memory_space<vmem>>[vector<16xi32>, vector<16xi32>, vector<16xi32>], vector<16xf32>,
      %mul3A_2922 = arith.constant 512 : i32
      %mul3A_2923 = vector.broadcast %mul3A_2922 : i32 to vector<16xi32>
      %mul3A_2924 = arith.muli %add3A_2919, %mul3A_2923 : vector<16xi32>
      %add3A_2925 = vector.broadcast %add3A_1472 : i32 to vector<16xi32>
      %add3A_2926 = arith.addi %mul3A_2924, %add3A_2925 : vector<16xi32>
      tpu.vector_store_idx %arg13[%add3A_2926], %gather3A_2921 : memref<16384xf32, #tpu.memory_space<vmem>>[vector<16xi32>], vector<16xf32>,
      %dma_wait3A_2927 = arith.constant 2 : i32
      %dma_wait3A_2928 = arith.constant 0 : i32
      %dma_wait3A_2929 = arith.constant 0 : i32
      %dma_wait3A_2930 = tpu.memref_slice %arg12[%dma_wait3A_2927, %dma_wait3A_2928, %dma_wait3A_2929] : memref<8x32x128xf32, #tpu.memory_space<vmem>> -> memref<1x32x128xf32, #tpu.memory_space<vmem>>
      %dma_wait3A_2931 = tpu.memref_squeeze %dma_wait3A_2930 : memref<1x32x128xf32, #tpu.memory_space<vmem>> -> memref<32x128xf32, #tpu.memory_space<vmem>>
      %dma_wait3A_2932 = arith.constant 0 : i32
      %dma_wait3A_2933 = tpu.memref_slice %arg6[%dma_wait3A_2932, %multiple_of3A_1543] : memref<32x1000001xf32, #tpu.memory_space<hbm>> -> memref<32x128xf32, #tpu.memory_space<hbm>>
      %dma_wait3A_2934 = arith.constant 0 : i32
      %dma_wait3A_2935 = arith.constant 0 : i32
      %dma_wait3A_2936 = tpu.memref_slice %arg12[%dma_wait3A_2927, %dma_wait3A_2934, %dma_wait3A_2935] : memref<8x32x128xf32, #tpu.memory_space<vmem>> -> memref<1x32x128xf32, #tpu.memory_space<vmem>>
      %dma_wait3A_2937 = tpu.memref_squeeze %dma_wait3A_2936 : memref<1x32x128xf32, #tpu.memory_space<vmem>> -> memref<32x128xf32, #tpu.memory_space<vmem>>
      %dma_wait3A_2938 = arith.constant 0 : i32
      %dma_wait3A_2939 = tpu.memref_slice %arg6[%dma_wait3A_2938, %multiple_of3A_1543] : memref<32x1000001xf32, #tpu.memory_space<hbm>> -> memref<32x128xf32, #tpu.memory_space<hbm>>
      tpu.wait_dma2 semaphore(%arg18 : memref<!tpu.dma_semaphore, #tpu.memory_space<semaphore_mem>>) src(%dma_wait3A_2939 : memref<32x128xf32, #tpu.memory_space<hbm>>) dst(%dma_wait3A_2937 : memref<32x128xf32, #tpu.memory_space<vmem>>)
      %jit3A_2940 = arith.constant 128 : i32
      %div3A_2941 = arith.divsi %squeeze3A_1476, %jit3A_2940 : i32
      %sign3A_2942 = arith.constant 0 : i32
      %sign3A_2943 = arith.cmpi sgt, %squeeze3A_1476, %sign3A_2942 : i32
      %sign3A_2944 = arith.extui %sign3A_2943 : i1 to i32
      %sign3A_2945 = arith.constant 0 : i32
      %sign3A_2946 = arith.cmpi slt, %squeeze3A_1476, %sign3A_2945 : i32
      %sign3A_2947 = arith.extui %sign3A_2946 : i1 to i32
      %sign3A_2948 = arith.subi %sign3A_2944, %sign3A_2947 : i32
      %sign3A_2949 = arith.constant 0 : i32
      %sign3A_2950 = arith.cmpi sgt, %jit3A_2940, %sign3A_2949 : i32
      %sign3A_2951 = arith.extui %sign3A_2950 : i1 to i32
      %sign3A_2952 = arith.constant 0 : i32
      %sign3A_2953 = arith.cmpi slt, %jit3A_2940, %sign3A_2952 : i32
      %sign3A_2954 = arith.extui %sign3A_2953 : i1 to i32
      %sign3A_2955 = arith.subi %sign3A_2951, %sign3A_2954 : i32
      %ne3A_2956 = arith.cmpi ne, %sign3A_2948, %sign3A_2955 : i32
      %rem3A_2957 = arith.remsi %squeeze3A_1476, %jit3A_2940 : i32
      %ne3A_2958 = arith.constant 0 : i32
      %ne3A_2959 = arith.cmpi ne, %rem3A_2957, %ne3A_2958 : i32
      %and3A_2960 = arith.andi %ne3A_2956, %ne3A_2959 : i1
      %sub3A_2961 = arith.constant 1 : i32
      %sub3A_2962 = arith.subi %div3A_2941, %sub3A_2961 : i32
      %select_n3A_2963 = arith.select %and3A_2960, %sub3A_2962, %div3A_2941 : i32
      %mul3A_2964 = arith.constant 128 : i32
      %mul3A_2965 = arith.muli %select_n3A_2963, %mul3A_2964 : i32
      %sub3A_2966 = arith.subi %squeeze3A_1476, %mul3A_2965 : i32
      %broadcast_in_dim3A_2967 = arith.constant 2 : i32
      %broadcast_in_dim3A_2968 = vector.broadcast %broadcast_in_dim3A_2967 : i32 to vector<16xi32>
      %add3A_2969 = arith.constant 0 : i32
      %add3A_2970 = vector.broadcast %add3A_2969 : i32 to vector<16xi32>
      %add3A_2971 = arith.addi %iota3A, %add3A_2970 : vector<16xi32>
      %broadcast_in_dim3A_2972 = vector.broadcast %sub3A_2966 : i32 to vector<16xi32>
      %gather3A_2973 = tpu.vector_load_idx %arg12[%broadcast_in_dim3A_2968, %add3A_2971, %broadcast_in_dim3A_2972] : memref<8x32x128xf32, #tpu.memory_space<vmem>>[vector<16xi32>, vector<16xi32>, vector<16xi32>], vector<16xf32>,
      %mul3A_2974 = arith.constant 512 : i32
      %mul3A_2975 = vector.broadcast %mul3A_2974 : i32 to vector<16xi32>
      %mul3A_2976 = arith.muli %add3A_2971, %mul3A_2975 : vector<16xi32>
      %add3A_2977 = vector.broadcast %add3A_1472 : i32 to vector<16xi32>
      %add3A_2978 = arith.addi %mul3A_2976, %add3A_2977 : vector<16xi32>
      tpu.vector_store_idx %arg14[%add3A_2978], %gather3A_2973 : memref<16384xf32, #tpu.memory_space<vmem>>[vector<16xi32>], vector<16xf32>,
      %add3A_2979 = arith.constant 16 : i32
      %add3A_2980 = vector.broadcast %add3A_2979 : i32 to vector<16xi32>
      %add3A_2981 = arith.addi %iota3A, %add3A_2980 : vector<16xi32>
      %broadcast_in_dim3A_2982 = vector.broadcast %sub3A_2966 : i32 to vector<16xi32>
      %gather3A_2983 = tpu.vector_load_idx %arg12[%broadcast_in_dim3A_2968, %add3A_2981, %broadcast_in_dim3A_2982] : memref<8x32x128xf32, #tpu.memory_space<vmem>>[vector<16xi32>, vector<16xi32>, vector<16xi32>], vector<16xf32>,
      %mul3A_2984 = arith.constant 512 : i32
      %mul3A_2985 = vector.broadcast %mul3A_2984 : i32 to vector<16xi32>
      %mul3A_2986 = arith.muli %add3A_2981, %mul3A_2985 : vector<16xi32>
      %add3A_2987 = vector.broadcast %add3A_1472 : i32 to vector<16xi32>
      %add3A_2988 = arith.addi %mul3A_2986, %add3A_2987 : vector<16xi32>
      tpu.vector_store_idx %arg14[%add3A_2988], %gather3A_2983 : memref<16384xf32, #tpu.memory_space<vmem>>[vector<16xi32>], vector<16xf32>,
      %dma_wait3A_2989 = arith.constant 3 : i32
      %dma_wait3A_2990 = arith.constant 0 : i32
      %dma_wait3A_2991 = arith.constant 0 : i32
      %dma_wait3A_2992 = tpu.memref_slice %arg11[%dma_wait3A_2989, %dma_wait3A_2990, %dma_wait3A_2991] : memref<8x32x128xf32, #tpu.memory_space<vmem>> -> memref<1x32x128xf32, #tpu.memory_space<vmem>>
      %dma_wait3A_2993 = tpu.memref_squeeze %dma_wait3A_2992 : memref<1x32x128xf32, #tpu.memory_space<vmem>> -> memref<32x128xf32, #tpu.memory_space<vmem>>
      %dma_wait3A_2994 = arith.constant 0 : i32
      %dma_wait3A_2995 = tpu.memref_slice %arg4[%dma_wait3A_2994, %multiple_of3A_1715] : memref<32x1000001xf32, #tpu.memory_space<hbm>> -> memref<32x128xf32, #tpu.memory_space<hbm>>
      %dma_wait3A_2996 = arith.constant 0 : i32
      %dma_wait3A_2997 = arith.constant 0 : i32
      %dma_wait3A_2998 = tpu.memref_slice %arg11[%dma_wait3A_2989, %dma_wait3A_2996, %dma_wait3A_2997] : memref<8x32x128xf32, #tpu.memory_space<vmem>> -> memref<1x32x128xf32, #tpu.memory_space<vmem>>
      %dma_wait3A_2999 = tpu.memref_squeeze %dma_wait3A_2998 : memref<1x32x128xf32, #tpu.memory_space<vmem>> -> memref<32x128xf32, #tpu.memory_space<vmem>>
      %dma_wait3A_3000 = arith.constant 0 : i32
      %dma_wait3A_3001 = tpu.memref_slice %arg4[%dma_wait3A_3000, %multiple_of3A_1715] : memref<32x1000001xf32, #tpu.memory_space<hbm>> -> memref<32x128xf32, #tpu.memory_space<hbm>>
      tpu.wait_dma2 semaphore(%arg18 : memref<!tpu.dma_semaphore, #tpu.memory_space<semaphore_mem>>) src(%dma_wait3A_3001 : memref<32x128xf32, #tpu.memory_space<hbm>>) dst(%dma_wait3A_2999 : memref<32x128xf32, #tpu.memory_space<vmem>>)
      %jit3A_3002 = arith.constant 128 : i32
      %div3A_3003 = arith.divsi %squeeze3A_1686, %jit3A_3002 : i32
      %sign3A_3004 = arith.constant 0 : i32
      %sign3A_3005 = arith.cmpi sgt, %squeeze3A_1686, %sign3A_3004 : i32
      %sign3A_3006 = arith.extui %sign3A_3005 : i1 to i32
      %sign3A_3007 = arith.constant 0 : i32
      %sign3A_3008 = arith.cmpi slt, %squeeze3A_1686, %sign3A_3007 : i32
      %sign3A_3009 = arith.extui %sign3A_3008 : i1 to i32
      %sign3A_3010 = arith.subi %sign3A_3006, %sign3A_3009 : i32
      %sign3A_3011 = arith.constant 0 : i32
      %sign3A_3012 = arith.cmpi sgt, %jit3A_3002, %sign3A_3011 : i32
      %sign3A_3013 = arith.extui %sign3A_3012 : i1 to i32
      %sign3A_3014 = arith.constant 0 : i32
      %sign3A_3015 = arith.cmpi slt, %jit3A_3002, %sign3A_3014 : i32
      %sign3A_3016 = arith.extui %sign3A_3015 : i1 to i32
      %sign3A_3017 = arith.subi %sign3A_3013, %sign3A_3016 : i32
      %ne3A_3018 = arith.cmpi ne, %sign3A_3010, %sign3A_3017 : i32
      %rem3A_3019 = arith.remsi %squeeze3A_1686, %jit3A_3002 : i32
      %ne3A_3020 = arith.constant 0 : i32
      %ne3A_3021 = arith.cmpi ne, %rem3A_3019, %ne3A_3020 : i32
      %and3A_3022 = arith.andi %ne3A_3018, %ne3A_3021 : i1
      %sub3A_3023 = arith.constant 1 : i32
      %sub3A_3024 = arith.subi %div3A_3003, %sub3A_3023 : i32
      %select_n3A_3025 = arith.select %and3A_3022, %sub3A_3024, %div3A_3003 : i32
      %mul3A_3026 = arith.constant 128 : i32
      %mul3A_3027 = arith.muli %select_n3A_3025, %mul3A_3026 : i32
      %sub3A_3028 = arith.subi %squeeze3A_1686, %mul3A_3027 : i32
      %broadcast_in_dim3A_3029 = arith.constant 3 : i32
      %broadcast_in_dim3A_3030 = vector.broadcast %broadcast_in_dim3A_3029 : i32 to vector<16xi32>
      %add3A_3031 = arith.constant 0 : i32
      %add3A_3032 = vector.broadcast %add3A_3031 : i32 to vector<16xi32>
      %add3A_3033 = arith.addi %iota3A, %add3A_3032 : vector<16xi32>
      %broadcast_in_dim3A_3034 = vector.broadcast %sub3A_3028 : i32 to vector<16xi32>
      %gather3A_3035 = tpu.vector_load_idx %arg11[%broadcast_in_dim3A_3030, %add3A_3033, %broadcast_in_dim3A_3034] : memref<8x32x128xf32, #tpu.memory_space<vmem>>[vector<16xi32>, vector<16xi32>, vector<16xi32>], vector<16xf32>,
      %mul3A_3036 = arith.constant 512 : i32
      %mul3A_3037 = vector.broadcast %mul3A_3036 : i32 to vector<16xi32>
      %mul3A_3038 = arith.muli %add3A_3033, %mul3A_3037 : vector<16xi32>
      %add3A_3039 = vector.broadcast %add3A_1684 : i32 to vector<16xi32>
      %add3A_3040 = arith.addi %mul3A_3038, %add3A_3039 : vector<16xi32>
      tpu.vector_store_idx %arg13[%add3A_3040], %gather3A_3035 : memref<16384xf32, #tpu.memory_space<vmem>>[vector<16xi32>], vector<16xf32>,
      %add3A_3041 = arith.constant 16 : i32
      %add3A_3042 = vector.broadcast %add3A_3041 : i32 to vector<16xi32>
      %add3A_3043 = arith.addi %iota3A, %add3A_3042 : vector<16xi32>
      %broadcast_in_dim3A_3044 = vector.broadcast %sub3A_3028 : i32 to vector<16xi32>
      %gather3A_3045 = tpu.vector_load_idx %arg11[%broadcast_in_dim3A_3030, %add3A_3043, %broadcast_in_dim3A_3044] : memref<8x32x128xf32, #tpu.memory_space<vmem>>[vector<16xi32>, vector<16xi32>, vector<16xi32>], vector<16xf32>,
      %mul3A_3046 = arith.constant 512 : i32
      %mul3A_3047 = vector.broadcast %mul3A_3046 : i32 to vector<16xi32>
      %mul3A_3048 = arith.muli %add3A_3043, %mul3A_3047 : vector<16xi32>
      %add3A_3049 = vector.broadcast %add3A_1684 : i32 to vector<16xi32>
      %add3A_3050 = arith.addi %mul3A_3048, %add3A_3049 : vector<16xi32>
      tpu.vector_store_idx %arg13[%add3A_3050], %gather3A_3045 : memref<16384xf32, #tpu.memory_space<vmem>>[vector<16xi32>], vector<16xf32>,
      %dma_wait3A_3051 = arith.constant 3 : i32
      %dma_wait3A_3052 = arith.constant 0 : i32
      %dma_wait3A_3053 = arith.constant 0 : i32
      %dma_wait3A_3054 = tpu.memref_slice %arg12[%dma_wait3A_3051, %dma_wait3A_3052, %dma_wait3A_3053] : memref<8x32x128xf32, #tpu.memory_space<vmem>> -> memref<1x32x128xf32, #tpu.memory_space<vmem>>
      %dma_wait3A_3055 = tpu.memref_squeeze %dma_wait3A_3054 : memref<1x32x128xf32, #tpu.memory_space<vmem>> -> memref<32x128xf32, #tpu.memory_space<vmem>>
      %dma_wait3A_3056 = arith.constant 0 : i32
      %dma_wait3A_3057 = tpu.memref_slice %arg6[%dma_wait3A_3056, %multiple_of3A_1755] : memref<32x1000001xf32, #tpu.memory_space<hbm>> -> memref<32x128xf32, #tpu.memory_space<hbm>>
      %dma_wait3A_3058 = arith.constant 0 : i32
      %dma_wait3A_3059 = arith.constant 0 : i32
      %dma_wait3A_3060 = tpu.memref_slice %arg12[%dma_wait3A_3051, %dma_wait3A_3058, %dma_wait3A_3059] : memref<8x32x128xf32, #tpu.memory_space<vmem>> -> memref<1x32x128xf32, #tpu.memory_space<vmem>>
      %dma_wait3A_3061 = tpu.memref_squeeze %dma_wait3A_3060 : memref<1x32x128xf32, #tpu.memory_space<vmem>> -> memref<32x128xf32, #tpu.memory_space<vmem>>
      %dma_wait3A_3062 = arith.constant 0 : i32
      %dma_wait3A_3063 = tpu.memref_slice %arg6[%dma_wait3A_3062, %multiple_of3A_1755] : memref<32x1000001xf32, #tpu.memory_space<hbm>> -> memref<32x128xf32, #tpu.memory_space<hbm>>
      tpu.wait_dma2 semaphore(%arg18 : memref<!tpu.dma_semaphore, #tpu.memory_space<semaphore_mem>>) src(%dma_wait3A_3063 : memref<32x128xf32, #tpu.memory_space<hbm>>) dst(%dma_wait3A_3061 : memref<32x128xf32, #tpu.memory_space<vmem>>)
      %jit3A_3064 = arith.constant 128 : i32
      %div3A_3065 = arith.divsi %squeeze3A_1688, %jit3A_3064 : i32
      %sign3A_3066 = arith.constant 0 : i32
      %sign3A_3067 = arith.cmpi sgt, %squeeze3A_1688, %sign3A_3066 : i32
      %sign3A_3068 = arith.extui %sign3A_3067 : i1 to i32
      %sign3A_3069 = arith.constant 0 : i32
      %sign3A_3070 = arith.cmpi slt, %squeeze3A_1688, %sign3A_3069 : i32
      %sign3A_3071 = arith.extui %sign3A_3070 : i1 to i32
      %sign3A_3072 = arith.subi %sign3A_3068, %sign3A_3071 : i32
      %sign3A_3073 = arith.constant 0 : i32
      %sign3A_3074 = arith.cmpi sgt, %jit3A_3064, %sign3A_3073 : i32
      %sign3A_3075 = arith.extui %sign3A_3074 : i1 to i32
      %sign3A_3076 = arith.constant 0 : i32
      %sign3A_3077 = arith.cmpi slt, %jit3A_3064, %sign3A_3076 : i32
      %sign3A_3078 = arith.extui %sign3A_3077 : i1 to i32
      %sign3A_3079 = arith.subi %sign3A_3075, %sign3A_3078 : i32
      %ne3A_3080 = arith.cmpi ne, %sign3A_3072, %sign3A_3079 : i32
      %rem3A_3081 = arith.remsi %squeeze3A_1688, %jit3A_3064 : i32
      %ne3A_3082 = arith.constant 0 : i32
      %ne3A_3083 = arith.cmpi ne, %rem3A_3081, %ne3A_3082 : i32
      %and3A_3084 = arith.andi %ne3A_3080, %ne3A_3083 : i1
      %sub3A_3085 = arith.constant 1 : i32
      %sub3A_3086 = arith.subi %div3A_3065, %sub3A_3085 : i32
      %select_n3A_3087 = arith.select %and3A_3084, %sub3A_3086, %div3A_3065 : i32
      %mul3A_3088 = arith.constant 128 : i32
      %mul3A_3089 = arith.muli %select_n3A_3087, %mul3A_3088 : i32
      %sub3A_3090 = arith.subi %squeeze3A_1688, %mul3A_3089 : i32
      %broadcast_in_dim3A_3091 = arith.constant 3 : i32
      %broadcast_in_dim3A_3092 = vector.broadcast %broadcast_in_dim3A_3091 : i32 to vector<16xi32>
      %add3A_3093 = arith.constant 0 : i32
      %add3A_3094 = vector.broadcast %add3A_3093 : i32 to vector<16xi32>
      %add3A_3095 = arith.addi %iota3A, %add3A_3094 : vector<16xi32>
      %broadcast_in_dim3A_3096 = vector.broadcast %sub3A_3090 : i32 to vector<16xi32>
      %gather3A_3097 = tpu.vector_load_idx %arg12[%broadcast_in_dim3A_3092, %add3A_3095, %broadcast_in_dim3A_3096] : memref<8x32x128xf32, #tpu.memory_space<vmem>>[vector<16xi32>, vector<16xi32>, vector<16xi32>], vector<16xf32>,
      %mul3A_3098 = arith.constant 512 : i32
      %mul3A_3099 = vector.broadcast %mul3A_3098 : i32 to vector<16xi32>
      %mul3A_3100 = arith.muli %add3A_3095, %mul3A_3099 : vector<16xi32>
      %add3A_3101 = vector.broadcast %add3A_1684 : i32 to vector<16xi32>
      %add3A_3102 = arith.addi %mul3A_3100, %add3A_3101 : vector<16xi32>
      tpu.vector_store_idx %arg14[%add3A_3102], %gather3A_3097 : memref<16384xf32, #tpu.memory_space<vmem>>[vector<16xi32>], vector<16xf32>,
      %add3A_3103 = arith.constant 16 : i32
      %add3A_3104 = vector.broadcast %add3A_3103 : i32 to vector<16xi32>
      %add3A_3105 = arith.addi %iota3A, %add3A_3104 : vector<16xi32>
      %broadcast_in_dim3A_3106 = vector.broadcast %sub3A_3090 : i32 to vector<16xi32>
      %gather3A_3107 = tpu.vector_load_idx %arg12[%broadcast_in_dim3A_3092, %add3A_3105, %broadcast_in_dim3A_3106] : memref<8x32x128xf32, #tpu.memory_space<vmem>>[vector<16xi32>, vector<16xi32>, vector<16xi32>], vector<16xf32>,
      %mul3A_3108 = arith.constant 512 : i32
      %mul3A_3109 = vector.broadcast %mul3A_3108 : i32 to vector<16xi32>
      %mul3A_3110 = arith.muli %add3A_3105, %mul3A_3109 : vector<16xi32>
      %add3A_3111 = vector.broadcast %add3A_1684 : i32 to vector<16xi32>
      %add3A_3112 = arith.addi %mul3A_3110, %add3A_3111 : vector<16xi32>
      tpu.vector_store_idx %arg14[%add3A_3112], %gather3A_3107 : memref<16384xf32, #tpu.memory_space<vmem>>[vector<16xi32>], vector<16xf32>,
      %dma_wait3A_3113 = arith.constant 4 : i32
      %dma_wait3A_3114 = arith.constant 0 : i32
      %dma_wait3A_3115 = arith.constant 0 : i32
      %dma_wait3A_3116 = tpu.memref_slice %arg11[%dma_wait3A_3113, %dma_wait3A_3114, %dma_wait3A_3115] : memref<8x32x128xf32, #tpu.memory_space<vmem>> -> memref<1x32x128xf32, #tpu.memory_space<vmem>>
      %dma_wait3A_3117 = tpu.memref_squeeze %dma_wait3A_3116 : memref<1x32x128xf32, #tpu.memory_space<vmem>> -> memref<32x128xf32, #tpu.memory_space<vmem>>
      %dma_wait3A_3118 = arith.constant 0 : i32
      %dma_wait3A_3119 = tpu.memref_slice %arg4[%dma_wait3A_3118, %multiple_of3A_1927] : memref<32x1000001xf32, #tpu.memory_space<hbm>> -> memref<32x128xf32, #tpu.memory_space<hbm>>
      %dma_wait3A_3120 = arith.constant 0 : i32
      %dma_wait3A_3121 = arith.constant 0 : i32
      %dma_wait3A_3122 = tpu.memref_slice %arg11[%dma_wait3A_3113, %dma_wait3A_3120, %dma_wait3A_3121] : memref<8x32x128xf32, #tpu.memory_space<vmem>> -> memref<1x32x128xf32, #tpu.memory_space<vmem>>
      %dma_wait3A_3123 = tpu.memref_squeeze %dma_wait3A_3122 : memref<1x32x128xf32, #tpu.memory_space<vmem>> -> memref<32x128xf32, #tpu.memory_space<vmem>>
      %dma_wait3A_3124 = arith.constant 0 : i32
      %dma_wait3A_3125 = tpu.memref_slice %arg4[%dma_wait3A_3124, %multiple_of3A_1927] : memref<32x1000001xf32, #tpu.memory_space<hbm>> -> memref<32x128xf32, #tpu.memory_space<hbm>>
      tpu.wait_dma2 semaphore(%arg18 : memref<!tpu.dma_semaphore, #tpu.memory_space<semaphore_mem>>) src(%dma_wait3A_3125 : memref<32x128xf32, #tpu.memory_space<hbm>>) dst(%dma_wait3A_3123 : memref<32x128xf32, #tpu.memory_space<vmem>>)
      %jit3A_3126 = arith.constant 128 : i32
      %div3A_3127 = arith.divsi %squeeze3A_1898, %jit3A_3126 : i32
      %sign3A_3128 = arith.constant 0 : i32
      %sign3A_3129 = arith.cmpi sgt, %squeeze3A_1898, %sign3A_3128 : i32
      %sign3A_3130 = arith.extui %sign3A_3129 : i1 to i32
      %sign3A_3131 = arith.constant 0 : i32
      %sign3A_3132 = arith.cmpi slt, %squeeze3A_1898, %sign3A_3131 : i32
      %sign3A_3133 = arith.extui %sign3A_3132 : i1 to i32
      %sign3A_3134 = arith.subi %sign3A_3130, %sign3A_3133 : i32
      %sign3A_3135 = arith.constant 0 : i32
      %sign3A_3136 = arith.cmpi sgt, %jit3A_3126, %sign3A_3135 : i32
      %sign3A_3137 = arith.extui %sign3A_3136 : i1 to i32
      %sign3A_3138 = arith.constant 0 : i32
      %sign3A_3139 = arith.cmpi slt, %jit3A_3126, %sign3A_3138 : i32
      %sign3A_3140 = arith.extui %sign3A_3139 : i1 to i32
      %sign3A_3141 = arith.subi %sign3A_3137, %sign3A_3140 : i32
      %ne3A_3142 = arith.cmpi ne, %sign3A_3134, %sign3A_3141 : i32
      %rem3A_3143 = arith.remsi %squeeze3A_1898, %jit3A_3126 : i32
      %ne3A_3144 = arith.constant 0 : i32
      %ne3A_3145 = arith.cmpi ne, %rem3A_3143, %ne3A_3144 : i32
      %and3A_3146 = arith.andi %ne3A_3142, %ne3A_3145 : i1
      %sub3A_3147 = arith.constant 1 : i32
      %sub3A_3148 = arith.subi %div3A_3127, %sub3A_3147 : i32
      %select_n3A_3149 = arith.select %and3A_3146, %sub3A_3148, %div3A_3127 : i32
      %mul3A_3150 = arith.constant 128 : i32
      %mul3A_3151 = arith.muli %select_n3A_3149, %mul3A_3150 : i32
      %sub3A_3152 = arith.subi %squeeze3A_1898, %mul3A_3151 : i32
      %broadcast_in_dim3A_3153 = arith.constant 4 : i32
      %broadcast_in_dim3A_3154 = vector.broadcast %broadcast_in_dim3A_3153 : i32 to vector<16xi32>
      %add3A_3155 = arith.constant 0 : i32
      %add3A_3156 = vector.broadcast %add3A_3155 : i32 to vector<16xi32>
      %add3A_3157 = arith.addi %iota3A, %add3A_3156 : vector<16xi32>
      %broadcast_in_dim3A_3158 = vector.broadcast %sub3A_3152 : i32 to vector<16xi32>
      %gather3A_3159 = tpu.vector_load_idx %arg11[%broadcast_in_dim3A_3154, %add3A_3157, %broadcast_in_dim3A_3158] : memref<8x32x128xf32, #tpu.memory_space<vmem>>[vector<16xi32>, vector<16xi32>, vector<16xi32>], vector<16xf32>,
      %mul3A_3160 = arith.constant 512 : i32
      %mul3A_3161 = vector.broadcast %mul3A_3160 : i32 to vector<16xi32>
      %mul3A_3162 = arith.muli %add3A_3157, %mul3A_3161 : vector<16xi32>
      %add3A_3163 = vector.broadcast %add3A_1896 : i32 to vector<16xi32>
      %add3A_3164 = arith.addi %mul3A_3162, %add3A_3163 : vector<16xi32>
      tpu.vector_store_idx %arg13[%add3A_3164], %gather3A_3159 : memref<16384xf32, #tpu.memory_space<vmem>>[vector<16xi32>], vector<16xf32>,
      %add3A_3165 = arith.constant 16 : i32
      %add3A_3166 = vector.broadcast %add3A_3165 : i32 to vector<16xi32>
      %add3A_3167 = arith.addi %iota3A, %add3A_3166 : vector<16xi32>
      %broadcast_in_dim3A_3168 = vector.broadcast %sub3A_3152 : i32 to vector<16xi32>
      %gather3A_3169 = tpu.vector_load_idx %arg11[%broadcast_in_dim3A_3154, %add3A_3167, %broadcast_in_dim3A_3168] : memref<8x32x128xf32, #tpu.memory_space<vmem>>[vector<16xi32>, vector<16xi32>, vector<16xi32>], vector<16xf32>,
      %mul3A_3170 = arith.constant 512 : i32
      %mul3A_3171 = vector.broadcast %mul3A_3170 : i32 to vector<16xi32>
      %mul3A_3172 = arith.muli %add3A_3167, %mul3A_3171 : vector<16xi32>
      %add3A_3173 = vector.broadcast %add3A_1896 : i32 to vector<16xi32>
      %add3A_3174 = arith.addi %mul3A_3172, %add3A_3173 : vector<16xi32>
      tpu.vector_store_idx %arg13[%add3A_3174], %gather3A_3169 : memref<16384xf32, #tpu.memory_space<vmem>>[vector<16xi32>], vector<16xf32>,
      %dma_wait3A_3175 = arith.constant 4 : i32
      %dma_wait3A_3176 = arith.constant 0 : i32
      %dma_wait3A_3177 = arith.constant 0 : i32
      %dma_wait3A_3178 = tpu.memref_slice %arg12[%dma_wait3A_3175, %dma_wait3A_3176, %dma_wait3A_3177] : memref<8x32x128xf32, #tpu.memory_space<vmem>> -> memref<1x32x128xf32, #tpu.memory_space<vmem>>
      %dma_wait3A_3179 = tpu.memref_squeeze %dma_wait3A_3178 : memref<1x32x128xf32, #tpu.memory_space<vmem>> -> memref<32x128xf32, #tpu.memory_space<vmem>>
      %dma_wait3A_3180 = arith.constant 0 : i32
      %dma_wait3A_3181 = tpu.memref_slice %arg6[%dma_wait3A_3180, %multiple_of3A_1967] : memref<32x1000001xf32, #tpu.memory_space<hbm>> -> memref<32x128xf32, #tpu.memory_space<hbm>>
      %dma_wait3A_3182 = arith.constant 0 : i32
      %dma_wait3A_3183 = arith.constant 0 : i32
      %dma_wait3A_3184 = tpu.memref_slice %arg12[%dma_wait3A_3175, %dma_wait3A_3182, %dma_wait3A_3183] : memref<8x32x128xf32, #tpu.memory_space<vmem>> -> memref<1x32x128xf32, #tpu.memory_space<vmem>>
      %dma_wait3A_3185 = tpu.memref_squeeze %dma_wait3A_3184 : memref<1x32x128xf32, #tpu.memory_space<vmem>> -> memref<32x128xf32, #tpu.memory_space<vmem>>
      %dma_wait3A_3186 = arith.constant 0 : i32
      %dma_wait3A_3187 = tpu.memref_slice %arg6[%dma_wait3A_3186, %multiple_of3A_1967] : memref<32x1000001xf32, #tpu.memory_space<hbm>> -> memref<32x128xf32, #tpu.memory_space<hbm>>
      tpu.wait_dma2 semaphore(%arg18 : memref<!tpu.dma_semaphore, #tpu.memory_space<semaphore_mem>>) src(%dma_wait3A_3187 : memref<32x128xf32, #tpu.memory_space<hbm>>) dst(%dma_wait3A_3185 : memref<32x128xf32, #tpu.memory_space<vmem>>)
      %jit3A_3188 = arith.constant 128 : i32
      %div3A_3189 = arith.divsi %squeeze3A_1900, %jit3A_3188 : i32
      %sign3A_3190 = arith.constant 0 : i32
      %sign3A_3191 = arith.cmpi sgt, %squeeze3A_1900, %sign3A_3190 : i32
      %sign3A_3192 = arith.extui %sign3A_3191 : i1 to i32
      %sign3A_3193 = arith.constant 0 : i32
      %sign3A_3194 = arith.cmpi slt, %squeeze3A_1900, %sign3A_3193 : i32
      %sign3A_3195 = arith.extui %sign3A_3194 : i1 to i32
      %sign3A_3196 = arith.subi %sign3A_3192, %sign3A_3195 : i32
      %sign3A_3197 = arith.constant 0 : i32
      %sign3A_3198 = arith.cmpi sgt, %jit3A_3188, %sign3A_3197 : i32
      %sign3A_3199 = arith.extui %sign3A_3198 : i1 to i32
      %sign3A_3200 = arith.constant 0 : i32
      %sign3A_3201 = arith.cmpi slt, %jit3A_3188, %sign3A_3200 : i32
      %sign3A_3202 = arith.extui %sign3A_3201 : i1 to i32
      %sign3A_3203 = arith.subi %sign3A_3199, %sign3A_3202 : i32
      %ne3A_3204 = arith.cmpi ne, %sign3A_3196, %sign3A_3203 : i32
      %rem3A_3205 = arith.remsi %squeeze3A_1900, %jit3A_3188 : i32
      %ne3A_3206 = arith.constant 0 : i32
      %ne3A_3207 = arith.cmpi ne, %rem3A_3205, %ne3A_3206 : i32
      %and3A_3208 = arith.andi %ne3A_3204, %ne3A_3207 : i1
      %sub3A_3209 = arith.constant 1 : i32
      %sub3A_3210 = arith.subi %div3A_3189, %sub3A_3209 : i32
      %select_n3A_3211 = arith.select %and3A_3208, %sub3A_3210, %div3A_3189 : i32
      %mul3A_3212 = arith.constant 128 : i32
      %mul3A_3213 = arith.muli %select_n3A_3211, %mul3A_3212 : i32
      %sub3A_3214 = arith.subi %squeeze3A_1900, %mul3A_3213 : i32
      %broadcast_in_dim3A_3215 = arith.constant 4 : i32
      %broadcast_in_dim3A_3216 = vector.broadcast %broadcast_in_dim3A_3215 : i32 to vector<16xi32>
      %add3A_3217 = arith.constant 0 : i32
      %add3A_3218 = vector.broadcast %add3A_3217 : i32 to vector<16xi32>
      %add3A_3219 = arith.addi %iota3A, %add3A_3218 : vector<16xi32>
      %broadcast_in_dim3A_3220 = vector.broadcast %sub3A_3214 : i32 to vector<16xi32>
      %gather3A_3221 = tpu.vector_load_idx %arg12[%broadcast_in_dim3A_3216, %add3A_3219, %broadcast_in_dim3A_3220] : memref<8x32x128xf32, #tpu.memory_space<vmem>>[vector<16xi32>, vector<16xi32>, vector<16xi32>], vector<16xf32>,
      %mul3A_3222 = arith.constant 512 : i32
      %mul3A_3223 = vector.broadcast %mul3A_3222 : i32 to vector<16xi32>
      %mul3A_3224 = arith.muli %add3A_3219, %mul3A_3223 : vector<16xi32>
      %add3A_3225 = vector.broadcast %add3A_1896 : i32 to vector<16xi32>
      %add3A_3226 = arith.addi %mul3A_3224, %add3A_3225 : vector<16xi32>
      tpu.vector_store_idx %arg14[%add3A_3226], %gather3A_3221 : memref<16384xf32, #tpu.memory_space<vmem>>[vector<16xi32>], vector<16xf32>,
      %add3A_3227 = arith.constant 16 : i32
      %add3A_3228 = vector.broadcast %add3A_3227 : i32 to vector<16xi32>
      %add3A_3229 = arith.addi %iota3A, %add3A_3228 : vector<16xi32>
      %broadcast_in_dim3A_3230 = vector.broadcast %sub3A_3214 : i32 to vector<16xi32>
      %gather3A_3231 = tpu.vector_load_idx %arg12[%broadcast_in_dim3A_3216, %add3A_3229, %broadcast_in_dim3A_3230] : memref<8x32x128xf32, #tpu.memory_space<vmem>>[vector<16xi32>, vector<16xi32>, vector<16xi32>], vector<16xf32>,
      %mul3A_3232 = arith.constant 512 : i32
      %mul3A_3233 = vector.broadcast %mul3A_3232 : i32 to vector<16xi32>
      %mul3A_3234 = arith.muli %add3A_3229, %mul3A_3233 : vector<16xi32>
      %add3A_3235 = vector.broadcast %add3A_1896 : i32 to vector<16xi32>
      %add3A_3236 = arith.addi %mul3A_3234, %add3A_3235 : vector<16xi32>
      tpu.vector_store_idx %arg14[%add3A_3236], %gather3A_3231 : memref<16384xf32, #tpu.memory_space<vmem>>[vector<16xi32>], vector<16xf32>,
      %dma_wait3A_3237 = arith.constant 5 : i32
      %dma_wait3A_3238 = arith.constant 0 : i32
      %dma_wait3A_3239 = arith.constant 0 : i32
      %dma_wait3A_3240 = tpu.memref_slice %arg11[%dma_wait3A_3237, %dma_wait3A_3238, %dma_wait3A_3239] : memref<8x32x128xf32, #tpu.memory_space<vmem>> -> memref<1x32x128xf32, #tpu.memory_space<vmem>>
      %dma_wait3A_3241 = tpu.memref_squeeze %dma_wait3A_3240 : memref<1x32x128xf32, #tpu.memory_space<vmem>> -> memref<32x128xf32, #tpu.memory_space<vmem>>
      %dma_wait3A_3242 = arith.constant 0 : i32
      %dma_wait3A_3243 = tpu.memref_slice %arg4[%dma_wait3A_3242, %multiple_of3A_2139] : memref<32x1000001xf32, #tpu.memory_space<hbm>> -> memref<32x128xf32, #tpu.memory_space<hbm>>
      %dma_wait3A_3244 = arith.constant 0 : i32
      %dma_wait3A_3245 = arith.constant 0 : i32
      %dma_wait3A_3246 = tpu.memref_slice %arg11[%dma_wait3A_3237, %dma_wait3A_3244, %dma_wait3A_3245] : memref<8x32x128xf32, #tpu.memory_space<vmem>> -> memref<1x32x128xf32, #tpu.memory_space<vmem>>
      %dma_wait3A_3247 = tpu.memref_squeeze %dma_wait3A_3246 : memref<1x32x128xf32, #tpu.memory_space<vmem>> -> memref<32x128xf32, #tpu.memory_space<vmem>>
      %dma_wait3A_3248 = arith.constant 0 : i32
      %dma_wait3A_3249 = tpu.memref_slice %arg4[%dma_wait3A_3248, %multiple_of3A_2139] : memref<32x1000001xf32, #tpu.memory_space<hbm>> -> memref<32x128xf32, #tpu.memory_space<hbm>>
      tpu.wait_dma2 semaphore(%arg18 : memref<!tpu.dma_semaphore, #tpu.memory_space<semaphore_mem>>) src(%dma_wait3A_3249 : memref<32x128xf32, #tpu.memory_space<hbm>>) dst(%dma_wait3A_3247 : memref<32x128xf32, #tpu.memory_space<vmem>>)
      %jit3A_3250 = arith.constant 128 : i32
      %div3A_3251 = arith.divsi %squeeze3A_2110, %jit3A_3250 : i32
      %sign3A_3252 = arith.constant 0 : i32
      %sign3A_3253 = arith.cmpi sgt, %squeeze3A_2110, %sign3A_3252 : i32
      %sign3A_3254 = arith.extui %sign3A_3253 : i1 to i32
      %sign3A_3255 = arith.constant 0 : i32
      %sign3A_3256 = arith.cmpi slt, %squeeze3A_2110, %sign3A_3255 : i32
      %sign3A_3257 = arith.extui %sign3A_3256 : i1 to i32
      %sign3A_3258 = arith.subi %sign3A_3254, %sign3A_3257 : i32
      %sign3A_3259 = arith.constant 0 : i32
      %sign3A_3260 = arith.cmpi sgt, %jit3A_3250, %sign3A_3259 : i32
      %sign3A_3261 = arith.extui %sign3A_3260 : i1 to i32
      %sign3A_3262 = arith.constant 0 : i32
      %sign3A_3263 = arith.cmpi slt, %jit3A_3250, %sign3A_3262 : i32
      %sign3A_3264 = arith.extui %sign3A_3263 : i1 to i32
      %sign3A_3265 = arith.subi %sign3A_3261, %sign3A_3264 : i32
      %ne3A_3266 = arith.cmpi ne, %sign3A_3258, %sign3A_3265 : i32
      %rem3A_3267 = arith.remsi %squeeze3A_2110, %jit3A_3250 : i32
      %ne3A_3268 = arith.constant 0 : i32
      %ne3A_3269 = arith.cmpi ne, %rem3A_3267, %ne3A_3268 : i32
      %and3A_3270 = arith.andi %ne3A_3266, %ne3A_3269 : i1
      %sub3A_3271 = arith.constant 1 : i32
      %sub3A_3272 = arith.subi %div3A_3251, %sub3A_3271 : i32
      %select_n3A_3273 = arith.select %and3A_3270, %sub3A_3272, %div3A_3251 : i32
      %mul3A_3274 = arith.constant 128 : i32
      %mul3A_3275 = arith.muli %select_n3A_3273, %mul3A_3274 : i32
      %sub3A_3276 = arith.subi %squeeze3A_2110, %mul3A_3275 : i32
      %broadcast_in_dim3A_3277 = arith.constant 5 : i32
      %broadcast_in_dim3A_3278 = vector.broadcast %broadcast_in_dim3A_3277 : i32 to vector<16xi32>
      %add3A_3279 = arith.constant 0 : i32
      %add3A_3280 = vector.broadcast %add3A_3279 : i32 to vector<16xi32>
      %add3A_3281 = arith.addi %iota3A, %add3A_3280 : vector<16xi32>
      %broadcast_in_dim3A_3282 = vector.broadcast %sub3A_3276 : i32 to vector<16xi32>
      %gather3A_3283 = tpu.vector_load_idx %arg11[%broadcast_in_dim3A_3278, %add3A_3281, %broadcast_in_dim3A_3282] : memref<8x32x128xf32, #tpu.memory_space<vmem>>[vector<16xi32>, vector<16xi32>, vector<16xi32>], vector<16xf32>,
      %mul3A_3284 = arith.constant 512 : i32
      %mul3A_3285 = vector.broadcast %mul3A_3284 : i32 to vector<16xi32>
      %mul3A_3286 = arith.muli %add3A_3281, %mul3A_3285 : vector<16xi32>
      %add3A_3287 = vector.broadcast %add3A_2108 : i32 to vector<16xi32>
      %add3A_3288 = arith.addi %mul3A_3286, %add3A_3287 : vector<16xi32>
      tpu.vector_store_idx %arg13[%add3A_3288], %gather3A_3283 : memref<16384xf32, #tpu.memory_space<vmem>>[vector<16xi32>], vector<16xf32>,
      %add3A_3289 = arith.constant 16 : i32
      %add3A_3290 = vector.broadcast %add3A_3289 : i32 to vector<16xi32>
      %add3A_3291 = arith.addi %iota3A, %add3A_3290 : vector<16xi32>
      %broadcast_in_dim3A_3292 = vector.broadcast %sub3A_3276 : i32 to vector<16xi32>
      %gather3A_3293 = tpu.vector_load_idx %arg11[%broadcast_in_dim3A_3278, %add3A_3291, %broadcast_in_dim3A_3292] : memref<8x32x128xf32, #tpu.memory_space<vmem>>[vector<16xi32>, vector<16xi32>, vector<16xi32>], vector<16xf32>,
      %mul3A_3294 = arith.constant 512 : i32
      %mul3A_3295 = vector.broadcast %mul3A_3294 : i32 to vector<16xi32>
      %mul3A_3296 = arith.muli %add3A_3291, %mul3A_3295 : vector<16xi32>
      %add3A_3297 = vector.broadcast %add3A_2108 : i32 to vector<16xi32>
      %add3A_3298 = arith.addi %mul3A_3296, %add3A_3297 : vector<16xi32>
      tpu.vector_store_idx %arg13[%add3A_3298], %gather3A_3293 : memref<16384xf32, #tpu.memory_space<vmem>>[vector<16xi32>], vector<16xf32>,
      %dma_wait3A_3299 = arith.constant 5 : i32
      %dma_wait3A_3300 = arith.constant 0 : i32
      %dma_wait3A_3301 = arith.constant 0 : i32
      %dma_wait3A_3302 = tpu.memref_slice %arg12[%dma_wait3A_3299, %dma_wait3A_3300, %dma_wait3A_3301] : memref<8x32x128xf32, #tpu.memory_space<vmem>> -> memref<1x32x128xf32, #tpu.memory_space<vmem>>
      %dma_wait3A_3303 = tpu.memref_squeeze %dma_wait3A_3302 : memref<1x32x128xf32, #tpu.memory_space<vmem>> -> memref<32x128xf32, #tpu.memory_space<vmem>>
      %dma_wait3A_3304 = arith.constant 0 : i32
      %dma_wait3A_3305 = tpu.memref_slice %arg6[%dma_wait3A_3304, %multiple_of3A_2179] : memref<32x1000001xf32, #tpu.memory_space<hbm>> -> memref<32x128xf32, #tpu.memory_space<hbm>>
      %dma_wait3A_3306 = arith.constant 0 : i32
      %dma_wait3A_3307 = arith.constant 0 : i32
      %dma_wait3A_3308 = tpu.memref_slice %arg12[%dma_wait3A_3299, %dma_wait3A_3306, %dma_wait3A_3307] : memref<8x32x128xf32, #tpu.memory_space<vmem>> -> memref<1x32x128xf32, #tpu.memory_space<vmem>>
      %dma_wait3A_3309 = tpu.memref_squeeze %dma_wait3A_3308 : memref<1x32x128xf32, #tpu.memory_space<vmem>> -> memref<32x128xf32, #tpu.memory_space<vmem>>
      %dma_wait3A_3310 = arith.constant 0 : i32
      %dma_wait3A_3311 = tpu.memref_slice %arg6[%dma_wait3A_3310, %multiple_of3A_2179] : memref<32x1000001xf32, #tpu.memory_space<hbm>> -> memref<32x128xf32, #tpu.memory_space<hbm>>
      tpu.wait_dma2 semaphore(%arg18 : memref<!tpu.dma_semaphore, #tpu.memory_space<semaphore_mem>>) src(%dma_wait3A_3311 : memref<32x128xf32, #tpu.memory_space<hbm>>) dst(%dma_wait3A_3309 : memref<32x128xf32, #tpu.memory_space<vmem>>)
      %jit3A_3312 = arith.constant 128 : i32
      %div3A_3313 = arith.divsi %squeeze3A_2112, %jit3A_3312 : i32
      %sign3A_3314 = arith.constant 0 : i32
      %sign3A_3315 = arith.cmpi sgt, %squeeze3A_2112, %sign3A_3314 : i32
      %sign3A_3316 = arith.extui %sign3A_3315 : i1 to i32
      %sign3A_3317 = arith.constant 0 : i32
      %sign3A_3318 = arith.cmpi slt, %squeeze3A_2112, %sign3A_3317 : i32
      %sign3A_3319 = arith.extui %sign3A_3318 : i1 to i32
      %sign3A_3320 = arith.subi %sign3A_3316, %sign3A_3319 : i32
      %sign3A_3321 = arith.constant 0 : i32
      %sign3A_3322 = arith.cmpi sgt, %jit3A_3312, %sign3A_3321 : i32
      %sign3A_3323 = arith.extui %sign3A_3322 : i1 to i32
      %sign3A_3324 = arith.constant 0 : i32
      %sign3A_3325 = arith.cmpi slt, %jit3A_3312, %sign3A_3324 : i32
      %sign3A_3326 = arith.extui %sign3A_3325 : i1 to i32
      %sign3A_3327 = arith.subi %sign3A_3323, %sign3A_3326 : i32
      %ne3A_3328 = arith.cmpi ne, %sign3A_3320, %sign3A_3327 : i32
      %rem3A_3329 = arith.remsi %squeeze3A_2112, %jit3A_3312 : i32
      %ne3A_3330 = arith.constant 0 : i32
      %ne3A_3331 = arith.cmpi ne, %rem3A_3329, %ne3A_3330 : i32
      %and3A_3332 = arith.andi %ne3A_3328, %ne3A_3331 : i1
      %sub3A_3333 = arith.constant 1 : i32
      %sub3A_3334 = arith.subi %div3A_3313, %sub3A_3333 : i32
      %select_n3A_3335 = arith.select %and3A_3332, %sub3A_3334, %div3A_3313 : i32
      %mul3A_3336 = arith.constant 128 : i32
      %mul3A_3337 = arith.muli %select_n3A_3335, %mul3A_3336 : i32
      %sub3A_3338 = arith.subi %squeeze3A_2112, %mul3A_3337 : i32
      %broadcast_in_dim3A_3339 = arith.constant 5 : i32
      %broadcast_in_dim3A_3340 = vector.broadcast %broadcast_in_dim3A_3339 : i32 to vector<16xi32>
      %add3A_3341 = arith.constant 0 : i32
      %add3A_3342 = vector.broadcast %add3A_3341 : i32 to vector<16xi32>
      %add3A_3343 = arith.addi %iota3A, %add3A_3342 : vector<16xi32>
      %broadcast_in_dim3A_3344 = vector.broadcast %sub3A_3338 : i32 to vector<16xi32>
      %gather3A_3345 = tpu.vector_load_idx %arg12[%broadcast_in_dim3A_3340, %add3A_3343, %broadcast_in_dim3A_3344] : memref<8x32x128xf32, #tpu.memory_space<vmem>>[vector<16xi32>, vector<16xi32>, vector<16xi32>], vector<16xf32>,
      %mul3A_3346 = arith.constant 512 : i32
      %mul3A_3347 = vector.broadcast %mul3A_3346 : i32 to vector<16xi32>
      %mul3A_3348 = arith.muli %add3A_3343, %mul3A_3347 : vector<16xi32>
      %add3A_3349 = vector.broadcast %add3A_2108 : i32 to vector<16xi32>
      %add3A_3350 = arith.addi %mul3A_3348, %add3A_3349 : vector<16xi32>
      tpu.vector_store_idx %arg14[%add3A_3350], %gather3A_3345 : memref<16384xf32, #tpu.memory_space<vmem>>[vector<16xi32>], vector<16xf32>,
      %add3A_3351 = arith.constant 16 : i32
      %add3A_3352 = vector.broadcast %add3A_3351 : i32 to vector<16xi32>
      %add3A_3353 = arith.addi %iota3A, %add3A_3352 : vector<16xi32>
      %broadcast_in_dim3A_3354 = vector.broadcast %sub3A_3338 : i32 to vector<16xi32>
      %gather3A_3355 = tpu.vector_load_idx %arg12[%broadcast_in_dim3A_3340, %add3A_3353, %broadcast_in_dim3A_3354] : memref<8x32x128xf32, #tpu.memory_space<vmem>>[vector<16xi32>, vector<16xi32>, vector<16xi32>], vector<16xf32>,
      %mul3A_3356 = arith.constant 512 : i32
      %mul3A_3357 = vector.broadcast %mul3A_3356 : i32 to vector<16xi32>
      %mul3A_3358 = arith.muli %add3A_3353, %mul3A_3357 : vector<16xi32>
      %add3A_3359 = vector.broadcast %add3A_2108 : i32 to vector<16xi32>
      %add3A_3360 = arith.addi %mul3A_3358, %add3A_3359 : vector<16xi32>
      tpu.vector_store_idx %arg14[%add3A_3360], %gather3A_3355 : memref<16384xf32, #tpu.memory_space<vmem>>[vector<16xi32>], vector<16xf32>,
      %dma_wait3A_3361 = arith.constant 6 : i32
      %dma_wait3A_3362 = arith.constant 0 : i32
      %dma_wait3A_3363 = arith.constant 0 : i32
      %dma_wait3A_3364 = tpu.memref_slice %arg11[%dma_wait3A_3361, %dma_wait3A_3362, %dma_wait3A_3363] : memref<8x32x128xf32, #tpu.memory_space<vmem>> -> memref<1x32x128xf32, #tpu.memory_space<vmem>>
      %dma_wait3A_3365 = tpu.memref_squeeze %dma_wait3A_3364 : memref<1x32x128xf32, #tpu.memory_space<vmem>> -> memref<32x128xf32, #tpu.memory_space<vmem>>
      %dma_wait3A_3366 = arith.constant 0 : i32
      %dma_wait3A_3367 = tpu.memref_slice %arg4[%dma_wait3A_3366, %multiple_of3A_2351] : memref<32x1000001xf32, #tpu.memory_space<hbm>> -> memref<32x128xf32, #tpu.memory_space<hbm>>
      %dma_wait3A_3368 = arith.constant 0 : i32
      %dma_wait3A_3369 = arith.constant 0 : i32
      %dma_wait3A_3370 = tpu.memref_slice %arg11[%dma_wait3A_3361, %dma_wait3A_3368, %dma_wait3A_3369] : memref<8x32x128xf32, #tpu.memory_space<vmem>> -> memref<1x32x128xf32, #tpu.memory_space<vmem>>
      %dma_wait3A_3371 = tpu.memref_squeeze %dma_wait3A_3370 : memref<1x32x128xf32, #tpu.memory_space<vmem>> -> memref<32x128xf32, #tpu.memory_space<vmem>>
      %dma_wait3A_3372 = arith.constant 0 : i32
      %dma_wait3A_3373 = tpu.memref_slice %arg4[%dma_wait3A_3372, %multiple_of3A_2351] : memref<32x1000001xf32, #tpu.memory_space<hbm>> -> memref<32x128xf32, #tpu.memory_space<hbm>>
      tpu.wait_dma2 semaphore(%arg18 : memref<!tpu.dma_semaphore, #tpu.memory_space<semaphore_mem>>) src(%dma_wait3A_3373 : memref<32x128xf32, #tpu.memory_space<hbm>>) dst(%dma_wait3A_3371 : memref<32x128xf32, #tpu.memory_space<vmem>>)
      %jit3A_3374 = arith.constant 128 : i32
      %div3A_3375 = arith.divsi %squeeze3A_2322, %jit3A_3374 : i32
      %sign3A_3376 = arith.constant 0 : i32
      %sign3A_3377 = arith.cmpi sgt, %squeeze3A_2322, %sign3A_3376 : i32
      %sign3A_3378 = arith.extui %sign3A_3377 : i1 to i32
      %sign3A_3379 = arith.constant 0 : i32
      %sign3A_3380 = arith.cmpi slt, %squeeze3A_2322, %sign3A_3379 : i32
      %sign3A_3381 = arith.extui %sign3A_3380 : i1 to i32
      %sign3A_3382 = arith.subi %sign3A_3378, %sign3A_3381 : i32
      %sign3A_3383 = arith.constant 0 : i32
      %sign3A_3384 = arith.cmpi sgt, %jit3A_3374, %sign3A_3383 : i32
      %sign3A_3385 = arith.extui %sign3A_3384 : i1 to i32
      %sign3A_3386 = arith.constant 0 : i32
      %sign3A_3387 = arith.cmpi slt, %jit3A_3374, %sign3A_3386 : i32
      %sign3A_3388 = arith.extui %sign3A_3387 : i1 to i32
      %sign3A_3389 = arith.subi %sign3A_3385, %sign3A_3388 : i32
      %ne3A_3390 = arith.cmpi ne, %sign3A_3382, %sign3A_3389 : i32
      %rem3A_3391 = arith.remsi %squeeze3A_2322, %jit3A_3374 : i32
      %ne3A_3392 = arith.constant 0 : i32
      %ne3A_3393 = arith.cmpi ne, %rem3A_3391, %ne3A_3392 : i32
      %and3A_3394 = arith.andi %ne3A_3390, %ne3A_3393 : i1
      %sub3A_3395 = arith.constant 1 : i32
      %sub3A_3396 = arith.subi %div3A_3375, %sub3A_3395 : i32
      %select_n3A_3397 = arith.select %and3A_3394, %sub3A_3396, %div3A_3375 : i32
      %mul3A_3398 = arith.constant 128 : i32
      %mul3A_3399 = arith.muli %select_n3A_3397, %mul3A_3398 : i32
      %sub3A_3400 = arith.subi %squeeze3A_2322, %mul3A_3399 : i32
      %broadcast_in_dim3A_3401 = arith.constant 6 : i32
      %broadcast_in_dim3A_3402 = vector.broadcast %broadcast_in_dim3A_3401 : i32 to vector<16xi32>
      %add3A_3403 = arith.constant 0 : i32
      %add3A_3404 = vector.broadcast %add3A_3403 : i32 to vector<16xi32>
      %add3A_3405 = arith.addi %iota3A, %add3A_3404 : vector<16xi32>
      %broadcast_in_dim3A_3406 = vector.broadcast %sub3A_3400 : i32 to vector<16xi32>
      %gather3A_3407 = tpu.vector_load_idx %arg11[%broadcast_in_dim3A_3402, %add3A_3405, %broadcast_in_dim3A_3406] : memref<8x32x128xf32, #tpu.memory_space<vmem>>[vector<16xi32>, vector<16xi32>, vector<16xi32>], vector<16xf32>,
      %mul3A_3408 = arith.constant 512 : i32
      %mul3A_3409 = vector.broadcast %mul3A_3408 : i32 to vector<16xi32>
      %mul3A_3410 = arith.muli %add3A_3405, %mul3A_3409 : vector<16xi32>
      %add3A_3411 = vector.broadcast %add3A_2320 : i32 to vector<16xi32>
      %add3A_3412 = arith.addi %mul3A_3410, %add3A_3411 : vector<16xi32>
      tpu.vector_store_idx %arg13[%add3A_3412], %gather3A_3407 : memref<16384xf32, #tpu.memory_space<vmem>>[vector<16xi32>], vector<16xf32>,
      %add3A_3413 = arith.constant 16 : i32
      %add3A_3414 = vector.broadcast %add3A_3413 : i32 to vector<16xi32>
      %add3A_3415 = arith.addi %iota3A, %add3A_3414 : vector<16xi32>
      %broadcast_in_dim3A_3416 = vector.broadcast %sub3A_3400 : i32 to vector<16xi32>
      %gather3A_3417 = tpu.vector_load_idx %arg11[%broadcast_in_dim3A_3402, %add3A_3415, %broadcast_in_dim3A_3416] : memref<8x32x128xf32, #tpu.memory_space<vmem>>[vector<16xi32>, vector<16xi32>, vector<16xi32>], vector<16xf32>,
      %mul3A_3418 = arith.constant 512 : i32
      %mul3A_3419 = vector.broadcast %mul3A_3418 : i32 to vector<16xi32>
      %mul3A_3420 = arith.muli %add3A_3415, %mul3A_3419 : vector<16xi32>
      %add3A_3421 = vector.broadcast %add3A_2320 : i32 to vector<16xi32>
      %add3A_3422 = arith.addi %mul3A_3420, %add3A_3421 : vector<16xi32>
      tpu.vector_store_idx %arg13[%add3A_3422], %gather3A_3417 : memref<16384xf32, #tpu.memory_space<vmem>>[vector<16xi32>], vector<16xf32>,
      %dma_wait3A_3423 = arith.constant 6 : i32
      %dma_wait3A_3424 = arith.constant 0 : i32
      %dma_wait3A_3425 = arith.constant 0 : i32
      %dma_wait3A_3426 = tpu.memref_slice %arg12[%dma_wait3A_3423, %dma_wait3A_3424, %dma_wait3A_3425] : memref<8x32x128xf32, #tpu.memory_space<vmem>> -> memref<1x32x128xf32, #tpu.memory_space<vmem>>
      %dma_wait3A_3427 = tpu.memref_squeeze %dma_wait3A_3426 : memref<1x32x128xf32, #tpu.memory_space<vmem>> -> memref<32x128xf32, #tpu.memory_space<vmem>>
      %dma_wait3A_3428 = arith.constant 0 : i32
      %dma_wait3A_3429 = tpu.memref_slice %arg6[%dma_wait3A_3428, %multiple_of3A_2391] : memref<32x1000001xf32, #tpu.memory_space<hbm>> -> memref<32x128xf32, #tpu.memory_space<hbm>>
      %dma_wait3A_3430 = arith.constant 0 : i32
      %dma_wait3A_3431 = arith.constant 0 : i32
      %dma_wait3A_3432 = tpu.memref_slice %arg12[%dma_wait3A_3423, %dma_wait3A_3430, %dma_wait3A_3431] : memref<8x32x128xf32, #tpu.memory_space<vmem>> -> memref<1x32x128xf32, #tpu.memory_space<vmem>>
      %dma_wait3A_3433 = tpu.memref_squeeze %dma_wait3A_3432 : memref<1x32x128xf32, #tpu.memory_space<vmem>> -> memref<32x128xf32, #tpu.memory_space<vmem>>
      %dma_wait3A_3434 = arith.constant 0 : i32
      %dma_wait3A_3435 = tpu.memref_slice %arg6[%dma_wait3A_3434, %multiple_of3A_2391] : memref<32x1000001xf32, #tpu.memory_space<hbm>> -> memref<32x128xf32, #tpu.memory_space<hbm>>
      tpu.wait_dma2 semaphore(%arg18 : memref<!tpu.dma_semaphore, #tpu.memory_space<semaphore_mem>>) src(%dma_wait3A_3435 : memref<32x128xf32, #tpu.memory_space<hbm>>) dst(%dma_wait3A_3433 : memref<32x128xf32, #tpu.memory_space<vmem>>)
      %jit3A_3436 = arith.constant 128 : i32
      %div3A_3437 = arith.divsi %squeeze3A_2324, %jit3A_3436 : i32
      %sign3A_3438 = arith.constant 0 : i32
      %sign3A_3439 = arith.cmpi sgt, %squeeze3A_2324, %sign3A_3438 : i32
      %sign3A_3440 = arith.extui %sign3A_3439 : i1 to i32
      %sign3A_3441 = arith.constant 0 : i32
      %sign3A_3442 = arith.cmpi slt, %squeeze3A_2324, %sign3A_3441 : i32
      %sign3A_3443 = arith.extui %sign3A_3442 : i1 to i32
      %sign3A_3444 = arith.subi %sign3A_3440, %sign3A_3443 : i32
      %sign3A_3445 = arith.constant 0 : i32
      %sign3A_3446 = arith.cmpi sgt, %jit3A_3436, %sign3A_3445 : i32
      %sign3A_3447 = arith.extui %sign3A_3446 : i1 to i32
      %sign3A_3448 = arith.constant 0 : i32
      %sign3A_3449 = arith.cmpi slt, %jit3A_3436, %sign3A_3448 : i32
      %sign3A_3450 = arith.extui %sign3A_3449 : i1 to i32
      %sign3A_3451 = arith.subi %sign3A_3447, %sign3A_3450 : i32
      %ne3A_3452 = arith.cmpi ne, %sign3A_3444, %sign3A_3451 : i32
      %rem3A_3453 = arith.remsi %squeeze3A_2324, %jit3A_3436 : i32
      %ne3A_3454 = arith.constant 0 : i32
      %ne3A_3455 = arith.cmpi ne, %rem3A_3453, %ne3A_3454 : i32
      %and3A_3456 = arith.andi %ne3A_3452, %ne3A_3455 : i1
      %sub3A_3457 = arith.constant 1 : i32
      %sub3A_3458 = arith.subi %div3A_3437, %sub3A_3457 : i32
      %select_n3A_3459 = arith.select %and3A_3456, %sub3A_3458, %div3A_3437 : i32
      %mul3A_3460 = arith.constant 128 : i32
      %mul3A_3461 = arith.muli %select_n3A_3459, %mul3A_3460 : i32
      %sub3A_3462 = arith.subi %squeeze3A_2324, %mul3A_3461 : i32
      %broadcast_in_dim3A_3463 = arith.constant 6 : i32
      %broadcast_in_dim3A_3464 = vector.broadcast %broadcast_in_dim3A_3463 : i32 to vector<16xi32>
      %add3A_3465 = arith.constant 0 : i32
      %add3A_3466 = vector.broadcast %add3A_3465 : i32 to vector<16xi32>
      %add3A_3467 = arith.addi %iota3A, %add3A_3466 : vector<16xi32>
      %broadcast_in_dim3A_3468 = vector.broadcast %sub3A_3462 : i32 to vector<16xi32>
      %gather3A_3469 = tpu.vector_load_idx %arg12[%broadcast_in_dim3A_3464, %add3A_3467, %broadcast_in_dim3A_3468] : memref<8x32x128xf32, #tpu.memory_space<vmem>>[vector<16xi32>, vector<16xi32>, vector<16xi32>], vector<16xf32>,
      %mul3A_3470 = arith.constant 512 : i32
      %mul3A_3471 = vector.broadcast %mul3A_3470 : i32 to vector<16xi32>
      %mul3A_3472 = arith.muli %add3A_3467, %mul3A_3471 : vector<16xi32>
      %add3A_3473 = vector.broadcast %add3A_2320 : i32 to vector<16xi32>
      %add3A_3474 = arith.addi %mul3A_3472, %add3A_3473 : vector<16xi32>
      tpu.vector_store_idx %arg14[%add3A_3474], %gather3A_3469 : memref<16384xf32, #tpu.memory_space<vmem>>[vector<16xi32>], vector<16xf32>,
      %add3A_3475 = arith.constant 16 : i32
      %add3A_3476 = vector.broadcast %add3A_3475 : i32 to vector<16xi32>
      %add3A_3477 = arith.addi %iota3A, %add3A_3476 : vector<16xi32>
      %broadcast_in_dim3A_3478 = vector.broadcast %sub3A_3462 : i32 to vector<16xi32>
      %gather3A_3479 = tpu.vector_load_idx %arg12[%broadcast_in_dim3A_3464, %add3A_3477, %broadcast_in_dim3A_3478] : memref<8x32x128xf32, #tpu.memory_space<vmem>>[vector<16xi32>, vector<16xi32>, vector<16xi32>], vector<16xf32>,
      %mul3A_3480 = arith.constant 512 : i32
      %mul3A_3481 = vector.broadcast %mul3A_3480 : i32 to vector<16xi32>
      %mul3A_3482 = arith.muli %add3A_3477, %mul3A_3481 : vector<16xi32>
      %add3A_3483 = vector.broadcast %add3A_2320 : i32 to vector<16xi32>
      %add3A_3484 = arith.addi %mul3A_3482, %add3A_3483 : vector<16xi32>
      tpu.vector_store_idx %arg14[%add3A_3484], %gather3A_3479 : memref<16384xf32, #tpu.memory_space<vmem>>[vector<16xi32>], vector<16xf32>,
      %dma_wait3A_3485 = arith.constant 7 : i32
      %dma_wait3A_3486 = arith.constant 0 : i32
      %dma_wait3A_3487 = arith.constant 0 : i32
      %dma_wait3A_3488 = tpu.memref_slice %arg11[%dma_wait3A_3485, %dma_wait3A_3486, %dma_wait3A_3487] : memref<8x32x128xf32, #tpu.memory_space<vmem>> -> memref<1x32x128xf32, #tpu.memory_space<vmem>>
      %dma_wait3A_3489 = tpu.memref_squeeze %dma_wait3A_3488 : memref<1x32x128xf32, #tpu.memory_space<vmem>> -> memref<32x128xf32, #tpu.memory_space<vmem>>
      %dma_wait3A_3490 = arith.constant 0 : i32
      %dma_wait3A_3491 = tpu.memref_slice %arg4[%dma_wait3A_3490, %multiple_of3A_2563] : memref<32x1000001xf32, #tpu.memory_space<hbm>> -> memref<32x128xf32, #tpu.memory_space<hbm>>
      %dma_wait3A_3492 = arith.constant 0 : i32
      %dma_wait3A_3493 = arith.constant 0 : i32
      %dma_wait3A_3494 = tpu.memref_slice %arg11[%dma_wait3A_3485, %dma_wait3A_3492, %dma_wait3A_3493] : memref<8x32x128xf32, #tpu.memory_space<vmem>> -> memref<1x32x128xf32, #tpu.memory_space<vmem>>
      %dma_wait3A_3495 = tpu.memref_squeeze %dma_wait3A_3494 : memref<1x32x128xf32, #tpu.memory_space<vmem>> -> memref<32x128xf32, #tpu.memory_space<vmem>>
      %dma_wait3A_3496 = arith.constant 0 : i32
      %dma_wait3A_3497 = tpu.memref_slice %arg4[%dma_wait3A_3496, %multiple_of3A_2563] : memref<32x1000001xf32, #tpu.memory_space<hbm>> -> memref<32x128xf32, #tpu.memory_space<hbm>>
      tpu.wait_dma2 semaphore(%arg18 : memref<!tpu.dma_semaphore, #tpu.memory_space<semaphore_mem>>) src(%dma_wait3A_3497 : memref<32x128xf32, #tpu.memory_space<hbm>>) dst(%dma_wait3A_3495 : memref<32x128xf32, #tpu.memory_space<vmem>>)
      %jit3A_3498 = arith.constant 128 : i32
      %div3A_3499 = arith.divsi %squeeze3A_2534, %jit3A_3498 : i32
      %sign3A_3500 = arith.constant 0 : i32
      %sign3A_3501 = arith.cmpi sgt, %squeeze3A_2534, %sign3A_3500 : i32
      %sign3A_3502 = arith.extui %sign3A_3501 : i1 to i32
      %sign3A_3503 = arith.constant 0 : i32
      %sign3A_3504 = arith.cmpi slt, %squeeze3A_2534, %sign3A_3503 : i32
      %sign3A_3505 = arith.extui %sign3A_3504 : i1 to i32
      %sign3A_3506 = arith.subi %sign3A_3502, %sign3A_3505 : i32
      %sign3A_3507 = arith.constant 0 : i32
      %sign3A_3508 = arith.cmpi sgt, %jit3A_3498, %sign3A_3507 : i32
      %sign3A_3509 = arith.extui %sign3A_3508 : i1 to i32
      %sign3A_3510 = arith.constant 0 : i32
      %sign3A_3511 = arith.cmpi slt, %jit3A_3498, %sign3A_3510 : i32
      %sign3A_3512 = arith.extui %sign3A_3511 : i1 to i32
      %sign3A_3513 = arith.subi %sign3A_3509, %sign3A_3512 : i32
      %ne3A_3514 = arith.cmpi ne, %sign3A_3506, %sign3A_3513 : i32
      %rem3A_3515 = arith.remsi %squeeze3A_2534, %jit3A_3498 : i32
      %ne3A_3516 = arith.constant 0 : i32
      %ne3A_3517 = arith.cmpi ne, %rem3A_3515, %ne3A_3516 : i32
      %and3A_3518 = arith.andi %ne3A_3514, %ne3A_3517 : i1
      %sub3A_3519 = arith.constant 1 : i32
      %sub3A_3520 = arith.subi %div3A_3499, %sub3A_3519 : i32
      %select_n3A_3521 = arith.select %and3A_3518, %sub3A_3520, %div3A_3499 : i32
      %mul3A_3522 = arith.constant 128 : i32
      %mul3A_3523 = arith.muli %select_n3A_3521, %mul3A_3522 : i32
      %sub3A_3524 = arith.subi %squeeze3A_2534, %mul3A_3523 : i32
      %broadcast_in_dim3A_3525 = arith.constant 7 : i32
      %broadcast_in_dim3A_3526 = vector.broadcast %broadcast_in_dim3A_3525 : i32 to vector<16xi32>
      %add3A_3527 = arith.constant 0 : i32
      %add3A_3528 = vector.broadcast %add3A_3527 : i32 to vector<16xi32>
      %add3A_3529 = arith.addi %iota3A, %add3A_3528 : vector<16xi32>
      %broadcast_in_dim3A_3530 = vector.broadcast %sub3A_3524 : i32 to vector<16xi32>
      %gather3A_3531 = tpu.vector_load_idx %arg11[%broadcast_in_dim3A_3526, %add3A_3529, %broadcast_in_dim3A_3530] : memref<8x32x128xf32, #tpu.memory_space<vmem>>[vector<16xi32>, vector<16xi32>, vector<16xi32>], vector<16xf32>,
      %mul3A_3532 = arith.constant 512 : i32
      %mul3A_3533 = vector.broadcast %mul3A_3532 : i32 to vector<16xi32>
      %mul3A_3534 = arith.muli %add3A_3529, %mul3A_3533 : vector<16xi32>
      %add3A_3535 = vector.broadcast %add3A_2532 : i32 to vector<16xi32>
      %add3A_3536 = arith.addi %mul3A_3534, %add3A_3535 : vector<16xi32>
      tpu.vector_store_idx %arg13[%add3A_3536], %gather3A_3531 : memref<16384xf32, #tpu.memory_space<vmem>>[vector<16xi32>], vector<16xf32>,
      %add3A_3537 = arith.constant 16 : i32
      %add3A_3538 = vector.broadcast %add3A_3537 : i32 to vector<16xi32>
      %add3A_3539 = arith.addi %iota3A, %add3A_3538 : vector<16xi32>
      %broadcast_in_dim3A_3540 = vector.broadcast %sub3A_3524 : i32 to vector<16xi32>
      %gather3A_3541 = tpu.vector_load_idx %arg11[%broadcast_in_dim3A_3526, %add3A_3539, %broadcast_in_dim3A_3540] : memref<8x32x128xf32, #tpu.memory_space<vmem>>[vector<16xi32>, vector<16xi32>, vector<16xi32>], vector<16xf32>,
      %mul3A_3542 = arith.constant 512 : i32
      %mul3A_3543 = vector.broadcast %mul3A_3542 : i32 to vector<16xi32>
      %mul3A_3544 = arith.muli %add3A_3539, %mul3A_3543 : vector<16xi32>
      %add3A_3545 = vector.broadcast %add3A_2532 : i32 to vector<16xi32>
      %add3A_3546 = arith.addi %mul3A_3544, %add3A_3545 : vector<16xi32>
      tpu.vector_store_idx %arg13[%add3A_3546], %gather3A_3541 : memref<16384xf32, #tpu.memory_space<vmem>>[vector<16xi32>], vector<16xf32>,
      %dma_wait3A_3547 = arith.constant 7 : i32
      %dma_wait3A_3548 = arith.constant 0 : i32
      %dma_wait3A_3549 = arith.constant 0 : i32
      %dma_wait3A_3550 = tpu.memref_slice %arg12[%dma_wait3A_3547, %dma_wait3A_3548, %dma_wait3A_3549] : memref<8x32x128xf32, #tpu.memory_space<vmem>> -> memref<1x32x128xf32, #tpu.memory_space<vmem>>
      %dma_wait3A_3551 = tpu.memref_squeeze %dma_wait3A_3550 : memref<1x32x128xf32, #tpu.memory_space<vmem>> -> memref<32x128xf32, #tpu.memory_space<vmem>>
      %dma_wait3A_3552 = arith.constant 0 : i32
      %dma_wait3A_3553 = tpu.memref_slice %arg6[%dma_wait3A_3552, %multiple_of3A_2603] : memref<32x1000001xf32, #tpu.memory_space<hbm>> -> memref<32x128xf32, #tpu.memory_space<hbm>>
      %dma_wait3A_3554 = arith.constant 0 : i32
      %dma_wait3A_3555 = arith.constant 0 : i32
      %dma_wait3A_3556 = tpu.memref_slice %arg12[%dma_wait3A_3547, %dma_wait3A_3554, %dma_wait3A_3555] : memref<8x32x128xf32, #tpu.memory_space<vmem>> -> memref<1x32x128xf32, #tpu.memory_space<vmem>>
      %dma_wait3A_3557 = tpu.memref_squeeze %dma_wait3A_3556 : memref<1x32x128xf32, #tpu.memory_space<vmem>> -> memref<32x128xf32, #tpu.memory_space<vmem>>
      %dma_wait3A_3558 = arith.constant 0 : i32
      %dma_wait3A_3559 = tpu.memref_slice %arg6[%dma_wait3A_3558, %multiple_of3A_2603] : memref<32x1000001xf32, #tpu.memory_space<hbm>> -> memref<32x128xf32, #tpu.memory_space<hbm>>
      tpu.wait_dma2 semaphore(%arg18 : memref<!tpu.dma_semaphore, #tpu.memory_space<semaphore_mem>>) src(%dma_wait3A_3559 : memref<32x128xf32, #tpu.memory_space<hbm>>) dst(%dma_wait3A_3557 : memref<32x128xf32, #tpu.memory_space<vmem>>)
      %jit3A_3560 = arith.constant 128 : i32
      %div3A_3561 = arith.divsi %squeeze3A_2536, %jit3A_3560 : i32
      %sign3A_3562 = arith.constant 0 : i32
      %sign3A_3563 = arith.cmpi sgt, %squeeze3A_2536, %sign3A_3562 : i32
      %sign3A_3564 = arith.extui %sign3A_3563 : i1 to i32
      %sign3A_3565 = arith.constant 0 : i32
      %sign3A_3566 = arith.cmpi slt, %squeeze3A_2536, %sign3A_3565 : i32
      %sign3A_3567 = arith.extui %sign3A_3566 : i1 to i32
      %sign3A_3568 = arith.subi %sign3A_3564, %sign3A_3567 : i32
      %sign3A_3569 = arith.constant 0 : i32
      %sign3A_3570 = arith.cmpi sgt, %jit3A_3560, %sign3A_3569 : i32
      %sign3A_3571 = arith.extui %sign3A_3570 : i1 to i32
      %sign3A_3572 = arith.constant 0 : i32
      %sign3A_3573 = arith.cmpi slt, %jit3A_3560, %sign3A_3572 : i32
      %sign3A_3574 = arith.extui %sign3A_3573 : i1 to i32
      %sign3A_3575 = arith.subi %sign3A_3571, %sign3A_3574 : i32
      %ne3A_3576 = arith.cmpi ne, %sign3A_3568, %sign3A_3575 : i32
      %rem3A_3577 = arith.remsi %squeeze3A_2536, %jit3A_3560 : i32
      %ne3A_3578 = arith.constant 0 : i32
      %ne3A_3579 = arith.cmpi ne, %rem3A_3577, %ne3A_3578 : i32
      %and3A_3580 = arith.andi %ne3A_3576, %ne3A_3579 : i1
      %sub3A_3581 = arith.constant 1 : i32
      %sub3A_3582 = arith.subi %div3A_3561, %sub3A_3581 : i32
      %select_n3A_3583 = arith.select %and3A_3580, %sub3A_3582, %div3A_3561 : i32
      %mul3A_3584 = arith.constant 128 : i32
      %mul3A_3585 = arith.muli %select_n3A_3583, %mul3A_3584 : i32
      %sub3A_3586 = arith.subi %squeeze3A_2536, %mul3A_3585 : i32
      %broadcast_in_dim3A_3587 = arith.constant 7 : i32
      %broadcast_in_dim3A_3588 = vector.broadcast %broadcast_in_dim3A_3587 : i32 to vector<16xi32>
      %add3A_3589 = arith.constant 0 : i32
      %add3A_3590 = vector.broadcast %add3A_3589 : i32 to vector<16xi32>
      %add3A_3591 = arith.addi %iota3A, %add3A_3590 : vector<16xi32>
      %broadcast_in_dim3A_3592 = vector.broadcast %sub3A_3586 : i32 to vector<16xi32>
      %gather3A_3593 = tpu.vector_load_idx %arg12[%broadcast_in_dim3A_3588, %add3A_3591, %broadcast_in_dim3A_3592] : memref<8x32x128xf32, #tpu.memory_space<vmem>>[vector<16xi32>, vector<16xi32>, vector<16xi32>], vector<16xf32>,
      %mul3A_3594 = arith.constant 512 : i32
      %mul3A_3595 = vector.broadcast %mul3A_3594 : i32 to vector<16xi32>
      %mul3A_3596 = arith.muli %add3A_3591, %mul3A_3595 : vector<16xi32>
      %add3A_3597 = vector.broadcast %add3A_2532 : i32 to vector<16xi32>
      %add3A_3598 = arith.addi %mul3A_3596, %add3A_3597 : vector<16xi32>
      tpu.vector_store_idx %arg14[%add3A_3598], %gather3A_3593 : memref<16384xf32, #tpu.memory_space<vmem>>[vector<16xi32>], vector<16xf32>,
      %add3A_3599 = arith.constant 16 : i32
      %add3A_3600 = vector.broadcast %add3A_3599 : i32 to vector<16xi32>
      %add3A_3601 = arith.addi %iota3A, %add3A_3600 : vector<16xi32>
      %broadcast_in_dim3A_3602 = vector.broadcast %sub3A_3586 : i32 to vector<16xi32>
      %gather3A_3603 = tpu.vector_load_idx %arg12[%broadcast_in_dim3A_3588, %add3A_3601, %broadcast_in_dim3A_3602] : memref<8x32x128xf32, #tpu.memory_space<vmem>>[vector<16xi32>, vector<16xi32>, vector<16xi32>], vector<16xf32>,
      %mul3A_3604 = arith.constant 512 : i32
      %mul3A_3605 = vector.broadcast %mul3A_3604 : i32 to vector<16xi32>
      %mul3A_3606 = arith.muli %add3A_3601, %mul3A_3605 : vector<16xi32>
      %add3A_3607 = vector.broadcast %add3A_2532 : i32 to vector<16xi32>
      %add3A_3608 = arith.addi %mul3A_3606, %add3A_3607 : vector<16xi32>
      tpu.vector_store_idx %arg14[%add3A_3608], %gather3A_3603 : memref<16384xf32, #tpu.memory_space<vmem>>[vector<16xi32>], vector<16xf32>,
    }
    %scan3A_109 = arith.constant 32 : i32
    %dma_wait3A = arith.constant 0 : i32
    %dma_wait3A_110 = arith.constant 0 : i32
    %dma_wait3A_111 = arith.constant 0 : i32
    %dma_wait3A_112 = tpu.memref_slice %arg15[%dma_wait3A_110, %dma_wait3A_111] : memref<4x128xf32, #tpu.memory_space<vmem>> -> memref<1x128xf32, #tpu.memory_space<vmem>>
    %dma_wait3A_113 = tpu.memref_squeeze %dma_wait3A_112 : memref<1x128xf32, #tpu.memory_space<vmem>> -> memref<128xf32, #tpu.memory_space<vmem>>
    %dma_wait3A_114 = arith.constant 0 : i32
    %dma_wait3A_115 = tpu.memref_slice %arg9[%dma_wait3A, %dma_wait3A_114] : memref<4x128xi32, #tpu.memory_space<vmem>> -> memref<1x128xi32, #tpu.memory_space<vmem>>
    %dma_wait3A_116 = tpu.memref_squeeze %dma_wait3A_115 : memref<1x128xi32, #tpu.memory_space<vmem>> -> memref<128xi32, #tpu.memory_space<vmem>>
    %dma_wait3A_117 = arith.constant 0 : i32
    %dma_wait3A_118 = tpu.memref_slice %arg5[%dma_wait3A_117] : memref<1000001xf32, #tpu.memory_space<hbm>> -> memref<1000001xf32, #tpu.memory_space<hbm>>
    tpu.wait_indirect_dma semaphore(%arg19 : memref<!tpu.dma_semaphore, #tpu.memory_space<semaphore_mem>>) src(%dma_wait3A_118 : memref<1000001xf32, #tpu.memory_space<hbm>>) dst(%dma_wait3A_113 : memref<128xf32, #tpu.memory_space<vmem>>)
    %dma_wait3A_119 = arith.constant 1 : i32
    %dma_wait3A_120 = arith.constant 1 : i32
    %dma_wait3A_121 = arith.constant 0 : i32
    %dma_wait3A_122 = tpu.memref_slice %arg15[%dma_wait3A_120, %dma_wait3A_121] : memref<4x128xf32, #tpu.memory_space<vmem>> -> memref<1x128xf32, #tpu.memory_space<vmem>>
    %dma_wait3A_123 = tpu.memref_squeeze %dma_wait3A_122 : memref<1x128xf32, #tpu.memory_space<vmem>> -> memref<128xf32, #tpu.memory_space<vmem>>
    %dma_wait3A_124 = arith.constant 0 : i32
    %dma_wait3A_125 = tpu.memref_slice %arg9[%dma_wait3A_119, %dma_wait3A_124] : memref<4x128xi32, #tpu.memory_space<vmem>> -> memref<1x128xi32, #tpu.memory_space<vmem>>
    %dma_wait3A_126 = tpu.memref_squeeze %dma_wait3A_125 : memref<1x128xi32, #tpu.memory_space<vmem>> -> memref<128xi32, #tpu.memory_space<vmem>>
    %dma_wait3A_127 = arith.constant 0 : i32
    %dma_wait3A_128 = tpu.memref_slice %arg5[%dma_wait3A_127] : memref<1000001xf32, #tpu.memory_space<hbm>> -> memref<1000001xf32, #tpu.memory_space<hbm>>
    tpu.wait_indirect_dma semaphore(%arg19 : memref<!tpu.dma_semaphore, #tpu.memory_space<semaphore_mem>>) src(%dma_wait3A_128 : memref<1000001xf32, #tpu.memory_space<hbm>>) dst(%dma_wait3A_123 : memref<128xf32, #tpu.memory_space<vmem>>)
    %dma_wait3A_129 = arith.constant 2 : i32
    %dma_wait3A_130 = arith.constant 2 : i32
    %dma_wait3A_131 = arith.constant 0 : i32
    %dma_wait3A_132 = tpu.memref_slice %arg15[%dma_wait3A_130, %dma_wait3A_131] : memref<4x128xf32, #tpu.memory_space<vmem>> -> memref<1x128xf32, #tpu.memory_space<vmem>>
    %dma_wait3A_133 = tpu.memref_squeeze %dma_wait3A_132 : memref<1x128xf32, #tpu.memory_space<vmem>> -> memref<128xf32, #tpu.memory_space<vmem>>
    %dma_wait3A_134 = arith.constant 0 : i32
    %dma_wait3A_135 = tpu.memref_slice %arg9[%dma_wait3A_129, %dma_wait3A_134] : memref<4x128xi32, #tpu.memory_space<vmem>> -> memref<1x128xi32, #tpu.memory_space<vmem>>
    %dma_wait3A_136 = tpu.memref_squeeze %dma_wait3A_135 : memref<1x128xi32, #tpu.memory_space<vmem>> -> memref<128xi32, #tpu.memory_space<vmem>>
    %dma_wait3A_137 = arith.constant 0 : i32
    %dma_wait3A_138 = tpu.memref_slice %arg5[%dma_wait3A_137] : memref<1000001xf32, #tpu.memory_space<hbm>> -> memref<1000001xf32, #tpu.memory_space<hbm>>
    tpu.wait_indirect_dma semaphore(%arg19 : memref<!tpu.dma_semaphore, #tpu.memory_space<semaphore_mem>>) src(%dma_wait3A_138 : memref<1000001xf32, #tpu.memory_space<hbm>>) dst(%dma_wait3A_133 : memref<128xf32, #tpu.memory_space<vmem>>)
    %dma_wait3A_139 = arith.constant 3 : i32
    %dma_wait3A_140 = arith.constant 3 : i32
    %dma_wait3A_141 = arith.constant 0 : i32
    %dma_wait3A_142 = tpu.memref_slice %arg15[%dma_wait3A_140, %dma_wait3A_141] : memref<4x128xf32, #tpu.memory_space<vmem>> -> memref<1x128xf32, #tpu.memory_space<vmem>>
    %dma_wait3A_143 = tpu.memref_squeeze %dma_wait3A_142 : memref<1x128xf32, #tpu.memory_space<vmem>> -> memref<128xf32, #tpu.memory_space<vmem>>
    %dma_wait3A_144 = arith.constant 0 : i32
    %dma_wait3A_145 = tpu.memref_slice %arg9[%dma_wait3A_139, %dma_wait3A_144] : memref<4x128xi32, #tpu.memory_space<vmem>> -> memref<1x128xi32, #tpu.memory_space<vmem>>
    %dma_wait3A_146 = tpu.memref_squeeze %dma_wait3A_145 : memref<1x128xi32, #tpu.memory_space<vmem>> -> memref<128xi32, #tpu.memory_space<vmem>>
    %dma_wait3A_147 = arith.constant 0 : i32
    %dma_wait3A_148 = tpu.memref_slice %arg5[%dma_wait3A_147] : memref<1000001xf32, #tpu.memory_space<hbm>> -> memref<1000001xf32, #tpu.memory_space<hbm>>
    tpu.wait_indirect_dma semaphore(%arg19 : memref<!tpu.dma_semaphore, #tpu.memory_space<semaphore_mem>>) src(%dma_wait3A_148 : memref<1000001xf32, #tpu.memory_space<hbm>>) dst(%dma_wait3A_143 : memref<128xf32, #tpu.memory_space<vmem>>)
    %dma_wait3A_149 = arith.constant 0 : i32
    %dma_wait3A_150 = arith.constant 0 : i32
    %dma_wait3A_151 = arith.constant 0 : i32
    %dma_wait3A_152 = tpu.memref_slice %arg16[%dma_wait3A_150, %dma_wait3A_151] : memref<4x128xf32, #tpu.memory_space<vmem>> -> memref<1x128xf32, #tpu.memory_space<vmem>>
    %dma_wait3A_153 = tpu.memref_squeeze %dma_wait3A_152 : memref<1x128xf32, #tpu.memory_space<vmem>> -> memref<128xf32, #tpu.memory_space<vmem>>
    %dma_wait3A_154 = arith.constant 0 : i32
    %dma_wait3A_155 = tpu.memref_slice %arg10[%dma_wait3A_149, %dma_wait3A_154] : memref<4x128xi32, #tpu.memory_space<vmem>> -> memref<1x128xi32, #tpu.memory_space<vmem>>
    %dma_wait3A_156 = tpu.memref_squeeze %dma_wait3A_155 : memref<1x128xi32, #tpu.memory_space<vmem>> -> memref<128xi32, #tpu.memory_space<vmem>>
    %dma_wait3A_157 = arith.constant 0 : i32
    %dma_wait3A_158 = tpu.memref_slice %arg7[%dma_wait3A_157] : memref<1000001xf32, #tpu.memory_space<hbm>> -> memref<1000001xf32, #tpu.memory_space<hbm>>
    tpu.wait_indirect_dma semaphore(%arg19 : memref<!tpu.dma_semaphore, #tpu.memory_space<semaphore_mem>>) src(%dma_wait3A_158 : memref<1000001xf32, #tpu.memory_space<hbm>>) dst(%dma_wait3A_153 : memref<128xf32, #tpu.memory_space<vmem>>)
    %dma_wait3A_159 = arith.constant 1 : i32
    %dma_wait3A_160 = arith.constant 1 : i32
    %dma_wait3A_161 = arith.constant 0 : i32
    %dma_wait3A_162 = tpu.memref_slice %arg16[%dma_wait3A_160, %dma_wait3A_161] : memref<4x128xf32, #tpu.memory_space<vmem>> -> memref<1x128xf32, #tpu.memory_space<vmem>>
    %dma_wait3A_163 = tpu.memref_squeeze %dma_wait3A_162 : memref<1x128xf32, #tpu.memory_space<vmem>> -> memref<128xf32, #tpu.memory_space<vmem>>
    %dma_wait3A_164 = arith.constant 0 : i32
    %dma_wait3A_165 = tpu.memref_slice %arg10[%dma_wait3A_159, %dma_wait3A_164] : memref<4x128xi32, #tpu.memory_space<vmem>> -> memref<1x128xi32, #tpu.memory_space<vmem>>
    %dma_wait3A_166 = tpu.memref_squeeze %dma_wait3A_165 : memref<1x128xi32, #tpu.memory_space<vmem>> -> memref<128xi32, #tpu.memory_space<vmem>>
    %dma_wait3A_167 = arith.constant 0 : i32
    %dma_wait3A_168 = tpu.memref_slice %arg7[%dma_wait3A_167] : memref<1000001xf32, #tpu.memory_space<hbm>> -> memref<1000001xf32, #tpu.memory_space<hbm>>
    tpu.wait_indirect_dma semaphore(%arg19 : memref<!tpu.dma_semaphore, #tpu.memory_space<semaphore_mem>>) src(%dma_wait3A_168 : memref<1000001xf32, #tpu.memory_space<hbm>>) dst(%dma_wait3A_163 : memref<128xf32, #tpu.memory_space<vmem>>)
    %dma_wait3A_169 = arith.constant 2 : i32
    %dma_wait3A_170 = arith.constant 2 : i32
    %dma_wait3A_171 = arith.constant 0 : i32
    %dma_wait3A_172 = tpu.memref_slice %arg16[%dma_wait3A_170, %dma_wait3A_171] : memref<4x128xf32, #tpu.memory_space<vmem>> -> memref<1x128xf32, #tpu.memory_space<vmem>>
    %dma_wait3A_173 = tpu.memref_squeeze %dma_wait3A_172 : memref<1x128xf32, #tpu.memory_space<vmem>> -> memref<128xf32, #tpu.memory_space<vmem>>
    %dma_wait3A_174 = arith.constant 0 : i32
    %dma_wait3A_175 = tpu.memref_slice %arg10[%dma_wait3A_169, %dma_wait3A_174] : memref<4x128xi32, #tpu.memory_space<vmem>> -> memref<1x128xi32, #tpu.memory_space<vmem>>
    %dma_wait3A_176 = tpu.memref_squeeze %dma_wait3A_175 : memref<1x128xi32, #tpu.memory_space<vmem>> -> memref<128xi32, #tpu.memory_space<vmem>>
    %dma_wait3A_177 = arith.constant 0 : i32
    %dma_wait3A_178 = tpu.memref_slice %arg7[%dma_wait3A_177] : memref<1000001xf32, #tpu.memory_space<hbm>> -> memref<1000001xf32, #tpu.memory_space<hbm>>
    tpu.wait_indirect_dma semaphore(%arg19 : memref<!tpu.dma_semaphore, #tpu.memory_space<semaphore_mem>>) src(%dma_wait3A_178 : memref<1000001xf32, #tpu.memory_space<hbm>>) dst(%dma_wait3A_173 : memref<128xf32, #tpu.memory_space<vmem>>)
    %dma_wait3A_179 = arith.constant 3 : i32
    %dma_wait3A_180 = arith.constant 3 : i32
    %dma_wait3A_181 = arith.constant 0 : i32
    %dma_wait3A_182 = tpu.memref_slice %arg16[%dma_wait3A_180, %dma_wait3A_181] : memref<4x128xf32, #tpu.memory_space<vmem>> -> memref<1x128xf32, #tpu.memory_space<vmem>>
    %dma_wait3A_183 = tpu.memref_squeeze %dma_wait3A_182 : memref<1x128xf32, #tpu.memory_space<vmem>> -> memref<128xf32, #tpu.memory_space<vmem>>
    %dma_wait3A_184 = arith.constant 0 : i32
    %dma_wait3A_185 = tpu.memref_slice %arg10[%dma_wait3A_179, %dma_wait3A_184] : memref<4x128xi32, #tpu.memory_space<vmem>> -> memref<1x128xi32, #tpu.memory_space<vmem>>
    %dma_wait3A_186 = tpu.memref_squeeze %dma_wait3A_185 : memref<1x128xi32, #tpu.memory_space<vmem>> -> memref<128xi32, #tpu.memory_space<vmem>>
    %dma_wait3A_187 = arith.constant 0 : i32
    %dma_wait3A_188 = tpu.memref_slice %arg7[%dma_wait3A_187] : memref<1000001xf32, #tpu.memory_space<hbm>> -> memref<1000001xf32, #tpu.memory_space<hbm>>
    tpu.wait_indirect_dma semaphore(%arg19 : memref<!tpu.dma_semaphore, #tpu.memory_space<semaphore_mem>>) src(%dma_wait3A_188 : memref<1000001xf32, #tpu.memory_space<hbm>>) dst(%dma_wait3A_183 : memref<128xf32, #tpu.memory_space<vmem>>)
    %scan3A_189 = arith.constant 0 : i32
    %scan3A_190 = arith.constant 0 : i32
    %scan3A_191 = arith.constant 32 : i32
    %scan3A_192 = arith.addi %scan3A_190, %scan3A_191 : i32
    %scan3A_193 = arith.constant 1 : i32
    scf.for %scan3A_195 = %scan3A_190 to %scan3A_192 step %scan3A_193  : i32 {
      %jit3A = arith.constant 8 : i32
      %div3A = arith.divsi %scan3A_195, %jit3A : i32
      %sign3A = arith.constant 0 : i32
      %sign3A_196 = arith.cmpi sgt, %scan3A_195, %sign3A : i32
      %sign3A_197 = arith.extui %sign3A_196 : i1 to i32
      %sign3A_198 = arith.constant 0 : i32
      %sign3A_199 = arith.cmpi slt, %scan3A_195, %sign3A_198 : i32
      %sign3A_200 = arith.extui %sign3A_199 : i1 to i32
      %sign3A_201 = arith.subi %sign3A_197, %sign3A_200 : i32
      %sign3A_202 = arith.constant 0 : i32
      %sign3A_203 = arith.cmpi sgt, %jit3A, %sign3A_202 : i32
      %sign3A_204 = arith.extui %sign3A_203 : i1 to i32
      %sign3A_205 = arith.constant 0 : i32
      %sign3A_206 = arith.cmpi slt, %jit3A, %sign3A_205 : i32
      %sign3A_207 = arith.extui %sign3A_206 : i1 to i32
      %sign3A_208 = arith.subi %sign3A_204, %sign3A_207 : i32
      %ne3A = arith.cmpi ne, %sign3A_201, %sign3A_208 : i32
      %rem3A = arith.remsi %scan3A_195, %jit3A : i32
      %ne3A_209 = arith.constant 0 : i32
      %ne3A_210 = arith.cmpi ne, %rem3A, %ne3A_209 : i32
      %and3A = arith.andi %ne3A, %ne3A_210 : i1
      %sub3A = arith.constant 1 : i32
      %sub3A_211 = arith.subi %div3A, %sub3A : i32
      %select_n3A = arith.select %and3A, %sub3A_211, %div3A : i32
      %mul3A_212 = arith.constant 8 : i32
      %mul3A_213 = arith.muli %select_n3A, %mul3A_212 : i32
      %sub3A_214 = arith.subi %scan3A_195, %mul3A_213 : i32
      %mul3A_215 = arith.constant 16 : i32
      %mul3A_216 = arith.muli %sub3A_214, %mul3A_215 : i32
      %get3A = arith.index_cast %select_n3A : i32 to index
      %get3A_217 = arith.index_cast %mul3A_216 : i32 to index
      %get3A_218 = tpu.vector_load %arg15[%get3A, %get3A_217] {strides = array<i32>} : memref<4x128xf32, #tpu.memory_space<vmem>>, vector<16xf32>,
      %get3A_219 = arith.index_cast %select_n3A : i32 to index
      %get3A_220 = arith.index_cast %mul3A_216 : i32 to index
      %get3A_221 = tpu.vector_load %arg16[%get3A_219, %get3A_220] {strides = array<i32>} : memref<4x128xf32, #tpu.memory_space<vmem>>, vector<16xf32>,
      %add3A_222 = arith.addf %get3A_218, %get3A_221 : vector<16xf32>
      %broadcast_in_dim3A = arith.constant 0.000000e+00 : f32
      %broadcast_in_dim3A_223 = vector.broadcast %broadcast_in_dim3A : f32 to vector<16xf32>
      %broadcast_in_dim3A_224 = arith.constant 0.000000e+00 : f32
      %broadcast_in_dim3A_225 = vector.broadcast %broadcast_in_dim3A_224 : f32 to vector<16xf32>
      %broadcast_in_dim3A_226 = arith.constant 0.000000e+00 : f32
      %broadcast_in_dim3A_227 = vector.broadcast %broadcast_in_dim3A_226 : f32 to vector<16xf32>
      %mul3A_228 = arith.constant 16 : i32
      %mul3A_229 = arith.muli %scan3A_195, %mul3A_228 : i32
      %add3A_230 = arith.constant 0 : i32
      %add3A_231 = arith.addi %add3A_230, %mul3A_229 : i32
      %get3A_232 = arith.index_cast %add3A_231 : i32 to index
      %get3A_233 = tpu.vector_load %arg13[%get3A_232] {strides = array<i32>} : memref<16384xf32, #tpu.memory_space<vmem>>, vector<16xf32>,
      %add3A_234 = arith.constant 0 : i32
      %add3A_235 = arith.addi %add3A_234, %mul3A_229 : i32
      %get3A_236 = arith.index_cast %add3A_235 : i32 to index
      %get3A_237 = tpu.vector_load %arg14[%get3A_236] {strides = array<i32>} : memref<16384xf32, #tpu.memory_space<vmem>>, vector<16xf32>,
      %mul3A_238 = arith.mulf %get3A_233, %get3A_237 : vector<16xf32>
      %add3A_239 = arith.addf %add3A_222, %mul3A_238 : vector<16xf32>
      %add3A_240 = arith.constant 512 : i32
      %add3A_241 = arith.addi %add3A_240, %mul3A_229 : i32
      %get3A_242 = arith.index_cast %add3A_241 : i32 to index
      %get3A_243 = tpu.vector_load %arg13[%get3A_242] {strides = array<i32>} : memref<16384xf32, #tpu.memory_space<vmem>>, vector<16xf32>,
      %add3A_244 = arith.constant 512 : i32
      %add3A_245 = arith.addi %add3A_244, %mul3A_229 : i32
      %get3A_246 = arith.index_cast %add3A_245 : i32 to index
      %get3A_247 = tpu.vector_load %arg14[%get3A_246] {strides = array<i32>} : memref<16384xf32, #tpu.memory_space<vmem>>, vector<16xf32>,
      %mul3A_248 = arith.mulf %get3A_243, %get3A_247 : vector<16xf32>
      %add3A_249 = arith.addf %broadcast_in_dim3A_223, %mul3A_248 : vector<16xf32>
      %add3A_250 = arith.constant 1024 : i32
      %add3A_251 = arith.addi %add3A_250, %mul3A_229 : i32
      %get3A_252 = arith.index_cast %add3A_251 : i32 to index
      %get3A_253 = tpu.vector_load %arg13[%get3A_252] {strides = array<i32>} : memref<16384xf32, #tpu.memory_space<vmem>>, vector<16xf32>,
      %add3A_254 = arith.constant 1024 : i32
      %add3A_255 = arith.addi %add3A_254, %mul3A_229 : i32
      %get3A_256 = arith.index_cast %add3A_255 : i32 to index
      %get3A_257 = tpu.vector_load %arg14[%get3A_256] {strides = array<i32>} : memref<16384xf32, #tpu.memory_space<vmem>>, vector<16xf32>,
      %mul3A_258 = arith.mulf %get3A_253, %get3A_257 : vector<16xf32>
      %add3A_259 = arith.addf %broadcast_in_dim3A_225, %mul3A_258 : vector<16xf32>
      %add3A_260 = arith.constant 1536 : i32
      %add3A_261 = arith.addi %add3A_260, %mul3A_229 : i32
      %get3A_262 = arith.index_cast %add3A_261 : i32 to index
      %get3A_263 = tpu.vector_load %arg13[%get3A_262] {strides = array<i32>} : memref<16384xf32, #tpu.memory_space<vmem>>, vector<16xf32>,
      %add3A_264 = arith.constant 1536 : i32
      %add3A_265 = arith.addi %add3A_264, %mul3A_229 : i32
      %get3A_266 = arith.index_cast %add3A_265 : i32 to index
      %get3A_267 = tpu.vector_load %arg14[%get3A_266] {strides = array<i32>} : memref<16384xf32, #tpu.memory_space<vmem>>, vector<16xf32>,
      %mul3A_268 = arith.mulf %get3A_263, %get3A_267 : vector<16xf32>
      %add3A_269 = arith.addf %broadcast_in_dim3A_227, %mul3A_268 : vector<16xf32>
      %add3A_270 = arith.constant 2048 : i32
      %add3A_271 = arith.addi %add3A_270, %mul3A_229 : i32
      %get3A_272 = arith.index_cast %add3A_271 : i32 to index
      %get3A_273 = tpu.vector_load %arg13[%get3A_272] {strides = array<i32>} : memref<16384xf32, #tpu.memory_space<vmem>>, vector<16xf32>,
      %add3A_274 = arith.constant 2048 : i32
      %add3A_275 = arith.addi %add3A_274, %mul3A_229 : i32
      %get3A_276 = arith.index_cast %add3A_275 : i32 to index
      %get3A_277 = tpu.vector_load %arg14[%get3A_276] {strides = array<i32>} : memref<16384xf32, #tpu.memory_space<vmem>>, vector<16xf32>,
      %mul3A_278 = arith.mulf %get3A_273, %get3A_277 : vector<16xf32>
      %add3A_279 = arith.addf %add3A_239, %mul3A_278 : vector<16xf32>
      %add3A_280 = arith.constant 2560 : i32
      %add3A_281 = arith.addi %add3A_280, %mul3A_229 : i32
      %get3A_282 = arith.index_cast %add3A_281 : i32 to index
      %get3A_283 = tpu.vector_load %arg13[%get3A_282] {strides = array<i32>} : memref<16384xf32, #tpu.memory_space<vmem>>, vector<16xf32>,
      %add3A_284 = arith.constant 2560 : i32
      %add3A_285 = arith.addi %add3A_284, %mul3A_229 : i32
      %get3A_286 = arith.index_cast %add3A_285 : i32 to index
      %get3A_287 = tpu.vector_load %arg14[%get3A_286] {strides = array<i32>} : memref<16384xf32, #tpu.memory_space<vmem>>, vector<16xf32>,
      %mul3A_288 = arith.mulf %get3A_283, %get3A_287 : vector<16xf32>
      %add3A_289 = arith.addf %add3A_249, %mul3A_288 : vector<16xf32>
      %add3A_290 = arith.constant 3072 : i32
      %add3A_291 = arith.addi %add3A_290, %mul3A_229 : i32
      %get3A_292 = arith.index_cast %add3A_291 : i32 to index
      %get3A_293 = tpu.vector_load %arg13[%get3A_292] {strides = array<i32>} : memref<16384xf32, #tpu.memory_space<vmem>>, vector<16xf32>,
      %add3A_294 = arith.constant 3072 : i32
      %add3A_295 = arith.addi %add3A_294, %mul3A_229 : i32
      %get3A_296 = arith.index_cast %add3A_295 : i32 to index
      %get3A_297 = tpu.vector_load %arg14[%get3A_296] {strides = array<i32>} : memref<16384xf32, #tpu.memory_space<vmem>>, vector<16xf32>,
      %mul3A_298 = arith.mulf %get3A_293, %get3A_297 : vector<16xf32>
      %add3A_299 = arith.addf %add3A_259, %mul3A_298 : vector<16xf32>
      %add3A_300 = arith.constant 3584 : i32
      %add3A_301 = arith.addi %add3A_300, %mul3A_229 : i32
      %get3A_302 = arith.index_cast %add3A_301 : i32 to index
      %get3A_303 = tpu.vector_load %arg13[%get3A_302] {strides = array<i32>} : memref<16384xf32, #tpu.memory_space<vmem>>, vector<16xf32>,
      %add3A_304 = arith.constant 3584 : i32
      %add3A_305 = arith.addi %add3A_304, %mul3A_229 : i32
      %get3A_306 = arith.index_cast %add3A_305 : i32 to index
      %get3A_307 = tpu.vector_load %arg14[%get3A_306] {strides = array<i32>} : memref<16384xf32, #tpu.memory_space<vmem>>, vector<16xf32>,
      %mul3A_308 = arith.mulf %get3A_303, %get3A_307 : vector<16xf32>
      %add3A_309 = arith.addf %add3A_269, %mul3A_308 : vector<16xf32>
      %add3A_310 = arith.constant 4096 : i32
      %add3A_311 = arith.addi %add3A_310, %mul3A_229 : i32
      %get3A_312 = arith.index_cast %add3A_311 : i32 to index
      %get3A_313 = tpu.vector_load %arg13[%get3A_312] {strides = array<i32>} : memref<16384xf32, #tpu.memory_space<vmem>>, vector<16xf32>,
      %add3A_314 = arith.constant 4096 : i32
      %add3A_315 = arith.addi %add3A_314, %mul3A_229 : i32
      %get3A_316 = arith.index_cast %add3A_315 : i32 to index
      %get3A_317 = tpu.vector_load %arg14[%get3A_316] {strides = array<i32>} : memref<16384xf32, #tpu.memory_space<vmem>>, vector<16xf32>,
      %mul3A_318 = arith.mulf %get3A_313, %get3A_317 : vector<16xf32>
      %add3A_319 = arith.addf %add3A_279, %mul3A_318 : vector<16xf32>
      %add3A_320 = arith.constant 4608 : i32
      %add3A_321 = arith.addi %add3A_320, %mul3A_229 : i32
      %get3A_322 = arith.index_cast %add3A_321 : i32 to index
      %get3A_323 = tpu.vector_load %arg13[%get3A_322] {strides = array<i32>} : memref<16384xf32, #tpu.memory_space<vmem>>, vector<16xf32>,
      %add3A_324 = arith.constant 4608 : i32
      %add3A_325 = arith.addi %add3A_324, %mul3A_229 : i32
      %get3A_326 = arith.index_cast %add3A_325 : i32 to index
      %get3A_327 = tpu.vector_load %arg14[%get3A_326] {strides = array<i32>} : memref<16384xf32, #tpu.memory_space<vmem>>, vector<16xf32>,
      %mul3A_328 = arith.mulf %get3A_323, %get3A_327 : vector<16xf32>
      %add3A_329 = arith.addf %add3A_289, %mul3A_328 : vector<16xf32>
      %add3A_330 = arith.constant 5120 : i32
      %add3A_331 = arith.addi %add3A_330, %mul3A_229 : i32
      %get3A_332 = arith.index_cast %add3A_331 : i32 to index
      %get3A_333 = tpu.vector_load %arg13[%get3A_332] {strides = array<i32>} : memref<16384xf32, #tpu.memory_space<vmem>>, vector<16xf32>,
      %add3A_334 = arith.constant 5120 : i32
      %add3A_335 = arith.addi %add3A_334, %mul3A_229 : i32
      %get3A_336 = arith.index_cast %add3A_335 : i32 to index
      %get3A_337 = tpu.vector_load %arg14[%get3A_336] {strides = array<i32>} : memref<16384xf32, #tpu.memory_space<vmem>>, vector<16xf32>,
      %mul3A_338 = arith.mulf %get3A_333, %get3A_337 : vector<16xf32>
      %add3A_339 = arith.addf %add3A_299, %mul3A_338 : vector<16xf32>
      %add3A_340 = arith.constant 5632 : i32
      %add3A_341 = arith.addi %add3A_340, %mul3A_229 : i32
      %get3A_342 = arith.index_cast %add3A_341 : i32 to index
      %get3A_343 = tpu.vector_load %arg13[%get3A_342] {strides = array<i32>} : memref<16384xf32, #tpu.memory_space<vmem>>, vector<16xf32>,
      %add3A_344 = arith.constant 5632 : i32
      %add3A_345 = arith.addi %add3A_344, %mul3A_229 : i32
      %get3A_346 = arith.index_cast %add3A_345 : i32 to index
      %get3A_347 = tpu.vector_load %arg14[%get3A_346] {strides = array<i32>} : memref<16384xf32, #tpu.memory_space<vmem>>, vector<16xf32>,
      %mul3A_348 = arith.mulf %get3A_343, %get3A_347 : vector<16xf32>
      %add3A_349 = arith.addf %add3A_309, %mul3A_348 : vector<16xf32>
      %add3A_350 = arith.constant 6144 : i32
      %add3A_351 = arith.addi %add3A_350, %mul3A_229 : i32
      %get3A_352 = arith.index_cast %add3A_351 : i32 to index
      %get3A_353 = tpu.vector_load %arg13[%get3A_352] {strides = array<i32>} : memref<16384xf32, #tpu.memory_space<vmem>>, vector<16xf32>,
      %add3A_354 = arith.constant 6144 : i32
      %add3A_355 = arith.addi %add3A_354, %mul3A_229 : i32
      %get3A_356 = arith.index_cast %add3A_355 : i32 to index
      %get3A_357 = tpu.vector_load %arg14[%get3A_356] {strides = array<i32>} : memref<16384xf32, #tpu.memory_space<vmem>>, vector<16xf32>,
      %mul3A_358 = arith.mulf %get3A_353, %get3A_357 : vector<16xf32>
      %add3A_359 = arith.addf %add3A_319, %mul3A_358 : vector<16xf32>
      %add3A_360 = arith.constant 6656 : i32
      %add3A_361 = arith.addi %add3A_360, %mul3A_229 : i32
      %get3A_362 = arith.index_cast %add3A_361 : i32 to index
      %get3A_363 = tpu.vector_load %arg13[%get3A_362] {strides = array<i32>} : memref<16384xf32, #tpu.memory_space<vmem>>, vector<16xf32>,
      %add3A_364 = arith.constant 6656 : i32
      %add3A_365 = arith.addi %add3A_364, %mul3A_229 : i32
      %get3A_366 = arith.index_cast %add3A_365 : i32 to index
      %get3A_367 = tpu.vector_load %arg14[%get3A_366] {strides = array<i32>} : memref<16384xf32, #tpu.memory_space<vmem>>, vector<16xf32>,
      %mul3A_368 = arith.mulf %get3A_363, %get3A_367 : vector<16xf32>
      %add3A_369 = arith.addf %add3A_329, %mul3A_368 : vector<16xf32>
      %add3A_370 = arith.constant 7168 : i32
      %add3A_371 = arith.addi %add3A_370, %mul3A_229 : i32
      %get3A_372 = arith.index_cast %add3A_371 : i32 to index
      %get3A_373 = tpu.vector_load %arg13[%get3A_372] {strides = array<i32>} : memref<16384xf32, #tpu.memory_space<vmem>>, vector<16xf32>,
      %add3A_374 = arith.constant 7168 : i32
      %add3A_375 = arith.addi %add3A_374, %mul3A_229 : i32
      %get3A_376 = arith.index_cast %add3A_375 : i32 to index
      %get3A_377 = tpu.vector_load %arg14[%get3A_376] {strides = array<i32>} : memref<16384xf32, #tpu.memory_space<vmem>>, vector<16xf32>,
      %mul3A_378 = arith.mulf %get3A_373, %get3A_377 : vector<16xf32>
      %add3A_379 = arith.addf %add3A_339, %mul3A_378 : vector<16xf32>
      %add3A_380 = arith.constant 7680 : i32
      %add3A_381 = arith.addi %add3A_380, %mul3A_229 : i32
      %get3A_382 = arith.index_cast %add3A_381 : i32 to index
      %get3A_383 = tpu.vector_load %arg13[%get3A_382] {strides = array<i32>} : memref<16384xf32, #tpu.memory_space<vmem>>, vector<16xf32>,
      %add3A_384 = arith.constant 7680 : i32
      %add3A_385 = arith.addi %add3A_384, %mul3A_229 : i32
      %get3A_386 = arith.index_cast %add3A_385 : i32 to index
      %get3A_387 = tpu.vector_load %arg14[%get3A_386] {strides = array<i32>} : memref<16384xf32, #tpu.memory_space<vmem>>, vector<16xf32>,
      %mul3A_388 = arith.mulf %get3A_383, %get3A_387 : vector<16xf32>
      %add3A_389 = arith.addf %add3A_349, %mul3A_388 : vector<16xf32>
      %add3A_390 = arith.constant 8192 : i32
      %add3A_391 = arith.addi %add3A_390, %mul3A_229 : i32
      %get3A_392 = arith.index_cast %add3A_391 : i32 to index
      %get3A_393 = tpu.vector_load %arg13[%get3A_392] {strides = array<i32>} : memref<16384xf32, #tpu.memory_space<vmem>>, vector<16xf32>,
      %add3A_394 = arith.constant 8192 : i32
      %add3A_395 = arith.addi %add3A_394, %mul3A_229 : i32
      %get3A_396 = arith.index_cast %add3A_395 : i32 to index
      %get3A_397 = tpu.vector_load %arg14[%get3A_396] {strides = array<i32>} : memref<16384xf32, #tpu.memory_space<vmem>>, vector<16xf32>,
      %mul3A_398 = arith.mulf %get3A_393, %get3A_397 : vector<16xf32>
      %add3A_399 = arith.addf %add3A_359, %mul3A_398 : vector<16xf32>
      %add3A_400 = arith.constant 8704 : i32
      %add3A_401 = arith.addi %add3A_400, %mul3A_229 : i32
      %get3A_402 = arith.index_cast %add3A_401 : i32 to index
      %get3A_403 = tpu.vector_load %arg13[%get3A_402] {strides = array<i32>} : memref<16384xf32, #tpu.memory_space<vmem>>, vector<16xf32>,
      %add3A_404 = arith.constant 8704 : i32
      %add3A_405 = arith.addi %add3A_404, %mul3A_229 : i32
      %get3A_406 = arith.index_cast %add3A_405 : i32 to index
      %get3A_407 = tpu.vector_load %arg14[%get3A_406] {strides = array<i32>} : memref<16384xf32, #tpu.memory_space<vmem>>, vector<16xf32>,
      %mul3A_408 = arith.mulf %get3A_403, %get3A_407 : vector<16xf32>
      %add3A_409 = arith.addf %add3A_369, %mul3A_408 : vector<16xf32>
      %add3A_410 = arith.constant 9216 : i32
      %add3A_411 = arith.addi %add3A_410, %mul3A_229 : i32
      %get3A_412 = arith.index_cast %add3A_411 : i32 to index
      %get3A_413 = tpu.vector_load %arg13[%get3A_412] {strides = array<i32>} : memref<16384xf32, #tpu.memory_space<vmem>>, vector<16xf32>,
      %add3A_414 = arith.constant 9216 : i32
      %add3A_415 = arith.addi %add3A_414, %mul3A_229 : i32
      %get3A_416 = arith.index_cast %add3A_415 : i32 to index
      %get3A_417 = tpu.vector_load %arg14[%get3A_416] {strides = array<i32>} : memref<16384xf32, #tpu.memory_space<vmem>>, vector<16xf32>,
      %mul3A_418 = arith.mulf %get3A_413, %get3A_417 : vector<16xf32>
      %add3A_419 = arith.addf %add3A_379, %mul3A_418 : vector<16xf32>
      %add3A_420 = arith.constant 9728 : i32
      %add3A_421 = arith.addi %add3A_420, %mul3A_229 : i32
      %get3A_422 = arith.index_cast %add3A_421 : i32 to index
      %get3A_423 = tpu.vector_load %arg13[%get3A_422] {strides = array<i32>} : memref<16384xf32, #tpu.memory_space<vmem>>, vector<16xf32>,
      %add3A_424 = arith.constant 9728 : i32
      %add3A_425 = arith.addi %add3A_424, %mul3A_229 : i32
      %get3A_426 = arith.index_cast %add3A_425 : i32 to index
      %get3A_427 = tpu.vector_load %arg14[%get3A_426] {strides = array<i32>} : memref<16384xf32, #tpu.memory_space<vmem>>, vector<16xf32>,
      %mul3A_428 = arith.mulf %get3A_423, %get3A_427 : vector<16xf32>
      %add3A_429 = arith.addf %add3A_389, %mul3A_428 : vector<16xf32>
      %add3A_430 = arith.constant 10240 : i32
      %add3A_431 = arith.addi %add3A_430, %mul3A_229 : i32
      %get3A_432 = arith.index_cast %add3A_431 : i32 to index
      %get3A_433 = tpu.vector_load %arg13[%get3A_432] {strides = array<i32>} : memref<16384xf32, #tpu.memory_space<vmem>>, vector<16xf32>,
      %add3A_434 = arith.constant 10240 : i32
      %add3A_435 = arith.addi %add3A_434, %mul3A_229 : i32
      %get3A_436 = arith.index_cast %add3A_435 : i32 to index
      %get3A_437 = tpu.vector_load %arg14[%get3A_436] {strides = array<i32>} : memref<16384xf32, #tpu.memory_space<vmem>>, vector<16xf32>,
      %mul3A_438 = arith.mulf %get3A_433, %get3A_437 : vector<16xf32>
      %add3A_439 = arith.addf %add3A_399, %mul3A_438 : vector<16xf32>
      %add3A_440 = arith.constant 10752 : i32
      %add3A_441 = arith.addi %add3A_440, %mul3A_229 : i32
      %get3A_442 = arith.index_cast %add3A_441 : i32 to index
      %get3A_443 = tpu.vector_load %arg13[%get3A_442] {strides = array<i32>} : memref<16384xf32, #tpu.memory_space<vmem>>, vector<16xf32>,
      %add3A_444 = arith.constant 10752 : i32
      %add3A_445 = arith.addi %add3A_444, %mul3A_229 : i32
      %get3A_446 = arith.index_cast %add3A_445 : i32 to index
      %get3A_447 = tpu.vector_load %arg14[%get3A_446] {strides = array<i32>} : memref<16384xf32, #tpu.memory_space<vmem>>, vector<16xf32>,
      %mul3A_448 = arith.mulf %get3A_443, %get3A_447 : vector<16xf32>
      %add3A_449 = arith.addf %add3A_409, %mul3A_448 : vector<16xf32>
      %add3A_450 = arith.constant 11264 : i32
      %add3A_451 = arith.addi %add3A_450, %mul3A_229 : i32
      %get3A_452 = arith.index_cast %add3A_451 : i32 to index
      %get3A_453 = tpu.vector_load %arg13[%get3A_452] {strides = array<i32>} : memref<16384xf32, #tpu.memory_space<vmem>>, vector<16xf32>,
      %add3A_454 = arith.constant 11264 : i32
      %add3A_455 = arith.addi %add3A_454, %mul3A_229 : i32
      %get3A_456 = arith.index_cast %add3A_455 : i32 to index
      %get3A_457 = tpu.vector_load %arg14[%get3A_456] {strides = array<i32>} : memref<16384xf32, #tpu.memory_space<vmem>>, vector<16xf32>,
      %mul3A_458 = arith.mulf %get3A_453, %get3A_457 : vector<16xf32>
      %add3A_459 = arith.addf %add3A_419, %mul3A_458 : vector<16xf32>
      %add3A_460 = arith.constant 11776 : i32
      %add3A_461 = arith.addi %add3A_460, %mul3A_229 : i32
      %get3A_462 = arith.index_cast %add3A_461 : i32 to index
      %get3A_463 = tpu.vector_load %arg13[%get3A_462] {strides = array<i32>} : memref<16384xf32, #tpu.memory_space<vmem>>, vector<16xf32>,
      %add3A_464 = arith.constant 11776 : i32
      %add3A_465 = arith.addi %add3A_464, %mul3A_229 : i32
      %get3A_466 = arith.index_cast %add3A_465 : i32 to index
      %get3A_467 = tpu.vector_load %arg14[%get3A_466] {strides = array<i32>} : memref<16384xf32, #tpu.memory_space<vmem>>, vector<16xf32>,
      %mul3A_468 = arith.mulf %get3A_463, %get3A_467 : vector<16xf32>
      %add3A_469 = arith.addf %add3A_429, %mul3A_468 : vector<16xf32>
      %add3A_470 = arith.constant 12288 : i32
      %add3A_471 = arith.addi %add3A_470, %mul3A_229 : i32
      %get3A_472 = arith.index_cast %add3A_471 : i32 to index
      %get3A_473 = tpu.vector_load %arg13[%get3A_472] {strides = array<i32>} : memref<16384xf32, #tpu.memory_space<vmem>>, vector<16xf32>,
      %add3A_474 = arith.constant 12288 : i32
      %add3A_475 = arith.addi %add3A_474, %mul3A_229 : i32
      %get3A_476 = arith.index_cast %add3A_475 : i32 to index
      %get3A_477 = tpu.vector_load %arg14[%get3A_476] {strides = array<i32>} : memref<16384xf32, #tpu.memory_space<vmem>>, vector<16xf32>,
      %mul3A_478 = arith.mulf %get3A_473, %get3A_477 : vector<16xf32>
      %add3A_479 = arith.addf %add3A_439, %mul3A_478 : vector<16xf32>
      %add3A_480 = arith.constant 12800 : i32
      %add3A_481 = arith.addi %add3A_480, %mul3A_229 : i32
      %get3A_482 = arith.index_cast %add3A_481 : i32 to index
      %get3A_483 = tpu.vector_load %arg13[%get3A_482] {strides = array<i32>} : memref<16384xf32, #tpu.memory_space<vmem>>, vector<16xf32>,
      %add3A_484 = arith.constant 12800 : i32
      %add3A_485 = arith.addi %add3A_484, %mul3A_229 : i32
      %get3A_486 = arith.index_cast %add3A_485 : i32 to index
      %get3A_487 = tpu.vector_load %arg14[%get3A_486] {strides = array<i32>} : memref<16384xf32, #tpu.memory_space<vmem>>, vector<16xf32>,
      %mul3A_488 = arith.mulf %get3A_483, %get3A_487 : vector<16xf32>
      %add3A_489 = arith.addf %add3A_449, %mul3A_488 : vector<16xf32>
      %add3A_490 = arith.constant 13312 : i32
      %add3A_491 = arith.addi %add3A_490, %mul3A_229 : i32
      %get3A_492 = arith.index_cast %add3A_491 : i32 to index
      %get3A_493 = tpu.vector_load %arg13[%get3A_492] {strides = array<i32>} : memref<16384xf32, #tpu.memory_space<vmem>>, vector<16xf32>,
      %add3A_494 = arith.constant 13312 : i32
      %add3A_495 = arith.addi %add3A_494, %mul3A_229 : i32
      %get3A_496 = arith.index_cast %add3A_495 : i32 to index
      %get3A_497 = tpu.vector_load %arg14[%get3A_496] {strides = array<i32>} : memref<16384xf32, #tpu.memory_space<vmem>>, vector<16xf32>,
      %mul3A_498 = arith.mulf %get3A_493, %get3A_497 : vector<16xf32>
      %add3A_499 = arith.addf %add3A_459, %mul3A_498 : vector<16xf32>
      %add3A_500 = arith.constant 13824 : i32
      %add3A_501 = arith.addi %add3A_500, %mul3A_229 : i32
      %get3A_502 = arith.index_cast %add3A_501 : i32 to index
      %get3A_503 = tpu.vector_load %arg13[%get3A_502] {strides = array<i32>} : memref<16384xf32, #tpu.memory_space<vmem>>, vector<16xf32>,
      %add3A_504 = arith.constant 13824 : i32
      %add3A_505 = arith.addi %add3A_504, %mul3A_229 : i32
      %get3A_506 = arith.index_cast %add3A_505 : i32 to index
      %get3A_507 = tpu.vector_load %arg14[%get3A_506] {strides = array<i32>} : memref<16384xf32, #tpu.memory_space<vmem>>, vector<16xf32>,
      %mul3A_508 = arith.mulf %get3A_503, %get3A_507 : vector<16xf32>
      %add3A_509 = arith.addf %add3A_469, %mul3A_508 : vector<16xf32>
      %add3A_510 = arith.constant 14336 : i32
      %add3A_511 = arith.addi %add3A_510, %mul3A_229 : i32
      %get3A_512 = arith.index_cast %add3A_511 : i32 to index
      %get3A_513 = tpu.vector_load %arg13[%get3A_512] {strides = array<i32>} : memref<16384xf32, #tpu.memory_space<vmem>>, vector<16xf32>,
      %add3A_514 = arith.constant 14336 : i32
      %add3A_515 = arith.addi %add3A_514, %mul3A_229 : i32
      %get3A_516 = arith.index_cast %add3A_515 : i32 to index
      %get3A_517 = tpu.vector_load %arg14[%get3A_516] {strides = array<i32>} : memref<16384xf32, #tpu.memory_space<vmem>>, vector<16xf32>,
      %mul3A_518 = arith.mulf %get3A_513, %get3A_517 : vector<16xf32>
      %add3A_519 = arith.addf %add3A_479, %mul3A_518 : vector<16xf32>
      %add3A_520 = arith.constant 14848 : i32
      %add3A_521 = arith.addi %add3A_520, %mul3A_229 : i32
      %get3A_522 = arith.index_cast %add3A_521 : i32 to index
      %get3A_523 = tpu.vector_load %arg13[%get3A_522] {strides = array<i32>} : memref<16384xf32, #tpu.memory_space<vmem>>, vector<16xf32>,
      %add3A_524 = arith.constant 14848 : i32
      %add3A_525 = arith.addi %add3A_524, %mul3A_229 : i32
      %get3A_526 = arith.index_cast %add3A_525 : i32 to index
      %get3A_527 = tpu.vector_load %arg14[%get3A_526] {strides = array<i32>} : memref<16384xf32, #tpu.memory_space<vmem>>, vector<16xf32>,
      %mul3A_528 = arith.mulf %get3A_523, %get3A_527 : vector<16xf32>
      %add3A_529 = arith.addf %add3A_489, %mul3A_528 : vector<16xf32>
      %add3A_530 = arith.constant 15360 : i32
      %add3A_531 = arith.addi %add3A_530, %mul3A_229 : i32
      %get3A_532 = arith.index_cast %add3A_531 : i32 to index
      %get3A_533 = tpu.vector_load %arg13[%get3A_532] {strides = array<i32>} : memref<16384xf32, #tpu.memory_space<vmem>>, vector<16xf32>,
      %add3A_534 = arith.constant 15360 : i32
      %add3A_535 = arith.addi %add3A_534, %mul3A_229 : i32
      %get3A_536 = arith.index_cast %add3A_535 : i32 to index
      %get3A_537 = tpu.vector_load %arg14[%get3A_536] {strides = array<i32>} : memref<16384xf32, #tpu.memory_space<vmem>>, vector<16xf32>,
      %mul3A_538 = arith.mulf %get3A_533, %get3A_537 : vector<16xf32>
      %add3A_539 = arith.addf %add3A_499, %mul3A_538 : vector<16xf32>
      %add3A_540 = arith.constant 15872 : i32
      %add3A_541 = arith.addi %add3A_540, %mul3A_229 : i32
      %get3A_542 = arith.index_cast %add3A_541 : i32 to index
      %get3A_543 = tpu.vector_load %arg13[%get3A_542] {strides = array<i32>} : memref<16384xf32, #tpu.memory_space<vmem>>, vector<16xf32>,
      %add3A_544 = arith.constant 15872 : i32
      %add3A_545 = arith.addi %add3A_544, %mul3A_229 : i32
      %get3A_546 = arith.index_cast %add3A_545 : i32 to index
      %get3A_547 = tpu.vector_load %arg14[%get3A_546] {strides = array<i32>} : memref<16384xf32, #tpu.memory_space<vmem>>, vector<16xf32>,
      %mul3A_548 = arith.mulf %get3A_543, %get3A_547 : vector<16xf32>
      %add3A_549 = arith.addf %add3A_509, %mul3A_548 : vector<16xf32>
      %add3A_550 = arith.addf %add3A_519, %add3A_529 : vector<16xf32>
      %add3A_551 = arith.addf %add3A_539, %add3A_549 : vector<16xf32>
      %add3A_552 = arith.addf %add3A_550, %add3A_551 : vector<16xf32>
      %swap3A = arith.index_cast %mul3A_229 : i32 to index
      %swap3A_553 = tpu.vector_load %arg17[%swap3A] {strides = array<i32>} : memref<512xf32, #tpu.memory_space<vmem>>, vector<16xf32>,
      tpu.vector_store %arg17[%swap3A], %add3A_552 {strides = array<i32>} : memref<512xf32, #tpu.memory_space<vmem>>, vector<16xf32>,
    }
    %scan3A_194 = arith.constant 32 : i32
    "tpu.region"() ({
      %run_scoped3A_195 = tpu.sem_alloc : memref<!tpu.dma_semaphore, #tpu.memory_space<semaphore_mem>>
      %dma_start3A_196 = tpu.memref_slice %arg8[%mul3A_2] : memref<16384xf32, #tpu.memory_space<hbm>> -> memref<512xf32, #tpu.memory_space<hbm>>
      %dma_start3A_197 = tpu.memref_slice %arg8[%mul3A_2] : memref<16384xf32, #tpu.memory_space<hbm>> -> memref<512xf32, #tpu.memory_space<hbm>>
      tpu.enqueue_dma source(%arg17 : memref<512xf32, #tpu.memory_space<vmem>>) target(%dma_start3A_197 : memref<512xf32, #tpu.memory_space<hbm>>) target_semaphore(%run_scoped3A_195 : memref<!tpu.dma_semaphore, #tpu.memory_space<semaphore_mem>>)
      %dma_wait3A_198 = tpu.memref_slice %arg8[%mul3A_2] : memref<16384xf32, #tpu.memory_space<hbm>> -> memref<512xf32, #tpu.memory_space<hbm>>
      %dma_wait3A_199 = tpu.memref_slice %arg8[%mul3A_2] : memref<16384xf32, #tpu.memory_space<hbm>> -> memref<512xf32, #tpu.memory_space<hbm>>
      tpu.wait_dma2 semaphore(%run_scoped3A_195 : memref<!tpu.dma_semaphore, #tpu.memory_space<semaphore_mem>>) src(%arg17 : memref<512xf32, #tpu.memory_space<vmem>>) dst(%dma_wait3A_199 : memref<512xf32, #tpu.memory_space<hbm>>)
      tpu.yield
    }) : () -> ()
    return
  }
}

</mosaic_0001>

<sc_bundles>
// kernel: _cf_call.3.cloned.1.call-start
scs
__scs_entry_jumppad:
0x0: {  	(pc) =	sbr.rel $0x88, $3  }
0x1: {  	(tag) =	ssettag $0x0;
	lr =	simm.s32 $0x1  }
0x2: {  	[smem:$0x3F9B] =	sst lr;
	_ =	strace $0xD0000000  }
0x3: {  	_ = 	snop  }
0x4: {  	_ = 	snop  }
0x5: {  	_ = 	snop  }
0x6: {  	_ = 	snop  }
0x7: {  	_ = 	snop  }
__scs_overlays_trampoline_lowered:
0x8: {  	[smem:$0x3FAA] =	sst s0  }
0x9: {  	[smem:$0x3FAB] =	sst s1  }
0xa: {  	[smem:$0x3FAC] =	sst s2  }
0xb: {  	[smem:$0x3FAD] =	sst s3  }
0xc: {  	[smem:$0x3FAE] =	sst s4  }
0xd: {  	[smem:$0x3FAF] =	sst s5  }
0xe: {  	[smem:$0x3FB0] =	sst s6  }
0xf: {  	[smem:$0x3FB1] =	sst s7  }
0x10: {  	[smem:$0x3FB2] =	sst s8  }
0x11: {  	[smem:$0x3FB3] =	sst s9;
	s0 =	simm.s32 @!p0 $0x0  }
0x12: {  	s1 =	sld [smem:$0x3F99];
	s0 =	simm.s32 @p0 $0x1  }
0x13: {  	[smem:$0x3FB4] =	sst s0;
	s0 =	simm.s32 @!p1 $0x0  }
0x14: {  	s2 =	sld [smem:$0x3F98];
	s0 =	simm.s32 @p1 $0x1  }
0x15: {  	[smem:$0x3FB5] =	sst s0;
	s0 =	simm.s32 @!p2 $0x0  }
0x16: {  	s3 =	sld [smem:$0x3FDB];
	s0 =	simm.s32 @p2 $0x1  }
0x17: {  	s4 =	simm.s32 $0x1BF5;
	[smem:$0x3FB7] =	sst s0  }
0x18: {  	s0 =	sld [smem:$0x3F9A];
	_ =	swait.ge [sflag:s4], $0x0  }
0x19: {  	s7 =	sld [smem:$0x3F9B]  }
0x1a: {  	s8 =	sadd.s32 $0xFFFFE003, lr  }
0x1b: {  	s9 =	sadd.s32 $0xFFFFFEF7, lr;
	s5 =	simm.s32 $0xFFFFFFFF;
	p2 =	slt.u32 s8, $0xFFFFF086  }
0x1c: {  	p1 =	slt.u32 s9, $0xF7A;
	s5 =	simm.s32 @!p2 $0x0  }
0x1d: {  	s5 =	simm.s32 @p1 $0x1;
	p0 =	seq.s32 s7, s2  }
0x1e: {  	s7 =	smul.u32 @!p0 $0xF7A, s2;
	p2 =	seq.s32 @!p0 s5, $0x0  }
0x1f: {  	s9 =	smul.u32 $0xF7A, s1;
	s8 =	simm.s32 @!p0 $0x1BF5;
	p2 =	por !p2, p0  }
0x20: {  	[sflag:s8] =	ssyncset.s32 @!p0 $0xFFFFF086;
	s6 =	sadd.s32 @!p0 s3, s7;
	s7 =	simm.s32 @!p0 $0x108  }
0x21: {  	s3 =	sadd.s32 s3, s9;
	s6 =	sadd.s32 @!p0 $0x88, s6;
	s7 =	simm.s32 @p2 $0x1082  }
0x22: {  	[simem:s7], [sflag:s8] =	dma.local @!p0 [hbm:s6], $0xF7A  }
0x23: {  	s9 =	sor.u32 $0xD0000000, s2;
	s6 =	simm.s32 $0x108;
	_ =	swait.ge @!p0 [sflag:s8], $0x0  }
0x24: {  	s3 =	sadd.s32 $0x88, s3;
	s6 =	simm.s32 @!p1 $0x1082;
	[sflag:s4] =	ssyncset.s32 $0xFFFFF086  }
0x25: {  	[simem:s6], [sflag:s4] =	dma.local [hbm:s3], $0xF7A  }
0x26: {  	[smem:$0x3F9B] =	sst s1;
	(tag) =	ssettag s2;
	_ =	strace s9  }
0x27: {  	s1 =	sld [smem:$0x3FAB]  }
0x28: {  	s2 =	sld [smem:$0x3FAC]  }
0x29: {  	s4 =	sld [smem:$0x3FAE]  }
0x2a: {  	p0 =	seq.s32 s5, $0x0;
	s5 =	sld [smem:$0x3FAF]  }
0x2b: {  	s6 =	sld [smem:$0x3FB0]  }
0x2c: {  	s7 =	sld [smem:$0x3FB1]  }
0x2d: {  	s3 =	simm.s32 $0x108;
	s8 =	sld [smem:$0x3FB2]  }
0x2e: {  	s3 =	simm.s32 @!p0 $0x1082;
	s9 =	sld [smem:$0x3FB3]  }
0x2f: {  	lr =	sadd.s32 s0, s3;
	s0 =	sld [smem:$0x3FAA]  }
0x30: {  	s3 =	sld [smem:$0x3FAD]  }
0x31: {  	[smem:$0x3FB6] =	sst s10  }
0x32: {  	s10 =	sld [smem:$0x3FB4];
	_ =	sdelay $0x3  }
0x33: {  	p0 =	seq.s32 s10, $0x1;
	s10 =	sld [smem:$0x3FB6];
	_ =	sdelay $0x3  }
0x34: {  	[smem:$0x3FB6] =	sst s10  }
0x35: {  	s10 =	sld [smem:$0x3FB5];
	_ =	sdelay $0x3  }
0x36: {  	p1 =	seq.s32 s10, $0x1;
	s10 =	sld [smem:$0x3FB6];
	_ =	sdelay $0x3  }
0x37: {  	[smem:$0x3FB6] =	sst s10  }
0x38: {  	s10 =	sld [smem:$0x3FB7]  }
0x39: {  	_ = 	snop;
	(pc) =	sbr.ind lr, $3  }
0x3a: {  	_ = 	snop  }
0x3b: {  	_ = 	snop  }
0x3c: {  	p2 =	seq.s32 s10, $0x1;
	s10 =	sld [smem:$0x3FB6]  }
0x3d: {  	_ =	shalt  }
0x3e: {  	_ =	shalt  }
0x3f: {  	_ =	shalt  }
0x40: {  	_ =	shalt  }
0x41: {  	_ =	shalt  }
0x42: {  	_ =	shalt  }
0x43: {  	_ =	shalt  }
0x44: {  	_ =	shalt  }
0x45: {  	_ =	shalt  }
0x46: {  	_ =	shalt  }
0x47: {  	_ =	shalt  }
0x48: {  	_ =	shalt  }
0x49: {  	_ =	shalt  }
0x4a: {  	_ =	shalt  }
0x4b: {  	_ =	shalt  }
0x4c: {  	_ =	shalt  }
0x4d: {  	_ =	shalt  }
0x4e: {  	_ =	shalt  }
0x4f: {  	_ =	shalt  }
0x50: {  	_ =	shalt  }
0x51: {  	_ =	shalt  }
0x52: {  	_ =	shalt  }
0x53: {  	_ =	shalt  }
0x54: {  	_ =	shalt  }
0x55: {  	_ =	shalt  }
0x56: {  	_ =	shalt  }
0x57: {  	_ =	shalt  }
0x58: {  	_ =	shalt  }
0x59: {  	_ =	shalt  }
0x5a: {  	_ =	shalt  }
0x5b: {  	_ =	shalt  }
0x5c: {  	_ =	shalt  }
0x5d: {  	_ =	shalt  }
0x5e: {  	_ =	shalt  }
0x5f: {  	_ =	shalt  }
0x60: {  	_ =	shalt  }
0x61: {  	_ =	shalt  }
0x62: {  	_ =	shalt  }
0x63: {  	_ =	shalt  }
0x64: {  	_ =	shalt  }
0x65: {  	_ =	shalt  }
0x66: {  	_ =	shalt  }
0x67: {  	_ =	shalt  }
0x68: {  	_ =	shalt  }
0x69: {  	_ =	shalt  }
0x6a: {  	_ =	shalt  }
0x6b: {  	_ =	shalt  }
0x6c: {  	_ =	shalt  }
0x6d: {  	_ =	shalt  }
0x6e: {  	_ =	shalt  }
0x6f: {  	_ =	shalt  }
0x70: {  	_ =	shalt  }
0x71: {  	_ =	shalt  }
0x72: {  	_ =	shalt  }
0x73: {  	_ =	shalt  }
0x74: {  	_ =	shalt  }
0x75: {  	_ =	shalt  }
0x76: {  	_ =	shalt  }
0x77: {  	_ =	shalt  }
0x78: {  	_ =	shalt  }
0x79: {  	_ =	shalt  }
0x7a: {  	_ =	shalt  }
0x7b: {  	_ =	shalt  }
0x7c: {  	_ =	shalt  }
0x7d: {  	_ =	shalt  }
0x7e: {  	_ =	shalt  }
0x7f: {  	_ =	shalt  }
0x80: {  	_ =	shalt  }
0x81: {  	_ =	shalt  }
0x82: {  	_ =	shalt  }
0x83: {  	_ =	shalt  }
0x84: {  	_ =	shalt  }
0x85: {  	_ =	shalt  }
0x86: {  	_ =	shalt  }
0x87: {  	_ =	shalt  }
.Lfunc_end0:
.L_simem_size_0:
called_computation_lowered:
.L_overlay_start_0:
0x88: {  	s2 =	sld [smem:$0x3FD9]  }
0x89: {  	s3 =	sld [smem:$0x3FFE];
	_ =	sdelay $0x1  }
0x8a: {  	s1 =	srdreg.scid  }
0x8b: {  	s0 =	sand.u32 $0x1, s1  }
0x8c: {  	s18 =	sshll.u32 s0, $0xA;
	s2 =	sadd.s32 s3, s2  }
0x8d: {  	s2 =	sadd.s32 s2, s18  }
0x8e: {  	[smem:$0x3FC2] =	sst s2  }
0x8f: {  	_ = 	snop  }
0x90: {  	s2 =	sld [smem:$0x3FC9]  }
0x91: {  	s19 =	sld [smem:$0x3FC8]  }
0x92: {  	s4 =	sld [smem:$0x3FC7]  }
0x93: {  	s5 =	sld [smem:$0x3FC6]  }
0x94: {  	s6 =	sld [smem:$0x3FC5]  }
0x95: {  	s7 =	sld [smem:$0x3FC4]  }
0x96: {  	s8 =	sld [smem:$0x3FD0];
	(tm) =	ssettm $0x1  }
0x97: {  	s9 =	sld [smem:$0x3FFB];
	_ =	sdelay $0x3  }
0x98: {  	_ =	strace s9  }
0x99: {  	s9 =	sld [smem:$0x3FFC];
	_ =	sdelay $0x3  }
0x9a: {  	_ =	strace s9  }
0x9b: {  	s9 =	sld [smem:$0x3FFD];
	_ =	sdelay $0x3  }
0x9c: {  	_ =	strace s9  }
0x9d: {  	_ =	strace $0x8FFFFFFF  }
0x9e: {  	s20 =	sld [smem:$0x3FDB];
	_ =	sdelay $0x1  }
0x9f: {  	s10 =	simm.s32 $_scs_section_size  }
0xa0: {  	s11 =	simm.s32 $_size__tile_overlayer_lowered;
	s12 =	simm.s32 $_tile_overlayer_lowered  }
0xa1: {  	s23 =	simm.s32 $0x1BFF;
	s22 =	sshll.u32 s12, $0x1;
	s9 =	sadd.s32 s10, s20  }
0xa2: {  	s13 =	simm.s32 $0x0;
	s21 =	sshll.u32 s11, $0x1;
	s11 =	sadd.s32 s22, s9  }
0xa3: {  	[timem:s13], [sflag:s23] =	dma.local [hbm:s11], s21  }
0xa4: {  	_ =	swait.ge [sflag:s23], s21  }
0xa5: {  	s10 =	ssub.s32 $0x0, s21;
	[sflag:s23] =	ssyncset.done $0x0  }
0xa6: {  	[sflag:s23] =	ssyncadd.s32 s10;
	_ =	sdelay $0x1  }
0xa7: {  	s24 =	simm.s32 $0x1B8B  }
0xa8: {  	_ =	swait.ge [sflag:s24], $0x1  }
0xa9: {  	[sflag:s24] =	ssyncset.done $0x0  }
0xaa: {  	s25 =	simm.s32 $0x1B8E;
	[sflag:s24] =	ssyncadd.s32 $0xFFFFFFFF  }
0xab: {  	s26 =	simm.s32 $execute0_lowered;
	[smem:$0x3FD2] =	sst s25  }
0xac: {  	s10 =	sshll.u32 s26, $0x1;
	_ =	strace $0x80000046;
	[dreg:$0x1] =	wrdreg $0xFFFFFFFF  }
0xad: {  	s28 =	simm.s32 $_size_execute0_lowered;
	s9 =	sadd.s32 s9, s10;
	[dreg:$0x0] =	wrdreg $0x0  }
0xae: {  	s10 =	sshll.u32 s28, $0x1;
	[dreg:$0x2] =	wrdreg s9  }
0xaf: {  	[dreg:$0x3] =	wrdreg s10  }
0xb0: {  	[dreg:$0x4] =	wrdreg $0xC0  }
0xb1: {  	_ =	task [dreg:s13], $0x5FFFF  }
0xb2: {  	[dreg:$0x1] =	wrdreg $0xFFFFFFFF  }
0xb3: {  	[dreg:$0x0] =	wrdreg $0x60  }
0xb4: {  	[dreg:$0x2] =	wrdreg s2  }
0xb5: {  	[dreg:$0x3] =	wrdreg s19  }
0xb6: {  	[dreg:$0x4] =	wrdreg s4  }
0xb7: {  	[dreg:$0x5] =	wrdreg s5  }
0xb8: {  	[dreg:$0x6] =	wrdreg s6  }
0xb9: {  	[dreg:$0x7] =	wrdreg s7  }
0xba: {  	[dreg:$0x8] =	wrdreg s8  }
0xbb: {  	[dreg:$0x9] =	wrdreg $0x9  }
0xbc: {  	_ =	task.clear_ibuf [dreg:s13], $0xAFFFF;
	_ =	strace $0x90000046  }
0xbd: {  	s29 =	simm.s32 $0x9;
	_ =	strace $0x80000048  }
0xbe: {  	_ =	swait.ge [sflag:s29], $0x1  }
0xbf: {  	[sflag:s29] =	ssyncadd.s32 $0xFFFFFFFF  }
0xc0: {  	_ =	strace $0x90000048  }
0xc1: {  	_ =	sfence  }
0xc2: {  	s30 =	sld [smem:$0x0];
	_ =	sdelay $0x2  }
0xc3: {  	s31 =	sshll.u32 s1, $0xD;
	s1 =	sshrl.u32 s1, $0x2  }
0xc4: {  	s3 =	sand.u32 $0x4000, s31;
	s1 =	sadd.s32 s1, s30  }
0xc5: {  	s0 =	sor.u32 s3, s0;
	s1 =	sshll.u32 s1, $0x11  }
0xc6: {  	s0 =	sor.u32 s1, s0  }
0xc7: {  	s0 =	sadd.s32 $0x8F2B, s0  }
0xc8: {  	[sflag:s0] =	ssyncadd.remote.s32 $0x1  }
0xc9: {  	_ =	sfence.sel $0xFFFF  }
0xca: {  	[dreg:$0x0] =	wrdreg $0xFFFFFFFF;
	(pc) =	sbr.abs _section_cstart, $3  }
0xcb: {  	[dreg:$0x1] =	wrdreg $0xFFFFFFFF  }
0xcc: {  	_ =	task.clear_ibuf [dreg:s13], $0x2FFFF;
	_ =	strace $0x9FFFFFFF  }
0xcd: {  	(tm) =	ssettm $0x7FFFFFFF  }
tec
execute0_lowered:
.L_overlay_start_1:
0x0: {  	(tag) =	ssettag $0x1  }
0x1: {  	s0 =	rddreg [dreg:$0x0]  }
0x2: {  	s1 =	rddreg [dreg:$0x1]  }
0x3: {  	s29 =	rddreg [dreg:$0x2]  }
0x4: {  	s9 =	rddreg [dreg:$0x4]  }
0x5: {  	s2 =	rddreg [dreg:$0x6];
	s3 =	srdreg.scid  }
0x6: {  	s7 =	simm.s32 $0x0;
	s6 =	stileid.u32;
	s11 =	simm.s32 $0x7A1400  }
0x7: {  	s12 =	simm.s32 $0x8400;
	s28 =	simm.s32 $0x9400;
	s15 =	simm.s32 $0x2400  }
0x8: {  	s30 =	simm.s32 $0x4400;
	s31 =	simm.s32 $0xC400;
	s3 =	sand.u32 $0x1, s3  }
0x9: {  	s6 =	sshll.u32 s6, $0x7;
	s4 =	ssub.s32 $0x2, s3;
	s3 =	sshll.u32 s3, $0x6  }
0xa: {  	[smem:$0x7FF] =	sst s7;
	s5 =	sshrl.u32 s4, $0x1;
	s3 =	sor.u32 s3, s6  }
0xb: {  	_ =	strace $0x80000047;
	s4 =	ssub.s32 s4, s5;
	s17 =	sadd.s32 s0, s3  }
0xc: {  	s18 =	sadd.s32 s1, s3;
	s19 =	sor.u32 $0x10, s3;
	[dreg:$0x8] =	wrdreg s17  }
0xd: {  	v1 =	vlaneseq.u32;
	s21 =	sor.u32 $0x20, s3;
	s25 =	sadd.s32 s2, s3;
	[dreg:$0x9] =	wrdreg s18  }
0xe: {  	v0 =	vmul.u32 $0x80, v1;
	s23 =	sor.u32 $0x30, s3;
	s20 =	sadd.s32 s0, s19;
	[dreg:$0x10] =	wrdreg s25  }
0xf: {  	v1 =	vmul.u32 $0x200, v1;
	s2 =	simm.s32 $0x0;
	s5 =	sadd.s32 s1, s19;
	[dreg:$0xa] =	wrdreg s20  }
0x10: {  	v2 =	vor.u32 $0x800, v0;
	s22 =	sadd.s32 s0, s21;
	s0 =	sadd.s32 s0, s23;
	[dreg:$0xb] =	wrdreg s5  }
0x11: {  	v3 =	vor.u32 $0x2000, v1;
	v4 =	vor.u32 $0x1000, v0;
	v5 =	vor.u32 $0x1800, v0;
	[tilespmem:$0x1FFB0] =	vst v0;
	s24 =	sadd.s32 s1, s23;
	s26 =	smax.u32 s4, $0x1;
	[dreg:$0xc] =	wrdreg s22  }
0x12: {  	v6 =	vor.u32 $0x2000, v0;
	v7 =	vor.u32 $0x2800, v0;
	v8 =	vor.u32 $0x3000, v0;
	[tilespmem:$0x1FFC0] =	vst v2;
	s25 =	simm.s32 $0x400;
	s18 =	simm.s32 $0xA400;
	[dreg:$0xe] =	wrdreg s0  }
0x13: {  	v9 =	vor.u32 $0x3800, v0;
	v10 =	vor.u32 $0x4000, v0;
	v11 =	vor.u32 $0x4800, v0;
	[tilespmem:$0x1FFD0] =	vst v4;
	s23 =	simm.s32 $0xB400;
	s5 =	sadd.s32 s1, s21;
	[dreg:$0xf] =	wrdreg s24  }
0x14: {  	v12 =	vor.u32 $0x5000, v0;
	v13 =	vor.u32 $0x5800, v0;
	v14 =	vor.u32 $0x6000, v0;
	[tilespmem:$0x1FFE0] =	vst v5;
	[dreg:$0x11] =	wrdreg s26;
	s1 =	simm.s32 $0x3;
	s22 =	simm.s32 $0x3400  }
0x15: {  	v15 =	vor.u32 $0x6800, v0;
	v16 =	vor.u32 $0x7000, v0;
	v17 =	vor.u32 $0x7800, v0;
	[tilespmem:$0x1FFF0] =	vst v6;
	s26 =	simm.s32 $0x14400;
	[dreg:$0xd] =	wrdreg s5;
	s5 =	simm.s32 $0x1  }
.LBB2_1:
0x16: {  	[dreg:$0x12] =	wrdreg s2  }
0x17: {  	s0 =	rddreg [dreg:$0x8]  }
0x18: {  	[tilespmem:s7], [sflag:$0x3] =	stream.linear.gather [hbm4b:s0+s7], $0x80, $0x38;
	[tilespmem:$0x18A00] =	vst v63  }
0x19: {  	_ =	swait.ge [sflag:s1], $0x80  }
0x1a: {  	[sflag:s1] =	ssyncset.done $0x0  }
0x1b: {  	s13 =	simm.s32 $0x200;
	s8 =	rddreg [dreg:$0x9];
	[sflag:s1] =	ssyncadd.s32 $0xFFFFFF80  }
0x1c: {  	[tilespmem:s13], [sflag:$0x3] =	stream.linear.gather [hbm4b:s8+s7], $0x80, $0x38;
	[tilespmem:$0x18A00] =	vst v63  }
0x1d: {  	_ =	swait.ge [sflag:s1], $0x80  }
0x1e: {  	[sflag:s1] =	ssyncset.done $0x0  }
0x1f: {  	s2 =	simm.s32 $0x80;
	s10 =	rddreg [dreg:$0xa];
	[sflag:s1] =	ssyncadd.s32 $0xFFFFFF80  }
0x20: {  	[tilespmem:s2], [sflag:$0x3] =	stream.linear.gather [hbm4b:s10+s7], $0x80, $0x38;
	[tilespmem:$0x18A00] =	vst v63  }
0x21: {  	_ =	swait.ge [sflag:s1], $0x80  }
0x22: {  	[sflag:s1] =	ssyncset.done $0x0  }
0x23: {  	s3 =	simm.s32 $0x280;
	s14 =	rddreg [dreg:$0xb];
	[sflag:s1] =	ssyncadd.s32 $0xFFFFFF80  }
0x24: {  	[tilespmem:s3], [sflag:$0x3] =	stream.linear.gather [hbm4b:s14+s7], $0x80, $0x38;
	[tilespmem:$0x18A00] =	vst v63  }
0x25: {  	_ =	swait.ge [sflag:s1], $0x80  }
0x26: {  	[sflag:s1] =	ssyncset.done $0x0  }
0x27: {  	s4 =	simm.s32 $0x100;
	s16 =	rddreg [dreg:$0xc];
	[sflag:s1] =	ssyncadd.s32 $0xFFFFFF80  }
0x28: {  	[tilespmem:s4], [sflag:$0x3] =	stream.linear.gather [hbm4b:s16+s7], $0x80, $0x38;
	[tilespmem:$0x18A00] =	vst v63  }
0x29: {  	_ =	swait.ge [sflag:s1], $0x80  }
0x2a: {  	[sflag:s1] =	ssyncset.done $0x0  }
0x2b: {  	s6 =	simm.s32 $0x300;
	s17 =	rddreg [dreg:$0xd];
	[sflag:s1] =	ssyncadd.s32 $0xFFFFFF80  }
0x2c: {  	[tilespmem:s6], [sflag:$0x3] =	stream.linear.gather [hbm4b:s17+s7], $0x80, $0x38;
	[tilespmem:$0x18A00] =	vst v63  }
0x2d: {  	_ =	swait.ge [sflag:s1], $0x80  }
0x2e: {  	[sflag:s1] =	ssyncset.done $0x0  }
0x2f: {  	s8 =	simm.s32 $0x180;
	s19 =	rddreg [dreg:$0xe];
	[sflag:s1] =	ssyncadd.s32 $0xFFFFFF80  }
0x30: {  	[tilespmem:s8], [sflag:$0x3] =	stream.linear.gather [hbm4b:s19+s7], $0x80, $0x38;
	[tilespmem:$0x18A00] =	vst v63  }
0x31: {  	_ =	swait.ge [sflag:s1], $0x80  }
0x32: {  	[sflag:s1] =	ssyncset.done $0x0  }
0x33: {  	s10 =	simm.s32 $0x380;
	s20 =	rddreg [dreg:$0xf];
	[sflag:s1] =	ssyncadd.s32 $0xFFFFFF80  }
0x34: {  	[tilespmem:s10], [sflag:$0x3] =	stream.linear.gather [hbm4b:s20+s7], $0x80, $0x38;
	[tilespmem:$0x18A00] =	vst v63  }
0x35: {  	_ =	swait.ge [sflag:s1], $0x80  }
0x36: {  	[sflag:s1] =	ssyncset.done $0x0  }
0x37: {  	[sflag:s1] =	ssyncadd.s32 $0xFFFFFF80  }
0x38: {  	s24 =	simm.s32 $0x18400;
	s21 =	rddreg [dreg:$0x3]  }
0x39: {  	[tilespmem:s24], [sflag:$0x2] =	stream.indirect.gather [hbm4b:s21+s2], $0x1, s7, s2, $0xb8;
	[tilespmem:$0x18A00] =	vst v63  }
0x3a: {  	s7 =	simm.s32 $0x18480  }
0x3b: {  	[tilespmem:s7], [sflag:$0x2] =	stream.indirect.gather [hbm4b:s21+s2], $0x1, s2, s2, $0xb8;
	[tilespmem:$0x18A00] =	vst v63  }
0x3c: {  	s14 =	simm.s32 $0x18500  }
0x3d: {  	[tilespmem:s14], [sflag:$0x2] =	stream.indirect.gather [hbm4b:s21+s2], $0x1, s4, s2, $0xb8;
	[tilespmem:$0x18A00] =	vst v63  }
0x3e: {  	s16 =	simm.s32 $0x18580  }
0x3f: {  	[tilespmem:s16], [sflag:$0x2] =	stream.indirect.gather [hbm4b:s21+s2], $0x1, s8, s2, $0xb8;
	[tilespmem:$0x18A00] =	vst v63  }
0x40: {  	s19 =	simm.s32 $0x18600;
	s17 =	rddreg [dreg:$0x5]  }
0x41: {  	[tilespmem:s19], [sflag:$0x2] =	stream.indirect.gather [hbm4b:s17+s2], $0x1, s13, s2, $0xb8;
	[tilespmem:$0x18A00] =	vst v63  }
0x42: {  	s20 =	simm.s32 $0x18680  }
0x43: {  	[tilespmem:s20], [sflag:$0x2] =	stream.indirect.gather [hbm4b:s17+s2], $0x1, s3, s2, $0xb8;
	[tilespmem:$0x18A00] =	vst v63  }
0x44: {  	s21 =	simm.s32 $0x18700  }
0x45: {  	[tilespmem:s21], [sflag:$0x2] =	stream.indirect.gather [hbm4b:s17+s2], $0x1, s6, s2, $0xb8;
	[tilespmem:$0x18A00] =	vst v63  }
0x46: {  	s0 =	simm.s32 $0x0;
	s24 =	simm.s32 $0x18780;
	s16 =	simm.s32 $0xF  }
0x47: {  	[tilespmem:s24], [sflag:$0x2] =	stream.indirect.gather [hbm4b:s17+s2], $0x1, s10, s2, $0xb8;
	[tilespmem:$0x18A00] =	vst v63  }
.LBB2_2:
0x48: {  	v19 =	vld [tilespmem:s0+$0x0];
	_ =	sdelay $0x4  }
0x49: {  	(v2sf) =	vpush v19, $0x0  }
0x4a: {  	v18 =	vld [tilespmem:s13+$0x0];
	_ =	sdelay $0x4  }
0x4b: {  	(v2sf) =	vpush v18, $0x0;
	_ =	sdelay $0x8  }
0x4c: {  	s14 =	spop (v2sf)  }
0x4d: {  	(v2sf) =	vpush v19, $0x1;
	s6 =	sand.u32 $0x7F, s14  }
0x4e: {  	s1 =	sshra.s32 s14, $0x1F;
	p0 =	slt.s32 s14, $0x1;
	p1 =	sne.s32 s6, $0x0  }
0x4f: {  	[dreg:$0x14] =	wrdreg s0;
	s7 =	sshrl.u32 s1, $0x19;
	p0 =	por !p0, !p1  }
0x50: {  	s1 =	simm.s32 $0x1;
	s0 =	sadd.s32 s7, s14;
	p0 =	por !p0, !p0  }
0x51: {  	s0 =	sshrl.u32 s0, $0x7;
	s1 =	simm.s32 @!p0 $0x0  }
0x52: {  	[dreg:$0x13] =	wrdreg s13;
	s4 =	spop (v2sf);
	s0 =	ssub.s32 s0, s1  }
0x53: {  	s8 =	sand.u32 $0x7F, s4;
	s10 =	sshra.s32 s4, $0x1F;
	s7 =	sshll.u32 s0, $0x7  }
0x54: {  	p5 =	slt.s32 s4, $0x1;
	p6 =	sne.s32 s8, $0x0;
	s0 =	sand.u32 $0x1FFFFF80, s7  }
0x55: {  	s13 =	sshrl.u32 s10, $0x19;
	p0 =	por !p5, !p6;
	s0 =	sadd.s32 s29, s0  }
0x56: {  	[tilespmem:s25], [sflag:$0x1] =	stream.strided.gather [hbm4b:s0+s25], $0x1000, s11, s25, $0x38;
	[tilespmem:$0x18A00] =	vst v63  }
0x57: {  	(v2sf) =	vpush v18, $0x1;
	p0 =	por !p0, !p0;
	s1 =	simm.s32 $0x1;
	s0 =	sadd.s32 s13, s4  }
0x58: {  	s1 =	simm.s32 @!p0 $0x0;
	s0 =	sshrl.u32 s0, $0x7  }
0x59: {  	s0 =	ssub.s32 s0, s1  }
0x5a: {  	s8 =	sshll.u32 s0, $0x7  }
0x5b: {  	s0 =	sand.u32 $0x1FFFFF80, s8  }
0x5c: {  	s0 =	sadd.s32 s9, s0;
	s21 =	spop (v2sf)  }
0x5d: {  	[tilespmem:s12], [sflag:$0x1] =	stream.strided.gather [hbm4b:s0+s25], $0x1000, s11, s25, $0x38;
	[tilespmem:$0x18A00] =	vst v63  }
0x5e: {  	(v2sf) =	vpush v19, $0x2;
	s17 =	sand.u32 $0x7F, s21  }
0x5f: {  	s19 =	sshra.s32 s21, $0x1F;
	p1 =	slt.s32 s21, $0x1;
	p2 =	sne.s32 s17, $0x0  }
0x60: {  	s20 =	sshrl.u32 s19, $0x19;
	p0 =	por !p1, !p2  }
0x61: {  	s1 =	simm.s32 $0x1;
	s0 =	sadd.s32 s20, s21;
	p0 =	por !p0, !p0  }
0x62: {  	s0 =	sshrl.u32 s0, $0x7;
	s1 =	simm.s32 @!p0 $0x0  }
0x63: {  	s0 =	ssub.s32 s0, s1  }
0x64: {  	s19 =	sshll.u32 s0, $0x7  }
0x65: {  	s24 =	sand.u32 $0x1FFFFF80, s19  }
0x66: {  	s2 =	simm.s32 $0x1400;
	s0 =	spop (v2sf);
	s1 =	sadd.s32 s29, s24  }
0x67: {  	(v2sf) =	vpush v18, $0x2;
	[tilespmem:s2], [sflag:$0x1] =	stream.strided.gather [hbm4b:s1+s25], $0x1000, s11, s25, $0x38;
	[tilespmem:$0x18A00] =	vst v63  }
0x68: {  	s2 =	sand.u32 $0x7F, s0  }
0x69: {  	s3 =	sshra.s32 s0, $0x1F;
	p3 =	slt.s32 s0, $0x1;
	p4 =	sne.s32 s2, $0x0  }
0x6a: {  	s6 =	sshrl.u32 s3, $0x19;
	p0 =	por !p3, !p4  }
0x6b: {  	s1 =	sadd.s32 s6, s0;
	s2 =	simm.s32 $0x1;
	p0 =	por !p0, !p0  }
0x6c: {  	s1 =	sshrl.u32 s1, $0x7;
	s2 =	simm.s32 @!p0 $0x0  }
0x6d: {  	s1 =	ssub.s32 s1, s2;
	s17 =	spop (v2sf)  }
0x6e: {  	s24 =	sshll.u32 s1, $0x7;
	s10 =	sand.u32 $0x7F, s17;
	s13 =	sshra.s32 s17, $0x1F  }
0x6f: {  	p5 =	slt.s32 s17, $0x1;
	s1 =	sand.u32 $0x1FFFFF80, s24;
	p6 =	sne.s32 s10, $0x0  }
0x70: {  	(v2sf) =	vpush v19, $0x3;
	s20 =	sshrl.u32 s13, $0x19;
	s1 =	sadd.s32 s9, s1;
	p0 =	por !p5, !p6  }
0x71: {  	[tilespmem:s28], [sflag:$0x1] =	stream.strided.gather [hbm4b:s1+s25], $0x1000, s11, s25, $0x38;
	[tilespmem:$0x18A00] =	vst v63  }
0x72: {  	s2 =	simm.s32 $0x1;
	s1 =	sadd.s32 s20, s17;
	p0 =	por !p0, !p0  }
0x73: {  	s1 =	sshrl.u32 s1, $0x7;
	s2 =	simm.s32 @!p0 $0x0  }
0x74: {  	s1 =	ssub.s32 s1, s2  }
0x75: {  	s1 =	sshll.u32 s1, $0x7  }
0x76: {  	s3 =	spop (v2sf);
	[smem:$0x7F3] =	sst s1  }
0x77: {  	s1 =	sand.u32 $0x1FFFFF80, s1;
	s2 =	sand.u32 $0x7F, s3;
	s6 =	sshra.s32 s3, $0x1F  }
0x78: {  	p1 =	slt.s32 s3, $0x1;
	s1 =	sadd.s32 s29, s1;
	p2 =	sne.s32 s2, $0x0  }
0x79: {  	(v2sf) =	vpush v18, $0x3;
	[tilespmem:s15], [sflag:$0x1] =	stream.strided.gather [hbm4b:s1+s25], $0x1000, s11, s25, $0x38;
	[tilespmem:$0x18A00] =	vst v63  }
0x7a: {  	s10 =	sshrl.u32 s6, $0x19;
	p0 =	por !p1, !p2  }
0x7b: {  	s2 =	simm.s32 $0x1;
	s1 =	sadd.s32 s10, s3;
	p0 =	por !p0, !p0  }
0x7c: {  	s1 =	sshrl.u32 s1, $0x7;
	s2 =	simm.s32 @!p0 $0x0  }
0x7d: {  	s1 =	ssub.s32 s1, s2  }
0x7e: {  	s28 =	sshll.u32 s1, $0x7  }
0x7f: {  	s1 =	sand.u32 $0x1FFFFF80, s28;
	s2 =	spop (v2sf)  }
0x80: {  	s1 =	sadd.s32 s9, s1;
	s13 =	sand.u32 $0x7F, s2  }
0x81: {  	[tilespmem:s18], [sflag:$0x1] =	stream.strided.gather [hbm4b:s1+s25], $0x1000, s11, s25, $0x38;
	[tilespmem:$0x18A00] =	vst v63  }
0x82: {  	(v2sf) =	vpush v19, $0x4;
	s6 =	sshra.s32 s2, $0x1F;
	p3 =	slt.s32 s2, $0x1;
	p4 =	sne.s32 s13, $0x0  }
0x83: {  	s15 =	sshrl.u32 s6, $0x19;
	p0 =	por !p3, !p4  }
0x84: {  	s6 =	simm.s32 $0x1;
	s1 =	sadd.s32 s15, s2;
	p0 =	por !p0, !p0  }
0x85: {  	s1 =	sshrl.u32 s1, $0x7;
	s6 =	simm.s32 @!p0 $0x0  }
0x86: {  	s1 =	ssub.s32 s1, s6  }
0x87: {  	s1 =	sshll.u32 s1, $0x7  }
0x88: {  	s20 =	spop (v2sf);
	[smem:$0x7F4] =	sst s1;
	s1 =	sand.u32 $0x1FFFFF80, s1  }
0x89: {  	s18 =	sand.u32 $0x7F, s20;
	s1 =	sadd.s32 s29, s1  }
0x8a: {  	[tilespmem:s22], [sflag:$0x1] =	stream.strided.gather [hbm4b:s1+s25], $0x1000, s11, s25, $0x38;
	[tilespmem:$0x18A00] =	vst v63  }
0x8b: {  	(v2sf) =	vpush v18, $0x4;
	p5 =	slt.s32 s20, $0x1;
	p6 =	sne.s32 s18, $0x0;
	s22 =	sshra.s32 s20, $0x1F  }
0x8c: {  	p0 =	por !p5, !p6;
	s10 =	sshrl.u32 s22, $0x19  }
0x8d: {  	s6 =	simm.s32 $0x1;
	p0 =	por !p0, !p0;
	s1 =	sadd.s32 s10, s20  }
0x8e: {  	s6 =	simm.s32 @!p0 $0x0;
	s1 =	sshrl.u32 s1, $0x7  }
0x8f: {  	s1 =	ssub.s32 s1, s6  }
0x90: {  	s1 =	sshll.u32 s1, $0x7  }
0x91: {  	s15 =	spop (v2sf);
	[smem:$0x7F5] =	sst s1  }
0x92: {  	s1 =	sand.u32 $0x1FFFFF80, s1;
	s13 =	sand.u32 $0x7F, s15;
	s18 =	sshra.s32 s15, $0x1F  }
0x93: {  	p1 =	slt.s32 s15, $0x1;
	s1 =	sadd.s32 s9, s1;
	p2 =	sne.s32 s13, $0x0  }
0x94: {  	(v2sf) =	vpush v19, $0x5;
	[tilespmem:s23], [sflag:$0x1] =	stream.strided.gather [hbm4b:s1+s25], $0x1000, s11, s25, $0x38;
	[tilespmem:$0x18A00] =	vst v63  }
0x95: {  	s22 =	sshrl.u32 s18, $0x19;
	p0 =	por !p1, !p2  }
0x96: {  	s6 =	simm.s32 $0x1;
	s1 =	sadd.s32 s22, s15;
	p0 =	por !p0, !p0  }
0x97: {  	s1 =	sshrl.u32 s1, $0x7;
	s6 =	simm.s32 @!p0 $0x0  }
0x98: {  	s1 =	ssub.s32 s1, s6  }
0x99: {  	s1 =	sshll.u32 s1, $0x7  }
0x9a: {  	[smem:$0x7F6] =	sst s1;
	s23 =	sand.u32 $0x1FFFFF80, s1;
	s1 =	spop (v2sf)  }
0x9b: {  	s6 =	sadd.s32 s29, s23;
	s10 =	sand.u32 $0x7F, s1  }
0x9c: {  	[tilespmem:s30], [sflag:$0x1] =	stream.strided.gather [hbm4b:s6+s25], $0x1000, s11, s25, $0x38;
	[tilespmem:$0x18A00] =	vst v63  }
0x9d: {  	(v2sf) =	vpush v18, $0x5;
	s13 =	sshra.s32 s1, $0x1F;
	p3 =	slt.s32 s1, $0x1;
	p4 =	sne.s32 s10, $0x0  }
0x9e: {  	s18 =	sshrl.u32 s13, $0x19;
	p0 =	por !p3, !p4  }
0x9f: {  	s6 =	sadd.s32 s18, s1;
	s18 =	simm.s32 $0x1;
	p0 =	por !p0, !p0  }
0xa0: {  	s6 =	sshrl.u32 s6, $0x7;
	s18 =	simm.s32 @!p0 $0x0  }
0xa1: {  	s6 =	ssub.s32 s6, s18  }
0xa2: {  	s6 =	sshll.u32 s6, $0x7  }
0xa3: {  	s23 =	spop (v2sf);
	[smem:$0x7F7] =	sst s6  }
0xa4: {  	s6 =	sand.u32 $0x1FFFFF80, s6;
	s22 =	sand.u32 $0x7F, s23;
	s10 =	sshra.s32 s23, $0x1F  }
0xa5: {  	p5 =	slt.s32 s23, $0x1;
	s6 =	sadd.s32 s9, s6;
	p6 =	sne.s32 s22, $0x0  }
0xa6: {  	(v2sf) =	vpush v19, $0x6;
	[tilespmem:s31], [sflag:$0x1] =	stream.strided.gather [hbm4b:s6+s25], $0x1000, s11, s25, $0x38;
	[tilespmem:$0x18A00] =	vst v63  }
0xa7: {  	s13 =	sshrl.u32 s10, $0x19;
	p0 =	por !p5, !p6  }
0xa8: {  	s18 =	simm.s32 $0x1;
	s6 =	sadd.s32 s13, s23;
	p0 =	por !p0, !p0  }
0xa9: {  	s6 =	sshrl.u32 s6, $0x7;
	s18 =	simm.s32 @!p0 $0x0  }
0xaa: {  	s6 =	ssub.s32 s6, s18  }
0xab: {  	s6 =	sshll.u32 s6, $0x7  }
0xac: {  	[dreg:$0x1d] =	wrdreg s6;
	s6 =	sand.u32 $0x1FFFFF80, s6;
	s22 =	spop (v2sf)  }
0xad: {  	s10 =	simm.s32 $0x5400;
	s6 =	sadd.s32 s29, s6;
	s18 =	sand.u32 $0x7F, s22  }
0xae: {  	[tilespmem:s10], [sflag:$0x1] =	stream.strided.gather [hbm4b:s6+s25], $0x1000, s11, s25, $0x38;
	[tilespmem:$0x18A00] =	vst v63  }
0xaf: {  	(v2sf) =	vpush v18, $0x6;
	p1 =	slt.s32 s22, $0x1;
	s10 =	sshra.s32 s22, $0x1F;
	p2 =	sne.s32 s18, $0x0  }
0xb0: {  	s13 =	sshrl.u32 s10, $0x19;
	p0 =	por !p1, !p2  }
0xb1: {  	s18 =	simm.s32 $0x1;
	s6 =	sadd.s32 s13, s22;
	p0 =	por !p0, !p0  }
0xb2: {  	s6 =	sshrl.u32 s6, $0x7;
	s18 =	simm.s32 @!p0 $0x0  }
0xb3: {  	s6 =	ssub.s32 s6, s18  }
0xb4: {  	s6 =	sshll.u32 s6, $0x7  }
0xb5: {  	s18 =	simm.s32 $0xD400;
	s30 =	spop (v2sf);
	[dreg:$0x1e] =	wrdreg s6  }
0xb6: {  	s6 =	sand.u32 $0x1FFFFF80, s6;
	s10 =	sand.u32 $0x7F, s30;
	s13 =	sshra.s32 s30, $0x1F  }
0xb7: {  	p4 =	slt.s32 s30, $0x1;
	s6 =	sadd.s32 s9, s6;
	p3 =	sne.s32 s10, $0x0  }
0xb8: {  	[tilespmem:s18], [sflag:$0x1] =	stream.strided.gather [hbm4b:s6+s25], $0x1000, s11, s25, $0x38;
	[tilespmem:$0x18A00] =	vst v63  }
0xb9: {  	s6 =	sshrl.u32 s13, $0x19;
	p0 =	por !p4, !p3  }
0xba: {  	s18 =	simm.s32 $0x1;
	s6 =	sadd.s32 s6, s30;
	p0 =	por !p0, !p0  }
0xbb: {  	(v2sf) =	vpush v19, $0x7;
	s6 =	sshrl.u32 s6, $0x7;
	s18 =	simm.s32 @!p0 $0x0  }
0xbc: {  	s6 =	ssub.s32 s6, s18  }
0xbd: {  	s6 =	sshll.u32 s6, $0x7  }
0xbe: {  	[dreg:$0x19] =	wrdreg s6;
	s6 =	sand.u32 $0x1FFFFF80, s6;
	s31 =	spop (v2sf)  }
0xbf: {  	s18 =	simm.s32 $0x6400;
	s6 =	sadd.s32 s29, s6;
	s10 =	sand.u32 $0x7F, s31  }
0xc0: {  	[tilespmem:s18], [sflag:$0x1] =	stream.strided.gather [hbm4b:s6+s25], $0x1000, s11, s25, $0x38;
	[tilespmem:$0x18A00] =	vst v63  }
0xc1: {  	p6 =	slt.s32 s31, $0x1;
	s13 =	sshra.s32 s31, $0x1F;
	p5 =	sne.s32 s10, $0x0  }
0xc2: {  	s6 =	sshrl.u32 s13, $0x19;
	p0 =	por !p6, !p5  }
0xc3: {  	s18 =	simm.s32 $0x1;
	s6 =	sadd.s32 s6, s31;
	p0 =	por !p0, !p0  }
0xc4: {  	s6 =	sshrl.u32 s6, $0x7;
	s18 =	simm.s32 @!p0 $0x0  }
0xc5: {  	s6 =	ssub.s32 s6, s18  }
0xc6: {  	(v2sf) =	vpush v18, $0x7;
	s6 =	sshll.u32 s6, $0x7  }
0xc7: {  	[dreg:$0x1a] =	wrdreg s6;
	s6 =	sand.u32 $0x1FFFFF80, s6  }
0xc8: {  	s18 =	simm.s32 $0xE400;
	s6 =	sadd.s32 s9, s6  }
0xc9: {  	[tilespmem:s18], [sflag:$0x1] =	stream.strided.gather [hbm4b:s6+s25], $0x1000, s11, s25, $0x38;
	[tilespmem:$0x18A00] =	vst v63  }
0xca: {  	s6 =	spop (v2sf)  }
0xcb: {  	s11 =	sand.u32 $0x7F, s6  }
0xcc: {  	p2 =	slt.s32 s6, $0x1;
	s13 =	sshra.s32 s6, $0x1F;
	p1 =	sne.s32 s11, $0x0  }
0xcd: {  	s18 =	sshrl.u32 s13, $0x19;
	s13 =	smov.u32 s9;
	p0 =	por !p2, !p1  }
0xce: {  	s9 =	simm.s32 $0x1;
	s18 =	sadd.s32 s18, s6;
	p0 =	por !p0, !p0  }
0xcf: {  	s18 =	sshrl.u32 s18, $0x7;
	s9 =	simm.s32 @!p0 $0x0  }
0xd0: {  	s9 =	ssub.s32 s18, s9  }
0xd1: {  	s9 =	sshll.u32 s9, $0x7  }
0xd2: {  	[dreg:$0x17] =	wrdreg s9;
	s9 =	sand.u32 $0x1FFFFF80, s9  }
0xd3: {  	s11 =	simm.s32 $0x7A1400;
	s18 =	simm.s32 $0x7400;
	s9 =	sadd.s32 s29, s9  }
0xd4: {  	[tilespmem:s18], [sflag:$0x1] =	stream.strided.gather [hbm4b:s9+s25], $0x1000, s11, s25, $0x38;
	[tilespmem:$0x18A00] =	vst v63  }
0xd5: {  	s18 =	spop (v2sf)  }
0xd6: {  	s10 =	sand.u32 $0x7F, s18  }
0xd7: {  	p4 =	slt.s32 s18, $0x1;
	p3 =	sne.s32 s10, $0x0;
	s10 =	sshra.s32 s18, $0x1F  }
0xd8: {  	s9 =	sshrl.u32 s10, $0x19;
	p0 =	por !p4, !p3  }
0xd9: {  	s10 =	simm.s32 $0x1;
	s9 =	sadd.s32 s9, s18;
	p0 =	por !p0, !p0  }
0xda: {  	s9 =	sshrl.u32 s9, $0x7;
	s10 =	simm.s32 @!p0 $0x0  }
0xdb: {  	s9 =	ssub.s32 s9, s10  }
0xdc: {  	s9 =	sshll.u32 s9, $0x7  }
0xdd: {  	s7 =	ssub.s32 s14, s7;
	[dreg:$0x16] =	wrdreg s9;
	s9 =	sand.u32 $0x1FFFFF80, s9  }
0xde: {  	s14 =	simm.s32 $0xF400;
	v20 =	vadd.s32 s7, v0;
	s9 =	sadd.s32 s13, s9  }
0xdf: {  	[tilespmem:s14], [sflag:$0x1] =	stream.strided.gather [hbm4b:s9+s25], $0x1000, s11, s25, $0x38;
	[tilespmem:$0x18A00] =	vst v63  }
0xe0: {  	_ =	swait.ge [sflag:s5], $0x1000  }
0xe1: {  	[sflag:s5] =	ssyncset.done $0x0  }
0xe2: {  	s10 =	sadd.s32 $0xFFFFFFF1, s16;
	[sflag:s5] =	ssyncadd.s32 $0xFFFFF000  }
0xe3: {  	v21 =	vor.u32 s10, v1;
	v20 =	vld.idx.msk [tilespmem:v20+s25+$0x0], $0xffff  }
0xe4: {  	v22 =	vadd.s32 s7, v2;
	_ =	sdelay $0x2  }
0xe5: {  	s14 =	simm.s32 $0x10400  }
0xe6: {  	[tilespmem:v21+s14+$0x0] =	vst.idx.msk $0xffff, v20  }
0xe7: {  	v63 =	vor.u32 s10, v3;
	v22 =	vld.idx.msk [tilespmem:v22+s25+$0x0], $0xffff;
	_ =	sdelay $0x3  }
0xe8: {  	s10 =	simm.s32 $0x10400  }
0xe9: {  	[tilespmem:v63+s10+$0x0] =	vst.idx.msk $0xffff, v22  }
0xea: {  	_ =	swait.ge [sflag:s5], $0x1000  }
0xeb: {  	(v2sf) =	vpush v19, $0x8;
	_ =	sdelay $0x5  }
0xec: {  	(v2sf) =	vpush v18, $0x8  }
0xed: {  	s4 =	ssub.s32 s4, s8  }
0xee: {  	v24 =	vadd.s32 s4, v0;
	_ =	sdelay $0x2  }
0xef: {  	[sflag:s5] =	ssyncset.done $0x0  }
0xf0: {  	s12 =	simm.s32 $0x8400;
	[sflag:s5] =	ssyncadd.s32 $0xFFFFF000  }
0xf1: {  	v22 =	vld.idx.msk [tilespmem:v24+s12+$0x0], $0xffff  }
0xf2: {  	v23 =	vadd.s32 s4, v2  }
0xf3: {  	s4 =	spop (v2sf)  }
0xf4: {  	s14 =	sand.u32 $0x7F, s4  }
0xf5: {  	p6 =	slt.s32 s4, $0x1;
	s8 =	sshra.s32 s4, $0x1F;
	p5 =	sne.s32 s14, $0x0  }
0xf6: {  	[tilespmem:v21+s26+$0x0] =	vst.idx.msk $0xffff, v22;
	s7 =	sshrl.u32 s8, $0x19;
	p0 =	por !p6, !p5  }
0xf7: {  	v21 =	vld.idx.msk [tilespmem:v23+s12+$0x0], $0xffff;
	s8 =	simm.s32 $0x1;
	s7 =	sadd.s32 s7, s4;
	p0 =	por !p0, !p0  }
0xf8: {  	s7 =	sshrl.u32 s7, $0x7;
	s8 =	simm.s32 @!p0 $0x0  }
0xf9: {  	s14 =	spop (v2sf);
	s7 =	ssub.s32 s7, s8  }
0xfa: {  	s9 =	sand.u32 $0x7F, s14;
	s7 =	sshll.u32 s7, $0x7  }
0xfb: {  	p2 =	slt.s32 s14, $0x1;
	[dreg:$0x15] =	wrdreg s7;
	s7 =	sand.u32 $0x1FFFFF80, s7  }
0xfc: {  	[tilespmem:v63+s26+$0x0] =	vst.idx.msk $0xffff, v21;
	s10 =	sshra.s32 s14, $0x1F;
	p1 =	sne.s32 s9, $0x0;
	s7 =	sadd.s32 s29, s7  }
0xfd: {  	[tilespmem:s25], [sflag:$0x1] =	stream.strided.gather [hbm4b:s7+s25], $0x1000, s11, s25, $0x38;
	[tilespmem:$0x18A00] =	vst v63  }
0xfe: {  	p0 =	por !p2, !p1;
	s7 =	sshrl.u32 s10, $0x19  }
0xff: {  	p0 =	por !p0, !p0;
	s8 =	simm.s32 $0x1;
	s7 =	sadd.s32 s7, s14  }
0x100: {  	s8 =	simm.s32 @!p0 $0x0;
	s7 =	sshrl.u32 s7, $0x7  }
0x101: {  	s7 =	ssub.s32 s7, s8  }
0x102: {  	s8 =	sshll.u32 s7, $0x7  }
0x103: {  	s19 =	ssub.s32 s21, s19;
	[dreg:$0x18] =	wrdreg s8;
	s8 =	sand.u32 $0x1FFFFF80, s8  }
0x104: {  	v25 =	vadd.s32 s19, v4;
	s8 =	sadd.s32 s13, s8  }
0x105: {  	[tilespmem:s12], [sflag:$0x1] =	stream.strided.gather [hbm4b:s8+s25], $0x1000, s11, s25, $0x38;
	[tilespmem:$0x18A00] =	vst v63  }
0x106: {  	_ =	swait.ge [sflag:s5], $0x1000  }
0x107: {  	[sflag:s5] =	ssyncset.done $0x0  }
0x108: {  	s21 =	sadd.s32 $0xFFFFFFF2, s16;
	[sflag:s5] =	ssyncadd.s32 $0xFFFFF000  }
0x109: {  	v26 =	vor.u32 s21, v1;
	v20 =	vld.idx.msk [tilespmem:v25+s25+$0x0], $0xffff  }
0x10a: {  	v27 =	vadd.s32 s19, v5;
	_ =	sdelay $0x2  }
0x10b: {  	s9 =	simm.s32 $0x10400  }
0x10c: {  	[tilespmem:v26+s9+$0x0] =	vst.idx.msk $0xffff, v20  }
0x10d: {  	v28 =	vor.u32 s21, v3;
	v22 =	vld.idx.msk [tilespmem:v27+s25+$0x0], $0xffff;
	_ =	sdelay $0x3  }
0x10e: {  	s10 =	simm.s32 $0x10400  }
0x10f: {  	[tilespmem:v28+s10+$0x0] =	vst.idx.msk $0xffff, v22  }
0x110: {  	_ =	swait.ge [sflag:s5], $0x1000  }
0x111: {  	(v2sf) =	vpush v19, $0x9;
	_ =	sdelay $0x6  }
0x112: {  	s0 =	ssub.s32 s0, s24  }
0x113: {  	v29 =	vadd.s32 s0, v4;
	_ =	sdelay $0x2  }
0x114: {  	[sflag:s5] =	ssyncset.done $0x0;
	(v2sf) =	vpush v18, $0x9  }
0x115: {  	[sflag:s5] =	ssyncadd.s32 $0xFFFFF000  }
0x116: {  	v22 =	vld.idx.msk [tilespmem:v29+s12+$0x0], $0xffff  }
0x117: {  	v30 =	vadd.s32 s0, v5  }
0x118: {  	s0 =	spop (v2sf)  }
0x119: {  	s19 =	sand.u32 $0x7F, s0  }
0x11a: {  	p4 =	slt.s32 s0, $0x1;
	s21 =	sshra.s32 s0, $0x1F;
	p3 =	sne.s32 s19, $0x0  }
0x11b: {  	[tilespmem:v26+s26+$0x0] =	vst.idx.msk $0xffff, v22;
	s7 =	sshrl.u32 s21, $0x19;
	p0 =	por !p4, !p3  }
0x11c: {  	s8 =	simm.s32 $0x1;
	v21 =	vld.idx.msk [tilespmem:v30+s12+$0x0], $0xffff;
	s7 =	sadd.s32 s7, s0;
	p0 =	por !p0, !p0  }
0x11d: {  	s7 =	sshrl.u32 s7, $0x7;
	s8 =	simm.s32 @!p0 $0x0  }
0x11e: {  	s7 =	ssub.s32 s7, s8  }
0x11f: {  	s7 =	sshll.u32 s7, $0x7  }
0x120: {  	[dreg:$0x1b] =	wrdreg s7;
	s7 =	sand.u32 $0x1FFFFF80, s7  }
0x121: {  	s24 =	simm.s32 $0x1400;
	[tilespmem:v28+s26+$0x0] =	vst.idx.msk $0xffff, v21;
	s7 =	sadd.s32 s29, s7  }
0x122: {  	[tilespmem:s24], [sflag:$0x1] =	stream.strided.gather [hbm4b:s7+s25], $0x1000, s11, s25, $0x38;
	[tilespmem:$0x18A00] =	vst v63  }
0x123: {  	s24 =	spop (v2sf)  }
0x124: {  	s8 =	sand.u32 $0x7F, s24  }
0x125: {  	p6 =	slt.s32 s24, $0x1;
	s9 =	sshra.s32 s24, $0x1F;
	p5 =	sne.s32 s8, $0x0  }
0x126: {  	s7 =	sshrl.u32 s9, $0x19;
	p0 =	por !p6, !p5  }
0x127: {  	s8 =	simm.s32 $0x1;
	s7 =	sadd.s32 s7, s24;
	p0 =	por !p0, !p0  }
0x128: {  	s10 =	sld [smem:$0x7F3];
	s7 =	sshrl.u32 s7, $0x7;
	s8 =	simm.s32 @!p0 $0x0  }
0x129: {  	s7 =	ssub.s32 s7, s8  }
0x12a: {  	s8 =	sshll.u32 s7, $0x7  }
0x12b: {  	s7 =	ssub.s32 s17, s10;
	[dreg:$0x1c] =	wrdreg s8;
	s8 =	sand.u32 $0x1FFFFF80, s8  }
0x12c: {  	s17 =	simm.s32 $0x9400;
	v31 =	vadd.s32 s7, v6;
	s8 =	sadd.s32 s13, s8  }
0x12d: {  	[tilespmem:s17], [sflag:$0x1] =	stream.strided.gather [hbm4b:s8+s25], $0x1000, s11, s25, $0x38;
	[tilespmem:$0x18A00] =	vst v63  }
0x12e: {  	_ =	swait.ge [sflag:s5], $0x1000  }
0x12f: {  	[sflag:s5] =	ssyncset.done $0x0  }
0x130: {  	s19 =	sadd.s32 $0xFFFFFFF3, s16;
	[sflag:s5] =	ssyncadd.s32 $0xFFFFF000  }
0x131: {  	v32 =	vor.u32 s19, v1;
	v20 =	vld.idx.msk [tilespmem:v31+s25+$0x0], $0xffff  }
0x132: {  	v33 =	vadd.s32 s7, v7;
	_ =	sdelay $0x2  }
0x133: {  	s21 =	simm.s32 $0x10400  }
0x134: {  	[tilespmem:v32+s21+$0x0] =	vst.idx.msk $0xffff, v20  }
0x135: {  	v34 =	vor.u32 s19, v3;
	v22 =	vld.idx.msk [tilespmem:v33+s25+$0x0], $0xffff;
	_ =	sdelay $0x3  }
0x136: {  	s8 =	simm.s32 $0x10400  }
0x137: {  	[tilespmem:v34+s8+$0x0] =	vst.idx.msk $0xffff, v22  }
0x138: {  	_ =	swait.ge [sflag:s5], $0x1000  }
0x139: {  	(v2sf) =	vpush v19, $0xA;
	_ =	sdelay $0x5  }
0x13a: {  	(v2sf) =	vpush v18, $0xA  }
0x13b: {  	s3 =	ssub.s32 s3, s28  }
0x13c: {  	v35 =	vadd.s32 s3, v6;
	_ =	sdelay $0x2  }
0x13d: {  	[sflag:s5] =	ssyncset.done $0x0  }
0x13e: {  	[sflag:s5] =	ssyncadd.s32 $0xFFFFF000  }
0x13f: {  	v22 =	vld.idx.msk [tilespmem:v35+s12+$0x0], $0xffff  }
0x140: {  	v36 =	vadd.s32 s3, v7  }
0x141: {  	s3 =	spop (v2sf)  }
0x142: {  	s9 =	sand.u32 $0x7F, s3  }
0x143: {  	p2 =	slt.s32 s3, $0x1;
	s10 =	sshra.s32 s3, $0x1F;
	p1 =	sne.s32 s9, $0x0  }
0x144: {  	[tilespmem:v32+s26+$0x0] =	vst.idx.msk $0xffff, v22;
	s7 =	sshrl.u32 s10, $0x19;
	p0 =	por !p2, !p1  }
0x145: {  	s8 =	simm.s32 $0x1;
	v21 =	vld.idx.msk [tilespmem:v36+s12+$0x0], $0xffff;
	s7 =	sadd.s32 s7, s3;
	p0 =	por !p0, !p0  }
0x146: {  	s7 =	sshrl.u32 s7, $0x7;
	s8 =	simm.s32 @!p0 $0x0  }
0x147: {  	s21 =	spop (v2sf);
	s7 =	ssub.s32 s7, s8  }
0x148: {  	s17 =	simm.s32 $0x2400;
	s19 =	sand.u32 $0x7F, s21;
	s7 =	sshll.u32 s7, $0x7  }
0x149: {  	p4 =	slt.s32 s21, $0x1;
	[dreg:$0x1f] =	wrdreg s7;
	s7 =	sand.u32 $0x1FFFFF80, s7  }
0x14a: {  	[tilespmem:v34+s26+$0x0] =	vst.idx.msk $0xffff, v21;
	p3 =	sne.s32 s19, $0x0;
	s8 =	sshra.s32 s21, $0x1F;
	s7 =	sadd.s32 s29, s7  }
0x14b: {  	[tilespmem:s17], [sflag:$0x1] =	stream.strided.gather [hbm4b:s7+s25], $0x1000, s11, s25, $0x38;
	[tilespmem:$0x18A00] =	vst v63  }
0x14c: {  	p0 =	por !p4, !p3;
	s7 =	sshrl.u32 s8, $0x19  }
0x14d: {  	p0 =	por !p0, !p0;
	s8 =	simm.s32 $0x1;
	s7 =	sadd.s32 s7, s21  }
0x14e: {  	s9 =	sld [smem:$0x7F4];
	s8 =	simm.s32 @!p0 $0x0;
	s7 =	sshrl.u32 s7, $0x7  }
0x14f: {  	s7 =	ssub.s32 s7, s8  }
0x150: {  	s7 =	sshll.u32 s7, $0x7  }
0x151: {  	s2 =	ssub.s32 s2, s9;
	[smem:$0x7F8] =	sst s7;
	s7 =	sand.u32 $0x1FFFFF80, s7  }
0x152: {  	s10 =	simm.s32 $0xA400;
	v37 =	vadd.s32 s2, v8;
	s7 =	sadd.s32 s13, s7  }
0x153: {  	[tilespmem:s10], [sflag:$0x1] =	stream.strided.gather [hbm4b:s7+s25], $0x1000, s11, s25, $0x38;
	[tilespmem:$0x18A00] =	vst v63  }
0x154: {  	_ =	swait.ge [sflag:s5], $0x1000  }
0x155: {  	[sflag:s5] =	ssyncset.done $0x0  }
0x156: {  	s17 =	sadd.s32 $0xFFFFFFF4, s16;
	[sflag:s5] =	ssyncadd.s32 $0xFFFFF000  }
0x157: {  	v38 =	vor.u32 s17, v1;
	v20 =	vld.idx.msk [tilespmem:v37+s25+$0x0], $0xffff  }
0x158: {  	v39 =	vadd.s32 s2, v9;
	_ =	sdelay $0x2  }
0x159: {  	s19 =	simm.s32 $0x10400  }
0x15a: {  	[tilespmem:v38+s19+$0x0] =	vst.idx.msk $0xffff, v20  }
0x15b: {  	v40 =	vor.u32 s17, v3;
	v22 =	vld.idx.msk [tilespmem:v39+s25+$0x0], $0xffff;
	_ =	sdelay $0x3  }
0x15c: {  	s8 =	simm.s32 $0x10400  }
0x15d: {  	[tilespmem:v40+s8+$0x0] =	vst.idx.msk $0xffff, v22  }
0x15e: {  	_ =	swait.ge [sflag:s5], $0x1000  }
0x15f: {  	(v2sf) =	vpush v19, $0xB;
	_ =	sdelay $0x3  }
0x160: {  	s9 =	sld [smem:$0x7F5];
	_ =	sdelay $0x2  }
0x161: {  	s2 =	ssub.s32 s20, s9  }
0x162: {  	v41 =	vadd.s32 s2, v8;
	_ =	sdelay $0x2  }
0x163: {  	[sflag:s5] =	ssyncset.done $0x0;
	(v2sf) =	vpush v18, $0xB  }
0x164: {  	[sflag:s5] =	ssyncadd.s32 $0xFFFFF000  }
0x165: {  	v22 =	vld.idx.msk [tilespmem:v41+s12+$0x0], $0xffff  }
0x166: {  	v42 =	vadd.s32 s2, v9  }
0x167: {  	s2 =	spop (v2sf)  }
0x168: {  	s10 =	sand.u32 $0x7F, s2  }
0x169: {  	p6 =	slt.s32 s2, $0x1;
	s17 =	sshra.s32 s2, $0x1F;
	p5 =	sne.s32 s10, $0x0  }
0x16a: {  	[tilespmem:v38+s26+$0x0] =	vst.idx.msk $0xffff, v22;
	s7 =	sshrl.u32 s17, $0x19;
	p0 =	por !p6, !p5  }
0x16b: {  	s8 =	simm.s32 $0x1;
	v21 =	vld.idx.msk [tilespmem:v42+s12+$0x0], $0xffff;
	s7 =	sadd.s32 s7, s2;
	p0 =	por !p0, !p0  }
0x16c: {  	s7 =	sshrl.u32 s7, $0x7;
	s8 =	simm.s32 @!p0 $0x0  }
0x16d: {  	s7 =	ssub.s32 s7, s8  }
0x16e: {  	s7 =	sshll.u32 s7, $0x7  }
0x16f: {  	[smem:$0x7F9] =	sst s7;
	s7 =	sand.u32 $0x1FFFFF80, s7  }
0x170: {  	s19 =	simm.s32 $0x3400;
	[tilespmem:v40+s26+$0x0] =	vst.idx.msk $0xffff, v21;
	s7 =	sadd.s32 s29, s7  }
0x171: {  	[tilespmem:s19], [sflag:$0x1] =	stream.strided.gather [hbm4b:s7+s25], $0x1000, s11, s25, $0x38;
	[tilespmem:$0x18A00] =	vst v63  }
0x172: {  	s7 =	spop (v2sf)  }
0x173: {  	s20 =	sand.u32 $0x7F, s7  }
0x174: {  	p2 =	slt.s32 s7, $0x1;
	s9 =	sshra.s32 s7, $0x1F;
	p1 =	sne.s32 s20, $0x0  }
0x175: {  	s8 =	sshrl.u32 s9, $0x19;
	p0 =	por !p2, !p1  }
0x176: {  	s9 =	simm.s32 $0x1;
	s8 =	sadd.s32 s8, s7;
	p0 =	por !p0, !p0  }
0x177: {  	s10 =	sld [smem:$0x7F6];
	s8 =	sshrl.u32 s8, $0x7;
	s9 =	simm.s32 @!p0 $0x0  }
0x178: {  	s8 =	ssub.s32 s8, s9  }
0x179: {  	s9 =	sshll.u32 s8, $0x7  }
0x17a: {  	s8 =	ssub.s32 s15, s10;
	[smem:$0x7FA] =	sst s9;
	s9 =	sand.u32 $0x1FFFFF80, s9  }
0x17b: {  	s17 =	simm.s32 $0xB400;
	v43 =	vadd.s32 s8, v10;
	s9 =	sadd.s32 s13, s9  }
0x17c: {  	[tilespmem:s17], [sflag:$0x1] =	stream.strided.gather [hbm4b:s9+s25], $0x1000, s11, s25, $0x38;
	[tilespmem:$0x18A00] =	vst v63  }
0x17d: {  	_ =	swait.ge [sflag:s5], $0x1000  }
0x17e: {  	[sflag:s5] =	ssyncset.done $0x0  }
0x17f: {  	s19 =	sadd.s32 $0xFFFFFFF5, s16;
	[sflag:s5] =	ssyncadd.s32 $0xFFFFF000  }
0x180: {  	v44 =	vor.u32 s19, v1;
	v20 =	vld.idx.msk [tilespmem:v43+s25+$0x0], $0xffff  }
0x181: {  	v45 =	vadd.s32 s8, v11;
	_ =	sdelay $0x2  }
0x182: {  	s20 =	simm.s32 $0x10400  }
0x183: {  	[tilespmem:v44+s20+$0x0] =	vst.idx.msk $0xffff, v20  }
0x184: {  	v46 =	vor.u32 s19, v3;
	v22 =	vld.idx.msk [tilespmem:v45+s25+$0x0], $0xffff;
	_ =	sdelay $0x3  }
0x185: {  	s10 =	simm.s32 $0x10400  }
0x186: {  	[tilespmem:v46+s10+$0x0] =	vst.idx.msk $0xffff, v22  }
0x187: {  	_ =	swait.ge [sflag:s5], $0x1000  }
0x188: {  	(v2sf) =	vpush v19, $0xC;
	_ =	sdelay $0x3  }
0x189: {  	s15 =	sld [smem:$0x7F7];
	_ =	sdelay $0x1  }
0x18a: {  	(v2sf) =	vpush v18, $0xC  }
0x18b: {  	s1 =	ssub.s32 s1, s15  }
0x18c: {  	v47 =	vadd.s32 s1, v10;
	_ =	sdelay $0x2  }
0x18d: {  	[sflag:s5] =	ssyncset.done $0x0  }
0x18e: {  	[sflag:s5] =	ssyncadd.s32 $0xFFFFF000  }
0x18f: {  	v22 =	vld.idx.msk [tilespmem:v47+s12+$0x0], $0xffff  }
0x190: {  	v48 =	vadd.s32 s1, v11  }
0x191: {  	s1 =	spop (v2sf)  }
0x192: {  	s17 =	sand.u32 $0x7F, s1  }
0x193: {  	p4 =	slt.s32 s1, $0x1;
	s19 =	sshra.s32 s1, $0x1F;
	p3 =	sne.s32 s17, $0x0  }
0x194: {  	[tilespmem:v44+s26+$0x0] =	vst.idx.msk $0xffff, v22;
	s8 =	sshrl.u32 s19, $0x19;
	p0 =	por !p4, !p3  }
0x195: {  	s9 =	simm.s32 $0x1;
	v21 =	vld.idx.msk [tilespmem:v48+s12+$0x0], $0xffff;
	s8 =	sadd.s32 s8, s1;
	p0 =	por !p0, !p0  }
0x196: {  	s8 =	sshrl.u32 s8, $0x7;
	s9 =	simm.s32 @!p0 $0x0  }
0x197: {  	s15 =	spop (v2sf);
	s8 =	ssub.s32 s8, s9  }
0x198: {  	s20 =	simm.s32 $0x4400;
	s10 =	sand.u32 $0x7F, s15;
	s8 =	sshll.u32 s8, $0x7  }
0x199: {  	p6 =	slt.s32 s15, $0x1;
	[smem:$0x7FB] =	sst s8;
	s8 =	sand.u32 $0x1FFFFF80, s8  }
0x19a: {  	s17 =	sshra.s32 s15, $0x1F;
	p5 =	sne.s32 s10, $0x0;
	[tilespmem:v46+s26+$0x0] =	vst.idx.msk $0xffff, v21;
	s8 =	sadd.s32 s29, s8  }
0x19b: {  	[tilespmem:s20], [sflag:$0x1] =	stream.strided.gather [hbm4b:s8+s25], $0x1000, s11, s25, $0x38;
	[tilespmem:$0x18A00] =	vst v63  }
0x19c: {  	p0 =	por !p6, !p5;
	s8 =	sshrl.u32 s17, $0x19  }
0x19d: {  	p0 =	por !p0, !p0;
	s9 =	simm.s32 $0x1;
	s8 =	sadd.s32 s8, s15  }
0x19e: {  	s9 =	simm.s32 @!p0 $0x0;
	s8 =	sshrl.u32 s8, $0x7  }
0x19f: {  	s8 =	ssub.s32 s8, s9  }
0x1a0: {  	s19 =	rddreg [dreg:$0x1d];
	s9 =	sshll.u32 s8, $0x7  }
0x1a1: {  	s8 =	ssub.s32 s23, s19;
	s20 =	sand.u32 $0x1FFFFF80, s9  }
0x1a2: {  	s23 =	simm.s32 $0xC400;
	[smem:$0x7FC] =	sst s9;
	v49 =	vadd.s32 s8, v12;
	s10 =	sadd.s32 s13, s20  }
0x1a3: {  	[tilespmem:s23], [sflag:$0x1] =	stream.strided.gather [hbm4b:s10+s25], $0x1000, s11, s25, $0x38;
	[tilespmem:$0x18A00] =	vst v63  }
0x1a4: {  	_ =	swait.ge [sflag:s5], $0x1000  }
0x1a5: {  	[sflag:s5] =	ssyncset.done $0x0  }
0x1a6: {  	s9 =	sadd.s32 $0xFFFFFFF6, s16;
	[sflag:s5] =	ssyncadd.s32 $0xFFFFF000  }
0x1a7: {  	v50 =	vor.u32 s9, v1;
	v20 =	vld.idx.msk [tilespmem:v49+s25+$0x0], $0xffff  }
0x1a8: {  	v51 =	vadd.s32 s8, v13;
	_ =	sdelay $0x2  }
0x1a9: {  	s17 =	simm.s32 $0x10400  }
0x1aa: {  	[tilespmem:v50+s17+$0x0] =	vst.idx.msk $0xffff, v20  }
0x1ab: {  	v52 =	vor.u32 s9, v3;
	v22 =	vld.idx.msk [tilespmem:v51+s25+$0x0], $0xffff;
	_ =	sdelay $0x3  }
0x1ac: {  	s19 =	simm.s32 $0x10400  }
0x1ad: {  	[tilespmem:v52+s19+$0x0] =	vst.idx.msk $0xffff, v22  }
0x1ae: {  	_ =	swait.ge [sflag:s5], $0x1000  }
0x1af: {  	(v2sf) =	vpush v19, $0xD;
	_ =	sdelay $0x5  }
0x1b0: {  	s20 =	rddreg [dreg:$0x1e];
	(v2sf) =	vpush v18, $0xD  }
0x1b1: {  	s8 =	ssub.s32 s22, s20  }
0x1b2: {  	v53 =	vadd.s32 s8, v12;
	_ =	sdelay $0x2  }
0x1b3: {  	[sflag:s5] =	ssyncset.done $0x0  }
0x1b4: {  	[sflag:s5] =	ssyncadd.s32 $0xFFFFF000  }
0x1b5: {  	v22 =	vld.idx.msk [tilespmem:v53+s12+$0x0], $0xffff  }
0x1b6: {  	v54 =	vadd.s32 s8, v13  }
0x1b7: {  	s22 =	spop (v2sf)  }
0x1b8: {  	s23 =	sand.u32 $0x7F, s22  }
0x1b9: {  	p2 =	slt.s32 s22, $0x1;
	s9 =	sshra.s32 s22, $0x1F;
	p1 =	sne.s32 s23, $0x0  }
0x1ba: {  	[tilespmem:v50+s26+$0x0] =	vst.idx.msk $0xffff, v22;
	s8 =	sshrl.u32 s9, $0x19;
	p0 =	por !p2, !p1  }
0x1bb: {  	s10 =	simm.s32 $0x1;
	v21 =	vld.idx.msk [tilespmem:v54+s12+$0x0], $0xffff;
	s8 =	sadd.s32 s8, s22;
	p0 =	por !p0, !p0  }
0x1bc: {  	s8 =	sshrl.u32 s8, $0x7;
	s10 =	simm.s32 @!p0 $0x0  }
0x1bd: {  	s23 =	spop (v2sf);
	s8 =	ssub.s32 s8, s10  }
0x1be: {  	s17 =	sand.u32 $0x7F, s23;
	p4 =	slt.s32 s23, $0x1;
	s8 =	sshll.u32 s8, $0x7  }
0x1bf: {  	s19 =	sshra.s32 s23, $0x1F;
	[smem:$0x7FD] =	sst s8;
	s8 =	sand.u32 $0x1FFFFF80, s8  }
0x1c0: {  	[tilespmem:v52+s26+$0x0] =	vst.idx.msk $0xffff, v21;
	p3 =	sne.s32 s17, $0x0;
	s10 =	simm.s32 $0x5400;
	s8 =	sadd.s32 s29, s8  }
0x1c1: {  	[tilespmem:s10], [sflag:$0x1] =	stream.strided.gather [hbm4b:s8+s25], $0x1000, s11, s25, $0x38;
	[tilespmem:$0x18A00] =	vst v63  }
0x1c2: {  	p0 =	por !p4, !p3;
	s8 =	sshrl.u32 s19, $0x19  }
0x1c3: {  	s17 =	simm.s32 $0x1;
	p0 =	por !p0, !p0;
	s8 =	sadd.s32 s8, s23  }
0x1c4: {  	s17 =	simm.s32 @!p0 $0x0;
	s8 =	sshrl.u32 s8, $0x7  }
0x1c5: {  	s8 =	ssub.s32 s8, s17  }
0x1c6: {  	s20 =	rddreg [dreg:$0x19];
	s9 =	sshll.u32 s8, $0x7  }
0x1c7: {  	s8 =	ssub.s32 s30, s20;
	s10 =	sand.u32 $0x1FFFFF80, s9  }
0x1c8: {  	s19 =	simm.s32 $0xD400;
	v55 =	vadd.s32 s8, v14;
	s17 =	sadd.s32 s13, s10  }
0x1c9: {  	[tilespmem:s19], [sflag:$0x1] =	stream.strided.gather [hbm4b:s17+s25], $0x1000, s11, s25, $0x38;
	[tilespmem:$0x18A00] =	vst v63  }
0x1ca: {  	_ =	swait.ge [sflag:s5], $0x1000  }
0x1cb: {  	[sflag:s5] =	ssyncset.done $0x0  }
0x1cc: {  	s20 =	sadd.s32 $0xFFFFFFF7, s16;
	[sflag:s5] =	ssyncadd.s32 $0xFFFFF000  }
0x1cd: {  	v56 =	vor.u32 s20, v1;
	v20 =	vld.idx.msk [tilespmem:v55+s25+$0x0], $0xffff  }
0x1ce: {  	v57 =	vadd.s32 s8, v15;
	_ =	sdelay $0x2  }
0x1cf: {  	s10 =	simm.s32 $0x10400  }
0x1d0: {  	[tilespmem:v56+s10+$0x0] =	vst.idx.msk $0xffff, v20  }
0x1d1: {  	v58 =	vor.u32 s20, v3;
	v22 =	vld.idx.msk [tilespmem:v57+s25+$0x0], $0xffff;
	_ =	sdelay $0x3  }
0x1d2: {  	s19 =	simm.s32 $0x10400  }
0x1d3: {  	[tilespmem:v58+s19+$0x0] =	vst.idx.msk $0xffff, v22  }
0x1d4: {  	_ =	swait.ge [sflag:s5], $0x1000  }
0x1d5: {  	(v2sf) =	vpush v19, $0xE;
	_ =	sdelay $0x5  }
0x1d6: {  	s20 =	rddreg [dreg:$0x1a]  }
0x1d7: {  	s8 =	ssub.s32 s31, s20;
	(v2sf) =	vpush v18, $0xE  }
0x1d8: {  	v59 =	vadd.s32 s8, v14;
	_ =	sdelay $0x2  }
0x1d9: {  	[sflag:s5] =	ssyncset.done $0x0  }
0x1da: {  	[sflag:s5] =	ssyncadd.s32 $0xFFFFF000  }
0x1db: {  	v22 =	vld.idx.msk [tilespmem:v59+s12+$0x0], $0xffff  }
0x1dc: {  	v60 =	vadd.s32 s8, v15  }
0x1dd: {  	s30 =	spop (v2sf)  }
0x1de: {  	s10 =	sand.u32 $0x7F, s30  }
0x1df: {  	p6 =	slt.s32 s30, $0x1;
	s17 =	sshra.s32 s30, $0x1F;
	p5 =	sne.s32 s10, $0x0  }
0x1e0: {  	[tilespmem:v56+s26+$0x0] =	vst.idx.msk $0xffff, v22;
	s8 =	sshrl.u32 s17, $0x19;
	p0 =	por !p6, !p5  }
0x1e1: {  	v21 =	vld.idx.msk [tilespmem:v60+s12+$0x0], $0xffff;
	s17 =	simm.s32 $0x1;
	s8 =	sadd.s32 s8, s30;
	p0 =	por !p0, !p0  }
0x1e2: {  	s8 =	sshrl.u32 s8, $0x7;
	s17 =	simm.s32 @!p0 $0x0  }
0x1e3: {  	s8 =	ssub.s32 s8, s17  }
0x1e4: {  	s20 =	simm.s32 $0x6400;
	s31 =	spop (v2sf);
	s10 =	sshll.u32 s8, $0x7  }
0x1e5: {  	p2 =	slt.s32 s31, $0x1;
	s8 =	sand.u32 $0x7F, s31;
	s19 =	sand.u32 $0x1FFFFF80, s10  }
0x1e6: {  	[tilespmem:v58+s26+$0x0] =	vst.idx.msk $0xffff, v21;
	p1 =	sne.s32 s8, $0x0;
	s17 =	sadd.s32 s29, s19;
	s19 =	sshra.s32 s31, $0x1F  }
0x1e7: {  	[tilespmem:s20], [sflag:$0x1] =	stream.strided.gather [hbm4b:s17+s25], $0x1000, s11, s25, $0x38;
	[tilespmem:$0x18A00] =	vst v63  }
0x1e8: {  	p0 =	por !p2, !p1;
	s17 =	sshrl.u32 s19, $0x19  }
0x1e9: {  	p0 =	por !p0, !p0;
	s19 =	simm.s32 $0x1;
	s17 =	sadd.s32 s17, s31  }
0x1ea: {  	s19 =	simm.s32 @!p0 $0x0;
	s17 =	sshrl.u32 s17, $0x7  }
0x1eb: {  	s17 =	ssub.s32 s17, s19  }
0x1ec: {  	s20 =	rddreg [dreg:$0x17];
	s8 =	sshll.u32 s17, $0x7  }
0x1ed: {  	s6 =	ssub.s32 s6, s20;
	s19 =	sand.u32 $0x1FFFFF80, s8  }
0x1ee: {  	s20 =	simm.s32 $0xE400;
	v61 =	vadd.s32 s6, v16;
	s17 =	sadd.s32 s13, s19  }
0x1ef: {  	[tilespmem:s20], [sflag:$0x1] =	stream.strided.gather [hbm4b:s17+s25], $0x1000, s11, s25, $0x38;
	[tilespmem:$0x18A00] =	vst v63  }
0x1f0: {  	_ =	swait.ge [sflag:s5], $0x1000  }
0x1f1: {  	[sflag:s5] =	ssyncset.done $0x0  }
0x1f2: {  	s19 =	sadd.s32 $0xFFFFFFF8, s16;
	[sflag:s5] =	ssyncadd.s32 $0xFFFFF000  }
0x1f3: {  	v62 =	vor.u32 s19, v1;
	v20 =	vld.idx.msk [tilespmem:v61+s25+$0x0], $0xffff  }
0x1f4: {  	v63 =	vadd.s32 s6, v17;
	_ =	sdelay $0x2  }
0x1f5: {  	s20 =	simm.s32 $0x10400  }
0x1f6: {  	[tilespmem:v62+s20+$0x0] =	vst.idx.msk $0xffff, v20  }
0x1f7: {  	v24 =	vor.u32 s19, v3;
	v22 =	vld.idx.msk [tilespmem:v63+s25+$0x0], $0xffff;
	_ =	sdelay $0x3  }
0x1f8: {  	s17 =	simm.s32 $0x10400  }
0x1f9: {  	[tilespmem:v24+s17+$0x0] =	vst.idx.msk $0xffff, v22  }
0x1fa: {  	_ =	swait.ge [sflag:s5], $0x1000  }
0x1fb: {  	(v2sf) =	vpush v19, $0xF;
	_ =	sdelay $0x5  }
0x1fc: {  	s19 =	rddreg [dreg:$0x16]  }
0x1fd: {  	s6 =	ssub.s32 s18, s19  }
0x1fe: {  	v19 =	vadd.s32 s6, v16;
	_ =	sdelay $0x2  }
0x1ff: {  	[sflag:s5] =	ssyncset.done $0x0;
	(v2sf) =	vpush v18, $0xF  }
0x200: {  	[sflag:s5] =	ssyncadd.s32 $0xFFFFF000  }
0x201: {  	v18 =	vld.idx.msk [tilespmem:v19+s12+$0x0], $0xffff  }
0x202: {  	v19 =	vadd.s32 s6, v17  }
0x203: {  	s6 =	spop (v2sf)  }
0x204: {  	s20 =	sand.u32 $0x7F, s6  }
0x205: {  	p4 =	slt.s32 s6, $0x1;
	s18 =	sshra.s32 s6, $0x1F;
	p3 =	sne.s32 s20, $0x0  }
0x206: {  	[tilespmem:v62+s26+$0x0] =	vst.idx.msk $0xffff, v18;
	s17 =	sshrl.u32 s18, $0x19;
	p0 =	por !p4, !p3  }
0x207: {  	v18 =	vld.idx.msk [tilespmem:v19+s12+$0x0], $0xffff;
	s18 =	simm.s32 $0x1;
	s17 =	sadd.s32 s17, s6;
	p0 =	por !p0, !p0  }
0x208: {  	s17 =	sshrl.u32 s17, $0x7;
	s18 =	simm.s32 @!p0 $0x0  }
0x209: {  	s17 =	ssub.s32 s17, s18  }
0x20a: {  	s17 =	sshll.u32 s17, $0x7  }
0x20b: {  	s19 =	sand.u32 $0x1FFFFF80, s17  }
0x20c: {  	s20 =	simm.s32 $0x7400;
	[tilespmem:v24+s26+$0x0] =	vst.idx.msk $0xffff, v18;
	s18 =	sadd.s32 s29, s19  }
0x20d: {  	[tilespmem:s20], [sflag:$0x1] =	stream.strided.gather [hbm4b:s18+s25], $0x1000, s11, s25, $0x38;
	[tilespmem:$0x18A00] =	vst v63  }
0x20e: {  	s18 =	spop (v2sf)  }
0x20f: {  	s20 =	sand.u32 $0x7F, s18  }
0x210: {  	p6 =	slt.s32 s18, $0x1;
	p5 =	sne.s32 s20, $0x0;
	s20 =	sshra.s32 s18, $0x1F  }
0x211: {  	s19 =	sshrl.u32 s20, $0x19;
	p0 =	por !p6, !p5  }
0x212: {  	s28 =	simm.s32 $0x1;
	s19 =	sadd.s32 s19, s18;
	p0 =	por !p0, !p0  }
0x213: {  	s19 =	sshrl.u32 s19, $0x7;
	s28 =	simm.s32 @!p0 $0x0  }
0x214: {  	s19 =	ssub.s32 s19, s28  }
0x215: {  	s20 =	rddreg [dreg:$0x15];
	s19 =	sshll.u32 s19, $0x7  }
0x216: {  	s4 =	ssub.s32 s4, s20;
	s28 =	sand.u32 $0x1FFFFF80, s19  }
0x217: {  	s20 =	simm.s32 $0xF400;
	v18 =	vadd.s32 s4, v0;
	s28 =	sadd.s32 s13, s28  }
0x218: {  	[tilespmem:s20], [sflag:$0x1] =	stream.strided.gather [hbm4b:s28+s25], $0x1000, s11, s25, $0x38;
	[tilespmem:$0x18A00] =	vst v63  }
0x219: {  	_ =	swait.ge [sflag:s5], $0x1000  }
0x21a: {  	[sflag:s5] =	ssyncset.done $0x0  }
0x21b: {  	s28 =	sadd.s32 $0xFFFFFFF9, s16;
	[sflag:s5] =	ssyncadd.s32 $0xFFFFF000  }
0x21c: {  	v19 =	vor.u32 s28, v1;
	v18 =	vld.idx.msk [tilespmem:v18+s25+$0x0], $0xffff  }
0x21d: {  	v25 =	vadd.s32 s4, v2;
	_ =	sdelay $0x2  }
0x21e: {  	s20 =	simm.s32 $0x10400  }
0x21f: {  	[tilespmem:v19+s20+$0x0] =	vst.idx.msk $0xffff, v18  }
0x220: {  	v18 =	vor.u32 s28, v3;
	v20 =	vld.idx.msk [tilespmem:v25+s25+$0x0], $0xffff;
	_ =	sdelay $0x1  }
0x221: {  	s11 =	rddreg [dreg:$0x18]  }
0x222: {  	s4 =	ssub.s32 s14, s11  }
0x223: {  	s14 =	simm.s32 $0x10400;
	v26 =	vadd.s32 s4, v0  }
0x224: {  	[tilespmem:v18+s14+$0x0] =	vst.idx.msk $0xffff, v20  }
0x225: {  	_ =	swait.ge [sflag:s5], $0x1000  }
0x226: {  	[sflag:s5] =	ssyncset.done $0x0  }
0x227: {  	[sflag:s5] =	ssyncadd.s32 $0xFFFFF000  }
0x228: {  	v27 =	vld.idx.msk [tilespmem:v26+s12+$0x0], $0xffff  }
0x229: {  	v28 =	vadd.s32 s4, v2;
	_ =	sdelay $0x3  }
0x22a: {  	[tilespmem:v19+s26+$0x0] =	vst.idx.msk $0xffff, v27  }
0x22b: {  	v19 =	vld.idx.msk [tilespmem:v28+s12+$0x0], $0xffff;
	_ =	sdelay $0x1  }
0x22c: {  	s20 =	rddreg [dreg:$0x1b]  }
0x22d: {  	s0 =	ssub.s32 s0, s20  }
0x22e: {  	v29 =	vadd.s32 s0, v4  }
0x22f: {  	[tilespmem:v18+s26+$0x0] =	vst.idx.msk $0xffff, v19  }
0x230: {  	_ =	swait.ge [sflag:s5], $0x1000  }
0x231: {  	[sflag:s5] =	ssyncset.done $0x0  }
0x232: {  	s11 =	sadd.s32 $0xFFFFFFFA, s16;
	[sflag:s5] =	ssyncadd.s32 $0xFFFFF000  }
0x233: {  	v19 =	vor.u32 s11, v1;
	v18 =	vld.idx.msk [tilespmem:v29+s25+$0x0], $0xffff  }
0x234: {  	v30 =	vadd.s32 s0, v5;
	_ =	sdelay $0x3  }
0x235: {  	[tilespmem:v19+s14+$0x0] =	vst.idx.msk $0xffff, v18  }
0x236: {  	v18 =	vor.u32 s11, v3;
	v20 =	vld.idx.msk [tilespmem:v30+s25+$0x0], $0xffff;
	_ =	sdelay $0x1  }
0x237: {  	s20 =	rddreg [dreg:$0x1c]  }
0x238: {  	s0 =	ssub.s32 s24, s20  }
0x239: {  	v31 =	vadd.s32 s0, v4  }
0x23a: {  	[tilespmem:v18+s14+$0x0] =	vst.idx.msk $0xffff, v20  }
0x23b: {  	_ =	swait.ge [sflag:s5], $0x1000  }
0x23c: {  	[sflag:s5] =	ssyncset.done $0x0  }
0x23d: {  	[sflag:s5] =	ssyncadd.s32 $0xFFFFF000  }
0x23e: {  	v32 =	vld.idx.msk [tilespmem:v31+s12+$0x0], $0xffff  }
0x23f: {  	v33 =	vadd.s32 s0, v5;
	_ =	sdelay $0x3  }
0x240: {  	[tilespmem:v19+s26+$0x0] =	vst.idx.msk $0xffff, v32  }
0x241: {  	v19 =	vld.idx.msk [tilespmem:v33+s12+$0x0], $0xffff;
	_ =	sdelay $0x1  }
0x242: {  	s4 =	rddreg [dreg:$0x1f]  }
0x243: {  	s0 =	ssub.s32 s3, s4  }
0x244: {  	v34 =	vadd.s32 s0, v6  }
0x245: {  	[tilespmem:v18+s26+$0x0] =	vst.idx.msk $0xffff, v19  }
0x246: {  	_ =	swait.ge [sflag:s5], $0x1000  }
0x247: {  	[sflag:s5] =	ssyncset.done $0x0  }
0x248: {  	s11 =	sadd.s32 $0xFFFFFFFB, s16;
	[sflag:s5] =	ssyncadd.s32 $0xFFFFF000  }
0x249: {  	v19 =	vor.u32 s11, v1;
	v18 =	vld.idx.msk [tilespmem:v34+s25+$0x0], $0xffff  }
0x24a: {  	v35 =	vadd.s32 s0, v7;
	_ =	sdelay $0x3  }
0x24b: {  	[tilespmem:v19+s14+$0x0] =	vst.idx.msk $0xffff, v18  }
0x24c: {  	s20 =	sld [smem:$0x7F8];
	v18 =	vor.u32 s11, v3;
	v20 =	vld.idx.msk [tilespmem:v35+s25+$0x0], $0xffff;
	_ =	sdelay $0x2  }
0x24d: {  	s0 =	ssub.s32 s21, s20  }
0x24e: {  	v36 =	vadd.s32 s0, v6  }
0x24f: {  	[tilespmem:v18+s14+$0x0] =	vst.idx.msk $0xffff, v20  }
0x250: {  	_ =	swait.ge [sflag:s5], $0x1000  }
0x251: {  	[sflag:s5] =	ssyncset.done $0x0  }
0x252: {  	[sflag:s5] =	ssyncadd.s32 $0xFFFFF000  }
0x253: {  	v37 =	vld.idx.msk [tilespmem:v36+s12+$0x0], $0xffff  }
0x254: {  	v38 =	vadd.s32 s0, v7;
	_ =	sdelay $0x3  }
0x255: {  	[tilespmem:v19+s26+$0x0] =	vst.idx.msk $0xffff, v37  }
0x256: {  	s24 =	sld [smem:$0x7F9];
	v19 =	vld.idx.msk [tilespmem:v38+s12+$0x0], $0xffff;
	_ =	sdelay $0x2  }
0x257: {  	s0 =	ssub.s32 s2, s24  }
0x258: {  	v39 =	vadd.s32 s0, v8  }
0x259: {  	[tilespmem:v18+s26+$0x0] =	vst.idx.msk $0xffff, v19  }
0x25a: {  	_ =	swait.ge [sflag:s5], $0x1000  }
0x25b: {  	[sflag:s5] =	ssyncset.done $0x0  }
0x25c: {  	s3 =	sadd.s32 $0xFFFFFFFC, s16;
	[sflag:s5] =	ssyncadd.s32 $0xFFFFF000  }
0x25d: {  	v19 =	vor.u32 s3, v1;
	v18 =	vld.idx.msk [tilespmem:v39+s25+$0x0], $0xffff  }
0x25e: {  	v40 =	vadd.s32 s0, v9;
	_ =	sdelay $0x3  }
0x25f: {  	[tilespmem:v19+s14+$0x0] =	vst.idx.msk $0xffff, v18  }
0x260: {  	s4 =	sld [smem:$0x7FA];
	v18 =	vor.u32 s3, v3;
	v20 =	vld.idx.msk [tilespmem:v40+s25+$0x0], $0xffff;
	_ =	sdelay $0x2  }
0x261: {  	s0 =	ssub.s32 s7, s4  }
0x262: {  	v41 =	vadd.s32 s0, v8  }
0x263: {  	[tilespmem:v18+s14+$0x0] =	vst.idx.msk $0xffff, v20  }
0x264: {  	_ =	swait.ge [sflag:s5], $0x1000  }
0x265: {  	[sflag:s5] =	ssyncset.done $0x0  }
0x266: {  	[sflag:s5] =	ssyncadd.s32 $0xFFFFF000  }
0x267: {  	v42 =	vld.idx.msk [tilespmem:v41+s12+$0x0], $0xffff  }
0x268: {  	v43 =	vadd.s32 s0, v9;
	_ =	sdelay $0x3  }
0x269: {  	[tilespmem:v19+s26+$0x0] =	vst.idx.msk $0xffff, v42  }
0x26a: {  	s7 =	sld [smem:$0x7FB];
	v19 =	vld.idx.msk [tilespmem:v43+s12+$0x0], $0xffff;
	_ =	sdelay $0x2  }
0x26b: {  	s0 =	ssub.s32 s1, s7  }
0x26c: {  	v44 =	vadd.s32 s0, v10  }
0x26d: {  	[tilespmem:v18+s26+$0x0] =	vst.idx.msk $0xffff, v19  }
0x26e: {  	_ =	swait.ge [sflag:s5], $0x1000  }
0x26f: {  	[sflag:s5] =	ssyncset.done $0x0  }
0x270: {  	s11 =	sadd.s32 $0xFFFFFFFD, s16;
	[sflag:s5] =	ssyncadd.s32 $0xFFFFF000  }
0x271: {  	v19 =	vor.u32 s11, v1;
	v18 =	vld.idx.msk [tilespmem:v44+s25+$0x0], $0xffff  }
0x272: {  	v45 =	vadd.s32 s0, v11;
	_ =	sdelay $0x3  }
0x273: {  	[tilespmem:v19+s14+$0x0] =	vst.idx.msk $0xffff, v18  }
0x274: {  	s20 =	sld [smem:$0x7FC];
	v18 =	vor.u32 s11, v3;
	v20 =	vld.idx.msk [tilespmem:v45+s25+$0x0], $0xffff;
	_ =	sdelay $0x2  }
0x275: {  	s0 =	ssub.s32 s15, s20  }
0x276: {  	v46 =	vadd.s32 s0, v10  }
0x277: {  	[tilespmem:v18+s14+$0x0] =	vst.idx.msk $0xffff, v20  }
0x278: {  	_ =	swait.ge [sflag:s5], $0x1000  }
0x279: {  	[sflag:s5] =	ssyncset.done $0x0  }
0x27a: {  	[sflag:s5] =	ssyncadd.s32 $0xFFFFF000  }
0x27b: {  	v47 =	vld.idx.msk [tilespmem:v46+s12+$0x0], $0xffff  }
0x27c: {  	v48 =	vadd.s32 s0, v11;
	_ =	sdelay $0x3  }
0x27d: {  	[tilespmem:v19+s26+$0x0] =	vst.idx.msk $0xffff, v47  }
0x27e: {  	s21 =	sld [smem:$0x7FD];
	v19 =	vld.idx.msk [tilespmem:v48+s12+$0x0], $0xffff;
	_ =	sdelay $0x2  }
0x27f: {  	s0 =	ssub.s32 s22, s21  }
0x280: {  	v49 =	vadd.s32 s0, v12  }
0x281: {  	[tilespmem:v18+s26+$0x0] =	vst.idx.msk $0xffff, v19  }
0x282: {  	_ =	swait.ge [sflag:s5], $0x1000  }
0x283: {  	[sflag:s5] =	ssyncset.done $0x0  }
0x284: {  	s24 =	sadd.s32 $0xFFFFFFFE, s16;
	[sflag:s5] =	ssyncadd.s32 $0xFFFFF000  }
0x285: {  	v19 =	vor.u32 s24, v1;
	v18 =	vld.idx.msk [tilespmem:v49+s25+$0x0], $0xffff  }
0x286: {  	v50 =	vadd.s32 s0, v13;
	_ =	sdelay $0x3  }
0x287: {  	[tilespmem:v19+s14+$0x0] =	vst.idx.msk $0xffff, v18  }
0x288: {  	v18 =	vor.u32 s24, v3;
	v20 =	vld.idx.msk [tilespmem:v50+s25+$0x0], $0xffff;
	_ =	sdelay $0x2  }
0x289: {  	s2 =	ssub.s32 s23, s9  }
0x28a: {  	v51 =	vadd.s32 s2, v12  }
0x28b: {  	[tilespmem:v18+s14+$0x0] =	vst.idx.msk $0xffff, v20  }
0x28c: {  	s3 =	rddreg [dreg:$0x13];
	_ =	swait.ge [sflag:s5], $0x1000  }
0x28d: {  	[sflag:s5] =	ssyncset.done $0x0  }
0x28e: {  	[sflag:s5] =	ssyncadd.s32 $0xFFFFF000  }
0x28f: {  	v52 =	vld.idx.msk [tilespmem:v51+s12+$0x0], $0xffff  }
0x290: {  	v53 =	vadd.s32 s2, v13;
	_ =	sdelay $0x3  }
0x291: {  	[tilespmem:v19+s26+$0x0] =	vst.idx.msk $0xffff, v52  }
0x292: {  	v19 =	vld.idx.msk [tilespmem:v53+s12+$0x0], $0xffff;
	_ =	sdelay $0x2  }
0x293: {  	s4 =	ssub.s32 s30, s10  }
0x294: {  	v54 =	vadd.s32 s4, v14  }
0x295: {  	[tilespmem:v18+s26+$0x0] =	vst.idx.msk $0xffff, v19  }
0x296: {  	_ =	swait.ge [sflag:s5], $0x1000  }
0x297: {  	[sflag:s5] =	ssyncset.done $0x0  }
0x298: {  	s7 =	sadd.s32 $0xFFFFFFFF, s16;
	[sflag:s5] =	ssyncadd.s32 $0xFFFFF000  }
0x299: {  	v19 =	vor.u32 s7, v1;
	v18 =	vld.idx.msk [tilespmem:v54+s25+$0x0], $0xffff  }
0x29a: {  	v55 =	vadd.s32 s4, v15;
	_ =	sdelay $0x3  }
0x29b: {  	[tilespmem:v19+s14+$0x0] =	vst.idx.msk $0xffff, v18  }
0x29c: {  	v18 =	vor.u32 s7, v3;
	v20 =	vld.idx.msk [tilespmem:v55+s25+$0x0], $0xffff;
	_ =	sdelay $0x2  }
0x29d: {  	s10 =	ssub.s32 s31, s8  }
0x29e: {  	v56 =	vadd.s32 s10, v14  }
0x29f: {  	[tilespmem:v18+s14+$0x0] =	vst.idx.msk $0xffff, v20  }
0x2a0: {  	_ =	swait.ge [sflag:s5], $0x1000  }
0x2a1: {  	[sflag:s5] =	ssyncset.done $0x0  }
0x2a2: {  	[sflag:s5] =	ssyncadd.s32 $0xFFFFF000  }
0x2a3: {  	v57 =	vld.idx.msk [tilespmem:v56+s12+$0x0], $0xffff  }
0x2a4: {  	v58 =	vadd.s32 s10, v15;
	_ =	sdelay $0x3  }
0x2a5: {  	[tilespmem:v19+s26+$0x0] =	vst.idx.msk $0xffff, v57  }
0x2a6: {  	v19 =	vld.idx.msk [tilespmem:v58+s12+$0x0], $0xffff;
	_ =	sdelay $0x2  }
0x2a7: {  	s17 =	ssub.s32 s6, s17  }
0x2a8: {  	v59 =	vadd.s32 s17, v16  }
0x2a9: {  	[tilespmem:v18+s26+$0x0] =	vst.idx.msk $0xffff, v19  }
0x2aa: {  	_ =	swait.ge [sflag:s5], $0x1000  }
0x2ab: {  	[sflag:s5] =	ssyncset.done $0x0  }
0x2ac: {  	[sflag:s5] =	ssyncadd.s32 $0xFFFFF000  }
0x2ad: {  	v19 =	vor.u32 s16, v1;
	v18 =	vld.idx.msk [tilespmem:v59+s25+$0x0], $0xffff  }
0x2ae: {  	v60 =	vadd.s32 s17, v17;
	_ =	sdelay $0x3  }
0x2af: {  	[tilespmem:v19+s14+$0x0] =	vst.idx.msk $0xffff, v18  }
0x2b0: {  	v61 =	vor.u32 s16, v3;
	v18 =	vld.idx.msk [tilespmem:v60+s25+$0x0], $0xffff;
	_ =	sdelay $0x2  }
0x2b1: {  	s20 =	ssub.s32 s18, s19  }
0x2b2: {  	v62 =	vadd.s32 s20, v16  }
0x2b3: {  	[tilespmem:v61+s14+$0x0] =	vst.idx.msk $0xffff, v18  }
0x2b4: {  	_ =	swait.ge [sflag:s5], $0x1000  }
0x2b5: {  	[sflag:s5] =	ssyncset.done $0x0  }
0x2b6: {  	s12 =	simm.s32 $0x8400;
	[sflag:s5] =	ssyncadd.s32 $0xFFFFF000  }
0x2b7: {  	v18 =	vld.idx.msk [tilespmem:v62+s12+$0x0], $0xffff  }
0x2b8: {  	v63 =	vadd.s32 s20, v17;
	_ =	sdelay $0x2  }
0x2b9: {  	s21 =	simm.s32 $0x14400  }
0x2ba: {  	[tilespmem:v19+s21+$0x0] =	vst.idx.msk $0xffff, v18  }
0x2bb: {  	p0 =	sne.s32 s16, $0x1FF;
	v18 =	vld.idx.msk [tilespmem:v63+s12+$0x0], $0xffff  }
.Ltmp0:
0x2bc: {  	s28 =	simm.s32 $0x9400;
	(pc) =	sbr.rel @p0 .LBB2_2-.Ltmp0, $4  }
0x2bd: {  	s23 =	simm.s32 $0xB400;
	s9 =	smov.u32 s13;
	s30 =	simm.s32 $0x4400  }
0x2be: {  	s31 =	simm.s32 $0xC400;
	s15 =	simm.s32 $0x2400;
	s18 =	simm.s32 $0xA400  }
0x2bf: {  	s11 =	simm.s32 $0x7A1400;
	s22 =	simm.s32 $0x3400;
	s24 =	rddreg [dreg:$0x14]  }
0x2c0: {  	s13 =	sadd.s32 $0x10, s3;
	s16 =	sadd.s32 $0x10, s16;
	s0 =	sadd.s32 $0x10, s24;
	[tilespmem:v61+s21+$0x0] =	vst.idx.msk $0xffff, v18  }
0x2c1: {  	s0 =	simm.s32 $0x2  }
0x2c2: {  	_ =	swait.ge [sflag:s0], $0x80  }
0x2c3: {  	[sflag:s0] =	ssyncset.done $0x0  }
0x2c4: {  	[sflag:s0] =	ssyncadd.s32 $0xFFFFFF80  }
0x2c5: {  	_ =	swait.ge [sflag:s0], $0x80  }
0x2c6: {  	[sflag:s0] =	ssyncset.done $0x0  }
0x2c7: {  	[sflag:s0] =	ssyncadd.s32 $0xFFFFFF80  }
0x2c8: {  	_ =	swait.ge [sflag:s0], $0x80  }
0x2c9: {  	[sflag:s0] =	ssyncset.done $0x0  }
0x2ca: {  	[sflag:s0] =	ssyncadd.s32 $0xFFFFFF80  }
0x2cb: {  	_ =	swait.ge [sflag:s0], $0x80  }
0x2cc: {  	[sflag:s0] =	ssyncset.done $0x0  }
0x2cd: {  	[sflag:s0] =	ssyncadd.s32 $0xFFFFFF80  }
0x2ce: {  	_ =	swait.ge [sflag:s0], $0x80  }
0x2cf: {  	[sflag:s0] =	ssyncset.done $0x0  }
0x2d0: {  	[sflag:s0] =	ssyncadd.s32 $0xFFFFFF80  }
0x2d1: {  	_ =	swait.ge [sflag:s0], $0x80  }
0x2d2: {  	[sflag:s0] =	ssyncset.done $0x0  }
0x2d3: {  	[sflag:s0] =	ssyncadd.s32 $0xFFFFFF80  }
0x2d4: {  	_ =	swait.ge [sflag:s0], $0x80  }
0x2d5: {  	[sflag:s0] =	ssyncset.done $0x0  }
0x2d6: {  	[sflag:s0] =	ssyncadd.s32 $0xFFFFFF80  }
0x2d7: {  	_ =	swait.ge [sflag:s0], $0x80  }
0x2d8: {  	[sflag:s0] =	ssyncset.done $0x0  }
0x2d9: {  	[sflag:s0] =	ssyncadd.s32 $0xFFFFFF80;
	s0 =	simm.s32 $0x0  }
0x2da: {  	v0 =	vld [tilespmem:s0+$0x13C00]  }
0x2db: {  	v26 =	vld [tilespmem:s0+$0x17C00]  }
0x2dc: {  	v61 =	vld [tilespmem:s0+$0x13E00]  }
0x2dd: {  	v27 =	vld [tilespmem:s0+$0x17E00]  }
0x2de: {  	v18 =	vld [tilespmem:s0+$0x14000]  }
0x2df: {  	v19 =	vld [tilespmem:s0+$0x18000]  }
0x2e0: {  	v2 =	vld [tilespmem:s0+$0x13400]  }
0x2e1: {  	v29 =	vld [tilespmem:s0+$0x17400]  }
0x2e2: {  	v62 =	vld [tilespmem:s0+$0x13600]  }
0x2e3: {  	v30 =	vld [tilespmem:s0+$0x17600]  }
0x2e4: {  	v20 =	vld [tilespmem:s0+$0x13800]  }
0x2e5: {  	v21 =	vld [tilespmem:s0+$0x17800]  }
0x2e6: {  	v4 =	vld [tilespmem:s0+$0x12C00]  }
0x2e7: {  	v32 =	vld [tilespmem:s0+$0x16C00]  }
0x2e8: {  	v63 =	vld [tilespmem:s0+$0x12E00]  }
0x2e9: {  	v33 =	vld [tilespmem:s0+$0x16E00]  }
0x2ea: {  	v22 =	vld [tilespmem:s0+$0x13000]  }
0x2eb: {  	v23 =	vld [tilespmem:s0+$0x17000]  }
0x2ec: {  	v36 =	vld [tilespmem:s0+$0x12400]  }
0x2ed: {  	v37 =	vld [tilespmem:s0+$0x16400]  }
0x2ee: {  	v38 =	vld [tilespmem:s0+$0x12600]  }
0x2ef: {  	v39 =	vld [tilespmem:s0+$0x16600]  }
0x2f0: {  	v24 =	vld [tilespmem:s0+$0x12800]  }
0x2f1: {  	v25 =	vld [tilespmem:s0+$0x16800]  }
0x2f2: {  	v40 =	vld [tilespmem:s0+$0x11C00]  }
0x2f3: {  	v41 =	vld [tilespmem:s0+$0x15C00]  }
0x2f4: {  	v42 =	vld [tilespmem:s0+$0x11E00]  }
0x2f5: {  	v43 =	vld [tilespmem:s0+$0x15E00]  }
0x2f6: {  	v28 =	vld [tilespmem:s0+$0x12000]  }
0x2f7: {  	v31 =	vld [tilespmem:s0+$0x16000]  }
0x2f8: {  	v45 =	vld [tilespmem:s0+$0x11400]  }
0x2f9: {  	v47 =	vld [tilespmem:s0+$0x15400]  }
0x2fa: {  	v48 =	vld [tilespmem:s0+$0x11600]  }
0x2fb: {  	v49 =	vld [tilespmem:s0+$0x15600]  }
0x2fc: {  	v34 =	vld [tilespmem:s0+$0x11800]  }
0x2fd: {  	v35 =	vld [tilespmem:s0+$0x15800]  }
0x2fe: {  	v50 =	vld [tilespmem:s0+$0x10C00]  }
0x2ff: {  	v51 =	vld [tilespmem:s0+$0x14C00]  }
0x300: {  	v52 =	vld [tilespmem:s0+$0x10E00]  }
0x301: {  	v53 =	vld [tilespmem:s0+$0x14E00]  }
0x302: {  	v44 =	vld [tilespmem:s0+$0x11000]  }
0x303: {  	v46 =	vld [tilespmem:s0+$0x15000]  }
0x304: {  	v54 =	vld [tilespmem:s0+$0x18400]  }
0x305: {  	v55 =	vld [tilespmem:s0+$0x18600]  }
0x306: {  	v56 =	vld [tilespmem:s0+$0x10400]  }
0x307: {  	v57 =	vld [tilespmem:s0+$0x14400]  }
0x308: {  	v58 =	vld [tilespmem:s0+$0x10600]  }
0x309: {  	v60 =	vld [tilespmem:s0+$0x14600]  }
0x30a: {  	v59 =	vld [tilespmem:s0+$0x10800];
	v26 =	vmul.f32 v26, v0;
	v27 =	vmul.f32 v27, v61  }
0x30b: {  	v61 =	vld [tilespmem:s0+$0x14800];
	v29 =	vmul.f32 v29, v2;
	v30 =	vmul.f32 v30, v62  }
0x30c: {  	s1 =	simm.s32 $0x40;
	v62 =	vld [tilespmem:s0+$0x10A00];
	v32 =	vmul.f32 v32, v4;
	v33 =	vmul.f32 v33, v63  }
.LBB2_4:
0x30d: {  	p0 =	sne.s32 s1, $0x7C0;
	v63 =	vld [tilespmem:s0+$0x14A00];
	v36 =	vmul.f32 v37, v36;
	v37 =	vmul.f32 v39, v38  }
0x30e: {  	v39 =	vmul.f32 v41, v40;
	v40 =	vmul.f32 v43, v42;
	v38 =	vld [tilespmem:s0+$0x11200]  }
0x30f: {  	v42 =	vmul.f32 v47, v45;
	v43 =	vmul.f32 v49, v48;
	v41 =	vld [tilespmem:s0+$0x15200]  }
0x310: {  	v45 =	vmul.f32 v51, v50;
	v47 =	vmul.f32 v53, v52;
	v48 =	vld [tilespmem:s0+$0x11A00]  }
0x311: {  	v49 =	vadd.f32 v55, v54;
	v50 =	vmul.f32 v57, v56;
	v51 =	vmul.f32 v60, v58;
	v52 =	vld [tilespmem:s0+$0x15A00]  }
0x312: {  	v53 =	vmul.f32 v61, v59;
	v54 =	vmul.f32 v63, v62;
	v55 =	vld [tilespmem:s0+$0x12200]  }
0x313: {  	v44 =	vmul.f32 v46, v44;
	v49 =	vadd.f32 v50, v49;
	v50 =	vadd.f32 $0.0e+00, v51;
	v46 =	vld [tilespmem:s0+$0x16200]  }
0x314: {  	v51 =	vadd.f32 $0.0e+00, v53;
	v53 =	vadd.f32 $0.0e+00, v54;
	v38 =	vmul.f32 v41, v38;
	v41 =	vld [tilespmem:s0+$0x12A00]  }
0x315: {  	v34 =	vmul.f32 v35, v34;
	v45 =	vadd.f32 v45, v49;
	v47 =	vadd.f32 v47, v50;
	v35 =	vld [tilespmem:s0+$0x16A00]  }
0x316: {  	v44 =	vadd.f32 v44, v51;
	v38 =	vadd.f32 v38, v53;
	v48 =	vmul.f32 v52, v48;
	v49 =	vld [tilespmem:s0+$0x13200]  }
0x317: {  	v28 =	vmul.f32 v31, v28;
	v42 =	vadd.f32 v42, v45;
	v43 =	vadd.f32 v43, v47;
	v31 =	vld [tilespmem:s0+$0x17200]  }
0x318: {  	v34 =	vadd.f32 v34, v44;
	v38 =	vadd.f32 v48, v38;
	v44 =	vmul.f32 v46, v55;
	v45 =	vld [tilespmem:s0+$0x13A00]  }
0x319: {  	v24 =	vmul.f32 v25, v24;
	v39 =	vadd.f32 v39, v42;
	v40 =	vadd.f32 v40, v43;
	v25 =	vld [tilespmem:s0+$0x17A00]  }
0x31a: {  	v28 =	vadd.f32 v28, v34;
	v34 =	vadd.f32 v44, v38;
	v35 =	vmul.f32 v35, v41;
	v38 =	vld [tilespmem:s0+$0x14200]  }
0x31b: {  	s2 =	sshra.s32 s1, $0x2;
	v22 =	vmul.f32 v23, v22;
	v36 =	vadd.f32 v36, v39;
	v37 =	vadd.f32 v37, v40;
	v23 =	vld [tilespmem:s0+$0x18200]  }
0x31c: {  	v24 =	vadd.f32 v24, v28;
	v61 =	vld [tilespmem:s2+$0x13C00];
	v28 =	vadd.f32 v35, v34;
	v31 =	vmul.f32 v31, v49  }
0x31d: {  	v20 =	vmul.f32 v21, v20;
	v32 =	vadd.f32 v32, v36;
	v33 =	vadd.f32 v33, v37;
	v62 =	vld [tilespmem:s2+$0x17C00]  }
0x31e: {  	v21 =	vadd.f32 v22, v24;
	v63 =	vld [tilespmem:s2+$0x13E00];
	v22 =	vadd.f32 v31, v28;
	v24 =	vmul.f32 v25, v45  }
0x31f: {  	v25 =	vadd.f32 v29, v32;
	v28 =	vadd.f32 v30, v33;
	v29 =	vmul.f32 v19, v18;
	v0 =	vld [tilespmem:s2+$0x17E00]  }
0x320: {  	v20 =	vadd.f32 v20, v21;
	v18 =	vld [tilespmem:s2+$0x14000];
	v21 =	vadd.f32 v24, v22;
	v22 =	vmul.f32 v23, v38  }
0x321: {  	v23 =	vadd.f32 v26, v25;
	v24 =	vadd.f32 v27, v28;
	v19 =	vld [tilespmem:s2+$0x18000]  }
0x322: {  	v20 =	vadd.f32 v29, v20;
	v30 =	vld [tilespmem:s2+$0x13400];
	v21 =	vadd.f32 v22, v21  }
0x323: {  	v29 =	vld [tilespmem:s2+$0x17400]  }
0x324: {  	v22 =	vadd.f32 v24, v23;
	v32 =	vld [tilespmem:s2+$0x13600];
	v21 =	vadd.f32 v21, v20  }
0x325: {  	v33 =	vld [tilespmem:s2+$0x17600]  }
0x326: {  	v20 =	vld [tilespmem:s2+$0x13800];
	v22 =	vadd.f32 v21, v22  }
0x327: {  	v21 =	vld [tilespmem:s2+$0x17800]  }
0x328: {  	v2 =	vld [tilespmem:s2+$0x12C00];
	[tilespmem:s0+$0x18800] =	vst v22;
	s0 =	smov.u32 s2  }
0x329: {  	v4 =	vld [tilespmem:s0+$0x16C00]  }
0x32a: {  	v5 =	vld [tilespmem:s0+$0x12E00]  }
0x32b: {  	v6 =	vld [tilespmem:s0+$0x16E00]  }
0x32c: {  	v22 =	vld [tilespmem:s0+$0x13000]  }
0x32d: {  	v23 =	vld [tilespmem:s0+$0x17000]  }
0x32e: {  	v36 =	vld [tilespmem:s0+$0x12400]  }
0x32f: {  	v37 =	vld [tilespmem:s0+$0x16400]  }
0x330: {  	v38 =	vld [tilespmem:s0+$0x12600]  }
0x331: {  	v39 =	vld [tilespmem:s0+$0x16600]  }
0x332: {  	v24 =	vld [tilespmem:s0+$0x12800]  }
0x333: {  	v25 =	vld [tilespmem:s0+$0x16800]  }
0x334: {  	v40 =	vld [tilespmem:s0+$0x11C00]  }
0x335: {  	v41 =	vld [tilespmem:s0+$0x15C00]  }
0x336: {  	v42 =	vld [tilespmem:s0+$0x11E00]  }
0x337: {  	v43 =	vld [tilespmem:s0+$0x15E00]  }
0x338: {  	v28 =	vld [tilespmem:s0+$0x12000]  }
0x339: {  	v31 =	vld [tilespmem:s0+$0x16000]  }
0x33a: {  	v45 =	vld [tilespmem:s0+$0x11400]  }
0x33b: {  	v47 =	vld [tilespmem:s0+$0x15400]  }
0x33c: {  	v48 =	vld [tilespmem:s0+$0x11600]  }
0x33d: {  	v49 =	vld [tilespmem:s0+$0x15600]  }
0x33e: {  	v34 =	vld [tilespmem:s0+$0x11800]  }
0x33f: {  	v35 =	vld [tilespmem:s0+$0x15800]  }
0x340: {  	v50 =	vld [tilespmem:s0+$0x10C00]  }
0x341: {  	v51 =	vld [tilespmem:s0+$0x14C00]  }
0x342: {  	v52 =	vld [tilespmem:s0+$0x10E00]  }
0x343: {  	v53 =	vld [tilespmem:s0+$0x14E00]  }
0x344: {  	v44 =	vld [tilespmem:s0+$0x11000]  }
0x345: {  	v46 =	vld [tilespmem:s0+$0x15000]  }
0x346: {  	v54 =	vld [tilespmem:s0+$0x18400]  }
0x347: {  	v55 =	vld [tilespmem:s0+$0x18600]  }
0x348: {  	v56 =	vld [tilespmem:s0+$0x10400]  }
0x349: {  	v57 =	vld [tilespmem:s0+$0x14400]  }
.Ltmp1:
0x34a: {  	v58 =	vld [tilespmem:s0+$0x10600];
	(pc) =	sbr.rel @p0 .LBB2_4-.Ltmp1, $4  }
0x34b: {  	v60 =	vld [tilespmem:s0+$0x14600]  }
0x34c: {  	v26 =	vmul.f32 v62, v61;
	v27 =	vmul.f32 v0, v63;
	v59 =	vld [tilespmem:s0+$0x10800]  }
0x34d: {  	v29 =	vmul.f32 v29, v30;
	v30 =	vmul.f32 v33, v32;
	v61 =	vld [tilespmem:s0+$0x14800]  }
0x34e: {  	s1 =	sadd.s32 $0x40, s1;
	v32 =	vmul.f32 v4, v2;
	v33 =	vmul.f32 v6, v5;
	v62 =	vld [tilespmem:s0+$0x10A00]  }
0x34f: {  	v0 =	vld [tilespmem:s0+$0x14A00];
	v2 =	vmul.f32 v37, v36;
	v4 =	vmul.f32 v39, v38  }
0x350: {  	v5 =	vld [tilespmem:s0+$0x11200];
	v6 =	vmul.f32 v41, v40;
	v36 =	vmul.f32 v43, v42  }
0x351: {  	v37 =	vld [tilespmem:s0+$0x15200];
	v38 =	vmul.f32 v47, v45;
	v39 =	vmul.f32 v49, v48  }
0x352: {  	v40 =	vmul.f32 v51, v50;
	v41 =	vmul.f32 v53, v52;
	v42 =	vld [tilespmem:s0+$0x11A00]  }
0x353: {  	v55 =	vadd.f32 v55, v54;
	v57 =	vmul.f32 v57, v56;
	v58 =	vmul.f32 v60, v58;
	v60 =	vld [tilespmem:s0+$0x15A00]  }
0x354: {  	v63 =	vld [tilespmem:s0+$0x12200];
	v61 =	vmul.f32 v61, v59;
	v0 =	vmul.f32 v0, v62  }
0x355: {  	v44 =	vmul.f32 v46, v44;
	v52 =	vld [tilespmem:s0+$0x16200];
	v43 =	vadd.f32 v57, v55;
	v51 =	vadd.f32 $0.0e+00, v58  }
0x356: {  	v54 =	vld [tilespmem:s0+$0x12A00];
	v53 =	vadd.f32 $0.0e+00, v61;
	v5 =	vmul.f32 v37, v5;
	v0 =	vadd.f32 $0.0e+00, v0  }
0x357: {  	v34 =	vmul.f32 v35, v34;
	v55 =	vld [tilespmem:s0+$0x16A00];
	v40 =	vadd.f32 v40, v43;
	v41 =	vadd.f32 v41, v51  }
0x358: {  	v57 =	vld [tilespmem:s0+$0x13200];
	v56 =	vadd.f32 v44, v53;
	v0 =	vadd.f32 v5, v0;
	v5 =	vmul.f32 v60, v42  }
0x359: {  	v28 =	vmul.f32 v31, v28;
	v58 =	vld [tilespmem:s0+$0x17200];
	v38 =	vadd.f32 v38, v40;
	v39 =	vadd.f32 v39, v41  }
0x35a: {  	v59 =	vld [tilespmem:s0+$0x13A00];
	v34 =	vadd.f32 v34, v56;
	v0 =	vadd.f32 v5, v0;
	v5 =	vmul.f32 v52, v63  }
0x35b: {  	v24 =	vmul.f32 v25, v24;
	v6 =	vadd.f32 v6, v38;
	v36 =	vadd.f32 v36, v39;
	v60 =	vld [tilespmem:s0+$0x17A00]  }
0x35c: {  	v61 =	vld [tilespmem:s0+$0x14200];
	v28 =	vadd.f32 v28, v34;
	v0 =	vadd.f32 v5, v0;
	v5 =	vmul.f32 v55, v54  }
0x35d: {  	v62 =	vld [tilespmem:s0+$0x18200];
	v2 =	vadd.f32 v2, v6;
	v6 =	vmul.f32 v23, v22;
	v4 =	vadd.f32 v4, v36  }
0x35e: {  	v63 =	vadd.f32 v24, v28;
	v0 =	vadd.f32 v5, v0;
	v5 =	vmul.f32 v58, v57  }
0x35f: {  	v20 =	vmul.f32 v21, v20;
	v2 =	vadd.f32 v32, v2;
	v4 =	vadd.f32 v33, v4  }
0x360: {  	v6 =	vadd.f32 v6, v63;
	v0 =	vadd.f32 v5, v0;
	v5 =	vmul.f32 v60, v59  }
0x361: {  	v18 =	vmul.f32 v19, v18;
	v2 =	vadd.f32 v29, v2;
	v4 =	vadd.f32 v30, v4  }
0x362: {  	v6 =	vadd.f32 v20, v6;
	v0 =	vadd.f32 v5, v0;
	v5 =	vmul.f32 v62, v61  }
0x363: {  	v2 =	vadd.f32 v26, v2;
	v4 =	vadd.f32 v27, v4  }
0x364: {  	v6 =	vadd.f32 v18, v6;
	v0 =	vadd.f32 v5, v0;
	_ =	sdelay $0x1  }
0x365: {  	v2 =	vadd.f32 v4, v2;
	v0 =	vadd.f32 v0, v6;
	_ =	sdelay $0x1  }
0x366: {  	v0 =	vadd.f32 v0, v2;
	_ =	sdelay $0x1  }
0x367: {  	s7 =	simm.s32 $0x0;
	s21 =	rddreg [dreg:$0x10];
	s1 =	simm.s32 $0x18800;
	[tilespmem:s0+$0x18800] =	vst v0  }
0x368: {  	[hbm4b:s21+s7] =	stream.linear.scatter [tilespmem:s1], [sflag:$0x3], $0x200, $0x38;
	[tilespmem:$0x18A00] =	vst v63  }
0x369: {  	s1 =	simm.s32 $0x3  }
0x36a: {  	_ =	swait.ge [sflag:s1], $0x200  }
0x36b: {  	s2 =	rddreg [dreg:$0x12]  }
0x36c: {  	s24 =	rddreg [dreg:$0x11];
	s2 =	sadd.s32 $0x1, s2  }
0x36d: {  	p0 =	sne.s32 s2, s24  }
.Ltmp2:
0x36e: {  	v0 =	vld [tilespmem:$0x1FFB0];
	(pc) =	sbr.rel @p0 .LBB2_1-.Ltmp2, $4  }
0x36f: {  	v2 =	vld [tilespmem:$0x1FFC0]  }
0x370: {  	v4 =	vld [tilespmem:$0x1FFD0]  }
0x371: {  	[sflag:s1] =	ssyncset.done $0x0;
	v5 =	vld [tilespmem:$0x1FFE0]  }
0x372: {  	v6 =	vld [tilespmem:$0x1FFF0];
	[sflag:s1] =	ssyncadd.s32 $0xFFFFFE00  }
0x373: {  	_ =	sfence.sel $0x180000  }
0x374: {  	[bflag:$0x0] =	sbarrier.arrive $0xFFFF  }
0x375: {  	_ =	strace $0x90000047  }
0x376: {  	s0 =	stileid.u32;
	[bflag:$0x2] =	sbarrier.arrive $0xFFFF  }
0x377: {  	p0 =	sne.s32 s0, $0x0;
	s0 =	rddreg [dreg:$0x7]  }
0x378: {  	s0 =	sadd.s32 @!p0 $0x100000, s0  }
0x379: {  	[sflag:s0] =	ssyncadd.tile.s32 @!p0 $0x1;
	_ =	shalt  }
.Lfunc_end2:
_tile_overlayer_lowered:
.L_overlay_start_2:
0x37a: {  	(tag) =	ssettag $0x2  }
0x37b: {  	s0 =	rddreg [dreg:$0x0];
	s2 =	stileid.u32  }
0x37c: {  	s1 =	rddreg [dreg:$0x1];
	p0 =	sne.s32 s2, $0x0  }
0x37d: {  	s3 =	rddreg [dreg:$0x2];
	[bflag:$0x3] =	sbarrier.arrive $0xFFFF;
	s2 =	simm.s32 @!p0 $0x1C03  }
0x37e: {  	[timem:s3], [sflag:s2] =	dma.local @!p0 [hbm:s0], s1  }
0x37f: {  	s0 =	simm.s32 @!p0 $0x3  }
0x380: {  	_ =	swait.ge @!p0 [sflag:s0], s1  }
0x381: {  	s1 =	ssub.s32 @!p0 $0x0, s1;
	[sflag:s0] =	ssyncset.done @!p0 $0x0  }
0x382: {  	[sflag:s0] =	ssyncadd.s32 @!p0 s1  }
0x383: {  	[bflag:$0x3] =	sbarrier.arrive $0xFFFF  }
0x384: {  	_ =	shalt  }

</sc_bundles>
